<compile_context>
chip_gen: v7x
topology: tpu7x:2x2x1
jax: 0.10.2.dev20260603
libtpu: 0.0.44.dev20260713+nightly
codegen_flags: <defaults>
</compile_context>

<pallas_src>
import functools

import jax
import jax.numpy as jnp
from jax import lax
from jax.experimental import pallas as pl
from jax.experimental.pallas import tpu as pltpu
from jax.experimental.pallas import tpu_sc as plsc

NUM_CORES = 2
NUM_SUBCORES = 16
NUM_WORKERS = NUM_CORES * NUM_SUBCORES
CHUNK = 2048


def _mesh():
    return plsc.VectorSubcoreMesh(
        core_axis_name="c",
        subcore_axis_name="s",
        num_cores=NUM_CORES,
        num_subcores=NUM_SUBCORES,
    )


@functools.partial(jax.jit, static_argnames=("B", "D"))
def _gather_flat(idx_flat, W, B, D):
    per_w = B // NUM_WORKERS
    n_chunks = per_w // CHUNK
    assert n_chunks % 2 == 0 and n_chunks >= 4
    n_pairs = (n_chunks - 2) // 2

    @functools.partial(
        pl.kernel,
        mesh=_mesh(),
        compiler_params=pltpu.CompilerParams(use_tc_tiling_on_sc=False),
        out_type=jax.ShapeDtypeStruct((B, D), jnp.float32),
        scratch_types=[
            pltpu.VMEM((2, CHUNK), jnp.int32),
            pltpu.VMEM((2, CHUNK, D), jnp.float32),
            pltpu.SemaphoreType.DMA,
            pltpu.SemaphoreType.DMA,
        ],
    )
    def k(idx_hbm, table_hbm, out_hbm, idx_v, rows_v, gsem, osem):
        wid = lax.axis_index("s") * NUM_CORES + lax.axis_index("c")
        base = wid * per_w

        def load_idx(g, b):
            pltpu.sync_copy(idx_hbm.at[pl.ds(base + g * CHUNK, CHUNK)],
                            idx_v.at[b])

        def fire_gather(b):
            pltpu.async_copy(table_hbm.at[idx_v.at[b]], rows_v.at[b], gsem)

        def wait_gather(b):
            pltpu.make_async_copy(table_hbm.at[idx_v.at[b]], rows_v.at[b],
                                  gsem).wait()

        def fire_store(g, b):
            pltpu.async_copy(rows_v.at[b],
                             out_hbm.at[pl.ds(base + g * CHUNK, CHUNK)], osem)

        def wait_store(g, b):
            pltpu.make_async_copy(rows_v.at[b],
                                  out_hbm.at[pl.ds(base + g * CHUNK, CHUNK)],
                                  osem).wait()

        load_idx(0, 0)
        fire_gather(0)
        load_idx(1, 1)
        wait_gather(0)
        fire_gather(1)
        fire_store(0, 0)

        def step(g, b):
            load_idx(g + 1, b ^ 1)
            wait_gather(b)
            wait_store(g - 1, b ^ 1)
            fire_gather(b ^ 1)
            fire_store(g, b)

        def body(p, carry):
            step(2 * p + 1, 1)
            step(2 * p + 2, 0)
            return carry

        lax.fori_loop(0, n_pairs, body, 0)

        g_last = n_chunks - 1
        wait_gather(1)
        wait_store(g_last - 1, 0)
        fire_store(g_last, 1)
        wait_store(g_last, 1)

    return k(idx_flat, W)


WCV_FULL = 1000000 // 128
WCV_REM = 1000000 - WCV_FULL * 128


@jax.jit
def _wconv(Wt3, tail):
    V = Wt3.shape[2]
    WB = 512
    NFULL = V // WB
    PERW = (NFULL - 1) // NUM_WORKERS

    @functools.partial(
        pl.kernel,
        mesh=_mesh(),
        compiler_params=pltpu.CompilerParams(
            use_tc_tiling_on_sc=True, needs_layout_passes=False),
        out_type=jax.ShapeDtypeStruct((V * 16,), jnp.float32),
        scratch_types=[
            pltpu.VMEM((2, 1, 8, WB), jnp.float32),
            pltpu.VMEM((2, 1, 8, WB), jnp.float32),
            pltpu.VMEM((WB * 16,), jnp.float32),
            pltpu.VMEM((WB * 16,), jnp.float32),
            pltpu.VMEM((256,), jnp.float32),
            pltpu.SemaphoreType.DMA,
            pltpu.SemaphoreType.DMA,
        ],
    )
    def k(wt_hbm, tail_hbm, out_hbm, wbufA, wbufB, obufA, obufB, sbuf,
          lsem, osem):
        wid = lax.axis_index("s") * NUM_CORES + lax.axis_index("c")
        kstart = wid * PERW
        iota = lax.iota(jnp.int32, 16)
        skew_st = [(iota + d) % 16 + d * 16 for d in range(16)]
        skew_ld = [iota * 16 + (iota + vlk) % 16 for vlk in range(16)]

        def fire_load(blk, wb):
            for tr in range(2):
                pltpu.async_copy(
                    wt_hbm.at[pl.ds(tr, 1), :,
                              pl.ds((kstart + blk) * WB, WB)],
                    wb.at[tr], lsem)

        def wait_load(blk, wb):
            for tr in range(2):
                pltpu.make_async_copy(
                    wt_hbm.at[pl.ds(tr, 1), :,
                              pl.ds((kstart + blk) * WB, WB)],
                    wb.at[tr], lsem).wait()

        def transpose(wb, ob):
            def v_body(vl16, carry):
                for tr in range(2):
                    for rr in range(8):
                        d = tr * 8 + rr
                        v = wb[tr, 0, rr, pl.ds(vl16 * 16, 16)]
                        plsc.store_scatter(sbuf, [skew_st[d]], v)
                for vlk in range(16):
                    v2 = plsc.load_gather(sbuf, [skew_ld[vlk]])
                    ob[pl.ds((vl16 * 16 + vlk) * 16, 16)] = v2
                return carry
            lax.fori_loop(0, WB // 16, v_body, 0)

        def fire_store(blk, ob):
            pltpu.async_copy(
                ob, out_hbm.at[pl.ds((kstart + blk) * WB * 16, WB * 16)],
                osem)

        def wait_store(blk, ob):
            pltpu.make_async_copy(
                ob, out_hbm.at[pl.ds((kstart + blk) * WB * 16, WB * 16)],
                osem).wait()

        fire_load(0, wbufA)
        fire_load(1, wbufB)
        wait_load(0, wbufA)
        transpose(wbufA, obufA)
        fire_store(0, obufA)
        fire_load(2, wbufA)
        wait_load(1, wbufB)
        transpose(wbufB, obufB)
        fire_store(1, obufB)

        def step(u, wb, ob, other_wb):
            fire_load(u + 1, other_wb)
            wait_load(u, wb)
            wait_store(u - 2, ob)
            transpose(wb, ob)
            fire_store(u, ob)

        def body(q, carry):
            step(2 * q + 2, wbufA, obufA, wbufB)
            step(2 * q + 3, wbufB, obufB, wbufA)
            return carry

        lax.fori_loop(0, (PERW - 3) // 2, body, 0)

        u_last = PERW - 1
        wait_load(u_last, wbufA)
        wait_store(u_last - 2, obufA)
        transpose(wbufA, obufA)
        fire_store(u_last, obufA)
        wait_store(u_last - 1, obufB)
        wait_store(u_last, obufA)

        @pl.when(wid == NUM_WORKERS - 1)
        def _extra():
            xblk = (NFULL - 1) - kstart
            for tr in range(2):
                pltpu.sync_copy(
                    wt_hbm.at[pl.ds(tr, 1), :,
                              pl.ds((kstart + xblk) * WB, WB)],
                    wbufA.at[tr])
            transpose(wbufA, obufA)
            pltpu.sync_copy(
                obufA,
                out_hbm.at[pl.ds((kstart + xblk) * WB * 16, WB * 16)])
            pltpu.sync_copy(tail_hbm, obufA.at[pl.ds(0, WCV_REM * 16)])
            pltpu.sync_copy(obufA.at[pl.ds(0, WCV_REM * 16)],
                            out_hbm.at[pl.ds(WCV_FULL * 2048, WCV_REM * 16)])

    return k(Wt3, tail)


UNITS = 1600
UNIT_ROWS = 2048
UNIT_ELEMS = UNIT_ROWS * 16


@functools.partial(jax.jit, static_argnames=("HIST", "BATCH"))
def _relayout(flat, HIST, BATCH):
    per_w = UNITS // NUM_WORKERS

    @functools.partial(
        pl.kernel,
        mesh=_mesh(),
        compiler_params=pltpu.CompilerParams(
            use_tc_tiling_on_sc=True, needs_layout_passes=False),
        out_type=jax.ShapeDtypeStruct((HIST, 16, BATCH), jnp.float32),
        scratch_types=[
            pltpu.VMEM((UNIT_ELEMS,), jnp.float32),
            pltpu.VMEM((UNIT_ELEMS,), jnp.float32),
            pltpu.VMEM((8, 2, 1, 8, 256), jnp.float32),
            pltpu.VMEM((256,), jnp.float32),
            pltpu.VMEM((256,), jnp.float32),
            pltpu.SemaphoreType.DMA,
            pltpu.SemaphoreType.DMA,
        ],
    )
    def k(in_hbm, out_hbm, buf0, buf1, tbuf, sbufA, sbufB, lsem, osem):
        wid = lax.axis_index("s") * NUM_CORES + lax.axis_index("c")
        ubase = wid * per_w
        iota = lax.iota(jnp.int32, 16)
        skew_st = [(iota + k) % 16 + k * 16 for k in range(16)]
        skew_ld = [iota * 16 + (iota + d) % 16 for d in range(16)]

        def fire_load(u, bufref):
            pltpu.async_copy(
                in_hbm.at[pl.ds((ubase + u) * UNIT_ELEMS, UNIT_ELEMS)],
                bufref, lsem)

        def wait_load(u, bufref):
            pltpu.make_async_copy(
                in_hbm.at[pl.ds((ubase + u) * UNIT_ELEMS, UNIT_ELEMS)],
                bufref, lsem).wait()

        def transpose(bufref):
            def rb_params(rb):
                jr = rb // 16
                icl = (rb % 16) // 8
                ii16 = rb % 8
                r0 = (icl * 8 + jr) * 128 + ii16 * 16
                col = icl * 128 + ii16 * 16
                return jr, r0, col

            def p_body(p, carry):
                for half, sb in ((0, sbufA), (1, sbufB)):
                    _, r0, _ = rb_params(2 * p + half)
                    for kk in range(16):
                        v = bufref[pl.ds((r0 + kk) * 16, 16)]
                        plsc.store_scatter(sb, [skew_st[kk]], v)
                for half, sb in ((0, sbufA), (1, sbufB)):
                    jr, _, col = rb_params(2 * p + half)
                    for d in range(16):
                        v2 = plsc.load_gather(sb, [skew_ld[d]])
                        tbuf[jr, d // 8, 0, d % 8, pl.ds(col, 16)] = v2
                return carry
            lax.fori_loop(0, 64, p_body, 0)

        def out_slice(u, jr, tr):
            ug = ubase + u
            jt = ug // 64
            ic0 = 2 * (ug % 64)
            j = jt * 8 + jr
            return out_hbm.at[pl.ds(j, 1), pl.ds(8 * tr, 8),
                              pl.ds(ic0 * 128, 256)]

        def fire_stores(u):
            for jr in range(8):
                for tr in range(2):
                    pltpu.async_copy(tbuf.at[jr, tr], out_slice(u, jr, tr),
                                     osem)

        def wait_stores(u):
            for jr in range(8):
                for tr in range(2):
                    pltpu.make_async_copy(tbuf.at[jr, tr],
                                          out_slice(u, jr, tr), osem).wait()

        fire_load(0, buf0)
        fire_load(1, buf1)
        wait_load(0, buf0)
        transpose(buf0)
        fire_stores(0)

        def step(u, bufref, other):
            fire_load(u + 1, other)
            wait_load(u, bufref)
            wait_stores(u - 1)
            transpose(bufref)
            fire_stores(u)

        def body(q, carry):
            step(2 * q + 1, buf1, buf0)
            step(2 * q + 2, buf0, buf1)
            return carry

        lax.fori_loop(0, (per_w - 2) // 2, body, 0)

        u_last = per_w - 1
        wait_load(u_last, buf1)
        wait_stores(u_last - 1)
        transpose(buf1)
        fire_stores(u_last)
        wait_stores(u_last)

    return k(flat)


def kernel(x, W):
    Bx, H = x.shape
    V, D = W.shape
    B = Bx * H
    idx_flat = (x.reshape(Bx // 128, 128, H // 8, 8)
                .transpose(2, 0, 3, 1).reshape(B))
    tail = W[WCV_FULL * 128:].reshape(WCV_REM * D)
    Wlin = _wconv(jnp.transpose(W).reshape(2, 8, V), tail).reshape(V, D)
    out_lin = _gather_flat(idx_flat, Wlin, B, D)
    z = _relayout(out_lin.reshape(B * D), H, Bx)
    return jnp.transpose(z, (2, 0, 1))

# --- scband reference (transcript-rebuilt; emitter-appended) ---
"""Pipeline reference for scband-model-50903952392498 (READ-ONLY COPY).

The authoritative reference and input builder live on the scoring server;
editing this copy changes nothing except your own understanding.
"""

import jax, jax.numpy as jnp
import numpy as np

VOCAB = 1000000
EMB_DIM = 16
BATCH = 16384
HIST = 200

def setup_inputs(seed: int = 0) -> dict:
    key = jax.random.key(seed)
    k1, k2 = jax.random.split(key)
    x = jax.random.randint(k1, (BATCH, HIST), 0, VOCAB, dtype=jnp.int64) if jax.config.jax_enable_x64 else jax.random.randint(k1, (BATCH, HIST), 0, VOCAB, dtype=jnp.int32)
    W = jax.random.normal(k2, (VOCAB, EMB_DIM), dtype=jnp.float32)
    return {"x": x, "W": W}

def reference(x, W):
    # nn.Embedding lookup: table[idx]
    return jnp.take(W, x, axis=0)

if __name__ == "__main__":
    import jax
    _d = setup_inputs()
    print(jax.jit(kernel)(*tuple(_d.values())))

</pallas_src>

<mosaic_0001>
#map = affine_map<(d0, d1) -> (0, 0, 0)>
#map1 = affine_map<(d0, d1) -> (0)>
module attributes {stable_mosaic.version = 14 : i64} {
  func.func @k(%arg0: i32, %arg1: i32, %arg2: memref<2x8x1000000xf32, #tpu.memory_space<hbm>>, %arg3: memref<1024xf32, #tpu.memory_space<hbm>>, %arg4: memref<16000000xf32, #tpu.memory_space<hbm>>, %arg5: memref<2x1x8x512xf32, #tpu.memory_space<vmem>>, %arg6: memref<2x1x8x512xf32, #tpu.memory_space<vmem>>, %arg7: memref<8192xf32, #tpu.memory_space<vmem>>, %arg8: memref<8192xf32, #tpu.memory_space<vmem>>, %arg9: memref<256xf32, #tpu.memory_space<vmem>>, %arg10: memref<!tpu.dma_semaphore, #tpu.memory_space<semaphore_mem>>, %arg11: memref<!tpu.dma_semaphore, #tpu.memory_space<semaphore_mem>>) attributes {dimension_semantics = [#tpu.dimension_semantics<core_parallel>, #tpu.dimension_semantics<subcore_parallel>], iteration_bounds = array<i64: 2, 16>, scalar_prefetch = 0 : i64, scratch_operands = 7 : i64, tpu.core_type = #tpu.core_type<sc_vector_subcore>, window_params = [{transform_indices = #map}, {transform_indices = #map1}, {transform_indices = #map1}]} {
    %mul3A = arith.constant 2 : i32
    %mul3A_0 = arith.muli %arg1, %mul3A : i32
    %add3A = arith.addi %mul3A_0, %arg0 : i32
    %mul3A_1 = arith.constant 61 : i32
    %mul3A_2 = arith.muli %add3A, %mul3A_1 : i32
    %iota3A = tpu.iota {dimensions = array<i32: 0>} : vector<16xi32>
    %add3A_3 = arith.constant 0 : i32
    %add3A_4 = vector.broadcast %add3A_3 : i32 to vector<16xi32>
    %add3A_5 = arith.addi %iota3A, %add3A_4 : vector<16xi32>
    %jit3A = arith.constant 16 : i32
    %eq3A = arith.constant 0 : i32
    %eq3A_6 = arith.cmpi eq, %jit3A, %eq3A : i32
    %jit3A_7 = arith.constant 1 : i32
    %select_n3A = arith.select %eq3A_6, %jit3A_7, %jit3A : i32
    %rem3A = vector.broadcast %select_n3A : i32 to vector<16xi32>
    %rem3A_8 = arith.remsi %add3A_5, %rem3A : vector<16xi32>
    %ne3A = arith.constant 0 : i32
    %ne3A_9 = vector.broadcast %ne3A : i32 to vector<16xi32>
    %ne3A_10 = arith.cmpi ne, %rem3A_8, %ne3A_9 : vector<16xi32>
    %lt3A = arith.constant 0 : i32
    %lt3A_11 = vector.broadcast %lt3A : i32 to vector<16xi32>
    %lt3A_12 = arith.cmpi slt, %rem3A_8, %lt3A_11 : vector<16xi32>
    %lt3A_13 = arith.constant 0 : i32
    %lt3A_14 = arith.cmpi slt, %select_n3A, %lt3A_13 : i32
    %ne3A_15 = vector.broadcast %lt3A_14 : i1 to vector<16xi1>
    %ne3A_16 = vector.broadcast %ne3A_15 : vector<16xi1> to vector<16xi1>
    %ne3A_17 = arith.xori %lt3A_12, %ne3A_16 : vector<16xi1>
    %and3A = arith.andi %ne3A_17, %ne3A_10 : vector<16xi1>
    %add3A_18 = vector.broadcast %select_n3A : i32 to vector<16xi32>
    %add3A_19 = arith.addi %rem3A_8, %add3A_18 : vector<16xi32>
    %select_n3A_20 = arith.select %and3A, %add3A_19, %rem3A_8 : vector<16xi1>, vector<16xi32>
    %add3A_21 = arith.constant 0 : i32
    %add3A_22 = vector.broadcast %add3A_21 : i32 to vector<16xi32>
    %add3A_23 = arith.addi %select_n3A_20, %add3A_22 : vector<16xi32>
    %add3A_24 = arith.constant 1 : i32
    %add3A_25 = vector.broadcast %add3A_24 : i32 to vector<16xi32>
    %add3A_26 = arith.addi %iota3A, %add3A_25 : vector<16xi32>
    %jit3A_27 = arith.constant 16 : i32
    %eq3A_28 = arith.constant 0 : i32
    %eq3A_29 = arith.cmpi eq, %jit3A_27, %eq3A_28 : i32
    %jit3A_30 = arith.constant 1 : i32
    %select_n3A_31 = arith.select %eq3A_29, %jit3A_30, %jit3A_27 : i32
    %rem3A_32 = vector.broadcast %select_n3A_31 : i32 to vector<16xi32>
    %rem3A_33 = arith.remsi %add3A_26, %rem3A_32 : vector<16xi32>
    %ne3A_34 = arith.constant 0 : i32
    %ne3A_35 = vector.broadcast %ne3A_34 : i32 to vector<16xi32>
    %ne3A_36 = arith.cmpi ne, %rem3A_33, %ne3A_35 : vector<16xi32>
    %lt3A_37 = arith.constant 0 : i32
    %lt3A_38 = vector.broadcast %lt3A_37 : i32 to vector<16xi32>
    %lt3A_39 = arith.cmpi slt, %rem3A_33, %lt3A_38 : vector<16xi32>
    %lt3A_40 = arith.constant 0 : i32
    %lt3A_41 = arith.cmpi slt, %select_n3A_31, %lt3A_40 : i32
    %ne3A_42 = vector.broadcast %lt3A_41 : i1 to vector<16xi1>
    %ne3A_43 = vector.broadcast %ne3A_42 : vector<16xi1> to vector<16xi1>
    %ne3A_44 = arith.xori %lt3A_39, %ne3A_43 : vector<16xi1>
    %and3A_45 = arith.andi %ne3A_44, %ne3A_36 : vector<16xi1>
    %add3A_46 = vector.broadcast %select_n3A_31 : i32 to vector<16xi32>
    %add3A_47 = arith.addi %rem3A_33, %add3A_46 : vector<16xi32>
    %select_n3A_48 = arith.select %and3A_45, %add3A_47, %rem3A_33 : vector<16xi1>, vector<16xi32>
    %add3A_49 = arith.constant 16 : i32
    %add3A_50 = vector.broadcast %add3A_49 : i32 to vector<16xi32>
    %add3A_51 = arith.addi %select_n3A_48, %add3A_50 : vector<16xi32>
    %add3A_52 = arith.constant 2 : i32
    %add3A_53 = vector.broadcast %add3A_52 : i32 to vector<16xi32>
    %add3A_54 = arith.addi %iota3A, %add3A_53 : vector<16xi32>
    %jit3A_55 = arith.constant 16 : i32
    %eq3A_56 = arith.constant 0 : i32
    %eq3A_57 = arith.cmpi eq, %jit3A_55, %eq3A_56 : i32
    %jit3A_58 = arith.constant 1 : i32
    %select_n3A_59 = arith.select %eq3A_57, %jit3A_58, %jit3A_55 : i32
    %rem3A_60 = vector.broadcast %select_n3A_59 : i32 to vector<16xi32>
    %rem3A_61 = arith.remsi %add3A_54, %rem3A_60 : vector<16xi32>
    %ne3A_62 = arith.constant 0 : i32
    %ne3A_63 = vector.broadcast %ne3A_62 : i32 to vector<16xi32>
    %ne3A_64 = arith.cmpi ne, %rem3A_61, %ne3A_63 : vector<16xi32>
    %lt3A_65 = arith.constant 0 : i32
    %lt3A_66 = vector.broadcast %lt3A_65 : i32 to vector<16xi32>
    %lt3A_67 = arith.cmpi slt, %rem3A_61, %lt3A_66 : vector<16xi32>
    %lt3A_68 = arith.constant 0 : i32
    %lt3A_69 = arith.cmpi slt, %select_n3A_59, %lt3A_68 : i32
    %ne3A_70 = vector.broadcast %lt3A_69 : i1 to vector<16xi1>
    %ne3A_71 = vector.broadcast %ne3A_70 : vector<16xi1> to vector<16xi1>
    %ne3A_72 = arith.xori %lt3A_67, %ne3A_71 : vector<16xi1>
    %and3A_73 = arith.andi %ne3A_72, %ne3A_64 : vector<16xi1>
    %add3A_74 = vector.broadcast %select_n3A_59 : i32 to vector<16xi32>
    %add3A_75 = arith.addi %rem3A_61, %add3A_74 : vector<16xi32>
    %select_n3A_76 = arith.select %and3A_73, %add3A_75, %rem3A_61 : vector<16xi1>, vector<16xi32>
    %add3A_77 = arith.constant 32 : i32
    %add3A_78 = vector.broadcast %add3A_77 : i32 to vector<16xi32>
    %add3A_79 = arith.addi %select_n3A_76, %add3A_78 : vector<16xi32>
    %add3A_80 = arith.constant 3 : i32
    %add3A_81 = vector.broadcast %add3A_80 : i32 to vector<16xi32>
    %add3A_82 = arith.addi %iota3A, %add3A_81 : vector<16xi32>
    %jit3A_83 = arith.constant 16 : i32
    %eq3A_84 = arith.constant 0 : i32
    %eq3A_85 = arith.cmpi eq, %jit3A_83, %eq3A_84 : i32
    %jit3A_86 = arith.constant 1 : i32
    %select_n3A_87 = arith.select %eq3A_85, %jit3A_86, %jit3A_83 : i32
    %rem3A_88 = vector.broadcast %select_n3A_87 : i32 to vector<16xi32>
    %rem3A_89 = arith.remsi %add3A_82, %rem3A_88 : vector<16xi32>
    %ne3A_90 = arith.constant 0 : i32
    %ne3A_91 = vector.broadcast %ne3A_90 : i32 to vector<16xi32>
    %ne3A_92 = arith.cmpi ne, %rem3A_89, %ne3A_91 : vector<16xi32>
    %lt3A_93 = arith.constant 0 : i32
    %lt3A_94 = vector.broadcast %lt3A_93 : i32 to vector<16xi32>
    %lt3A_95 = arith.cmpi slt, %rem3A_89, %lt3A_94 : vector<16xi32>
    %lt3A_96 = arith.constant 0 : i32
    %lt3A_97 = arith.cmpi slt, %select_n3A_87, %lt3A_96 : i32
    %ne3A_98 = vector.broadcast %lt3A_97 : i1 to vector<16xi1>
    %ne3A_99 = vector.broadcast %ne3A_98 : vector<16xi1> to vector<16xi1>
    %ne3A_100 = arith.xori %lt3A_95, %ne3A_99 : vector<16xi1>
    %and3A_101 = arith.andi %ne3A_100, %ne3A_92 : vector<16xi1>
    %add3A_102 = vector.broadcast %select_n3A_87 : i32 to vector<16xi32>
    %add3A_103 = arith.addi %rem3A_89, %add3A_102 : vector<16xi32>
    %select_n3A_104 = arith.select %and3A_101, %add3A_103, %rem3A_89 : vector<16xi1>, vector<16xi32>
    %add3A_105 = arith.constant 48 : i32
    %add3A_106 = vector.broadcast %add3A_105 : i32 to vector<16xi32>
    %add3A_107 = arith.addi %select_n3A_104, %add3A_106 : vector<16xi32>
    %add3A_108 = arith.constant 4 : i32
    %add3A_109 = vector.broadcast %add3A_108 : i32 to vector<16xi32>
    %add3A_110 = arith.addi %iota3A, %add3A_109 : vector<16xi32>
    %jit3A_111 = arith.constant 16 : i32
    %eq3A_112 = arith.constant 0 : i32
    %eq3A_113 = arith.cmpi eq, %jit3A_111, %eq3A_112 : i32
    %jit3A_114 = arith.constant 1 : i32
    %select_n3A_115 = arith.select %eq3A_113, %jit3A_114, %jit3A_111 : i32
    %rem3A_116 = vector.broadcast %select_n3A_115 : i32 to vector<16xi32>
    %rem3A_117 = arith.remsi %add3A_110, %rem3A_116 : vector<16xi32>
    %ne3A_118 = arith.constant 0 : i32
    %ne3A_119 = vector.broadcast %ne3A_118 : i32 to vector<16xi32>
    %ne3A_120 = arith.cmpi ne, %rem3A_117, %ne3A_119 : vector<16xi32>
    %lt3A_121 = arith.constant 0 : i32
    %lt3A_122 = vector.broadcast %lt3A_121 : i32 to vector<16xi32>
    %lt3A_123 = arith.cmpi slt, %rem3A_117, %lt3A_122 : vector<16xi32>
    %lt3A_124 = arith.constant 0 : i32
    %lt3A_125 = arith.cmpi slt, %select_n3A_115, %lt3A_124 : i32
    %ne3A_126 = vector.broadcast %lt3A_125 : i1 to vector<16xi1>
    %ne3A_127 = vector.broadcast %ne3A_126 : vector<16xi1> to vector<16xi1>
    %ne3A_128 = arith.xori %lt3A_123, %ne3A_127 : vector<16xi1>
    %and3A_129 = arith.andi %ne3A_128, %ne3A_120 : vector<16xi1>
    %add3A_130 = vector.broadcast %select_n3A_115 : i32 to vector<16xi32>
    %add3A_131 = arith.addi %rem3A_117, %add3A_130 : vector<16xi32>
    %select_n3A_132 = arith.select %and3A_129, %add3A_131, %rem3A_117 : vector<16xi1>, vector<16xi32>
    %add3A_133 = arith.constant 64 : i32
    %add3A_134 = vector.broadcast %add3A_133 : i32 to vector<16xi32>
    %add3A_135 = arith.addi %select_n3A_132, %add3A_134 : vector<16xi32>
    %add3A_136 = arith.constant 5 : i32
    %add3A_137 = vector.broadcast %add3A_136 : i32 to vector<16xi32>
    %add3A_138 = arith.addi %iota3A, %add3A_137 : vector<16xi32>
    %jit3A_139 = arith.constant 16 : i32
    %eq3A_140 = arith.constant 0 : i32
    %eq3A_141 = arith.cmpi eq, %jit3A_139, %eq3A_140 : i32
    %jit3A_142 = arith.constant 1 : i32
    %select_n3A_143 = arith.select %eq3A_141, %jit3A_142, %jit3A_139 : i32
    %rem3A_144 = vector.broadcast %select_n3A_143 : i32 to vector<16xi32>
    %rem3A_145 = arith.remsi %add3A_138, %rem3A_144 : vector<16xi32>
    %ne3A_146 = arith.constant 0 : i32
    %ne3A_147 = vector.broadcast %ne3A_146 : i32 to vector<16xi32>
    %ne3A_148 = arith.cmpi ne, %rem3A_145, %ne3A_147 : vector<16xi32>
    %lt3A_149 = arith.constant 0 : i32
    %lt3A_150 = vector.broadcast %lt3A_149 : i32 to vector<16xi32>
    %lt3A_151 = arith.cmpi slt, %rem3A_145, %lt3A_150 : vector<16xi32>
    %lt3A_152 = arith.constant 0 : i32
    %lt3A_153 = arith.cmpi slt, %select_n3A_143, %lt3A_152 : i32
    %ne3A_154 = vector.broadcast %lt3A_153 : i1 to vector<16xi1>
    %ne3A_155 = vector.broadcast %ne3A_154 : vector<16xi1> to vector<16xi1>
    %ne3A_156 = arith.xori %lt3A_151, %ne3A_155 : vector<16xi1>
    %and3A_157 = arith.andi %ne3A_156, %ne3A_148 : vector<16xi1>
    %add3A_158 = vector.broadcast %select_n3A_143 : i32 to vector<16xi32>
    %add3A_159 = arith.addi %rem3A_145, %add3A_158 : vector<16xi32>
    %select_n3A_160 = arith.select %and3A_157, %add3A_159, %rem3A_145 : vector<16xi1>, vector<16xi32>
    %add3A_161 = arith.constant 80 : i32
    %add3A_162 = vector.broadcast %add3A_161 : i32 to vector<16xi32>
    %add3A_163 = arith.addi %select_n3A_160, %add3A_162 : vector<16xi32>
    %add3A_164 = arith.constant 6 : i32
    %add3A_165 = vector.broadcast %add3A_164 : i32 to vector<16xi32>
    %add3A_166 = arith.addi %iota3A, %add3A_165 : vector<16xi32>
    %jit3A_167 = arith.constant 16 : i32
    %eq3A_168 = arith.constant 0 : i32
    %eq3A_169 = arith.cmpi eq, %jit3A_167, %eq3A_168 : i32
    %jit3A_170 = arith.constant 1 : i32
    %select_n3A_171 = arith.select %eq3A_169, %jit3A_170, %jit3A_167 : i32
    %rem3A_172 = vector.broadcast %select_n3A_171 : i32 to vector<16xi32>
    %rem3A_173 = arith.remsi %add3A_166, %rem3A_172 : vector<16xi32>
    %ne3A_174 = arith.constant 0 : i32
    %ne3A_175 = vector.broadcast %ne3A_174 : i32 to vector<16xi32>
    %ne3A_176 = arith.cmpi ne, %rem3A_173, %ne3A_175 : vector<16xi32>
    %lt3A_177 = arith.constant 0 : i32
    %lt3A_178 = vector.broadcast %lt3A_177 : i32 to vector<16xi32>
    %lt3A_179 = arith.cmpi slt, %rem3A_173, %lt3A_178 : vector<16xi32>
    %lt3A_180 = arith.constant 0 : i32
    %lt3A_181 = arith.cmpi slt, %select_n3A_171, %lt3A_180 : i32
    %ne3A_182 = vector.broadcast %lt3A_181 : i1 to vector<16xi1>
    %ne3A_183 = vector.broadcast %ne3A_182 : vector<16xi1> to vector<16xi1>
    %ne3A_184 = arith.xori %lt3A_179, %ne3A_183 : vector<16xi1>
    %and3A_185 = arith.andi %ne3A_184, %ne3A_176 : vector<16xi1>
    %add3A_186 = vector.broadcast %select_n3A_171 : i32 to vector<16xi32>
    %add3A_187 = arith.addi %rem3A_173, %add3A_186 : vector<16xi32>
    %select_n3A_188 = arith.select %and3A_185, %add3A_187, %rem3A_173 : vector<16xi1>, vector<16xi32>
    %add3A_189 = arith.constant 96 : i32
    %add3A_190 = vector.broadcast %add3A_189 : i32 to vector<16xi32>
    %add3A_191 = arith.addi %select_n3A_188, %add3A_190 : vector<16xi32>
    %add3A_192 = arith.constant 7 : i32
    %add3A_193 = vector.broadcast %add3A_192 : i32 to vector<16xi32>
    %add3A_194 = arith.addi %iota3A, %add3A_193 : vector<16xi32>
    %jit3A_195 = arith.constant 16 : i32
    %eq3A_196 = arith.constant 0 : i32
    %eq3A_197 = arith.cmpi eq, %jit3A_195, %eq3A_196 : i32
    %jit3A_198 = arith.constant 1 : i32
    %select_n3A_199 = arith.select %eq3A_197, %jit3A_198, %jit3A_195 : i32
    %rem3A_200 = vector.broadcast %select_n3A_199 : i32 to vector<16xi32>
    %rem3A_201 = arith.remsi %add3A_194, %rem3A_200 : vector<16xi32>
    %ne3A_202 = arith.constant 0 : i32
    %ne3A_203 = vector.broadcast %ne3A_202 : i32 to vector<16xi32>
    %ne3A_204 = arith.cmpi ne, %rem3A_201, %ne3A_203 : vector<16xi32>
    %lt3A_205 = arith.constant 0 : i32
    %lt3A_206 = vector.broadcast %lt3A_205 : i32 to vector<16xi32>
    %lt3A_207 = arith.cmpi slt, %rem3A_201, %lt3A_206 : vector<16xi32>
    %lt3A_208 = arith.constant 0 : i32
    %lt3A_209 = arith.cmpi slt, %select_n3A_199, %lt3A_208 : i32
    %ne3A_210 = vector.broadcast %lt3A_209 : i1 to vector<16xi1>
    %ne3A_211 = vector.broadcast %ne3A_210 : vector<16xi1> to vector<16xi1>
    %ne3A_212 = arith.xori %lt3A_207, %ne3A_211 : vector<16xi1>
    %and3A_213 = arith.andi %ne3A_212, %ne3A_204 : vector<16xi1>
    %add3A_214 = vector.broadcast %select_n3A_199 : i32 to vector<16xi32>
    %add3A_215 = arith.addi %rem3A_201, %add3A_214 : vector<16xi32>
    %select_n3A_216 = arith.select %and3A_213, %add3A_215, %rem3A_201 : vector<16xi1>, vector<16xi32>
    %add3A_217 = arith.constant 112 : i32
    %add3A_218 = vector.broadcast %add3A_217 : i32 to vector<16xi32>
    %add3A_219 = arith.addi %select_n3A_216, %add3A_218 : vector<16xi32>
    %add3A_220 = arith.constant 8 : i32
    %add3A_221 = vector.broadcast %add3A_220 : i32 to vector<16xi32>
    %add3A_222 = arith.addi %iota3A, %add3A_221 : vector<16xi32>
    %jit3A_223 = arith.constant 16 : i32
    %eq3A_224 = arith.constant 0 : i32
    %eq3A_225 = arith.cmpi eq, %jit3A_223, %eq3A_224 : i32
    %jit3A_226 = arith.constant 1 : i32
    %select_n3A_227 = arith.select %eq3A_225, %jit3A_226, %jit3A_223 : i32
    %rem3A_228 = vector.broadcast %select_n3A_227 : i32 to vector<16xi32>
    %rem3A_229 = arith.remsi %add3A_222, %rem3A_228 : vector<16xi32>
    %ne3A_230 = arith.constant 0 : i32
    %ne3A_231 = vector.broadcast %ne3A_230 : i32 to vector<16xi32>
    %ne3A_232 = arith.cmpi ne, %rem3A_229, %ne3A_231 : vector<16xi32>
    %lt3A_233 = arith.constant 0 : i32
    %lt3A_234 = vector.broadcast %lt3A_233 : i32 to vector<16xi32>
    %lt3A_235 = arith.cmpi slt, %rem3A_229, %lt3A_234 : vector<16xi32>
    %lt3A_236 = arith.constant 0 : i32
    %lt3A_237 = arith.cmpi slt, %select_n3A_227, %lt3A_236 : i32
    %ne3A_238 = vector.broadcast %lt3A_237 : i1 to vector<16xi1>
    %ne3A_239 = vector.broadcast %ne3A_238 : vector<16xi1> to vector<16xi1>
    %ne3A_240 = arith.xori %lt3A_235, %ne3A_239 : vector<16xi1>
    %and3A_241 = arith.andi %ne3A_240, %ne3A_232 : vector<16xi1>
    %add3A_242 = vector.broadcast %select_n3A_227 : i32 to vector<16xi32>
    %add3A_243 = arith.addi %rem3A_229, %add3A_242 : vector<16xi32>
    %select_n3A_244 = arith.select %and3A_241, %add3A_243, %rem3A_229 : vector<16xi1>, vector<16xi32>
    %add3A_245 = arith.constant 128 : i32
    %add3A_246 = vector.broadcast %add3A_245 : i32 to vector<16xi32>
    %add3A_247 = arith.addi %select_n3A_244, %add3A_246 : vector<16xi32>
    %add3A_248 = arith.constant 9 : i32
    %add3A_249 = vector.broadcast %add3A_248 : i32 to vector<16xi32>
    %add3A_250 = arith.addi %iota3A, %add3A_249 : vector<16xi32>
    %jit3A_251 = arith.constant 16 : i32
    %eq3A_252 = arith.constant 0 : i32
    %eq3A_253 = arith.cmpi eq, %jit3A_251, %eq3A_252 : i32
    %jit3A_254 = arith.constant 1 : i32
    %select_n3A_255 = arith.select %eq3A_253, %jit3A_254, %jit3A_251 : i32
    %rem3A_256 = vector.broadcast %select_n3A_255 : i32 to vector<16xi32>
    %rem3A_257 = arith.remsi %add3A_250, %rem3A_256 : vector<16xi32>
    %ne3A_258 = arith.constant 0 : i32
    %ne3A_259 = vector.broadcast %ne3A_258 : i32 to vector<16xi32>
    %ne3A_260 = arith.cmpi ne, %rem3A_257, %ne3A_259 : vector<16xi32>
    %lt3A_261 = arith.constant 0 : i32
    %lt3A_262 = vector.broadcast %lt3A_261 : i32 to vector<16xi32>
    %lt3A_263 = arith.cmpi slt, %rem3A_257, %lt3A_262 : vector<16xi32>
    %lt3A_264 = arith.constant 0 : i32
    %lt3A_265 = arith.cmpi slt, %select_n3A_255, %lt3A_264 : i32
    %ne3A_266 = vector.broadcast %lt3A_265 : i1 to vector<16xi1>
    %ne3A_267 = vector.broadcast %ne3A_266 : vector<16xi1> to vector<16xi1>
    %ne3A_268 = arith.xori %lt3A_263, %ne3A_267 : vector<16xi1>
    %and3A_269 = arith.andi %ne3A_268, %ne3A_260 : vector<16xi1>
    %add3A_270 = vector.broadcast %select_n3A_255 : i32 to vector<16xi32>
    %add3A_271 = arith.addi %rem3A_257, %add3A_270 : vector<16xi32>
    %select_n3A_272 = arith.select %and3A_269, %add3A_271, %rem3A_257 : vector<16xi1>, vector<16xi32>
    %add3A_273 = arith.constant 144 : i32
    %add3A_274 = vector.broadcast %add3A_273 : i32 to vector<16xi32>
    %add3A_275 = arith.addi %select_n3A_272, %add3A_274 : vector<16xi32>
    %add3A_276 = arith.constant 10 : i32
    %add3A_277 = vector.broadcast %add3A_276 : i32 to vector<16xi32>
    %add3A_278 = arith.addi %iota3A, %add3A_277 : vector<16xi32>
    %jit3A_279 = arith.constant 16 : i32
    %eq3A_280 = arith.constant 0 : i32
    %eq3A_281 = arith.cmpi eq, %jit3A_279, %eq3A_280 : i32
    %jit3A_282 = arith.constant 1 : i32
    %select_n3A_283 = arith.select %eq3A_281, %jit3A_282, %jit3A_279 : i32
    %rem3A_284 = vector.broadcast %select_n3A_283 : i32 to vector<16xi32>
    %rem3A_285 = arith.remsi %add3A_278, %rem3A_284 : vector<16xi32>
    %ne3A_286 = arith.constant 0 : i32
    %ne3A_287 = vector.broadcast %ne3A_286 : i32 to vector<16xi32>
    %ne3A_288 = arith.cmpi ne, %rem3A_285, %ne3A_287 : vector<16xi32>
    %lt3A_289 = arith.constant 0 : i32
    %lt3A_290 = vector.broadcast %lt3A_289 : i32 to vector<16xi32>
    %lt3A_291 = arith.cmpi slt, %rem3A_285, %lt3A_290 : vector<16xi32>
    %lt3A_292 = arith.constant 0 : i32
    %lt3A_293 = arith.cmpi slt, %select_n3A_283, %lt3A_292 : i32
    %ne3A_294 = vector.broadcast %lt3A_293 : i1 to vector<16xi1>
    %ne3A_295 = vector.broadcast %ne3A_294 : vector<16xi1> to vector<16xi1>
    %ne3A_296 = arith.xori %lt3A_291, %ne3A_295 : vector<16xi1>
    %and3A_297 = arith.andi %ne3A_296, %ne3A_288 : vector<16xi1>
    %add3A_298 = vector.broadcast %select_n3A_283 : i32 to vector<16xi32>
    %add3A_299 = arith.addi %rem3A_285, %add3A_298 : vector<16xi32>
    %select_n3A_300 = arith.select %and3A_297, %add3A_299, %rem3A_285 : vector<16xi1>, vector<16xi32>
    %add3A_301 = arith.constant 160 : i32
    %add3A_302 = vector.broadcast %add3A_301 : i32 to vector<16xi32>
    %add3A_303 = arith.addi %select_n3A_300, %add3A_302 : vector<16xi32>
    %add3A_304 = arith.constant 11 : i32
    %add3A_305 = vector.broadcast %add3A_304 : i32 to vector<16xi32>
    %add3A_306 = arith.addi %iota3A, %add3A_305 : vector<16xi32>
    %jit3A_307 = arith.constant 16 : i32
    %eq3A_308 = arith.constant 0 : i32
    %eq3A_309 = arith.cmpi eq, %jit3A_307, %eq3A_308 : i32
    %jit3A_310 = arith.constant 1 : i32
    %select_n3A_311 = arith.select %eq3A_309, %jit3A_310, %jit3A_307 : i32
    %rem3A_312 = vector.broadcast %select_n3A_311 : i32 to vector<16xi32>
    %rem3A_313 = arith.remsi %add3A_306, %rem3A_312 : vector<16xi32>
    %ne3A_314 = arith.constant 0 : i32
    %ne3A_315 = vector.broadcast %ne3A_314 : i32 to vector<16xi32>
    %ne3A_316 = arith.cmpi ne, %rem3A_313, %ne3A_315 : vector<16xi32>
    %lt3A_317 = arith.constant 0 : i32
    %lt3A_318 = vector.broadcast %lt3A_317 : i32 to vector<16xi32>
    %lt3A_319 = arith.cmpi slt, %rem3A_313, %lt3A_318 : vector<16xi32>
    %lt3A_320 = arith.constant 0 : i32
    %lt3A_321 = arith.cmpi slt, %select_n3A_311, %lt3A_320 : i32
    %ne3A_322 = vector.broadcast %lt3A_321 : i1 to vector<16xi1>
    %ne3A_323 = vector.broadcast %ne3A_322 : vector<16xi1> to vector<16xi1>
    %ne3A_324 = arith.xori %lt3A_319, %ne3A_323 : vector<16xi1>
    %and3A_325 = arith.andi %ne3A_324, %ne3A_316 : vector<16xi1>
    %add3A_326 = vector.broadcast %select_n3A_311 : i32 to vector<16xi32>
    %add3A_327 = arith.addi %rem3A_313, %add3A_326 : vector<16xi32>
    %select_n3A_328 = arith.select %and3A_325, %add3A_327, %rem3A_313 : vector<16xi1>, vector<16xi32>
    %add3A_329 = arith.constant 176 : i32
    %add3A_330 = vector.broadcast %add3A_329 : i32 to vector<16xi32>
    %add3A_331 = arith.addi %select_n3A_328, %add3A_330 : vector<16xi32>
    %add3A_332 = arith.constant 12 : i32
    %add3A_333 = vector.broadcast %add3A_332 : i32 to vector<16xi32>
    %add3A_334 = arith.addi %iota3A, %add3A_333 : vector<16xi32>
    %jit3A_335 = arith.constant 16 : i32
    %eq3A_336 = arith.constant 0 : i32
    %eq3A_337 = arith.cmpi eq, %jit3A_335, %eq3A_336 : i32
    %jit3A_338 = arith.constant 1 : i32
    %select_n3A_339 = arith.select %eq3A_337, %jit3A_338, %jit3A_335 : i32
    %rem3A_340 = vector.broadcast %select_n3A_339 : i32 to vector<16xi32>
    %rem3A_341 = arith.remsi %add3A_334, %rem3A_340 : vector<16xi32>
    %ne3A_342 = arith.constant 0 : i32
    %ne3A_343 = vector.broadcast %ne3A_342 : i32 to vector<16xi32>
    %ne3A_344 = arith.cmpi ne, %rem3A_341, %ne3A_343 : vector<16xi32>
    %lt3A_345 = arith.constant 0 : i32
    %lt3A_346 = vector.broadcast %lt3A_345 : i32 to vector<16xi32>
    %lt3A_347 = arith.cmpi slt, %rem3A_341, %lt3A_346 : vector<16xi32>
    %lt3A_348 = arith.constant 0 : i32
    %lt3A_349 = arith.cmpi slt, %select_n3A_339, %lt3A_348 : i32
    %ne3A_350 = vector.broadcast %lt3A_349 : i1 to vector<16xi1>
    %ne3A_351 = vector.broadcast %ne3A_350 : vector<16xi1> to vector<16xi1>
    %ne3A_352 = arith.xori %lt3A_347, %ne3A_351 : vector<16xi1>
    %and3A_353 = arith.andi %ne3A_352, %ne3A_344 : vector<16xi1>
    %add3A_354 = vector.broadcast %select_n3A_339 : i32 to vector<16xi32>
    %add3A_355 = arith.addi %rem3A_341, %add3A_354 : vector<16xi32>
    %select_n3A_356 = arith.select %and3A_353, %add3A_355, %rem3A_341 : vector<16xi1>, vector<16xi32>
    %add3A_357 = arith.constant 192 : i32
    %add3A_358 = vector.broadcast %add3A_357 : i32 to vector<16xi32>
    %add3A_359 = arith.addi %select_n3A_356, %add3A_358 : vector<16xi32>
    %add3A_360 = arith.constant 13 : i32
    %add3A_361 = vector.broadcast %add3A_360 : i32 to vector<16xi32>
    %add3A_362 = arith.addi %iota3A, %add3A_361 : vector<16xi32>
    %jit3A_363 = arith.constant 16 : i32
    %eq3A_364 = arith.constant 0 : i32
    %eq3A_365 = arith.cmpi eq, %jit3A_363, %eq3A_364 : i32
    %jit3A_366 = arith.constant 1 : i32
    %select_n3A_367 = arith.select %eq3A_365, %jit3A_366, %jit3A_363 : i32
    %rem3A_368 = vector.broadcast %select_n3A_367 : i32 to vector<16xi32>
    %rem3A_369 = arith.remsi %add3A_362, %rem3A_368 : vector<16xi32>
    %ne3A_370 = arith.constant 0 : i32
    %ne3A_371 = vector.broadcast %ne3A_370 : i32 to vector<16xi32>
    %ne3A_372 = arith.cmpi ne, %rem3A_369, %ne3A_371 : vector<16xi32>
    %lt3A_373 = arith.constant 0 : i32
    %lt3A_374 = vector.broadcast %lt3A_373 : i32 to vector<16xi32>
    %lt3A_375 = arith.cmpi slt, %rem3A_369, %lt3A_374 : vector<16xi32>
    %lt3A_376 = arith.constant 0 : i32
    %lt3A_377 = arith.cmpi slt, %select_n3A_367, %lt3A_376 : i32
    %ne3A_378 = vector.broadcast %lt3A_377 : i1 to vector<16xi1>
    %ne3A_379 = vector.broadcast %ne3A_378 : vector<16xi1> to vector<16xi1>
    %ne3A_380 = arith.xori %lt3A_375, %ne3A_379 : vector<16xi1>
    %and3A_381 = arith.andi %ne3A_380, %ne3A_372 : vector<16xi1>
    %add3A_382 = vector.broadcast %select_n3A_367 : i32 to vector<16xi32>
    %add3A_383 = arith.addi %rem3A_369, %add3A_382 : vector<16xi32>
    %select_n3A_384 = arith.select %and3A_381, %add3A_383, %rem3A_369 : vector<16xi1>, vector<16xi32>
    %add3A_385 = arith.constant 208 : i32
    %add3A_386 = vector.broadcast %add3A_385 : i32 to vector<16xi32>
    %add3A_387 = arith.addi %select_n3A_384, %add3A_386 : vector<16xi32>
    %add3A_388 = arith.constant 14 : i32
    %add3A_389 = vector.broadcast %add3A_388 : i32 to vector<16xi32>
    %add3A_390 = arith.addi %iota3A, %add3A_389 : vector<16xi32>
    %jit3A_391 = arith.constant 16 : i32
    %eq3A_392 = arith.constant 0 : i32
    %eq3A_393 = arith.cmpi eq, %jit3A_391, %eq3A_392 : i32
    %jit3A_394 = arith.constant 1 : i32
    %select_n3A_395 = arith.select %eq3A_393, %jit3A_394, %jit3A_391 : i32
    %rem3A_396 = vector.broadcast %select_n3A_395 : i32 to vector<16xi32>
    %rem3A_397 = arith.remsi %add3A_390, %rem3A_396 : vector<16xi32>
    %ne3A_398 = arith.constant 0 : i32
    %ne3A_399 = vector.broadcast %ne3A_398 : i32 to vector<16xi32>
    %ne3A_400 = arith.cmpi ne, %rem3A_397, %ne3A_399 : vector<16xi32>
    %lt3A_401 = arith.constant 0 : i32
    %lt3A_402 = vector.broadcast %lt3A_401 : i32 to vector<16xi32>
    %lt3A_403 = arith.cmpi slt, %rem3A_397, %lt3A_402 : vector<16xi32>
    %lt3A_404 = arith.constant 0 : i32
    %lt3A_405 = arith.cmpi slt, %select_n3A_395, %lt3A_404 : i32
    %ne3A_406 = vector.broadcast %lt3A_405 : i1 to vector<16xi1>
    %ne3A_407 = vector.broadcast %ne3A_406 : vector<16xi1> to vector<16xi1>
    %ne3A_408 = arith.xori %lt3A_403, %ne3A_407 : vector<16xi1>
    %and3A_409 = arith.andi %ne3A_408, %ne3A_400 : vector<16xi1>
    %add3A_410 = vector.broadcast %select_n3A_395 : i32 to vector<16xi32>
    %add3A_411 = arith.addi %rem3A_397, %add3A_410 : vector<16xi32>
    %select_n3A_412 = arith.select %and3A_409, %add3A_411, %rem3A_397 : vector<16xi1>, vector<16xi32>
    %add3A_413 = arith.constant 224 : i32
    %add3A_414 = vector.broadcast %add3A_413 : i32 to vector<16xi32>
    %add3A_415 = arith.addi %select_n3A_412, %add3A_414 : vector<16xi32>
    %add3A_416 = arith.constant 15 : i32
    %add3A_417 = vector.broadcast %add3A_416 : i32 to vector<16xi32>
    %add3A_418 = arith.addi %iota3A, %add3A_417 : vector<16xi32>
    %jit3A_419 = arith.constant 16 : i32
    %eq3A_420 = arith.constant 0 : i32
    %eq3A_421 = arith.cmpi eq, %jit3A_419, %eq3A_420 : i32
    %jit3A_422 = arith.constant 1 : i32
    %select_n3A_423 = arith.select %eq3A_421, %jit3A_422, %jit3A_419 : i32
    %rem3A_424 = vector.broadcast %select_n3A_423 : i32 to vector<16xi32>
    %rem3A_425 = arith.remsi %add3A_418, %rem3A_424 : vector<16xi32>
    %ne3A_426 = arith.constant 0 : i32
    %ne3A_427 = vector.broadcast %ne3A_426 : i32 to vector<16xi32>
    %ne3A_428 = arith.cmpi ne, %rem3A_425, %ne3A_427 : vector<16xi32>
    %lt3A_429 = arith.constant 0 : i32
    %lt3A_430 = vector.broadcast %lt3A_429 : i32 to vector<16xi32>
    %lt3A_431 = arith.cmpi slt, %rem3A_425, %lt3A_430 : vector<16xi32>
    %lt3A_432 = arith.constant 0 : i32
    %lt3A_433 = arith.cmpi slt, %select_n3A_423, %lt3A_432 : i32
    %ne3A_434 = vector.broadcast %lt3A_433 : i1 to vector<16xi1>
    %ne3A_435 = vector.broadcast %ne3A_434 : vector<16xi1> to vector<16xi1>
    %ne3A_436 = arith.xori %lt3A_431, %ne3A_435 : vector<16xi1>
    %and3A_437 = arith.andi %ne3A_436, %ne3A_428 : vector<16xi1>
    %add3A_438 = vector.broadcast %select_n3A_423 : i32 to vector<16xi32>
    %add3A_439 = arith.addi %rem3A_425, %add3A_438 : vector<16xi32>
    %select_n3A_440 = arith.select %and3A_437, %add3A_439, %rem3A_425 : vector<16xi1>, vector<16xi32>
    %add3A_441 = arith.constant 240 : i32
    %add3A_442 = vector.broadcast %add3A_441 : i32 to vector<16xi32>
    %add3A_443 = arith.addi %select_n3A_440, %add3A_442 : vector<16xi32>
    %mul3A_444 = arith.constant 16 : i32
    %mul3A_445 = vector.broadcast %mul3A_444 : i32 to vector<16xi32>
    %mul3A_446 = arith.muli %iota3A, %mul3A_445 : vector<16xi32>
    %add3A_447 = arith.constant 0 : i32
    %add3A_448 = vector.broadcast %add3A_447 : i32 to vector<16xi32>
    %add3A_449 = arith.addi %iota3A, %add3A_448 : vector<16xi32>
    %jit3A_450 = arith.constant 16 : i32
    %eq3A_451 = arith.constant 0 : i32
    %eq3A_452 = arith.cmpi eq, %jit3A_450, %eq3A_451 : i32
    %jit3A_453 = arith.constant 1 : i32
    %select_n3A_454 = arith.select %eq3A_452, %jit3A_453, %jit3A_450 : i32
    %rem3A_455 = vector.broadcast %select_n3A_454 : i32 to vector<16xi32>
    %rem3A_456 = arith.remsi %add3A_449, %rem3A_455 : vector<16xi32>
    %ne3A_457 = arith.constant 0 : i32
    %ne3A_458 = vector.broadcast %ne3A_457 : i32 to vector<16xi32>
    %ne3A_459 = arith.cmpi ne, %rem3A_456, %ne3A_458 : vector<16xi32>
    %lt3A_460 = arith.constant 0 : i32
    %lt3A_461 = vector.broadcast %lt3A_460 : i32 to vector<16xi32>
    %lt3A_462 = arith.cmpi slt, %rem3A_456, %lt3A_461 : vector<16xi32>
    %lt3A_463 = arith.constant 0 : i32
    %lt3A_464 = arith.cmpi slt, %select_n3A_454, %lt3A_463 : i32
    %ne3A_465 = vector.broadcast %lt3A_464 : i1 to vector<16xi1>
    %ne3A_466 = vector.broadcast %ne3A_465 : vector<16xi1> to vector<16xi1>
    %ne3A_467 = arith.xori %lt3A_462, %ne3A_466 : vector<16xi1>
    %and3A_468 = arith.andi %ne3A_467, %ne3A_459 : vector<16xi1>
    %add3A_469 = vector.broadcast %select_n3A_454 : i32 to vector<16xi32>
    %add3A_470 = arith.addi %rem3A_456, %add3A_469 : vector<16xi32>
    %select_n3A_471 = arith.select %and3A_468, %add3A_470, %rem3A_456 : vector<16xi1>, vector<16xi32>
    %add3A_472 = arith.addi %mul3A_446, %select_n3A_471 : vector<16xi32>
    %mul3A_473 = arith.constant 16 : i32
    %mul3A_474 = vector.broadcast %mul3A_473 : i32 to vector<16xi32>
    %mul3A_475 = arith.muli %iota3A, %mul3A_474 : vector<16xi32>
    %add3A_476 = arith.constant 1 : i32
    %add3A_477 = vector.broadcast %add3A_476 : i32 to vector<16xi32>
    %add3A_478 = arith.addi %iota3A, %add3A_477 : vector<16xi32>
    %jit3A_479 = arith.constant 16 : i32
    %eq3A_480 = arith.constant 0 : i32
    %eq3A_481 = arith.cmpi eq, %jit3A_479, %eq3A_480 : i32
    %jit3A_482 = arith.constant 1 : i32
    %select_n3A_483 = arith.select %eq3A_481, %jit3A_482, %jit3A_479 : i32
    %rem3A_484 = vector.broadcast %select_n3A_483 : i32 to vector<16xi32>
    %rem3A_485 = arith.remsi %add3A_478, %rem3A_484 : vector<16xi32>
    %ne3A_486 = arith.constant 0 : i32
    %ne3A_487 = vector.broadcast %ne3A_486 : i32 to vector<16xi32>
    %ne3A_488 = arith.cmpi ne, %rem3A_485, %ne3A_487 : vector<16xi32>
    %lt3A_489 = arith.constant 0 : i32
    %lt3A_490 = vector.broadcast %lt3A_489 : i32 to vector<16xi32>
    %lt3A_491 = arith.cmpi slt, %rem3A_485, %lt3A_490 : vector<16xi32>
    %lt3A_492 = arith.constant 0 : i32
    %lt3A_493 = arith.cmpi slt, %select_n3A_483, %lt3A_492 : i32
    %ne3A_494 = vector.broadcast %lt3A_493 : i1 to vector<16xi1>
    %ne3A_495 = vector.broadcast %ne3A_494 : vector<16xi1> to vector<16xi1>
    %ne3A_496 = arith.xori %lt3A_491, %ne3A_495 : vector<16xi1>
    %and3A_497 = arith.andi %ne3A_496, %ne3A_488 : vector<16xi1>
    %add3A_498 = vector.broadcast %select_n3A_483 : i32 to vector<16xi32>
    %add3A_499 = arith.addi %rem3A_485, %add3A_498 : vector<16xi32>
    %select_n3A_500 = arith.select %and3A_497, %add3A_499, %rem3A_485 : vector<16xi1>, vector<16xi32>
    %add3A_501 = arith.addi %mul3A_475, %select_n3A_500 : vector<16xi32>
    %mul3A_502 = arith.constant 16 : i32
    %mul3A_503 = vector.broadcast %mul3A_502 : i32 to vector<16xi32>
    %mul3A_504 = arith.muli %iota3A, %mul3A_503 : vector<16xi32>
    %add3A_505 = arith.constant 2 : i32
    %add3A_506 = vector.broadcast %add3A_505 : i32 to vector<16xi32>
    %add3A_507 = arith.addi %iota3A, %add3A_506 : vector<16xi32>
    %jit3A_508 = arith.constant 16 : i32
    %eq3A_509 = arith.constant 0 : i32
    %eq3A_510 = arith.cmpi eq, %jit3A_508, %eq3A_509 : i32
    %jit3A_511 = arith.constant 1 : i32
    %select_n3A_512 = arith.select %eq3A_510, %jit3A_511, %jit3A_508 : i32
    %rem3A_513 = vector.broadcast %select_n3A_512 : i32 to vector<16xi32>
    %rem3A_514 = arith.remsi %add3A_507, %rem3A_513 : vector<16xi32>
    %ne3A_515 = arith.constant 0 : i32
    %ne3A_516 = vector.broadcast %ne3A_515 : i32 to vector<16xi32>
    %ne3A_517 = arith.cmpi ne, %rem3A_514, %ne3A_516 : vector<16xi32>
    %lt3A_518 = arith.constant 0 : i32
    %lt3A_519 = vector.broadcast %lt3A_518 : i32 to vector<16xi32>
    %lt3A_520 = arith.cmpi slt, %rem3A_514, %lt3A_519 : vector<16xi32>
    %lt3A_521 = arith.constant 0 : i32
    %lt3A_522 = arith.cmpi slt, %select_n3A_512, %lt3A_521 : i32
    %ne3A_523 = vector.broadcast %lt3A_522 : i1 to vector<16xi1>
    %ne3A_524 = vector.broadcast %ne3A_523 : vector<16xi1> to vector<16xi1>
    %ne3A_525 = arith.xori %lt3A_520, %ne3A_524 : vector<16xi1>
    %and3A_526 = arith.andi %ne3A_525, %ne3A_517 : vector<16xi1>
    %add3A_527 = vector.broadcast %select_n3A_512 : i32 to vector<16xi32>
    %add3A_528 = arith.addi %rem3A_514, %add3A_527 : vector<16xi32>
    %select_n3A_529 = arith.select %and3A_526, %add3A_528, %rem3A_514 : vector<16xi1>, vector<16xi32>
    %add3A_530 = arith.addi %mul3A_504, %select_n3A_529 : vector<16xi32>
    %mul3A_531 = arith.constant 16 : i32
    %mul3A_532 = vector.broadcast %mul3A_531 : i32 to vector<16xi32>
    %mul3A_533 = arith.muli %iota3A, %mul3A_532 : vector<16xi32>
    %add3A_534 = arith.constant 3 : i32
    %add3A_535 = vector.broadcast %add3A_534 : i32 to vector<16xi32>
    %add3A_536 = arith.addi %iota3A, %add3A_535 : vector<16xi32>
    %jit3A_537 = arith.constant 16 : i32
    %eq3A_538 = arith.constant 0 : i32
    %eq3A_539 = arith.cmpi eq, %jit3A_537, %eq3A_538 : i32
    %jit3A_540 = arith.constant 1 : i32
    %select_n3A_541 = arith.select %eq3A_539, %jit3A_540, %jit3A_537 : i32
    %rem3A_542 = vector.broadcast %select_n3A_541 : i32 to vector<16xi32>
    %rem3A_543 = arith.remsi %add3A_536, %rem3A_542 : vector<16xi32>
    %ne3A_544 = arith.constant 0 : i32
    %ne3A_545 = vector.broadcast %ne3A_544 : i32 to vector<16xi32>
    %ne3A_546 = arith.cmpi ne, %rem3A_543, %ne3A_545 : vector<16xi32>
    %lt3A_547 = arith.constant 0 : i32
    %lt3A_548 = vector.broadcast %lt3A_547 : i32 to vector<16xi32>
    %lt3A_549 = arith.cmpi slt, %rem3A_543, %lt3A_548 : vector<16xi32>
    %lt3A_550 = arith.constant 0 : i32
    %lt3A_551 = arith.cmpi slt, %select_n3A_541, %lt3A_550 : i32
    %ne3A_552 = vector.broadcast %lt3A_551 : i1 to vector<16xi1>
    %ne3A_553 = vector.broadcast %ne3A_552 : vector<16xi1> to vector<16xi1>
    %ne3A_554 = arith.xori %lt3A_549, %ne3A_553 : vector<16xi1>
    %and3A_555 = arith.andi %ne3A_554, %ne3A_546 : vector<16xi1>
    %add3A_556 = vector.broadcast %select_n3A_541 : i32 to vector<16xi32>
    %add3A_557 = arith.addi %rem3A_543, %add3A_556 : vector<16xi32>
    %select_n3A_558 = arith.select %and3A_555, %add3A_557, %rem3A_543 : vector<16xi1>, vector<16xi32>
    %add3A_559 = arith.addi %mul3A_533, %select_n3A_558 : vector<16xi32>
    %mul3A_560 = arith.constant 16 : i32
    %mul3A_561 = vector.broadcast %mul3A_560 : i32 to vector<16xi32>
    %mul3A_562 = arith.muli %iota3A, %mul3A_561 : vector<16xi32>
    %add3A_563 = arith.constant 4 : i32
    %add3A_564 = vector.broadcast %add3A_563 : i32 to vector<16xi32>
    %add3A_565 = arith.addi %iota3A, %add3A_564 : vector<16xi32>
    %jit3A_566 = arith.constant 16 : i32
    %eq3A_567 = arith.constant 0 : i32
    %eq3A_568 = arith.cmpi eq, %jit3A_566, %eq3A_567 : i32
    %jit3A_569 = arith.constant 1 : i32
    %select_n3A_570 = arith.select %eq3A_568, %jit3A_569, %jit3A_566 : i32
    %rem3A_571 = vector.broadcast %select_n3A_570 : i32 to vector<16xi32>
    %rem3A_572 = arith.remsi %add3A_565, %rem3A_571 : vector<16xi32>
    %ne3A_573 = arith.constant 0 : i32
    %ne3A_574 = vector.broadcast %ne3A_573 : i32 to vector<16xi32>
    %ne3A_575 = arith.cmpi ne, %rem3A_572, %ne3A_574 : vector<16xi32>
    %lt3A_576 = arith.constant 0 : i32
    %lt3A_577 = vector.broadcast %lt3A_576 : i32 to vector<16xi32>
    %lt3A_578 = arith.cmpi slt, %rem3A_572, %lt3A_577 : vector<16xi32>
    %lt3A_579 = arith.constant 0 : i32
    %lt3A_580 = arith.cmpi slt, %select_n3A_570, %lt3A_579 : i32
    %ne3A_581 = vector.broadcast %lt3A_580 : i1 to vector<16xi1>
    %ne3A_582 = vector.broadcast %ne3A_581 : vector<16xi1> to vector<16xi1>
    %ne3A_583 = arith.xori %lt3A_578, %ne3A_582 : vector<16xi1>
    %and3A_584 = arith.andi %ne3A_583, %ne3A_575 : vector<16xi1>
    %add3A_585 = vector.broadcast %select_n3A_570 : i32 to vector<16xi32>
    %add3A_586 = arith.addi %rem3A_572, %add3A_585 : vector<16xi32>
    %select_n3A_587 = arith.select %and3A_584, %add3A_586, %rem3A_572 : vector<16xi1>, vector<16xi32>
    %add3A_588 = arith.addi %mul3A_562, %select_n3A_587 : vector<16xi32>
    %mul3A_589 = arith.constant 16 : i32
    %mul3A_590 = vector.broadcast %mul3A_589 : i32 to vector<16xi32>
    %mul3A_591 = arith.muli %iota3A, %mul3A_590 : vector<16xi32>
    %add3A_592 = arith.constant 5 : i32
    %add3A_593 = vector.broadcast %add3A_592 : i32 to vector<16xi32>
    %add3A_594 = arith.addi %iota3A, %add3A_593 : vector<16xi32>
    %jit3A_595 = arith.constant 16 : i32
    %eq3A_596 = arith.constant 0 : i32
    %eq3A_597 = arith.cmpi eq, %jit3A_595, %eq3A_596 : i32
    %jit3A_598 = arith.constant 1 : i32
    %select_n3A_599 = arith.select %eq3A_597, %jit3A_598, %jit3A_595 : i32
    %rem3A_600 = vector.broadcast %select_n3A_599 : i32 to vector<16xi32>
    %rem3A_601 = arith.remsi %add3A_594, %rem3A_600 : vector<16xi32>
    %ne3A_602 = arith.constant 0 : i32
    %ne3A_603 = vector.broadcast %ne3A_602 : i32 to vector<16xi32>
    %ne3A_604 = arith.cmpi ne, %rem3A_601, %ne3A_603 : vector<16xi32>
    %lt3A_605 = arith.constant 0 : i32
    %lt3A_606 = vector.broadcast %lt3A_605 : i32 to vector<16xi32>
    %lt3A_607 = arith.cmpi slt, %rem3A_601, %lt3A_606 : vector<16xi32>
    %lt3A_608 = arith.constant 0 : i32
    %lt3A_609 = arith.cmpi slt, %select_n3A_599, %lt3A_608 : i32
    %ne3A_610 = vector.broadcast %lt3A_609 : i1 to vector<16xi1>
    %ne3A_611 = vector.broadcast %ne3A_610 : vector<16xi1> to vector<16xi1>
    %ne3A_612 = arith.xori %lt3A_607, %ne3A_611 : vector<16xi1>
    %and3A_613 = arith.andi %ne3A_612, %ne3A_604 : vector<16xi1>
    %add3A_614 = vector.broadcast %select_n3A_599 : i32 to vector<16xi32>
    %add3A_615 = arith.addi %rem3A_601, %add3A_614 : vector<16xi32>
    %select_n3A_616 = arith.select %and3A_613, %add3A_615, %rem3A_601 : vector<16xi1>, vector<16xi32>
    %add3A_617 = arith.addi %mul3A_591, %select_n3A_616 : vector<16xi32>
    %mul3A_618 = arith.constant 16 : i32
    %mul3A_619 = vector.broadcast %mul3A_618 : i32 to vector<16xi32>
    %mul3A_620 = arith.muli %iota3A, %mul3A_619 : vector<16xi32>
    %add3A_621 = arith.constant 6 : i32
    %add3A_622 = vector.broadcast %add3A_621 : i32 to vector<16xi32>
    %add3A_623 = arith.addi %iota3A, %add3A_622 : vector<16xi32>
    %jit3A_624 = arith.constant 16 : i32
    %eq3A_625 = arith.constant 0 : i32
    %eq3A_626 = arith.cmpi eq, %jit3A_624, %eq3A_625 : i32
    %jit3A_627 = arith.constant 1 : i32
    %select_n3A_628 = arith.select %eq3A_626, %jit3A_627, %jit3A_624 : i32
    %rem3A_629 = vector.broadcast %select_n3A_628 : i32 to vector<16xi32>
    %rem3A_630 = arith.remsi %add3A_623, %rem3A_629 : vector<16xi32>
    %ne3A_631 = arith.constant 0 : i32
    %ne3A_632 = vector.broadcast %ne3A_631 : i32 to vector<16xi32>
    %ne3A_633 = arith.cmpi ne, %rem3A_630, %ne3A_632 : vector<16xi32>
    %lt3A_634 = arith.constant 0 : i32
    %lt3A_635 = vector.broadcast %lt3A_634 : i32 to vector<16xi32>
    %lt3A_636 = arith.cmpi slt, %rem3A_630, %lt3A_635 : vector<16xi32>
    %lt3A_637 = arith.constant 0 : i32
    %lt3A_638 = arith.cmpi slt, %select_n3A_628, %lt3A_637 : i32
    %ne3A_639 = vector.broadcast %lt3A_638 : i1 to vector<16xi1>
    %ne3A_640 = vector.broadcast %ne3A_639 : vector<16xi1> to vector<16xi1>
    %ne3A_641 = arith.xori %lt3A_636, %ne3A_640 : vector<16xi1>
    %and3A_642 = arith.andi %ne3A_641, %ne3A_633 : vector<16xi1>
    %add3A_643 = vector.broadcast %select_n3A_628 : i32 to vector<16xi32>
    %add3A_644 = arith.addi %rem3A_630, %add3A_643 : vector<16xi32>
    %select_n3A_645 = arith.select %and3A_642, %add3A_644, %rem3A_630 : vector<16xi1>, vector<16xi32>
    %add3A_646 = arith.addi %mul3A_620, %select_n3A_645 : vector<16xi32>
    %mul3A_647 = arith.constant 16 : i32
    %mul3A_648 = vector.broadcast %mul3A_647 : i32 to vector<16xi32>
    %mul3A_649 = arith.muli %iota3A, %mul3A_648 : vector<16xi32>
    %add3A_650 = arith.constant 7 : i32
    %add3A_651 = vector.broadcast %add3A_650 : i32 to vector<16xi32>
    %add3A_652 = arith.addi %iota3A, %add3A_651 : vector<16xi32>
    %jit3A_653 = arith.constant 16 : i32
    %eq3A_654 = arith.constant 0 : i32
    %eq3A_655 = arith.cmpi eq, %jit3A_653, %eq3A_654 : i32
    %jit3A_656 = arith.constant 1 : i32
    %select_n3A_657 = arith.select %eq3A_655, %jit3A_656, %jit3A_653 : i32
    %rem3A_658 = vector.broadcast %select_n3A_657 : i32 to vector<16xi32>
    %rem3A_659 = arith.remsi %add3A_652, %rem3A_658 : vector<16xi32>
    %ne3A_660 = arith.constant 0 : i32
    %ne3A_661 = vector.broadcast %ne3A_660 : i32 to vector<16xi32>
    %ne3A_662 = arith.cmpi ne, %rem3A_659, %ne3A_661 : vector<16xi32>
    %lt3A_663 = arith.constant 0 : i32
    %lt3A_664 = vector.broadcast %lt3A_663 : i32 to vector<16xi32>
    %lt3A_665 = arith.cmpi slt, %rem3A_659, %lt3A_664 : vector<16xi32>
    %lt3A_666 = arith.constant 0 : i32
    %lt3A_667 = arith.cmpi slt, %select_n3A_657, %lt3A_666 : i32
    %ne3A_668 = vector.broadcast %lt3A_667 : i1 to vector<16xi1>
    %ne3A_669 = vector.broadcast %ne3A_668 : vector<16xi1> to vector<16xi1>
    %ne3A_670 = arith.xori %lt3A_665, %ne3A_669 : vector<16xi1>
    %and3A_671 = arith.andi %ne3A_670, %ne3A_662 : vector<16xi1>
    %add3A_672 = vector.broadcast %select_n3A_657 : i32 to vector<16xi32>
    %add3A_673 = arith.addi %rem3A_659, %add3A_672 : vector<16xi32>
    %select_n3A_674 = arith.select %and3A_671, %add3A_673, %rem3A_659 : vector<16xi1>, vector<16xi32>
    %add3A_675 = arith.addi %mul3A_649, %select_n3A_674 : vector<16xi32>
    %mul3A_676 = arith.constant 16 : i32
    %mul3A_677 = vector.broadcast %mul3A_676 : i32 to vector<16xi32>
    %mul3A_678 = arith.muli %iota3A, %mul3A_677 : vector<16xi32>
    %add3A_679 = arith.constant 8 : i32
    %add3A_680 = vector.broadcast %add3A_679 : i32 to vector<16xi32>
    %add3A_681 = arith.addi %iota3A, %add3A_680 : vector<16xi32>
    %jit3A_682 = arith.constant 16 : i32
    %eq3A_683 = arith.constant 0 : i32
    %eq3A_684 = arith.cmpi eq, %jit3A_682, %eq3A_683 : i32
    %jit3A_685 = arith.constant 1 : i32
    %select_n3A_686 = arith.select %eq3A_684, %jit3A_685, %jit3A_682 : i32
    %rem3A_687 = vector.broadcast %select_n3A_686 : i32 to vector<16xi32>
    %rem3A_688 = arith.remsi %add3A_681, %rem3A_687 : vector<16xi32>
    %ne3A_689 = arith.constant 0 : i32
    %ne3A_690 = vector.broadcast %ne3A_689 : i32 to vector<16xi32>
    %ne3A_691 = arith.cmpi ne, %rem3A_688, %ne3A_690 : vector<16xi32>
    %lt3A_692 = arith.constant 0 : i32
    %lt3A_693 = vector.broadcast %lt3A_692 : i32 to vector<16xi32>
    %lt3A_694 = arith.cmpi slt, %rem3A_688, %lt3A_693 : vector<16xi32>
    %lt3A_695 = arith.constant 0 : i32
    %lt3A_696 = arith.cmpi slt, %select_n3A_686, %lt3A_695 : i32
    %ne3A_697 = vector.broadcast %lt3A_696 : i1 to vector<16xi1>
    %ne3A_698 = vector.broadcast %ne3A_697 : vector<16xi1> to vector<16xi1>
    %ne3A_699 = arith.xori %lt3A_694, %ne3A_698 : vector<16xi1>
    %and3A_700 = arith.andi %ne3A_699, %ne3A_691 : vector<16xi1>
    %add3A_701 = vector.broadcast %select_n3A_686 : i32 to vector<16xi32>
    %add3A_702 = arith.addi %rem3A_688, %add3A_701 : vector<16xi32>
    %select_n3A_703 = arith.select %and3A_700, %add3A_702, %rem3A_688 : vector<16xi1>, vector<16xi32>
    %add3A_704 = arith.addi %mul3A_678, %select_n3A_703 : vector<16xi32>
    %mul3A_705 = arith.constant 16 : i32
    %mul3A_706 = vector.broadcast %mul3A_705 : i32 to vector<16xi32>
    %mul3A_707 = arith.muli %iota3A, %mul3A_706 : vector<16xi32>
    %add3A_708 = arith.constant 9 : i32
    %add3A_709 = vector.broadcast %add3A_708 : i32 to vector<16xi32>
    %add3A_710 = arith.addi %iota3A, %add3A_709 : vector<16xi32>
    %jit3A_711 = arith.constant 16 : i32
    %eq3A_712 = arith.constant 0 : i32
    %eq3A_713 = arith.cmpi eq, %jit3A_711, %eq3A_712 : i32
    %jit3A_714 = arith.constant 1 : i32
    %select_n3A_715 = arith.select %eq3A_713, %jit3A_714, %jit3A_711 : i32
    %rem3A_716 = vector.broadcast %select_n3A_715 : i32 to vector<16xi32>
    %rem3A_717 = arith.remsi %add3A_710, %rem3A_716 : vector<16xi32>
    %ne3A_718 = arith.constant 0 : i32
    %ne3A_719 = vector.broadcast %ne3A_718 : i32 to vector<16xi32>
    %ne3A_720 = arith.cmpi ne, %rem3A_717, %ne3A_719 : vector<16xi32>
    %lt3A_721 = arith.constant 0 : i32
    %lt3A_722 = vector.broadcast %lt3A_721 : i32 to vector<16xi32>
    %lt3A_723 = arith.cmpi slt, %rem3A_717, %lt3A_722 : vector<16xi32>
    %lt3A_724 = arith.constant 0 : i32
    %lt3A_725 = arith.cmpi slt, %select_n3A_715, %lt3A_724 : i32
    %ne3A_726 = vector.broadcast %lt3A_725 : i1 to vector<16xi1>
    %ne3A_727 = vector.broadcast %ne3A_726 : vector<16xi1> to vector<16xi1>
    %ne3A_728 = arith.xori %lt3A_723, %ne3A_727 : vector<16xi1>
    %and3A_729 = arith.andi %ne3A_728, %ne3A_720 : vector<16xi1>
    %add3A_730 = vector.broadcast %select_n3A_715 : i32 to vector<16xi32>
    %add3A_731 = arith.addi %rem3A_717, %add3A_730 : vector<16xi32>
    %select_n3A_732 = arith.select %and3A_729, %add3A_731, %rem3A_717 : vector<16xi1>, vector<16xi32>
    %add3A_733 = arith.addi %mul3A_707, %select_n3A_732 : vector<16xi32>
    %mul3A_734 = arith.constant 16 : i32
    %mul3A_735 = vector.broadcast %mul3A_734 : i32 to vector<16xi32>
    %mul3A_736 = arith.muli %iota3A, %mul3A_735 : vector<16xi32>
    %add3A_737 = arith.constant 10 : i32
    %add3A_738 = vector.broadcast %add3A_737 : i32 to vector<16xi32>
    %add3A_739 = arith.addi %iota3A, %add3A_738 : vector<16xi32>
    %jit3A_740 = arith.constant 16 : i32
    %eq3A_741 = arith.constant 0 : i32
    %eq3A_742 = arith.cmpi eq, %jit3A_740, %eq3A_741 : i32
    %jit3A_743 = arith.constant 1 : i32
    %select_n3A_744 = arith.select %eq3A_742, %jit3A_743, %jit3A_740 : i32
    %rem3A_745 = vector.broadcast %select_n3A_744 : i32 to vector<16xi32>
    %rem3A_746 = arith.remsi %add3A_739, %rem3A_745 : vector<16xi32>
    %ne3A_747 = arith.constant 0 : i32
    %ne3A_748 = vector.broadcast %ne3A_747 : i32 to vector<16xi32>
    %ne3A_749 = arith.cmpi ne, %rem3A_746, %ne3A_748 : vector<16xi32>
    %lt3A_750 = arith.constant 0 : i32
    %lt3A_751 = vector.broadcast %lt3A_750 : i32 to vector<16xi32>
    %lt3A_752 = arith.cmpi slt, %rem3A_746, %lt3A_751 : vector<16xi32>
    %lt3A_753 = arith.constant 0 : i32
    %lt3A_754 = arith.cmpi slt, %select_n3A_744, %lt3A_753 : i32
    %ne3A_755 = vector.broadcast %lt3A_754 : i1 to vector<16xi1>
    %ne3A_756 = vector.broadcast %ne3A_755 : vector<16xi1> to vector<16xi1>
    %ne3A_757 = arith.xori %lt3A_752, %ne3A_756 : vector<16xi1>
    %and3A_758 = arith.andi %ne3A_757, %ne3A_749 : vector<16xi1>
    %add3A_759 = vector.broadcast %select_n3A_744 : i32 to vector<16xi32>
    %add3A_760 = arith.addi %rem3A_746, %add3A_759 : vector<16xi32>
    %select_n3A_761 = arith.select %and3A_758, %add3A_760, %rem3A_746 : vector<16xi1>, vector<16xi32>
    %add3A_762 = arith.addi %mul3A_736, %select_n3A_761 : vector<16xi32>
    %mul3A_763 = arith.constant 16 : i32
    %mul3A_764 = vector.broadcast %mul3A_763 : i32 to vector<16xi32>
    %mul3A_765 = arith.muli %iota3A, %mul3A_764 : vector<16xi32>
    %add3A_766 = arith.constant 11 : i32
    %add3A_767 = vector.broadcast %add3A_766 : i32 to vector<16xi32>
    %add3A_768 = arith.addi %iota3A, %add3A_767 : vector<16xi32>
    %jit3A_769 = arith.constant 16 : i32
    %eq3A_770 = arith.constant 0 : i32
    %eq3A_771 = arith.cmpi eq, %jit3A_769, %eq3A_770 : i32
    %jit3A_772 = arith.constant 1 : i32
    %select_n3A_773 = arith.select %eq3A_771, %jit3A_772, %jit3A_769 : i32
    %rem3A_774 = vector.broadcast %select_n3A_773 : i32 to vector<16xi32>
    %rem3A_775 = arith.remsi %add3A_768, %rem3A_774 : vector<16xi32>
    %ne3A_776 = arith.constant 0 : i32
    %ne3A_777 = vector.broadcast %ne3A_776 : i32 to vector<16xi32>
    %ne3A_778 = arith.cmpi ne, %rem3A_775, %ne3A_777 : vector<16xi32>
    %lt3A_779 = arith.constant 0 : i32
    %lt3A_780 = vector.broadcast %lt3A_779 : i32 to vector<16xi32>
    %lt3A_781 = arith.cmpi slt, %rem3A_775, %lt3A_780 : vector<16xi32>
    %lt3A_782 = arith.constant 0 : i32
    %lt3A_783 = arith.cmpi slt, %select_n3A_773, %lt3A_782 : i32
    %ne3A_784 = vector.broadcast %lt3A_783 : i1 to vector<16xi1>
    %ne3A_785 = vector.broadcast %ne3A_784 : vector<16xi1> to vector<16xi1>
    %ne3A_786 = arith.xori %lt3A_781, %ne3A_785 : vector<16xi1>
    %and3A_787 = arith.andi %ne3A_786, %ne3A_778 : vector<16xi1>
    %add3A_788 = vector.broadcast %select_n3A_773 : i32 to vector<16xi32>
    %add3A_789 = arith.addi %rem3A_775, %add3A_788 : vector<16xi32>
    %select_n3A_790 = arith.select %and3A_787, %add3A_789, %rem3A_775 : vector<16xi1>, vector<16xi32>
    %add3A_791 = arith.addi %mul3A_765, %select_n3A_790 : vector<16xi32>
    %mul3A_792 = arith.constant 16 : i32
    %mul3A_793 = vector.broadcast %mul3A_792 : i32 to vector<16xi32>
    %mul3A_794 = arith.muli %iota3A, %mul3A_793 : vector<16xi32>
    %add3A_795 = arith.constant 12 : i32
    %add3A_796 = vector.broadcast %add3A_795 : i32 to vector<16xi32>
    %add3A_797 = arith.addi %iota3A, %add3A_796 : vector<16xi32>
    %jit3A_798 = arith.constant 16 : i32
    %eq3A_799 = arith.constant 0 : i32
    %eq3A_800 = arith.cmpi eq, %jit3A_798, %eq3A_799 : i32
    %jit3A_801 = arith.constant 1 : i32
    %select_n3A_802 = arith.select %eq3A_800, %jit3A_801, %jit3A_798 : i32
    %rem3A_803 = vector.broadcast %select_n3A_802 : i32 to vector<16xi32>
    %rem3A_804 = arith.remsi %add3A_797, %rem3A_803 : vector<16xi32>
    %ne3A_805 = arith.constant 0 : i32
    %ne3A_806 = vector.broadcast %ne3A_805 : i32 to vector<16xi32>
    %ne3A_807 = arith.cmpi ne, %rem3A_804, %ne3A_806 : vector<16xi32>
    %lt3A_808 = arith.constant 0 : i32
    %lt3A_809 = vector.broadcast %lt3A_808 : i32 to vector<16xi32>
    %lt3A_810 = arith.cmpi slt, %rem3A_804, %lt3A_809 : vector<16xi32>
    %lt3A_811 = arith.constant 0 : i32
    %lt3A_812 = arith.cmpi slt, %select_n3A_802, %lt3A_811 : i32
    %ne3A_813 = vector.broadcast %lt3A_812 : i1 to vector<16xi1>
    %ne3A_814 = vector.broadcast %ne3A_813 : vector<16xi1> to vector<16xi1>
    %ne3A_815 = arith.xori %lt3A_810, %ne3A_814 : vector<16xi1>
    %and3A_816 = arith.andi %ne3A_815, %ne3A_807 : vector<16xi1>
    %add3A_817 = vector.broadcast %select_n3A_802 : i32 to vector<16xi32>
    %add3A_818 = arith.addi %rem3A_804, %add3A_817 : vector<16xi32>
    %select_n3A_819 = arith.select %and3A_816, %add3A_818, %rem3A_804 : vector<16xi1>, vector<16xi32>
    %add3A_820 = arith.addi %mul3A_794, %select_n3A_819 : vector<16xi32>
    %mul3A_821 = arith.constant 16 : i32
    %mul3A_822 = vector.broadcast %mul3A_821 : i32 to vector<16xi32>
    %mul3A_823 = arith.muli %iota3A, %mul3A_822 : vector<16xi32>
    %add3A_824 = arith.constant 13 : i32
    %add3A_825 = vector.broadcast %add3A_824 : i32 to vector<16xi32>
    %add3A_826 = arith.addi %iota3A, %add3A_825 : vector<16xi32>
    %jit3A_827 = arith.constant 16 : i32
    %eq3A_828 = arith.constant 0 : i32
    %eq3A_829 = arith.cmpi eq, %jit3A_827, %eq3A_828 : i32
    %jit3A_830 = arith.constant 1 : i32
    %select_n3A_831 = arith.select %eq3A_829, %jit3A_830, %jit3A_827 : i32
    %rem3A_832 = vector.broadcast %select_n3A_831 : i32 to vector<16xi32>
    %rem3A_833 = arith.remsi %add3A_826, %rem3A_832 : vector<16xi32>
    %ne3A_834 = arith.constant 0 : i32
    %ne3A_835 = vector.broadcast %ne3A_834 : i32 to vector<16xi32>
    %ne3A_836 = arith.cmpi ne, %rem3A_833, %ne3A_835 : vector<16xi32>
    %lt3A_837 = arith.constant 0 : i32
    %lt3A_838 = vector.broadcast %lt3A_837 : i32 to vector<16xi32>
    %lt3A_839 = arith.cmpi slt, %rem3A_833, %lt3A_838 : vector<16xi32>
    %lt3A_840 = arith.constant 0 : i32
    %lt3A_841 = arith.cmpi slt, %select_n3A_831, %lt3A_840 : i32
    %ne3A_842 = vector.broadcast %lt3A_841 : i1 to vector<16xi1>
    %ne3A_843 = vector.broadcast %ne3A_842 : vector<16xi1> to vector<16xi1>
    %ne3A_844 = arith.xori %lt3A_839, %ne3A_843 : vector<16xi1>
    %and3A_845 = arith.andi %ne3A_844, %ne3A_836 : vector<16xi1>
    %add3A_846 = vector.broadcast %select_n3A_831 : i32 to vector<16xi32>
    %add3A_847 = arith.addi %rem3A_833, %add3A_846 : vector<16xi32>
    %select_n3A_848 = arith.select %and3A_845, %add3A_847, %rem3A_833 : vector<16xi1>, vector<16xi32>
    %add3A_849 = arith.addi %mul3A_823, %select_n3A_848 : vector<16xi32>
    %mul3A_850 = arith.constant 16 : i32
    %mul3A_851 = vector.broadcast %mul3A_850 : i32 to vector<16xi32>
    %mul3A_852 = arith.muli %iota3A, %mul3A_851 : vector<16xi32>
    %add3A_853 = arith.constant 14 : i32
    %add3A_854 = vector.broadcast %add3A_853 : i32 to vector<16xi32>
    %add3A_855 = arith.addi %iota3A, %add3A_854 : vector<16xi32>
    %jit3A_856 = arith.constant 16 : i32
    %eq3A_857 = arith.constant 0 : i32
    %eq3A_858 = arith.cmpi eq, %jit3A_856, %eq3A_857 : i32
    %jit3A_859 = arith.constant 1 : i32
    %select_n3A_860 = arith.select %eq3A_858, %jit3A_859, %jit3A_856 : i32
    %rem3A_861 = vector.broadcast %select_n3A_860 : i32 to vector<16xi32>
    %rem3A_862 = arith.remsi %add3A_855, %rem3A_861 : vector<16xi32>
    %ne3A_863 = arith.constant 0 : i32
    %ne3A_864 = vector.broadcast %ne3A_863 : i32 to vector<16xi32>
    %ne3A_865 = arith.cmpi ne, %rem3A_862, %ne3A_864 : vector<16xi32>
    %lt3A_866 = arith.constant 0 : i32
    %lt3A_867 = vector.broadcast %lt3A_866 : i32 to vector<16xi32>
    %lt3A_868 = arith.cmpi slt, %rem3A_862, %lt3A_867 : vector<16xi32>
    %lt3A_869 = arith.constant 0 : i32
    %lt3A_870 = arith.cmpi slt, %select_n3A_860, %lt3A_869 : i32
    %ne3A_871 = vector.broadcast %lt3A_870 : i1 to vector<16xi1>
    %ne3A_872 = vector.broadcast %ne3A_871 : vector<16xi1> to vector<16xi1>
    %ne3A_873 = arith.xori %lt3A_868, %ne3A_872 : vector<16xi1>
    %and3A_874 = arith.andi %ne3A_873, %ne3A_865 : vector<16xi1>
    %add3A_875 = vector.broadcast %select_n3A_860 : i32 to vector<16xi32>
    %add3A_876 = arith.addi %rem3A_862, %add3A_875 : vector<16xi32>
    %select_n3A_877 = arith.select %and3A_874, %add3A_876, %rem3A_862 : vector<16xi1>, vector<16xi32>
    %add3A_878 = arith.addi %mul3A_852, %select_n3A_877 : vector<16xi32>
    %mul3A_879 = arith.constant 16 : i32
    %mul3A_880 = vector.broadcast %mul3A_879 : i32 to vector<16xi32>
    %mul3A_881 = arith.muli %iota3A, %mul3A_880 : vector<16xi32>
    %add3A_882 = arith.constant 15 : i32
    %add3A_883 = vector.broadcast %add3A_882 : i32 to vector<16xi32>
    %add3A_884 = arith.addi %iota3A, %add3A_883 : vector<16xi32>
    %jit3A_885 = arith.constant 16 : i32
    %eq3A_886 = arith.constant 0 : i32
    %eq3A_887 = arith.cmpi eq, %jit3A_885, %eq3A_886 : i32
    %jit3A_888 = arith.constant 1 : i32
    %select_n3A_889 = arith.select %eq3A_887, %jit3A_888, %jit3A_885 : i32
    %rem3A_890 = vector.broadcast %select_n3A_889 : i32 to vector<16xi32>
    %rem3A_891 = arith.remsi %add3A_884, %rem3A_890 : vector<16xi32>
    %ne3A_892 = arith.constant 0 : i32
    %ne3A_893 = vector.broadcast %ne3A_892 : i32 to vector<16xi32>
    %ne3A_894 = arith.cmpi ne, %rem3A_891, %ne3A_893 : vector<16xi32>
    %lt3A_895 = arith.constant 0 : i32
    %lt3A_896 = vector.broadcast %lt3A_895 : i32 to vector<16xi32>
    %lt3A_897 = arith.cmpi slt, %rem3A_891, %lt3A_896 : vector<16xi32>
    %lt3A_898 = arith.constant 0 : i32
    %lt3A_899 = arith.cmpi slt, %select_n3A_889, %lt3A_898 : i32
    %ne3A_900 = vector.broadcast %lt3A_899 : i1 to vector<16xi1>
    %ne3A_901 = vector.broadcast %ne3A_900 : vector<16xi1> to vector<16xi1>
    %ne3A_902 = arith.xori %lt3A_897, %ne3A_901 : vector<16xi1>
    %and3A_903 = arith.andi %ne3A_902, %ne3A_894 : vector<16xi1>
    %add3A_904 = vector.broadcast %select_n3A_889 : i32 to vector<16xi32>
    %add3A_905 = arith.addi %rem3A_891, %add3A_904 : vector<16xi32>
    %select_n3A_906 = arith.select %and3A_903, %add3A_905, %rem3A_891 : vector<16xi1>, vector<16xi32>
    %add3A_907 = arith.addi %mul3A_881, %select_n3A_906 : vector<16xi32>
    %add3A_908 = arith.constant 0 : i32
    %add3A_909 = arith.addi %mul3A_2, %add3A_908 : i32
    %mul3A_910 = arith.constant 512 : i32
    %mul3A_911 = arith.muli %add3A_909, %mul3A_910 : i32
    %dma_start3A = arith.constant 0 : i32
    %dma_start3A_912 = arith.constant 0 : i32
    %dma_start3A_913 = arith.constant 0 : i32
    %dma_start3A_914 = arith.constant 0 : i32
    %dma_start3A_915 = tpu.memref_slice %arg5[%dma_start3A, %dma_start3A_912, %dma_start3A_913, %dma_start3A_914] : memref<2x1x8x512xf32, #tpu.memory_space<vmem>> -> memref<1x1x8x512xf32, #tpu.memory_space<vmem>>
    %dma_start3A_916 = tpu.memref_squeeze %dma_start3A_915 : memref<1x1x8x512xf32, #tpu.memory_space<vmem>> -> memref<1x8x512xf32, #tpu.memory_space<vmem>>
    %dma_start3A_917 = arith.constant 0 : i32
    %dma_start3A_918 = arith.constant 0 : i32
    %dma_start3A_919 = tpu.memref_slice %arg2[%dma_start3A_917, %dma_start3A_918, %mul3A_911] : memref<2x8x1000000xf32, #tpu.memory_space<hbm>> -> memref<1x8x512xf32, #tpu.memory_space<hbm>>
    %dma_start3A_920 = arith.constant 0 : i32
    %dma_start3A_921 = arith.constant 0 : i32
    %dma_start3A_922 = arith.constant 0 : i32
    %dma_start3A_923 = tpu.memref_slice %arg5[%dma_start3A, %dma_start3A_920, %dma_start3A_921, %dma_start3A_922] : memref<2x1x8x512xf32, #tpu.memory_space<vmem>> -> memref<1x1x8x512xf32, #tpu.memory_space<vmem>>
    %dma_start3A_924 = tpu.memref_squeeze %dma_start3A_923 : memref<1x1x8x512xf32, #tpu.memory_space<vmem>> -> memref<1x8x512xf32, #tpu.memory_space<vmem>>
    %dma_start3A_925 = arith.constant 0 : i32
    %dma_start3A_926 = arith.constant 0 : i32
    %dma_start3A_927 = tpu.memref_slice %arg2[%dma_start3A_925, %dma_start3A_926, %mul3A_911] : memref<2x8x1000000xf32, #tpu.memory_space<hbm>> -> memref<1x8x512xf32, #tpu.memory_space<hbm>>
    tpu.enqueue_dma source(%dma_start3A_927 : memref<1x8x512xf32, #tpu.memory_space<hbm>>) target(%dma_start3A_924 : memref<1x8x512xf32, #tpu.memory_space<vmem>>) target_semaphore(%arg10 : memref<!tpu.dma_semaphore, #tpu.memory_space<semaphore_mem>>)
    %add3A_928 = arith.constant 0 : i32
    %add3A_929 = arith.addi %mul3A_2, %add3A_928 : i32
    %mul3A_930 = arith.constant 512 : i32
    %mul3A_931 = arith.muli %add3A_929, %mul3A_930 : i32
    %dma_start3A_932 = arith.constant 1 : i32
    %dma_start3A_933 = arith.constant 0 : i32
    %dma_start3A_934 = arith.constant 0 : i32
    %dma_start3A_935 = arith.constant 0 : i32
    %dma_start3A_936 = tpu.memref_slice %arg5[%dma_start3A_932, %dma_start3A_933, %dma_start3A_934, %dma_start3A_935] : memref<2x1x8x512xf32, #tpu.memory_space<vmem>> -> memref<1x1x8x512xf32, #tpu.memory_space<vmem>>
    %dma_start3A_937 = tpu.memref_squeeze %dma_start3A_936 : memref<1x1x8x512xf32, #tpu.memory_space<vmem>> -> memref<1x8x512xf32, #tpu.memory_space<vmem>>
    %dma_start3A_938 = arith.constant 1 : i32
    %dma_start3A_939 = arith.constant 0 : i32
    %dma_start3A_940 = tpu.memref_slice %arg2[%dma_start3A_938, %dma_start3A_939, %mul3A_931] : memref<2x8x1000000xf32, #tpu.memory_space<hbm>> -> memref<1x8x512xf32, #tpu.memory_space<hbm>>
    %dma_start3A_941 = arith.constant 0 : i32
    %dma_start3A_942 = arith.constant 0 : i32
    %dma_start3A_943 = arith.constant 0 : i32
    %dma_start3A_944 = tpu.memref_slice %arg5[%dma_start3A_932, %dma_start3A_941, %dma_start3A_942, %dma_start3A_943] : memref<2x1x8x512xf32, #tpu.memory_space<vmem>> -> memref<1x1x8x512xf32, #tpu.memory_space<vmem>>
    %dma_start3A_945 = tpu.memref_squeeze %dma_start3A_944 : memref<1x1x8x512xf32, #tpu.memory_space<vmem>> -> memref<1x8x512xf32, #tpu.memory_space<vmem>>
    %dma_start3A_946 = arith.constant 1 : i32
    %dma_start3A_947 = arith.constant 0 : i32
    %dma_start3A_948 = tpu.memref_slice %arg2[%dma_start3A_946, %dma_start3A_947, %mul3A_931] : memref<2x8x1000000xf32, #tpu.memory_space<hbm>> -> memref<1x8x512xf32, #tpu.memory_space<hbm>>
    tpu.enqueue_dma source(%dma_start3A_948 : memref<1x8x512xf32, #tpu.memory_space<hbm>>) target(%dma_start3A_945 : memref<1x8x512xf32, #tpu.memory_space<vmem>>) target_semaphore(%arg10 : memref<!tpu.dma_semaphore, #tpu.memory_space<semaphore_mem>>)
    %add3A_949 = arith.constant 1 : i32
    %add3A_950 = arith.addi %mul3A_2, %add3A_949 : i32
    %mul3A_951 = arith.constant 512 : i32
    %mul3A_952 = arith.muli %add3A_950, %mul3A_951 : i32
    %dma_start3A_953 = arith.constant 0 : i32
    %dma_start3A_954 = arith.constant 0 : i32
    %dma_start3A_955 = arith.constant 0 : i32
    %dma_start3A_956 = arith.constant 0 : i32
    %dma_start3A_957 = tpu.memref_slice %arg6[%dma_start3A_953, %dma_start3A_954, %dma_start3A_955, %dma_start3A_956] : memref<2x1x8x512xf32, #tpu.memory_space<vmem>> -> memref<1x1x8x512xf32, #tpu.memory_space<vmem>>
    %dma_start3A_958 = tpu.memref_squeeze %dma_start3A_957 : memref<1x1x8x512xf32, #tpu.memory_space<vmem>> -> memref<1x8x512xf32, #tpu.memory_space<vmem>>
    %dma_start3A_959 = arith.constant 0 : i32
    %dma_start3A_960 = arith.constant 0 : i32
    %dma_start3A_961 = tpu.memref_slice %arg2[%dma_start3A_959, %dma_start3A_960, %mul3A_952] : memref<2x8x1000000xf32, #tpu.memory_space<hbm>> -> memref<1x8x512xf32, #tpu.memory_space<hbm>>
    %dma_start3A_962 = arith.constant 0 : i32
    %dma_start3A_963 = arith.constant 0 : i32
    %dma_start3A_964 = arith.constant 0 : i32
    %dma_start3A_965 = tpu.memref_slice %arg6[%dma_start3A_953, %dma_start3A_962, %dma_start3A_963, %dma_start3A_964] : memref<2x1x8x512xf32, #tpu.memory_space<vmem>> -> memref<1x1x8x512xf32, #tpu.memory_space<vmem>>
    %dma_start3A_966 = tpu.memref_squeeze %dma_start3A_965 : memref<1x1x8x512xf32, #tpu.memory_space<vmem>> -> memref<1x8x512xf32, #tpu.memory_space<vmem>>
    %dma_start3A_967 = arith.constant 0 : i32
    %dma_start3A_968 = arith.constant 0 : i32
    %dma_start3A_969 = tpu.memref_slice %arg2[%dma_start3A_967, %dma_start3A_968, %mul3A_952] : memref<2x8x1000000xf32, #tpu.memory_space<hbm>> -> memref<1x8x512xf32, #tpu.memory_space<hbm>>
    tpu.enqueue_dma source(%dma_start3A_969 : memref<1x8x512xf32, #tpu.memory_space<hbm>>) target(%dma_start3A_966 : memref<1x8x512xf32, #tpu.memory_space<vmem>>) target_semaphore(%arg10 : memref<!tpu.dma_semaphore, #tpu.memory_space<semaphore_mem>>)
    %add3A_970 = arith.constant 1 : i32
    %add3A_971 = arith.addi %mul3A_2, %add3A_970 : i32
    %mul3A_972 = arith.constant 512 : i32
    %mul3A_973 = arith.muli %add3A_971, %mul3A_972 : i32
    %dma_start3A_974 = arith.constant 1 : i32
    %dma_start3A_975 = arith.constant 0 : i32
    %dma_start3A_976 = arith.constant 0 : i32
    %dma_start3A_977 = arith.constant 0 : i32
    %dma_start3A_978 = tpu.memref_slice %arg6[%dma_start3A_974, %dma_start3A_975, %dma_start3A_976, %dma_start3A_977] : memref<2x1x8x512xf32, #tpu.memory_space<vmem>> -> memref<1x1x8x512xf32, #tpu.memory_space<vmem>>
    %dma_start3A_979 = tpu.memref_squeeze %dma_start3A_978 : memref<1x1x8x512xf32, #tpu.memory_space<vmem>> -> memref<1x8x512xf32, #tpu.memory_space<vmem>>
    %dma_start3A_980 = arith.constant 1 : i32
    %dma_start3A_981 = arith.constant 0 : i32
    %dma_start3A_982 = tpu.memref_slice %arg2[%dma_start3A_980, %dma_start3A_981, %mul3A_973] : memref<2x8x1000000xf32, #tpu.memory_space<hbm>> -> memref<1x8x512xf32, #tpu.memory_space<hbm>>
    %dma_start3A_983 = arith.constant 0 : i32
    %dma_start3A_984 = arith.constant 0 : i32
    %dma_start3A_985 = arith.constant 0 : i32
    %dma_start3A_986 = tpu.memref_slice %arg6[%dma_start3A_974, %dma_start3A_983, %dma_start3A_984, %dma_start3A_985] : memref<2x1x8x512xf32, #tpu.memory_space<vmem>> -> memref<1x1x8x512xf32, #tpu.memory_space<vmem>>
    %dma_start3A_987 = tpu.memref_squeeze %dma_start3A_986 : memref<1x1x8x512xf32, #tpu.memory_space<vmem>> -> memref<1x8x512xf32, #tpu.memory_space<vmem>>
    %dma_start3A_988 = arith.constant 1 : i32
    %dma_start3A_989 = arith.constant 0 : i32
    %dma_start3A_990 = tpu.memref_slice %arg2[%dma_start3A_988, %dma_start3A_989, %mul3A_973] : memref<2x8x1000000xf32, #tpu.memory_space<hbm>> -> memref<1x8x512xf32, #tpu.memory_space<hbm>>
    tpu.enqueue_dma source(%dma_start3A_990 : memref<1x8x512xf32, #tpu.memory_space<hbm>>) target(%dma_start3A_987 : memref<1x8x512xf32, #tpu.memory_space<vmem>>) target_semaphore(%arg10 : memref<!tpu.dma_semaphore, #tpu.memory_space<semaphore_mem>>)
    %add3A_991 = arith.constant 0 : i32
    %add3A_992 = arith.addi %mul3A_2, %add3A_991 : i32
    %mul3A_993 = arith.constant 512 : i32
    %mul3A_994 = arith.muli %add3A_992, %mul3A_993 : i32
    %dma_wait3A = arith.constant 0 : i32
    %dma_wait3A_995 = arith.constant 0 : i32
    %dma_wait3A_996 = arith.constant 0 : i32
    %dma_wait3A_997 = arith.constant 0 : i32
    %dma_wait3A_998 = tpu.memref_slice %arg5[%dma_wait3A, %dma_wait3A_995, %dma_wait3A_996, %dma_wait3A_997] : memref<2x1x8x512xf32, #tpu.memory_space<vmem>> -> memref<1x1x8x512xf32, #tpu.memory_space<vmem>>
    %dma_wait3A_999 = tpu.memref_squeeze %dma_wait3A_998 : memref<1x1x8x512xf32, #tpu.memory_space<vmem>> -> memref<1x8x512xf32, #tpu.memory_space<vmem>>
    %dma_wait3A_1000 = arith.constant 0 : i32
    %dma_wait3A_1001 = arith.constant 0 : i32
    %dma_wait3A_1002 = tpu.memref_slice %arg2[%dma_wait3A_1000, %dma_wait3A_1001, %mul3A_994] : memref<2x8x1000000xf32, #tpu.memory_space<hbm>> -> memref<1x8x512xf32, #tpu.memory_space<hbm>>
    %dma_wait3A_1003 = arith.constant 0 : i32
    %dma_wait3A_1004 = arith.constant 0 : i32
    %dma_wait3A_1005 = arith.constant 0 : i32
    %dma_wait3A_1006 = tpu.memref_slice %arg5[%dma_wait3A, %dma_wait3A_1003, %dma_wait3A_1004, %dma_wait3A_1005] : memref<2x1x8x512xf32, #tpu.memory_space<vmem>> -> memref<1x1x8x512xf32, #tpu.memory_space<vmem>>
    %dma_wait3A_1007 = tpu.memref_squeeze %dma_wait3A_1006 : memref<1x1x8x512xf32, #tpu.memory_space<vmem>> -> memref<1x8x512xf32, #tpu.memory_space<vmem>>
    %dma_wait3A_1008 = arith.constant 0 : i32
    %dma_wait3A_1009 = arith.constant 0 : i32
    %dma_wait3A_1010 = tpu.memref_slice %arg2[%dma_wait3A_1008, %dma_wait3A_1009, %mul3A_994] : memref<2x8x1000000xf32, #tpu.memory_space<hbm>> -> memref<1x8x512xf32, #tpu.memory_space<hbm>>
    tpu.wait_dma2 semaphore(%arg10 : memref<!tpu.dma_semaphore, #tpu.memory_space<semaphore_mem>>) src(%dma_wait3A_1010 : memref<1x8x512xf32, #tpu.memory_space<hbm>>) dst(%dma_wait3A_1007 : memref<1x8x512xf32, #tpu.memory_space<vmem>>)
    %add3A_1011 = arith.constant 0 : i32
    %add3A_1012 = arith.addi %mul3A_2, %add3A_1011 : i32
    %mul3A_1013 = arith.constant 512 : i32
    %mul3A_1014 = arith.muli %add3A_1012, %mul3A_1013 : i32
    %dma_wait3A_1015 = arith.constant 1 : i32
    %dma_wait3A_1016 = arith.constant 0 : i32
    %dma_wait3A_1017 = arith.constant 0 : i32
    %dma_wait3A_1018 = arith.constant 0 : i32
    %dma_wait3A_1019 = tpu.memref_slice %arg5[%dma_wait3A_1015, %dma_wait3A_1016, %dma_wait3A_1017, %dma_wait3A_1018] : memref<2x1x8x512xf32, #tpu.memory_space<vmem>> -> memref<1x1x8x512xf32, #tpu.memory_space<vmem>>
    %dma_wait3A_1020 = tpu.memref_squeeze %dma_wait3A_1019 : memref<1x1x8x512xf32, #tpu.memory_space<vmem>> -> memref<1x8x512xf32, #tpu.memory_space<vmem>>
    %dma_wait3A_1021 = arith.constant 1 : i32
    %dma_wait3A_1022 = arith.constant 0 : i32
    %dma_wait3A_1023 = tpu.memref_slice %arg2[%dma_wait3A_1021, %dma_wait3A_1022, %mul3A_1014] : memref<2x8x1000000xf32, #tpu.memory_space<hbm>> -> memref<1x8x512xf32, #tpu.memory_space<hbm>>
    %dma_wait3A_1024 = arith.constant 0 : i32
    %dma_wait3A_1025 = arith.constant 0 : i32
    %dma_wait3A_1026 = arith.constant 0 : i32
    %dma_wait3A_1027 = tpu.memref_slice %arg5[%dma_wait3A_1015, %dma_wait3A_1024, %dma_wait3A_1025, %dma_wait3A_1026] : memref<2x1x8x512xf32, #tpu.memory_space<vmem>> -> memref<1x1x8x512xf32, #tpu.memory_space<vmem>>
    %dma_wait3A_1028 = tpu.memref_squeeze %dma_wait3A_1027 : memref<1x1x8x512xf32, #tpu.memory_space<vmem>> -> memref<1x8x512xf32, #tpu.memory_space<vmem>>
    %dma_wait3A_1029 = arith.constant 1 : i32
    %dma_wait3A_1030 = arith.constant 0 : i32
    %dma_wait3A_1031 = tpu.memref_slice %arg2[%dma_wait3A_1029, %dma_wait3A_1030, %mul3A_1014] : memref<2x8x1000000xf32, #tpu.memory_space<hbm>> -> memref<1x8x512xf32, #tpu.memory_space<hbm>>
    tpu.wait_dma2 semaphore(%arg10 : memref<!tpu.dma_semaphore, #tpu.memory_space<semaphore_mem>>) src(%dma_wait3A_1031 : memref<1x8x512xf32, #tpu.memory_space<hbm>>) dst(%dma_wait3A_1028 : memref<1x8x512xf32, #tpu.memory_space<vmem>>)
    %scan3A = arith.constant 0 : i32
    %scan3A_1032 = arith.constant 0 : i32
    %scan3A_1033 = arith.constant 32 : i32
    %scan3A_1034 = arith.addi %scan3A_1032, %scan3A_1033 : i32
    %scan3A_1035 = arith.constant 1 : i32
    scf.for %scan3A_1232 = %scan3A_1032 to %scan3A_1034 step %scan3A_1035  : i32 {
      %mul3A_1233 = arith.constant 16 : i32
      %mul3A_1234 = arith.muli %scan3A_1232, %mul3A_1233 : i32
      %get3A = arith.constant 0 : i32
      %get3A_1235 = arith.constant 0 : i32
      %get3A_1236 = arith.constant 0 : i32
      %get3A_1237 = arith.index_cast %get3A : i32 to index
      %get3A_1238 = arith.index_cast %get3A_1235 : i32 to index
      %get3A_1239 = arith.index_cast %get3A_1236 : i32 to index
      %get3A_1240 = arith.index_cast %mul3A_1234 : i32 to index
      %get3A_1241 = tpu.vector_load %arg5[%get3A_1237, %get3A_1238, %get3A_1239, %get3A_1240] {strides = array<i32>} : memref<2x1x8x512xf32, #tpu.memory_space<vmem>>, vector<16xf32>,
      tpu.vector_store_idx %arg9[%add3A_23], %get3A_1241 : memref<256xf32, #tpu.memory_space<vmem>>[vector<16xi32>], vector<16xf32>,
      %mul3A_1242 = arith.constant 16 : i32
      %mul3A_1243 = arith.muli %scan3A_1232, %mul3A_1242 : i32
      %get3A_1244 = arith.constant 0 : i32
      %get3A_1245 = arith.constant 0 : i32
      %get3A_1246 = arith.constant 1 : i32
      %get3A_1247 = arith.index_cast %get3A_1244 : i32 to index
      %get3A_1248 = arith.index_cast %get3A_1245 : i32 to index
      %get3A_1249 = arith.index_cast %get3A_1246 : i32 to index
      %get3A_1250 = arith.index_cast %mul3A_1243 : i32 to index
      %get3A_1251 = tpu.vector_load %arg5[%get3A_1247, %get3A_1248, %get3A_1249, %get3A_1250] {strides = array<i32>} : memref<2x1x8x512xf32, #tpu.memory_space<vmem>>, vector<16xf32>,
      tpu.vector_store_idx %arg9[%add3A_51], %get3A_1251 : memref<256xf32, #tpu.memory_space<vmem>>[vector<16xi32>], vector<16xf32>,
      %mul3A_1252 = arith.constant 16 : i32
      %mul3A_1253 = arith.muli %scan3A_1232, %mul3A_1252 : i32
      %get3A_1254 = arith.constant 0 : i32
      %get3A_1255 = arith.constant 0 : i32
      %get3A_1256 = arith.constant 2 : i32
      %get3A_1257 = arith.index_cast %get3A_1254 : i32 to index
      %get3A_1258 = arith.index_cast %get3A_1255 : i32 to index
      %get3A_1259 = arith.index_cast %get3A_1256 : i32 to index
      %get3A_1260 = arith.index_cast %mul3A_1253 : i32 to index
      %get3A_1261 = tpu.vector_load %arg5[%get3A_1257, %get3A_1258, %get3A_1259, %get3A_1260] {strides = array<i32>} : memref<2x1x8x512xf32, #tpu.memory_space<vmem>>, vector<16xf32>,
      tpu.vector_store_idx %arg9[%add3A_79], %get3A_1261 : memref<256xf32, #tpu.memory_space<vmem>>[vector<16xi32>], vector<16xf32>,
      %mul3A_1262 = arith.constant 16 : i32
      %mul3A_1263 = arith.muli %scan3A_1232, %mul3A_1262 : i32
      %get3A_1264 = arith.constant 0 : i32
      %get3A_1265 = arith.constant 0 : i32
      %get3A_1266 = arith.constant 3 : i32
      %get3A_1267 = arith.index_cast %get3A_1264 : i32 to index
      %get3A_1268 = arith.index_cast %get3A_1265 : i32 to index
      %get3A_1269 = arith.index_cast %get3A_1266 : i32 to index
      %get3A_1270 = arith.index_cast %mul3A_1263 : i32 to index
      %get3A_1271 = tpu.vector_load %arg5[%get3A_1267, %get3A_1268, %get3A_1269, %get3A_1270] {strides = array<i32>} : memref<2x1x8x512xf32, #tpu.memory_space<vmem>>, vector<16xf32>,
      tpu.vector_store_idx %arg9[%add3A_107], %get3A_1271 : memref<256xf32, #tpu.memory_space<vmem>>[vector<16xi32>], vector<16xf32>,
      %mul3A_1272 = arith.constant 16 : i32
      %mul3A_1273 = arith.muli %scan3A_1232, %mul3A_1272 : i32
      %get3A_1274 = arith.constant 0 : i32
      %get3A_1275 = arith.constant 0 : i32
      %get3A_1276 = arith.constant 4 : i32
      %get3A_1277 = arith.index_cast %get3A_1274 : i32 to index
      %get3A_1278 = arith.index_cast %get3A_1275 : i32 to index
      %get3A_1279 = arith.index_cast %get3A_1276 : i32 to index
      %get3A_1280 = arith.index_cast %mul3A_1273 : i32 to index
      %get3A_1281 = tpu.vector_load %arg5[%get3A_1277, %get3A_1278, %get3A_1279, %get3A_1280] {strides = array<i32>} : memref<2x1x8x512xf32, #tpu.memory_space<vmem>>, vector<16xf32>,
      tpu.vector_store_idx %arg9[%add3A_135], %get3A_1281 : memref<256xf32, #tpu.memory_space<vmem>>[vector<16xi32>], vector<16xf32>,
      %mul3A_1282 = arith.constant 16 : i32
      %mul3A_1283 = arith.muli %scan3A_1232, %mul3A_1282 : i32
      %get3A_1284 = arith.constant 0 : i32
      %get3A_1285 = arith.constant 0 : i32
      %get3A_1286 = arith.constant 5 : i32
      %get3A_1287 = arith.index_cast %get3A_1284 : i32 to index
      %get3A_1288 = arith.index_cast %get3A_1285 : i32 to index
      %get3A_1289 = arith.index_cast %get3A_1286 : i32 to index
      %get3A_1290 = arith.index_cast %mul3A_1283 : i32 to index
      %get3A_1291 = tpu.vector_load %arg5[%get3A_1287, %get3A_1288, %get3A_1289, %get3A_1290] {strides = array<i32>} : memref<2x1x8x512xf32, #tpu.memory_space<vmem>>, vector<16xf32>,
      tpu.vector_store_idx %arg9[%add3A_163], %get3A_1291 : memref<256xf32, #tpu.memory_space<vmem>>[vector<16xi32>], vector<16xf32>,
      %mul3A_1292 = arith.constant 16 : i32
      %mul3A_1293 = arith.muli %scan3A_1232, %mul3A_1292 : i32
      %get3A_1294 = arith.constant 0 : i32
      %get3A_1295 = arith.constant 0 : i32
      %get3A_1296 = arith.constant 6 : i32
      %get3A_1297 = arith.index_cast %get3A_1294 : i32 to index
      %get3A_1298 = arith.index_cast %get3A_1295 : i32 to index
      %get3A_1299 = arith.index_cast %get3A_1296 : i32 to index
      %get3A_1300 = arith.index_cast %mul3A_1293 : i32 to index
      %get3A_1301 = tpu.vector_load %arg5[%get3A_1297, %get3A_1298, %get3A_1299, %get3A_1300] {strides = array<i32>} : memref<2x1x8x512xf32, #tpu.memory_space<vmem>>, vector<16xf32>,
      tpu.vector_store_idx %arg9[%add3A_191], %get3A_1301 : memref<256xf32, #tpu.memory_space<vmem>>[vector<16xi32>], vector<16xf32>,
      %mul3A_1302 = arith.constant 16 : i32
      %mul3A_1303 = arith.muli %scan3A_1232, %mul3A_1302 : i32
      %get3A_1304 = arith.constant 0 : i32
      %get3A_1305 = arith.constant 0 : i32
      %get3A_1306 = arith.constant 7 : i32
      %get3A_1307 = arith.index_cast %get3A_1304 : i32 to index
      %get3A_1308 = arith.index_cast %get3A_1305 : i32 to index
      %get3A_1309 = arith.index_cast %get3A_1306 : i32 to index
      %get3A_1310 = arith.index_cast %mul3A_1303 : i32 to index
      %get3A_1311 = tpu.vector_load %arg5[%get3A_1307, %get3A_1308, %get3A_1309, %get3A_1310] {strides = array<i32>} : memref<2x1x8x512xf32, #tpu.memory_space<vmem>>, vector<16xf32>,
      tpu.vector_store_idx %arg9[%add3A_219], %get3A_1311 : memref<256xf32, #tpu.memory_space<vmem>>[vector<16xi32>], vector<16xf32>,
      %mul3A_1312 = arith.constant 16 : i32
      %mul3A_1313 = arith.muli %scan3A_1232, %mul3A_1312 : i32
      %get3A_1314 = arith.constant 1 : i32
      %get3A_1315 = arith.constant 0 : i32
      %get3A_1316 = arith.constant 0 : i32
      %get3A_1317 = arith.index_cast %get3A_1314 : i32 to index
      %get3A_1318 = arith.index_cast %get3A_1315 : i32 to index
      %get3A_1319 = arith.index_cast %get3A_1316 : i32 to index
      %get3A_1320 = arith.index_cast %mul3A_1313 : i32 to index
      %get3A_1321 = tpu.vector_load %arg5[%get3A_1317, %get3A_1318, %get3A_1319, %get3A_1320] {strides = array<i32>} : memref<2x1x8x512xf32, #tpu.memory_space<vmem>>, vector<16xf32>,
      tpu.vector_store_idx %arg9[%add3A_247], %get3A_1321 : memref<256xf32, #tpu.memory_space<vmem>>[vector<16xi32>], vector<16xf32>,
      %mul3A_1322 = arith.constant 16 : i32
      %mul3A_1323 = arith.muli %scan3A_1232, %mul3A_1322 : i32
      %get3A_1324 = arith.constant 1 : i32
      %get3A_1325 = arith.constant 0 : i32
      %get3A_1326 = arith.constant 1 : i32
      %get3A_1327 = arith.index_cast %get3A_1324 : i32 to index
      %get3A_1328 = arith.index_cast %get3A_1325 : i32 to index
      %get3A_1329 = arith.index_cast %get3A_1326 : i32 to index
      %get3A_1330 = arith.index_cast %mul3A_1323 : i32 to index
      %get3A_1331 = tpu.vector_load %arg5[%get3A_1327, %get3A_1328, %get3A_1329, %get3A_1330] {strides = array<i32>} : memref<2x1x8x512xf32, #tpu.memory_space<vmem>>, vector<16xf32>,
      tpu.vector_store_idx %arg9[%add3A_275], %get3A_1331 : memref<256xf32, #tpu.memory_space<vmem>>[vector<16xi32>], vector<16xf32>,
      %mul3A_1332 = arith.constant 16 : i32
      %mul3A_1333 = arith.muli %scan3A_1232, %mul3A_1332 : i32
      %get3A_1334 = arith.constant 1 : i32
      %get3A_1335 = arith.constant 0 : i32
      %get3A_1336 = arith.constant 2 : i32
      %get3A_1337 = arith.index_cast %get3A_1334 : i32 to index
      %get3A_1338 = arith.index_cast %get3A_1335 : i32 to index
      %get3A_1339 = arith.index_cast %get3A_1336 : i32 to index
      %get3A_1340 = arith.index_cast %mul3A_1333 : i32 to index
      %get3A_1341 = tpu.vector_load %arg5[%get3A_1337, %get3A_1338, %get3A_1339, %get3A_1340] {strides = array<i32>} : memref<2x1x8x512xf32, #tpu.memory_space<vmem>>, vector<16xf32>,
      tpu.vector_store_idx %arg9[%add3A_303], %get3A_1341 : memref<256xf32, #tpu.memory_space<vmem>>[vector<16xi32>], vector<16xf32>,
      %mul3A_1342 = arith.constant 16 : i32
      %mul3A_1343 = arith.muli %scan3A_1232, %mul3A_1342 : i32
      %get3A_1344 = arith.constant 1 : i32
      %get3A_1345 = arith.constant 0 : i32
      %get3A_1346 = arith.constant 3 : i32
      %get3A_1347 = arith.index_cast %get3A_1344 : i32 to index
      %get3A_1348 = arith.index_cast %get3A_1345 : i32 to index
      %get3A_1349 = arith.index_cast %get3A_1346 : i32 to index
      %get3A_1350 = arith.index_cast %mul3A_1343 : i32 to index
      %get3A_1351 = tpu.vector_load %arg5[%get3A_1347, %get3A_1348, %get3A_1349, %get3A_1350] {strides = array<i32>} : memref<2x1x8x512xf32, #tpu.memory_space<vmem>>, vector<16xf32>,
      tpu.vector_store_idx %arg9[%add3A_331], %get3A_1351 : memref<256xf32, #tpu.memory_space<vmem>>[vector<16xi32>], vector<16xf32>,
      %mul3A_1352 = arith.constant 16 : i32
      %mul3A_1353 = arith.muli %scan3A_1232, %mul3A_1352 : i32
      %get3A_1354 = arith.constant 1 : i32
      %get3A_1355 = arith.constant 0 : i32
      %get3A_1356 = arith.constant 4 : i32
      %get3A_1357 = arith.index_cast %get3A_1354 : i32 to index
      %get3A_1358 = arith.index_cast %get3A_1355 : i32 to index
      %get3A_1359 = arith.index_cast %get3A_1356 : i32 to index
      %get3A_1360 = arith.index_cast %mul3A_1353 : i32 to index
      %get3A_1361 = tpu.vector_load %arg5[%get3A_1357, %get3A_1358, %get3A_1359, %get3A_1360] {strides = array<i32>} : memref<2x1x8x512xf32, #tpu.memory_space<vmem>>, vector<16xf32>,
      tpu.vector_store_idx %arg9[%add3A_359], %get3A_1361 : memref<256xf32, #tpu.memory_space<vmem>>[vector<16xi32>], vector<16xf32>,
      %mul3A_1362 = arith.constant 16 : i32
      %mul3A_1363 = arith.muli %scan3A_1232, %mul3A_1362 : i32
      %get3A_1364 = arith.constant 1 : i32
      %get3A_1365 = arith.constant 0 : i32
      %get3A_1366 = arith.constant 5 : i32
      %get3A_1367 = arith.index_cast %get3A_1364 : i32 to index
      %get3A_1368 = arith.index_cast %get3A_1365 : i32 to index
      %get3A_1369 = arith.index_cast %get3A_1366 : i32 to index
      %get3A_1370 = arith.index_cast %mul3A_1363 : i32 to index
      %get3A_1371 = tpu.vector_load %arg5[%get3A_1367, %get3A_1368, %get3A_1369, %get3A_1370] {strides = array<i32>} : memref<2x1x8x512xf32, #tpu.memory_space<vmem>>, vector<16xf32>,
      tpu.vector_store_idx %arg9[%add3A_387], %get3A_1371 : memref<256xf32, #tpu.memory_space<vmem>>[vector<16xi32>], vector<16xf32>,
      %mul3A_1372 = arith.constant 16 : i32
      %mul3A_1373 = arith.muli %scan3A_1232, %mul3A_1372 : i32
      %get3A_1374 = arith.constant 1 : i32
      %get3A_1375 = arith.constant 0 : i32
      %get3A_1376 = arith.constant 6 : i32
      %get3A_1377 = arith.index_cast %get3A_1374 : i32 to index
      %get3A_1378 = arith.index_cast %get3A_1375 : i32 to index
      %get3A_1379 = arith.index_cast %get3A_1376 : i32 to index
      %get3A_1380 = arith.index_cast %mul3A_1373 : i32 to index
      %get3A_1381 = tpu.vector_load %arg5[%get3A_1377, %get3A_1378, %get3A_1379, %get3A_1380] {strides = array<i32>} : memref<2x1x8x512xf32, #tpu.memory_space<vmem>>, vector<16xf32>,
      tpu.vector_store_idx %arg9[%add3A_415], %get3A_1381 : memref<256xf32, #tpu.memory_space<vmem>>[vector<16xi32>], vector<16xf32>,
      %mul3A_1382 = arith.constant 16 : i32
      %mul3A_1383 = arith.muli %scan3A_1232, %mul3A_1382 : i32
      %get3A_1384 = arith.constant 1 : i32
      %get3A_1385 = arith.constant 0 : i32
      %get3A_1386 = arith.constant 7 : i32
      %get3A_1387 = arith.index_cast %get3A_1384 : i32 to index
      %get3A_1388 = arith.index_cast %get3A_1385 : i32 to index
      %get3A_1389 = arith.index_cast %get3A_1386 : i32 to index
      %get3A_1390 = arith.index_cast %mul3A_1383 : i32 to index
      %get3A_1391 = tpu.vector_load %arg5[%get3A_1387, %get3A_1388, %get3A_1389, %get3A_1390] {strides = array<i32>} : memref<2x1x8x512xf32, #tpu.memory_space<vmem>>, vector<16xf32>,
      tpu.vector_store_idx %arg9[%add3A_443], %get3A_1391 : memref<256xf32, #tpu.memory_space<vmem>>[vector<16xi32>], vector<16xf32>,
      %gather3A = tpu.vector_load_idx %arg9[%add3A_472] : memref<256xf32, #tpu.memory_space<vmem>>[vector<16xi32>], vector<16xf32>,
      %mul3A_1392 = arith.constant 16 : i32
      %mul3A_1393 = arith.muli %scan3A_1232, %mul3A_1392 : i32
      %add3A_1394 = arith.constant 0 : i32
      %add3A_1395 = arith.addi %mul3A_1393, %add3A_1394 : i32
      %mul3A_1396 = arith.constant 16 : i32
      %mul3A_1397 = arith.muli %add3A_1395, %mul3A_1396 : i32
      %swap3A = arith.index_cast %mul3A_1397 : i32 to index
      %swap3A_1398 = tpu.vector_load %arg7[%swap3A] {strides = array<i32>} : memref<8192xf32, #tpu.memory_space<vmem>>, vector<16xf32>,
      tpu.vector_store %arg7[%swap3A], %gather3A {strides = array<i32>} : memref<8192xf32, #tpu.memory_space<vmem>>, vector<16xf32>,
      %gather3A_1399 = tpu.vector_load_idx %arg9[%add3A_501] : memref<256xf32, #tpu.memory_space<vmem>>[vector<16xi32>], vector<16xf32>,
      %mul3A_1400 = arith.constant 16 : i32
      %mul3A_1401 = arith.muli %scan3A_1232, %mul3A_1400 : i32
      %add3A_1402 = arith.constant 1 : i32
      %add3A_1403 = arith.addi %mul3A_1401, %add3A_1402 : i32
      %mul3A_1404 = arith.constant 16 : i32
      %mul3A_1405 = arith.muli %add3A_1403, %mul3A_1404 : i32
      %swap3A_1406 = arith.index_cast %mul3A_1405 : i32 to index
      %swap3A_1407 = tpu.vector_load %arg7[%swap3A_1406] {strides = array<i32>} : memref<8192xf32, #tpu.memory_space<vmem>>, vector<16xf32>,
      tpu.vector_store %arg7[%swap3A_1406], %gather3A_1399 {strides = array<i32>} : memref<8192xf32, #tpu.memory_space<vmem>>, vector<16xf32>,
      %gather3A_1408 = tpu.vector_load_idx %arg9[%add3A_530] : memref<256xf32, #tpu.memory_space<vmem>>[vector<16xi32>], vector<16xf32>,
      %mul3A_1409 = arith.constant 16 : i32
      %mul3A_1410 = arith.muli %scan3A_1232, %mul3A_1409 : i32
      %add3A_1411 = arith.constant 2 : i32
      %add3A_1412 = arith.addi %mul3A_1410, %add3A_1411 : i32
      %mul3A_1413 = arith.constant 16 : i32
      %mul3A_1414 = arith.muli %add3A_1412, %mul3A_1413 : i32
      %swap3A_1415 = arith.index_cast %mul3A_1414 : i32 to index
      %swap3A_1416 = tpu.vector_load %arg7[%swap3A_1415] {strides = array<i32>} : memref<8192xf32, #tpu.memory_space<vmem>>, vector<16xf32>,
      tpu.vector_store %arg7[%swap3A_1415], %gather3A_1408 {strides = array<i32>} : memref<8192xf32, #tpu.memory_space<vmem>>, vector<16xf32>,
      %gather3A_1417 = tpu.vector_load_idx %arg9[%add3A_559] : memref<256xf32, #tpu.memory_space<vmem>>[vector<16xi32>], vector<16xf32>,
      %mul3A_1418 = arith.constant 16 : i32
      %mul3A_1419 = arith.muli %scan3A_1232, %mul3A_1418 : i32
      %add3A_1420 = arith.constant 3 : i32
      %add3A_1421 = arith.addi %mul3A_1419, %add3A_1420 : i32
      %mul3A_1422 = arith.constant 16 : i32
      %mul3A_1423 = arith.muli %add3A_1421, %mul3A_1422 : i32
      %swap3A_1424 = arith.index_cast %mul3A_1423 : i32 to index
      %swap3A_1425 = tpu.vector_load %arg7[%swap3A_1424] {strides = array<i32>} : memref<8192xf32, #tpu.memory_space<vmem>>, vector<16xf32>,
      tpu.vector_store %arg7[%swap3A_1424], %gather3A_1417 {strides = array<i32>} : memref<8192xf32, #tpu.memory_space<vmem>>, vector<16xf32>,
      %gather3A_1426 = tpu.vector_load_idx %arg9[%add3A_588] : memref<256xf32, #tpu.memory_space<vmem>>[vector<16xi32>], vector<16xf32>,
      %mul3A_1427 = arith.constant 16 : i32
      %mul3A_1428 = arith.muli %scan3A_1232, %mul3A_1427 : i32
      %add3A_1429 = arith.constant 4 : i32
      %add3A_1430 = arith.addi %mul3A_1428, %add3A_1429 : i32
      %mul3A_1431 = arith.constant 16 : i32
      %mul3A_1432 = arith.muli %add3A_1430, %mul3A_1431 : i32
      %swap3A_1433 = arith.index_cast %mul3A_1432 : i32 to index
      %swap3A_1434 = tpu.vector_load %arg7[%swap3A_1433] {strides = array<i32>} : memref<8192xf32, #tpu.memory_space<vmem>>, vector<16xf32>,
      tpu.vector_store %arg7[%swap3A_1433], %gather3A_1426 {strides = array<i32>} : memref<8192xf32, #tpu.memory_space<vmem>>, vector<16xf32>,
      %gather3A_1435 = tpu.vector_load_idx %arg9[%add3A_617] : memref<256xf32, #tpu.memory_space<vmem>>[vector<16xi32>], vector<16xf32>,
      %mul3A_1436 = arith.constant 16 : i32
      %mul3A_1437 = arith.muli %scan3A_1232, %mul3A_1436 : i32
      %add3A_1438 = arith.constant 5 : i32
      %add3A_1439 = arith.addi %mul3A_1437, %add3A_1438 : i32
      %mul3A_1440 = arith.constant 16 : i32
      %mul3A_1441 = arith.muli %add3A_1439, %mul3A_1440 : i32
      %swap3A_1442 = arith.index_cast %mul3A_1441 : i32 to index
      %swap3A_1443 = tpu.vector_load %arg7[%swap3A_1442] {strides = array<i32>} : memref<8192xf32, #tpu.memory_space<vmem>>, vector<16xf32>,
      tpu.vector_store %arg7[%swap3A_1442], %gather3A_1435 {strides = array<i32>} : memref<8192xf32, #tpu.memory_space<vmem>>, vector<16xf32>,
      %gather3A_1444 = tpu.vector_load_idx %arg9[%add3A_646] : memref<256xf32, #tpu.memory_space<vmem>>[vector<16xi32>], vector<16xf32>,
      %mul3A_1445 = arith.constant 16 : i32
      %mul3A_1446 = arith.muli %scan3A_1232, %mul3A_1445 : i32
      %add3A_1447 = arith.constant 6 : i32
      %add3A_1448 = arith.addi %mul3A_1446, %add3A_1447 : i32
      %mul3A_1449 = arith.constant 16 : i32
      %mul3A_1450 = arith.muli %add3A_1448, %mul3A_1449 : i32
      %swap3A_1451 = arith.index_cast %mul3A_1450 : i32 to index
      %swap3A_1452 = tpu.vector_load %arg7[%swap3A_1451] {strides = array<i32>} : memref<8192xf32, #tpu.memory_space<vmem>>, vector<16xf32>,
      tpu.vector_store %arg7[%swap3A_1451], %gather3A_1444 {strides = array<i32>} : memref<8192xf32, #tpu.memory_space<vmem>>, vector<16xf32>,
      %gather3A_1453 = tpu.vector_load_idx %arg9[%add3A_675] : memref<256xf32, #tpu.memory_space<vmem>>[vector<16xi32>], vector<16xf32>,
      %mul3A_1454 = arith.constant 16 : i32
      %mul3A_1455 = arith.muli %scan3A_1232, %mul3A_1454 : i32
      %add3A_1456 = arith.constant 7 : i32
      %add3A_1457 = arith.addi %mul3A_1455, %add3A_1456 : i32
      %mul3A_1458 = arith.constant 16 : i32
      %mul3A_1459 = arith.muli %add3A_1457, %mul3A_1458 : i32
      %swap3A_1460 = arith.index_cast %mul3A_1459 : i32 to index
      %swap3A_1461 = tpu.vector_load %arg7[%swap3A_1460] {strides = array<i32>} : memref<8192xf32, #tpu.memory_space<vmem>>, vector<16xf32>,
      tpu.vector_store %arg7[%swap3A_1460], %gather3A_1453 {strides = array<i32>} : memref<8192xf32, #tpu.memory_space<vmem>>, vector<16xf32>,
      %gather3A_1462 = tpu.vector_load_idx %arg9[%add3A_704] : memref<256xf32, #tpu.memory_space<vmem>>[vector<16xi32>], vector<16xf32>,
      %mul3A_1463 = arith.constant 16 : i32
      %mul3A_1464 = arith.muli %scan3A_1232, %mul3A_1463 : i32
      %add3A_1465 = arith.constant 8 : i32
      %add3A_1466 = arith.addi %mul3A_1464, %add3A_1465 : i32
      %mul3A_1467 = arith.constant 16 : i32
      %mul3A_1468 = arith.muli %add3A_1466, %mul3A_1467 : i32
      %swap3A_1469 = arith.index_cast %mul3A_1468 : i32 to index
      %swap3A_1470 = tpu.vector_load %arg7[%swap3A_1469] {strides = array<i32>} : memref<8192xf32, #tpu.memory_space<vmem>>, vector<16xf32>,
      tpu.vector_store %arg7[%swap3A_1469], %gather3A_1462 {strides = array<i32>} : memref<8192xf32, #tpu.memory_space<vmem>>, vector<16xf32>,
      %gather3A_1471 = tpu.vector_load_idx %arg9[%add3A_733] : memref<256xf32, #tpu.memory_space<vmem>>[vector<16xi32>], vector<16xf32>,
      %mul3A_1472 = arith.constant 16 : i32
      %mul3A_1473 = arith.muli %scan3A_1232, %mul3A_1472 : i32
      %add3A_1474 = arith.constant 9 : i32
      %add3A_1475 = arith.addi %mul3A_1473, %add3A_1474 : i32
      %mul3A_1476 = arith.constant 16 : i32
      %mul3A_1477 = arith.muli %add3A_1475, %mul3A_1476 : i32
      %swap3A_1478 = arith.index_cast %mul3A_1477 : i32 to index
      %swap3A_1479 = tpu.vector_load %arg7[%swap3A_1478] {strides = array<i32>} : memref<8192xf32, #tpu.memory_space<vmem>>, vector<16xf32>,
      tpu.vector_store %arg7[%swap3A_1478], %gather3A_1471 {strides = array<i32>} : memref<8192xf32, #tpu.memory_space<vmem>>, vector<16xf32>,
      %gather3A_1480 = tpu.vector_load_idx %arg9[%add3A_762] : memref<256xf32, #tpu.memory_space<vmem>>[vector<16xi32>], vector<16xf32>,
      %mul3A_1481 = arith.constant 16 : i32
      %mul3A_1482 = arith.muli %scan3A_1232, %mul3A_1481 : i32
      %add3A_1483 = arith.constant 10 : i32
      %add3A_1484 = arith.addi %mul3A_1482, %add3A_1483 : i32
      %mul3A_1485 = arith.constant 16 : i32
      %mul3A_1486 = arith.muli %add3A_1484, %mul3A_1485 : i32
      %swap3A_1487 = arith.index_cast %mul3A_1486 : i32 to index
      %swap3A_1488 = tpu.vector_load %arg7[%swap3A_1487] {strides = array<i32>} : memref<8192xf32, #tpu.memory_space<vmem>>, vector<16xf32>,
      tpu.vector_store %arg7[%swap3A_1487], %gather3A_1480 {strides = array<i32>} : memref<8192xf32, #tpu.memory_space<vmem>>, vector<16xf32>,
      %gather3A_1489 = tpu.vector_load_idx %arg9[%add3A_791] : memref<256xf32, #tpu.memory_space<vmem>>[vector<16xi32>], vector<16xf32>,
      %mul3A_1490 = arith.constant 16 : i32
      %mul3A_1491 = arith.muli %scan3A_1232, %mul3A_1490 : i32
      %add3A_1492 = arith.constant 11 : i32
      %add3A_1493 = arith.addi %mul3A_1491, %add3A_1492 : i32
      %mul3A_1494 = arith.constant 16 : i32
      %mul3A_1495 = arith.muli %add3A_1493, %mul3A_1494 : i32
      %swap3A_1496 = arith.index_cast %mul3A_1495 : i32 to index
      %swap3A_1497 = tpu.vector_load %arg7[%swap3A_1496] {strides = array<i32>} : memref<8192xf32, #tpu.memory_space<vmem>>, vector<16xf32>,
      tpu.vector_store %arg7[%swap3A_1496], %gather3A_1489 {strides = array<i32>} : memref<8192xf32, #tpu.memory_space<vmem>>, vector<16xf32>,
      %gather3A_1498 = tpu.vector_load_idx %arg9[%add3A_820] : memref<256xf32, #tpu.memory_space<vmem>>[vector<16xi32>], vector<16xf32>,
      %mul3A_1499 = arith.constant 16 : i32
      %mul3A_1500 = arith.muli %scan3A_1232, %mul3A_1499 : i32
      %add3A_1501 = arith.constant 12 : i32
      %add3A_1502 = arith.addi %mul3A_1500, %add3A_1501 : i32
      %mul3A_1503 = arith.constant 16 : i32
      %mul3A_1504 = arith.muli %add3A_1502, %mul3A_1503 : i32
      %swap3A_1505 = arith.index_cast %mul3A_1504 : i32 to index
      %swap3A_1506 = tpu.vector_load %arg7[%swap3A_1505] {strides = array<i32>} : memref<8192xf32, #tpu.memory_space<vmem>>, vector<16xf32>,
      tpu.vector_store %arg7[%swap3A_1505], %gather3A_1498 {strides = array<i32>} : memref<8192xf32, #tpu.memory_space<vmem>>, vector<16xf32>,
      %gather3A_1507 = tpu.vector_load_idx %arg9[%add3A_849] : memref<256xf32, #tpu.memory_space<vmem>>[vector<16xi32>], vector<16xf32>,
      %mul3A_1508 = arith.constant 16 : i32
      %mul3A_1509 = arith.muli %scan3A_1232, %mul3A_1508 : i32
      %add3A_1510 = arith.constant 13 : i32
      %add3A_1511 = arith.addi %mul3A_1509, %add3A_1510 : i32
      %mul3A_1512 = arith.constant 16 : i32
      %mul3A_1513 = arith.muli %add3A_1511, %mul3A_1512 : i32
      %swap3A_1514 = arith.index_cast %mul3A_1513 : i32 to index
      %swap3A_1515 = tpu.vector_load %arg7[%swap3A_1514] {strides = array<i32>} : memref<8192xf32, #tpu.memory_space<vmem>>, vector<16xf32>,
      tpu.vector_store %arg7[%swap3A_1514], %gather3A_1507 {strides = array<i32>} : memref<8192xf32, #tpu.memory_space<vmem>>, vector<16xf32>,
      %gather3A_1516 = tpu.vector_load_idx %arg9[%add3A_878] : memref<256xf32, #tpu.memory_space<vmem>>[vector<16xi32>], vector<16xf32>,
      %mul3A_1517 = arith.constant 16 : i32
      %mul3A_1518 = arith.muli %scan3A_1232, %mul3A_1517 : i32
      %add3A_1519 = arith.constant 14 : i32
      %add3A_1520 = arith.addi %mul3A_1518, %add3A_1519 : i32
      %mul3A_1521 = arith.constant 16 : i32
      %mul3A_1522 = arith.muli %add3A_1520, %mul3A_1521 : i32
      %swap3A_1523 = arith.index_cast %mul3A_1522 : i32 to index
      %swap3A_1524 = tpu.vector_load %arg7[%swap3A_1523] {strides = array<i32>} : memref<8192xf32, #tpu.memory_space<vmem>>, vector<16xf32>,
      tpu.vector_store %arg7[%swap3A_1523], %gather3A_1516 {strides = array<i32>} : memref<8192xf32, #tpu.memory_space<vmem>>, vector<16xf32>,
      %gather3A_1525 = tpu.vector_load_idx %arg9[%add3A_907] : memref<256xf32, #tpu.memory_space<vmem>>[vector<16xi32>], vector<16xf32>,
      %mul3A_1526 = arith.constant 16 : i32
      %mul3A_1527 = arith.muli %scan3A_1232, %mul3A_1526 : i32
      %add3A_1528 = arith.constant 15 : i32
      %add3A_1529 = arith.addi %mul3A_1527, %add3A_1528 : i32
      %mul3A_1530 = arith.constant 16 : i32
      %mul3A_1531 = arith.muli %add3A_1529, %mul3A_1530 : i32
      %swap3A_1532 = arith.index_cast %mul3A_1531 : i32 to index
      %swap3A_1533 = tpu.vector_load %arg7[%swap3A_1532] {strides = array<i32>} : memref<8192xf32, #tpu.memory_space<vmem>>, vector<16xf32>,
      tpu.vector_store %arg7[%swap3A_1532], %gather3A_1525 {strides = array<i32>} : memref<8192xf32, #tpu.memory_space<vmem>>, vector<16xf32>,
    }
    %scan3A_1036 = arith.constant 32 : i32
    %add3A_1037 = arith.constant 0 : i32
    %add3A_1038 = arith.addi %mul3A_2, %add3A_1037 : i32
    %mul3A_1039 = arith.constant 512 : i32
    %mul3A_1040 = arith.muli %add3A_1038, %mul3A_1039 : i32
    %mul3A_1041 = arith.constant 16 : i32
    %mul3A_1042 = arith.muli %mul3A_1040, %mul3A_1041 : i32
    %dma_start3A_1043 = tpu.memref_slice %arg4[%mul3A_1042] : memref<16000000xf32, #tpu.memory_space<hbm>> -> memref<8192xf32, #tpu.memory_space<hbm>>
    %dma_start3A_1044 = tpu.memref_slice %arg4[%mul3A_1042] : memref<16000000xf32, #tpu.memory_space<hbm>> -> memref<8192xf32, #tpu.memory_space<hbm>>
    tpu.enqueue_dma source(%arg7 : memref<8192xf32, #tpu.memory_space<vmem>>) target(%dma_start3A_1044 : memref<8192xf32, #tpu.memory_space<hbm>>) target_semaphore(%arg11 : memref<!tpu.dma_semaphore, #tpu.memory_space<semaphore_mem>>)
    %add3A_1045 = arith.constant 2 : i32
    %add3A_1046 = arith.addi %mul3A_2, %add3A_1045 : i32
    %mul3A_1047 = arith.constant 512 : i32
    %mul3A_1048 = arith.muli %add3A_1046, %mul3A_1047 : i32
    %dma_start3A_1049 = arith.constant 0 : i32
    %dma_start3A_1050 = arith.constant 0 : i32
    %dma_start3A_1051 = arith.constant 0 : i32
    %dma_start3A_1052 = arith.constant 0 : i32
    %dma_start3A_1053 = tpu.memref_slice %arg5[%dma_start3A_1049, %dma_start3A_1050, %dma_start3A_1051, %dma_start3A_1052] : memref<2x1x8x512xf32, #tpu.memory_space<vmem>> -> memref<1x1x8x512xf32, #tpu.memory_space<vmem>>
    %dma_start3A_1054 = tpu.memref_squeeze %dma_start3A_1053 : memref<1x1x8x512xf32, #tpu.memory_space<vmem>> -> memref<1x8x512xf32, #tpu.memory_space<vmem>>
    %dma_start3A_1055 = arith.constant 0 : i32
    %dma_start3A_1056 = arith.constant 0 : i32
    %dma_start3A_1057 = tpu.memref_slice %arg2[%dma_start3A_1055, %dma_start3A_1056, %mul3A_1048] : memref<2x8x1000000xf32, #tpu.memory_space<hbm>> -> memref<1x8x512xf32, #tpu.memory_space<hbm>>
    %dma_start3A_1058 = arith.constant 0 : i32
    %dma_start3A_1059 = arith.constant 0 : i32
    %dma_start3A_1060 = arith.constant 0 : i32
    %dma_start3A_1061 = tpu.memref_slice %arg5[%dma_start3A_1049, %dma_start3A_1058, %dma_start3A_1059, %dma_start3A_1060] : memref<2x1x8x512xf32, #tpu.memory_space<vmem>> -> memref<1x1x8x512xf32, #tpu.memory_space<vmem>>
    %dma_start3A_1062 = tpu.memref_squeeze %dma_start3A_1061 : memref<1x1x8x512xf32, #tpu.memory_space<vmem>> -> memref<1x8x512xf32, #tpu.memory_space<vmem>>
    %dma_start3A_1063 = arith.constant 0 : i32
    %dma_start3A_1064 = arith.constant 0 : i32
    %dma_start3A_1065 = tpu.memref_slice %arg2[%dma_start3A_1063, %dma_start3A_1064, %mul3A_1048] : memref<2x8x1000000xf32, #tpu.memory_space<hbm>> -> memref<1x8x512xf32, #tpu.memory_space<hbm>>
    tpu.enqueue_dma source(%dma_start3A_1065 : memref<1x8x512xf32, #tpu.memory_space<hbm>>) target(%dma_start3A_1062 : memref<1x8x512xf32, #tpu.memory_space<vmem>>) target_semaphore(%arg10 : memref<!tpu.dma_semaphore, #tpu.memory_space<semaphore_mem>>)
    %add3A_1066 = arith.constant 2 : i32
    %add3A_1067 = arith.addi %mul3A_2, %add3A_1066 : i32
    %mul3A_1068 = arith.constant 512 : i32
    %mul3A_1069 = arith.muli %add3A_1067, %mul3A_1068 : i32
    %dma_start3A_1070 = arith.constant 1 : i32
    %dma_start3A_1071 = arith.constant 0 : i32
    %dma_start3A_1072 = arith.constant 0 : i32
    %dma_start3A_1073 = arith.constant 0 : i32
    %dma_start3A_1074 = tpu.memref_slice %arg5[%dma_start3A_1070, %dma_start3A_1071, %dma_start3A_1072, %dma_start3A_1073] : memref<2x1x8x512xf32, #tpu.memory_space<vmem>> -> memref<1x1x8x512xf32, #tpu.memory_space<vmem>>
    %dma_start3A_1075 = tpu.memref_squeeze %dma_start3A_1074 : memref<1x1x8x512xf32, #tpu.memory_space<vmem>> -> memref<1x8x512xf32, #tpu.memory_space<vmem>>
    %dma_start3A_1076 = arith.constant 1 : i32
    %dma_start3A_1077 = arith.constant 0 : i32
    %dma_start3A_1078 = tpu.memref_slice %arg2[%dma_start3A_1076, %dma_start3A_1077, %mul3A_1069] : memref<2x8x1000000xf32, #tpu.memory_space<hbm>> -> memref<1x8x512xf32, #tpu.memory_space<hbm>>
    %dma_start3A_1079 = arith.constant 0 : i32
    %dma_start3A_1080 = arith.constant 0 : i32
    %dma_start3A_1081 = arith.constant 0 : i32
    %dma_start3A_1082 = tpu.memref_slice %arg5[%dma_start3A_1070, %dma_start3A_1079, %dma_start3A_1080, %dma_start3A_1081] : memref<2x1x8x512xf32, #tpu.memory_space<vmem>> -> memref<1x1x8x512xf32, #tpu.memory_space<vmem>>
    %dma_start3A_1083 = tpu.memref_squeeze %dma_start3A_1082 : memref<1x1x8x512xf32, #tpu.memory_space<vmem>> -> memref<1x8x512xf32, #tpu.memory_space<vmem>>
    %dma_start3A_1084 = arith.constant 1 : i32
    %dma_start3A_1085 = arith.constant 0 : i32
    %dma_start3A_1086 = tpu.memref_slice %arg2[%dma_start3A_1084, %dma_start3A_1085, %mul3A_1069] : memref<2x8x1000000xf32, #tpu.memory_space<hbm>> -> memref<1x8x512xf32, #tpu.memory_space<hbm>>
    tpu.enqueue_dma source(%dma_start3A_1086 : memref<1x8x512xf32, #tpu.memory_space<hbm>>) target(%dma_start3A_1083 : memref<1x8x512xf32, #tpu.memory_space<vmem>>) target_semaphore(%arg10 : memref<!tpu.dma_semaphore, #tpu.memory_space<semaphore_mem>>)
    %add3A_1087 = arith.constant 1 : i32
    %add3A_1088 = arith.addi %mul3A_2, %add3A_1087 : i32
    %mul3A_1089 = arith.constant 512 : i32
    %mul3A_1090 = arith.muli %add3A_1088, %mul3A_1089 : i32
    %dma_wait3A_1091 = arith.constant 0 : i32
    %dma_wait3A_1092 = arith.constant 0 : i32
    %dma_wait3A_1093 = arith.constant 0 : i32
    %dma_wait3A_1094 = arith.constant 0 : i32
    %dma_wait3A_1095 = tpu.memref_slice %arg6[%dma_wait3A_1091, %dma_wait3A_1092, %dma_wait3A_1093, %dma_wait3A_1094] : memref<2x1x8x512xf32, #tpu.memory_space<vmem>> -> memref<1x1x8x512xf32, #tpu.memory_space<vmem>>
    %dma_wait3A_1096 = tpu.memref_squeeze %dma_wait3A_1095 : memref<1x1x8x512xf32, #tpu.memory_space<vmem>> -> memref<1x8x512xf32, #tpu.memory_space<vmem>>
    %dma_wait3A_1097 = arith.constant 0 : i32
    %dma_wait3A_1098 = arith.constant 0 : i32
    %dma_wait3A_1099 = tpu.memref_slice %arg2[%dma_wait3A_1097, %dma_wait3A_1098, %mul3A_1090] : memref<2x8x1000000xf32, #tpu.memory_space<hbm>> -> memref<1x8x512xf32, #tpu.memory_space<hbm>>
    %dma_wait3A_1100 = arith.constant 0 : i32
    %dma_wait3A_1101 = arith.constant 0 : i32
    %dma_wait3A_1102 = arith.constant 0 : i32
    %dma_wait3A_1103 = tpu.memref_slice %arg6[%dma_wait3A_1091, %dma_wait3A_1100, %dma_wait3A_1101, %dma_wait3A_1102] : memref<2x1x8x512xf32, #tpu.memory_space<vmem>> -> memref<1x1x8x512xf32, #tpu.memory_space<vmem>>
    %dma_wait3A_1104 = tpu.memref_squeeze %dma_wait3A_1103 : memref<1x1x8x512xf32, #tpu.memory_space<vmem>> -> memref<1x8x512xf32, #tpu.memory_space<vmem>>
    %dma_wait3A_1105 = arith.constant 0 : i32
    %dma_wait3A_1106 = arith.constant 0 : i32
    %dma_wait3A_1107 = tpu.memref_slice %arg2[%dma_wait3A_1105, %dma_wait3A_1106, %mul3A_1090] : memref<2x8x1000000xf32, #tpu.memory_space<hbm>> -> memref<1x8x512xf32, #tpu.memory_space<hbm>>
    tpu.wait_dma2 semaphore(%arg10 : memref<!tpu.dma_semaphore, #tpu.memory_space<semaphore_mem>>) src(%dma_wait3A_1107 : memref<1x8x512xf32, #tpu.memory_space<hbm>>) dst(%dma_wait3A_1104 : memref<1x8x512xf32, #tpu.memory_space<vmem>>)
    %add3A_1108 = arith.constant 1 : i32
    %add3A_1109 = arith.addi %mul3A_2, %add3A_1108 : i32
    %mul3A_1110 = arith.constant 512 : i32
    %mul3A_1111 = arith.muli %add3A_1109, %mul3A_1110 : i32
    %dma_wait3A_1112 = arith.constant 1 : i32
    %dma_wait3A_1113 = arith.constant 0 : i32
    %dma_wait3A_1114 = arith.constant 0 : i32
    %dma_wait3A_1115 = arith.constant 0 : i32
    %dma_wait3A_1116 = tpu.memref_slice %arg6[%dma_wait3A_1112, %dma_wait3A_1113, %dma_wait3A_1114, %dma_wait3A_1115] : memref<2x1x8x512xf32, #tpu.memory_space<vmem>> -> memref<1x1x8x512xf32, #tpu.memory_space<vmem>>
    %dma_wait3A_1117 = tpu.memref_squeeze %dma_wait3A_1116 : memref<1x1x8x512xf32, #tpu.memory_space<vmem>> -> memref<1x8x512xf32, #tpu.memory_space<vmem>>
    %dma_wait3A_1118 = arith.constant 1 : i32
    %dma_wait3A_1119 = arith.constant 0 : i32
    %dma_wait3A_1120 = tpu.memref_slice %arg2[%dma_wait3A_1118, %dma_wait3A_1119, %mul3A_1111] : memref<2x8x1000000xf32, #tpu.memory_space<hbm>> -> memref<1x8x512xf32, #tpu.memory_space<hbm>>
    %dma_wait3A_1121 = arith.constant 0 : i32
    %dma_wait3A_1122 = arith.constant 0 : i32
    %dma_wait3A_1123 = arith.constant 0 : i32
    %dma_wait3A_1124 = tpu.memref_slice %arg6[%dma_wait3A_1112, %dma_wait3A_1121, %dma_wait3A_1122, %dma_wait3A_1123] : memref<2x1x8x512xf32, #tpu.memory_space<vmem>> -> memref<1x1x8x512xf32, #tpu.memory_space<vmem>>
    %dma_wait3A_1125 = tpu.memref_squeeze %dma_wait3A_1124 : memref<1x1x8x512xf32, #tpu.memory_space<vmem>> -> memref<1x8x512xf32, #tpu.memory_space<vmem>>
    %dma_wait3A_1126 = arith.constant 1 : i32
    %dma_wait3A_1127 = arith.constant 0 : i32
    %dma_wait3A_1128 = tpu.memref_slice %arg2[%dma_wait3A_1126, %dma_wait3A_1127, %mul3A_1111] : memref<2x8x1000000xf32, #tpu.memory_space<hbm>> -> memref<1x8x512xf32, #tpu.memory_space<hbm>>
    tpu.wait_dma2 semaphore(%arg10 : memref<!tpu.dma_semaphore, #tpu.memory_space<semaphore_mem>>) src(%dma_wait3A_1128 : memref<1x8x512xf32, #tpu.memory_space<hbm>>) dst(%dma_wait3A_1125 : memref<1x8x512xf32, #tpu.memory_space<vmem>>)
    %scan3A_1129 = arith.constant 0 : i32
    %scan3A_1130 = arith.constant 0 : i32
    %scan3A_1131 = arith.constant 32 : i32
    %scan3A_1132 = arith.addi %scan3A_1130, %scan3A_1131 : i32
    %scan3A_1133 = arith.constant 1 : i32
    scf.for %scan3A_1232 = %scan3A_1130 to %scan3A_1132 step %scan3A_1133  : i32 {
      %mul3A_1233 = arith.constant 16 : i32
      %mul3A_1234 = arith.muli %scan3A_1232, %mul3A_1233 : i32
      %get3A = arith.constant 0 : i32
      %get3A_1235 = arith.constant 0 : i32
      %get3A_1236 = arith.constant 0 : i32
      %get3A_1237 = arith.index_cast %get3A : i32 to index
      %get3A_1238 = arith.index_cast %get3A_1235 : i32 to index
      %get3A_1239 = arith.index_cast %get3A_1236 : i32 to index
      %get3A_1240 = arith.index_cast %mul3A_1234 : i32 to index
      %get3A_1241 = tpu.vector_load %arg6[%get3A_1237, %get3A_1238, %get3A_1239, %get3A_1240] {strides = array<i32>} : memref<2x1x8x512xf32, #tpu.memory_space<vmem>>, vector<16xf32>,
      tpu.vector_store_idx %arg9[%add3A_23], %get3A_1241 : memref<256xf32, #tpu.memory_space<vmem>>[vector<16xi32>], vector<16xf32>,
      %mul3A_1242 = arith.constant 16 : i32
      %mul3A_1243 = arith.muli %scan3A_1232, %mul3A_1242 : i32
      %get3A_1244 = arith.constant 0 : i32
      %get3A_1245 = arith.constant 0 : i32
      %get3A_1246 = arith.constant 1 : i32
      %get3A_1247 = arith.index_cast %get3A_1244 : i32 to index
      %get3A_1248 = arith.index_cast %get3A_1245 : i32 to index
      %get3A_1249 = arith.index_cast %get3A_1246 : i32 to index
      %get3A_1250 = arith.index_cast %mul3A_1243 : i32 to index
      %get3A_1251 = tpu.vector_load %arg6[%get3A_1247, %get3A_1248, %get3A_1249, %get3A_1250] {strides = array<i32>} : memref<2x1x8x512xf32, #tpu.memory_space<vmem>>, vector<16xf32>,
      tpu.vector_store_idx %arg9[%add3A_51], %get3A_1251 : memref<256xf32, #tpu.memory_space<vmem>>[vector<16xi32>], vector<16xf32>,
      %mul3A_1252 = arith.constant 16 : i32
      %mul3A_1253 = arith.muli %scan3A_1232, %mul3A_1252 : i32
      %get3A_1254 = arith.constant 0 : i32
      %get3A_1255 = arith.constant 0 : i32
      %get3A_1256 = arith.constant 2 : i32
      %get3A_1257 = arith.index_cast %get3A_1254 : i32 to index
      %get3A_1258 = arith.index_cast %get3A_1255 : i32 to index
      %get3A_1259 = arith.index_cast %get3A_1256 : i32 to index
      %get3A_1260 = arith.index_cast %mul3A_1253 : i32 to index
      %get3A_1261 = tpu.vector_load %arg6[%get3A_1257, %get3A_1258, %get3A_1259, %get3A_1260] {strides = array<i32>} : memref<2x1x8x512xf32, #tpu.memory_space<vmem>>, vector<16xf32>,
      tpu.vector_store_idx %arg9[%add3A_79], %get3A_1261 : memref<256xf32, #tpu.memory_space<vmem>>[vector<16xi32>], vector<16xf32>,
      %mul3A_1262 = arith.constant 16 : i32
      %mul3A_1263 = arith.muli %scan3A_1232, %mul3A_1262 : i32
      %get3A_1264 = arith.constant 0 : i32
      %get3A_1265 = arith.constant 0 : i32
      %get3A_1266 = arith.constant 3 : i32
      %get3A_1267 = arith.index_cast %get3A_1264 : i32 to index
      %get3A_1268 = arith.index_cast %get3A_1265 : i32 to index
      %get3A_1269 = arith.index_cast %get3A_1266 : i32 to index
      %get3A_1270 = arith.index_cast %mul3A_1263 : i32 to index
      %get3A_1271 = tpu.vector_load %arg6[%get3A_1267, %get3A_1268, %get3A_1269, %get3A_1270] {strides = array<i32>} : memref<2x1x8x512xf32, #tpu.memory_space<vmem>>, vector<16xf32>,
      tpu.vector_store_idx %arg9[%add3A_107], %get3A_1271 : memref<256xf32, #tpu.memory_space<vmem>>[vector<16xi32>], vector<16xf32>,
      %mul3A_1272 = arith.constant 16 : i32
      %mul3A_1273 = arith.muli %scan3A_1232, %mul3A_1272 : i32
      %get3A_1274 = arith.constant 0 : i32
      %get3A_1275 = arith.constant 0 : i32
      %get3A_1276 = arith.constant 4 : i32
      %get3A_1277 = arith.index_cast %get3A_1274 : i32 to index
      %get3A_1278 = arith.index_cast %get3A_1275 : i32 to index
      %get3A_1279 = arith.index_cast %get3A_1276 : i32 to index
      %get3A_1280 = arith.index_cast %mul3A_1273 : i32 to index
      %get3A_1281 = tpu.vector_load %arg6[%get3A_1277, %get3A_1278, %get3A_1279, %get3A_1280] {strides = array<i32>} : memref<2x1x8x512xf32, #tpu.memory_space<vmem>>, vector<16xf32>,
      tpu.vector_store_idx %arg9[%add3A_135], %get3A_1281 : memref<256xf32, #tpu.memory_space<vmem>>[vector<16xi32>], vector<16xf32>,
      %mul3A_1282 = arith.constant 16 : i32
      %mul3A_1283 = arith.muli %scan3A_1232, %mul3A_1282 : i32
      %get3A_1284 = arith.constant 0 : i32
      %get3A_1285 = arith.constant 0 : i32
      %get3A_1286 = arith.constant 5 : i32
      %get3A_1287 = arith.index_cast %get3A_1284 : i32 to index
      %get3A_1288 = arith.index_cast %get3A_1285 : i32 to index
      %get3A_1289 = arith.index_cast %get3A_1286 : i32 to index
      %get3A_1290 = arith.index_cast %mul3A_1283 : i32 to index
      %get3A_1291 = tpu.vector_load %arg6[%get3A_1287, %get3A_1288, %get3A_1289, %get3A_1290] {strides = array<i32>} : memref<2x1x8x512xf32, #tpu.memory_space<vmem>>, vector<16xf32>,
      tpu.vector_store_idx %arg9[%add3A_163], %get3A_1291 : memref<256xf32, #tpu.memory_space<vmem>>[vector<16xi32>], vector<16xf32>,
      %mul3A_1292 = arith.constant 16 : i32
      %mul3A_1293 = arith.muli %scan3A_1232, %mul3A_1292 : i32
      %get3A_1294 = arith.constant 0 : i32
      %get3A_1295 = arith.constant 0 : i32
      %get3A_1296 = arith.constant 6 : i32
      %get3A_1297 = arith.index_cast %get3A_1294 : i32 to index
      %get3A_1298 = arith.index_cast %get3A_1295 : i32 to index
      %get3A_1299 = arith.index_cast %get3A_1296 : i32 to index
      %get3A_1300 = arith.index_cast %mul3A_1293 : i32 to index
      %get3A_1301 = tpu.vector_load %arg6[%get3A_1297, %get3A_1298, %get3A_1299, %get3A_1300] {strides = array<i32>} : memref<2x1x8x512xf32, #tpu.memory_space<vmem>>, vector<16xf32>,
      tpu.vector_store_idx %arg9[%add3A_191], %get3A_1301 : memref<256xf32, #tpu.memory_space<vmem>>[vector<16xi32>], vector<16xf32>,
      %mul3A_1302 = arith.constant 16 : i32
      %mul3A_1303 = arith.muli %scan3A_1232, %mul3A_1302 : i32
      %get3A_1304 = arith.constant 0 : i32
      %get3A_1305 = arith.constant 0 : i32
      %get3A_1306 = arith.constant 7 : i32
      %get3A_1307 = arith.index_cast %get3A_1304 : i32 to index
      %get3A_1308 = arith.index_cast %get3A_1305 : i32 to index
      %get3A_1309 = arith.index_cast %get3A_1306 : i32 to index
      %get3A_1310 = arith.index_cast %mul3A_1303 : i32 to index
      %get3A_1311 = tpu.vector_load %arg6[%get3A_1307, %get3A_1308, %get3A_1309, %get3A_1310] {strides = array<i32>} : memref<2x1x8x512xf32, #tpu.memory_space<vmem>>, vector<16xf32>,
      tpu.vector_store_idx %arg9[%add3A_219], %get3A_1311 : memref<256xf32, #tpu.memory_space<vmem>>[vector<16xi32>], vector<16xf32>,
      %mul3A_1312 = arith.constant 16 : i32
      %mul3A_1313 = arith.muli %scan3A_1232, %mul3A_1312 : i32
      %get3A_1314 = arith.constant 1 : i32
      %get3A_1315 = arith.constant 0 : i32
      %get3A_1316 = arith.constant 0 : i32
      %get3A_1317 = arith.index_cast %get3A_1314 : i32 to index
      %get3A_1318 = arith.index_cast %get3A_1315 : i32 to index
      %get3A_1319 = arith.index_cast %get3A_1316 : i32 to index
      %get3A_1320 = arith.index_cast %mul3A_1313 : i32 to index
      %get3A_1321 = tpu.vector_load %arg6[%get3A_1317, %get3A_1318, %get3A_1319, %get3A_1320] {strides = array<i32>} : memref<2x1x8x512xf32, #tpu.memory_space<vmem>>, vector<16xf32>,
      tpu.vector_store_idx %arg9[%add3A_247], %get3A_1321 : memref<256xf32, #tpu.memory_space<vmem>>[vector<16xi32>], vector<16xf32>,
      %mul3A_1322 = arith.constant 16 : i32
      %mul3A_1323 = arith.muli %scan3A_1232, %mul3A_1322 : i32
      %get3A_1324 = arith.constant 1 : i32
      %get3A_1325 = arith.constant 0 : i32
      %get3A_1326 = arith.constant 1 : i32
      %get3A_1327 = arith.index_cast %get3A_1324 : i32 to index
      %get3A_1328 = arith.index_cast %get3A_1325 : i32 to index
      %get3A_1329 = arith.index_cast %get3A_1326 : i32 to index
      %get3A_1330 = arith.index_cast %mul3A_1323 : i32 to index
      %get3A_1331 = tpu.vector_load %arg6[%get3A_1327, %get3A_1328, %get3A_1329, %get3A_1330] {strides = array<i32>} : memref<2x1x8x512xf32, #tpu.memory_space<vmem>>, vector<16xf32>,
      tpu.vector_store_idx %arg9[%add3A_275], %get3A_1331 : memref<256xf32, #tpu.memory_space<vmem>>[vector<16xi32>], vector<16xf32>,
      %mul3A_1332 = arith.constant 16 : i32
      %mul3A_1333 = arith.muli %scan3A_1232, %mul3A_1332 : i32
      %get3A_1334 = arith.constant 1 : i32
      %get3A_1335 = arith.constant 0 : i32
      %get3A_1336 = arith.constant 2 : i32
      %get3A_1337 = arith.index_cast %get3A_1334 : i32 to index
      %get3A_1338 = arith.index_cast %get3A_1335 : i32 to index
      %get3A_1339 = arith.index_cast %get3A_1336 : i32 to index
      %get3A_1340 = arith.index_cast %mul3A_1333 : i32 to index
      %get3A_1341 = tpu.vector_load %arg6[%get3A_1337, %get3A_1338, %get3A_1339, %get3A_1340] {strides = array<i32>} : memref<2x1x8x512xf32, #tpu.memory_space<vmem>>, vector<16xf32>,
      tpu.vector_store_idx %arg9[%add3A_303], %get3A_1341 : memref<256xf32, #tpu.memory_space<vmem>>[vector<16xi32>], vector<16xf32>,
      %mul3A_1342 = arith.constant 16 : i32
      %mul3A_1343 = arith.muli %scan3A_1232, %mul3A_1342 : i32
      %get3A_1344 = arith.constant 1 : i32
      %get3A_1345 = arith.constant 0 : i32
      %get3A_1346 = arith.constant 3 : i32
      %get3A_1347 = arith.index_cast %get3A_1344 : i32 to index
      %get3A_1348 = arith.index_cast %get3A_1345 : i32 to index
      %get3A_1349 = arith.index_cast %get3A_1346 : i32 to index
      %get3A_1350 = arith.index_cast %mul3A_1343 : i32 to index
      %get3A_1351 = tpu.vector_load %arg6[%get3A_1347, %get3A_1348, %get3A_1349, %get3A_1350] {strides = array<i32>} : memref<2x1x8x512xf32, #tpu.memory_space<vmem>>, vector<16xf32>,
      tpu.vector_store_idx %arg9[%add3A_331], %get3A_1351 : memref<256xf32, #tpu.memory_space<vmem>>[vector<16xi32>], vector<16xf32>,
      %mul3A_1352 = arith.constant 16 : i32
      %mul3A_1353 = arith.muli %scan3A_1232, %mul3A_1352 : i32
      %get3A_1354 = arith.constant 1 : i32
      %get3A_1355 = arith.constant 0 : i32
      %get3A_1356 = arith.constant 4 : i32
      %get3A_1357 = arith.index_cast %get3A_1354 : i32 to index
      %get3A_1358 = arith.index_cast %get3A_1355 : i32 to index
      %get3A_1359 = arith.index_cast %get3A_1356 : i32 to index
      %get3A_1360 = arith.index_cast %mul3A_1353 : i32 to index
      %get3A_1361 = tpu.vector_load %arg6[%get3A_1357, %get3A_1358, %get3A_1359, %get3A_1360] {strides = array<i32>} : memref<2x1x8x512xf32, #tpu.memory_space<vmem>>, vector<16xf32>,
      tpu.vector_store_idx %arg9[%add3A_359], %get3A_1361 : memref<256xf32, #tpu.memory_space<vmem>>[vector<16xi32>], vector<16xf32>,
      %mul3A_1362 = arith.constant 16 : i32
      %mul3A_1363 = arith.muli %scan3A_1232, %mul3A_1362 : i32
      %get3A_1364 = arith.constant 1 : i32
      %get3A_1365 = arith.constant 0 : i32
      %get3A_1366 = arith.constant 5 : i32
      %get3A_1367 = arith.index_cast %get3A_1364 : i32 to index
      %get3A_1368 = arith.index_cast %get3A_1365 : i32 to index
      %get3A_1369 = arith.index_cast %get3A_1366 : i32 to index
      %get3A_1370 = arith.index_cast %mul3A_1363 : i32 to index
      %get3A_1371 = tpu.vector_load %arg6[%get3A_1367, %get3A_1368, %get3A_1369, %get3A_1370] {strides = array<i32>} : memref<2x1x8x512xf32, #tpu.memory_space<vmem>>, vector<16xf32>,
      tpu.vector_store_idx %arg9[%add3A_387], %get3A_1371 : memref<256xf32, #tpu.memory_space<vmem>>[vector<16xi32>], vector<16xf32>,
      %mul3A_1372 = arith.constant 16 : i32
      %mul3A_1373 = arith.muli %scan3A_1232, %mul3A_1372 : i32
      %get3A_1374 = arith.constant 1 : i32
      %get3A_1375 = arith.constant 0 : i32
      %get3A_1376 = arith.constant 6 : i32
      %get3A_1377 = arith.index_cast %get3A_1374 : i32 to index
      %get3A_1378 = arith.index_cast %get3A_1375 : i32 to index
      %get3A_1379 = arith.index_cast %get3A_1376 : i32 to index
      %get3A_1380 = arith.index_cast %mul3A_1373 : i32 to index
      %get3A_1381 = tpu.vector_load %arg6[%get3A_1377, %get3A_1378, %get3A_1379, %get3A_1380] {strides = array<i32>} : memref<2x1x8x512xf32, #tpu.memory_space<vmem>>, vector<16xf32>,
      tpu.vector_store_idx %arg9[%add3A_415], %get3A_1381 : memref<256xf32, #tpu.memory_space<vmem>>[vector<16xi32>], vector<16xf32>,
      %mul3A_1382 = arith.constant 16 : i32
      %mul3A_1383 = arith.muli %scan3A_1232, %mul3A_1382 : i32
      %get3A_1384 = arith.constant 1 : i32
      %get3A_1385 = arith.constant 0 : i32
      %get3A_1386 = arith.constant 7 : i32
      %get3A_1387 = arith.index_cast %get3A_1384 : i32 to index
      %get3A_1388 = arith.index_cast %get3A_1385 : i32 to index
      %get3A_1389 = arith.index_cast %get3A_1386 : i32 to index
      %get3A_1390 = arith.index_cast %mul3A_1383 : i32 to index
      %get3A_1391 = tpu.vector_load %arg6[%get3A_1387, %get3A_1388, %get3A_1389, %get3A_1390] {strides = array<i32>} : memref<2x1x8x512xf32, #tpu.memory_space<vmem>>, vector<16xf32>,
      tpu.vector_store_idx %arg9[%add3A_443], %get3A_1391 : memref<256xf32, #tpu.memory_space<vmem>>[vector<16xi32>], vector<16xf32>,
      %gather3A = tpu.vector_load_idx %arg9[%add3A_472] : memref<256xf32, #tpu.memory_space<vmem>>[vector<16xi32>], vector<16xf32>,
      %mul3A_1392 = arith.constant 16 : i32
      %mul3A_1393 = arith.muli %scan3A_1232, %mul3A_1392 : i32
      %add3A_1394 = arith.constant 0 : i32
      %add3A_1395 = arith.addi %mul3A_1393, %add3A_1394 : i32
      %mul3A_1396 = arith.constant 16 : i32
      %mul3A_1397 = arith.muli %add3A_1395, %mul3A_1396 : i32
      %swap3A = arith.index_cast %mul3A_1397 : i32 to index
      %swap3A_1398 = tpu.vector_load %arg8[%swap3A] {strides = array<i32>} : memref<8192xf32, #tpu.memory_space<vmem>>, vector<16xf32>,
      tpu.vector_store %arg8[%swap3A], %gather3A {strides = array<i32>} : memref<8192xf32, #tpu.memory_space<vmem>>, vector<16xf32>,
      %gather3A_1399 = tpu.vector_load_idx %arg9[%add3A_501] : memref<256xf32, #tpu.memory_space<vmem>>[vector<16xi32>], vector<16xf32>,
      %mul3A_1400 = arith.constant 16 : i32
      %mul3A_1401 = arith.muli %scan3A_1232, %mul3A_1400 : i32
      %add3A_1402 = arith.constant 1 : i32
      %add3A_1403 = arith.addi %mul3A_1401, %add3A_1402 : i32
      %mul3A_1404 = arith.constant 16 : i32
      %mul3A_1405 = arith.muli %add3A_1403, %mul3A_1404 : i32
      %swap3A_1406 = arith.index_cast %mul3A_1405 : i32 to index
      %swap3A_1407 = tpu.vector_load %arg8[%swap3A_1406] {strides = array<i32>} : memref<8192xf32, #tpu.memory_space<vmem>>, vector<16xf32>,
      tpu.vector_store %arg8[%swap3A_1406], %gather3A_1399 {strides = array<i32>} : memref<8192xf32, #tpu.memory_space<vmem>>, vector<16xf32>,
      %gather3A_1408 = tpu.vector_load_idx %arg9[%add3A_530] : memref<256xf32, #tpu.memory_space<vmem>>[vector<16xi32>], vector<16xf32>,
      %mul3A_1409 = arith.constant 16 : i32
      %mul3A_1410 = arith.muli %scan3A_1232, %mul3A_1409 : i32
      %add3A_1411 = arith.constant 2 : i32
      %add3A_1412 = arith.addi %mul3A_1410, %add3A_1411 : i32
      %mul3A_1413 = arith.constant 16 : i32
      %mul3A_1414 = arith.muli %add3A_1412, %mul3A_1413 : i32
      %swap3A_1415 = arith.index_cast %mul3A_1414 : i32 to index
      %swap3A_1416 = tpu.vector_load %arg8[%swap3A_1415] {strides = array<i32>} : memref<8192xf32, #tpu.memory_space<vmem>>, vector<16xf32>,
      tpu.vector_store %arg8[%swap3A_1415], %gather3A_1408 {strides = array<i32>} : memref<8192xf32, #tpu.memory_space<vmem>>, vector<16xf32>,
      %gather3A_1417 = tpu.vector_load_idx %arg9[%add3A_559] : memref<256xf32, #tpu.memory_space<vmem>>[vector<16xi32>], vector<16xf32>,
      %mul3A_1418 = arith.constant 16 : i32
      %mul3A_1419 = arith.muli %scan3A_1232, %mul3A_1418 : i32
      %add3A_1420 = arith.constant 3 : i32
      %add3A_1421 = arith.addi %mul3A_1419, %add3A_1420 : i32
      %mul3A_1422 = arith.constant 16 : i32
      %mul3A_1423 = arith.muli %add3A_1421, %mul3A_1422 : i32
      %swap3A_1424 = arith.index_cast %mul3A_1423 : i32 to index
      %swap3A_1425 = tpu.vector_load %arg8[%swap3A_1424] {strides = array<i32>} : memref<8192xf32, #tpu.memory_space<vmem>>, vector<16xf32>,
      tpu.vector_store %arg8[%swap3A_1424], %gather3A_1417 {strides = array<i32>} : memref<8192xf32, #tpu.memory_space<vmem>>, vector<16xf32>,
      %gather3A_1426 = tpu.vector_load_idx %arg9[%add3A_588] : memref<256xf32, #tpu.memory_space<vmem>>[vector<16xi32>], vector<16xf32>,
      %mul3A_1427 = arith.constant 16 : i32
      %mul3A_1428 = arith.muli %scan3A_1232, %mul3A_1427 : i32
      %add3A_1429 = arith.constant 4 : i32
      %add3A_1430 = arith.addi %mul3A_1428, %add3A_1429 : i32
      %mul3A_1431 = arith.constant 16 : i32
      %mul3A_1432 = arith.muli %add3A_1430, %mul3A_1431 : i32
      %swap3A_1433 = arith.index_cast %mul3A_1432 : i32 to index
      %swap3A_1434 = tpu.vector_load %arg8[%swap3A_1433] {strides = array<i32>} : memref<8192xf32, #tpu.memory_space<vmem>>, vector<16xf32>,
      tpu.vector_store %arg8[%swap3A_1433], %gather3A_1426 {strides = array<i32>} : memref<8192xf32, #tpu.memory_space<vmem>>, vector<16xf32>,
      %gather3A_1435 = tpu.vector_load_idx %arg9[%add3A_617] : memref<256xf32, #tpu.memory_space<vmem>>[vector<16xi32>], vector<16xf32>,
      %mul3A_1436 = arith.constant 16 : i32
      %mul3A_1437 = arith.muli %scan3A_1232, %mul3A_1436 : i32
      %add3A_1438 = arith.constant 5 : i32
      %add3A_1439 = arith.addi %mul3A_1437, %add3A_1438 : i32
      %mul3A_1440 = arith.constant 16 : i32
      %mul3A_1441 = arith.muli %add3A_1439, %mul3A_1440 : i32
      %swap3A_1442 = arith.index_cast %mul3A_1441 : i32 to index
      %swap3A_1443 = tpu.vector_load %arg8[%swap3A_1442] {strides = array<i32>} : memref<8192xf32, #tpu.memory_space<vmem>>, vector<16xf32>,
      tpu.vector_store %arg8[%swap3A_1442], %gather3A_1435 {strides = array<i32>} : memref<8192xf32, #tpu.memory_space<vmem>>, vector<16xf32>,
      %gather3A_1444 = tpu.vector_load_idx %arg9[%add3A_646] : memref<256xf32, #tpu.memory_space<vmem>>[vector<16xi32>], vector<16xf32>,
      %mul3A_1445 = arith.constant 16 : i32
      %mul3A_1446 = arith.muli %scan3A_1232, %mul3A_1445 : i32
      %add3A_1447 = arith.constant 6 : i32
      %add3A_1448 = arith.addi %mul3A_1446, %add3A_1447 : i32
      %mul3A_1449 = arith.constant 16 : i32
      %mul3A_1450 = arith.muli %add3A_1448, %mul3A_1449 : i32
      %swap3A_1451 = arith.index_cast %mul3A_1450 : i32 to index
      %swap3A_1452 = tpu.vector_load %arg8[%swap3A_1451] {strides = array<i32>} : memref<8192xf32, #tpu.memory_space<vmem>>, vector<16xf32>,
      tpu.vector_store %arg8[%swap3A_1451], %gather3A_1444 {strides = array<i32>} : memref<8192xf32, #tpu.memory_space<vmem>>, vector<16xf32>,
      %gather3A_1453 = tpu.vector_load_idx %arg9[%add3A_675] : memref<256xf32, #tpu.memory_space<vmem>>[vector<16xi32>], vector<16xf32>,
      %mul3A_1454 = arith.constant 16 : i32
      %mul3A_1455 = arith.muli %scan3A_1232, %mul3A_1454 : i32
      %add3A_1456 = arith.constant 7 : i32
      %add3A_1457 = arith.addi %mul3A_1455, %add3A_1456 : i32
      %mul3A_1458 = arith.constant 16 : i32
      %mul3A_1459 = arith.muli %add3A_1457, %mul3A_1458 : i32
      %swap3A_1460 = arith.index_cast %mul3A_1459 : i32 to index
      %swap3A_1461 = tpu.vector_load %arg8[%swap3A_1460] {strides = array<i32>} : memref<8192xf32, #tpu.memory_space<vmem>>, vector<16xf32>,
      tpu.vector_store %arg8[%swap3A_1460], %gather3A_1453 {strides = array<i32>} : memref<8192xf32, #tpu.memory_space<vmem>>, vector<16xf32>,
      %gather3A_1462 = tpu.vector_load_idx %arg9[%add3A_704] : memref<256xf32, #tpu.memory_space<vmem>>[vector<16xi32>], vector<16xf32>,
      %mul3A_1463 = arith.constant 16 : i32
      %mul3A_1464 = arith.muli %scan3A_1232, %mul3A_1463 : i32
      %add3A_1465 = arith.constant 8 : i32
      %add3A_1466 = arith.addi %mul3A_1464, %add3A_1465 : i32
      %mul3A_1467 = arith.constant 16 : i32
      %mul3A_1468 = arith.muli %add3A_1466, %mul3A_1467 : i32
      %swap3A_1469 = arith.index_cast %mul3A_1468 : i32 to index
      %swap3A_1470 = tpu.vector_load %arg8[%swap3A_1469] {strides = array<i32>} : memref<8192xf32, #tpu.memory_space<vmem>>, vector<16xf32>,
      tpu.vector_store %arg8[%swap3A_1469], %gather3A_1462 {strides = array<i32>} : memref<8192xf32, #tpu.memory_space<vmem>>, vector<16xf32>,
      %gather3A_1471 = tpu.vector_load_idx %arg9[%add3A_733] : memref<256xf32, #tpu.memory_space<vmem>>[vector<16xi32>], vector<16xf32>,
      %mul3A_1472 = arith.constant 16 : i32
      %mul3A_1473 = arith.muli %scan3A_1232, %mul3A_1472 : i32
      %add3A_1474 = arith.constant 9 : i32
      %add3A_1475 = arith.addi %mul3A_1473, %add3A_1474 : i32
      %mul3A_1476 = arith.constant 16 : i32
      %mul3A_1477 = arith.muli %add3A_1475, %mul3A_1476 : i32
      %swap3A_1478 = arith.index_cast %mul3A_1477 : i32 to index
      %swap3A_1479 = tpu.vector_load %arg8[%swap3A_1478] {strides = array<i32>} : memref<8192xf32, #tpu.memory_space<vmem>>, vector<16xf32>,
      tpu.vector_store %arg8[%swap3A_1478], %gather3A_1471 {strides = array<i32>} : memref<8192xf32, #tpu.memory_space<vmem>>, vector<16xf32>,
      %gather3A_1480 = tpu.vector_load_idx %arg9[%add3A_762] : memref<256xf32, #tpu.memory_space<vmem>>[vector<16xi32>], vector<16xf32>,
      %mul3A_1481 = arith.constant 16 : i32
      %mul3A_1482 = arith.muli %scan3A_1232, %mul3A_1481 : i32
      %add3A_1483 = arith.constant 10 : i32
      %add3A_1484 = arith.addi %mul3A_1482, %add3A_1483 : i32
      %mul3A_1485 = arith.constant 16 : i32
      %mul3A_1486 = arith.muli %add3A_1484, %mul3A_1485 : i32
      %swap3A_1487 = arith.index_cast %mul3A_1486 : i32 to index
      %swap3A_1488 = tpu.vector_load %arg8[%swap3A_1487] {strides = array<i32>} : memref<8192xf32, #tpu.memory_space<vmem>>, vector<16xf32>,
      tpu.vector_store %arg8[%swap3A_1487], %gather3A_1480 {strides = array<i32>} : memref<8192xf32, #tpu.memory_space<vmem>>, vector<16xf32>,
      %gather3A_1489 = tpu.vector_load_idx %arg9[%add3A_791] : memref<256xf32, #tpu.memory_space<vmem>>[vector<16xi32>], vector<16xf32>,
      %mul3A_1490 = arith.constant 16 : i32
      %mul3A_1491 = arith.muli %scan3A_1232, %mul3A_1490 : i32
      %add3A_1492 = arith.constant 11 : i32
      %add3A_1493 = arith.addi %mul3A_1491, %add3A_1492 : i32
      %mul3A_1494 = arith.constant 16 : i32
      %mul3A_1495 = arith.muli %add3A_1493, %mul3A_1494 : i32
      %swap3A_1496 = arith.index_cast %mul3A_1495 : i32 to index
      %swap3A_1497 = tpu.vector_load %arg8[%swap3A_1496] {strides = array<i32>} : memref<8192xf32, #tpu.memory_space<vmem>>, vector<16xf32>,
      tpu.vector_store %arg8[%swap3A_1496], %gather3A_1489 {strides = array<i32>} : memref<8192xf32, #tpu.memory_space<vmem>>, vector<16xf32>,
      %gather3A_1498 = tpu.vector_load_idx %arg9[%add3A_820] : memref<256xf32, #tpu.memory_space<vmem>>[vector<16xi32>], vector<16xf32>,
      %mul3A_1499 = arith.constant 16 : i32
      %mul3A_1500 = arith.muli %scan3A_1232, %mul3A_1499 : i32
      %add3A_1501 = arith.constant 12 : i32
      %add3A_1502 = arith.addi %mul3A_1500, %add3A_1501 : i32
      %mul3A_1503 = arith.constant 16 : i32
      %mul3A_1504 = arith.muli %add3A_1502, %mul3A_1503 : i32
      %swap3A_1505 = arith.index_cast %mul3A_1504 : i32 to index
      %swap3A_1506 = tpu.vector_load %arg8[%swap3A_1505] {strides = array<i32>} : memref<8192xf32, #tpu.memory_space<vmem>>, vector<16xf32>,
      tpu.vector_store %arg8[%swap3A_1505], %gather3A_1498 {strides = array<i32>} : memref<8192xf32, #tpu.memory_space<vmem>>, vector<16xf32>,
      %gather3A_1507 = tpu.vector_load_idx %arg9[%add3A_849] : memref<256xf32, #tpu.memory_space<vmem>>[vector<16xi32>], vector<16xf32>,
      %mul3A_1508 = arith.constant 16 : i32
      %mul3A_1509 = arith.muli %scan3A_1232, %mul3A_1508 : i32
      %add3A_1510 = arith.constant 13 : i32
      %add3A_1511 = arith.addi %mul3A_1509, %add3A_1510 : i32
      %mul3A_1512 = arith.constant 16 : i32
      %mul3A_1513 = arith.muli %add3A_1511, %mul3A_1512 : i32
      %swap3A_1514 = arith.index_cast %mul3A_1513 : i32 to index
      %swap3A_1515 = tpu.vector_load %arg8[%swap3A_1514] {strides = array<i32>} : memref<8192xf32, #tpu.memory_space<vmem>>, vector<16xf32>,
      tpu.vector_store %arg8[%swap3A_1514], %gather3A_1507 {strides = array<i32>} : memref<8192xf32, #tpu.memory_space<vmem>>, vector<16xf32>,
      %gather3A_1516 = tpu.vector_load_idx %arg9[%add3A_878] : memref<256xf32, #tpu.memory_space<vmem>>[vector<16xi32>], vector<16xf32>,
      %mul3A_1517 = arith.constant 16 : i32
      %mul3A_1518 = arith.muli %scan3A_1232, %mul3A_1517 : i32
      %add3A_1519 = arith.constant 14 : i32
      %add3A_1520 = arith.addi %mul3A_1518, %add3A_1519 : i32
      %mul3A_1521 = arith.constant 16 : i32
      %mul3A_1522 = arith.muli %add3A_1520, %mul3A_1521 : i32
      %swap3A_1523 = arith.index_cast %mul3A_1522 : i32 to index
      %swap3A_1524 = tpu.vector_load %arg8[%swap3A_1523] {strides = array<i32>} : memref<8192xf32, #tpu.memory_space<vmem>>, vector<16xf32>,
      tpu.vector_store %arg8[%swap3A_1523], %gather3A_1516 {strides = array<i32>} : memref<8192xf32, #tpu.memory_space<vmem>>, vector<16xf32>,
      %gather3A_1525 = tpu.vector_load_idx %arg9[%add3A_907] : memref<256xf32, #tpu.memory_space<vmem>>[vector<16xi32>], vector<16xf32>,
      %mul3A_1526 = arith.constant 16 : i32
      %mul3A_1527 = arith.muli %scan3A_1232, %mul3A_1526 : i32
      %add3A_1528 = arith.constant 15 : i32
      %add3A_1529 = arith.addi %mul3A_1527, %add3A_1528 : i32
      %mul3A_1530 = arith.constant 16 : i32
      %mul3A_1531 = arith.muli %add3A_1529, %mul3A_1530 : i32
      %swap3A_1532 = arith.index_cast %mul3A_1531 : i32 to index
      %swap3A_1533 = tpu.vector_load %arg8[%swap3A_1532] {strides = array<i32>} : memref<8192xf32, #tpu.memory_space<vmem>>, vector<16xf32>,
      tpu.vector_store %arg8[%swap3A_1532], %gather3A_1525 {strides = array<i32>} : memref<8192xf32, #tpu.memory_space<vmem>>, vector<16xf32>,
    }
    %scan3A_1134 = arith.constant 32 : i32
    %add3A_1135 = arith.constant 1 : i32
    %add3A_1136 = arith.addi %mul3A_2, %add3A_1135 : i32
    %mul3A_1137 = arith.constant 512 : i32
    %mul3A_1138 = arith.muli %add3A_1136, %mul3A_1137 : i32
    %mul3A_1139 = arith.constant 16 : i32
    %mul3A_1140 = arith.muli %mul3A_1138, %mul3A_1139 : i32
    %dma_start3A_1141 = tpu.memref_slice %arg4[%mul3A_1140] : memref<16000000xf32, #tpu.memory_space<hbm>> -> memref<8192xf32, #tpu.memory_space<hbm>>
    %dma_start3A_1142 = tpu.memref_slice %arg4[%mul3A_1140] : memref<16000000xf32, #tpu.memory_space<hbm>> -> memref<8192xf32, #tpu.memory_space<hbm>>
    tpu.enqueue_dma source(%arg8 : memref<8192xf32, #tpu.memory_space<vmem>>) target(%dma_start3A_1142 : memref<8192xf32, #tpu.memory_space<hbm>>) target_semaphore(%arg11 : memref<!tpu.dma_semaphore, #tpu.memory_space<semaphore_mem>>)
    %scan3A_1143 = arith.constant 0 : i32
    %scan3A_1144 = arith.constant 0 : i32
    %scan3A_1145 = arith.constant 29 : i32
    %scan3A_1146 = arith.addi %scan3A_1144, %scan3A_1145 : i32
    %scan3A_1147 = arith.constant 1 : i32
    scf.for %scan3A_1232 = %scan3A_1144 to %scan3A_1146 step %scan3A_1147  : i32 {
      %mul3A_1233 = arith.constant 2 : i32
      %mul3A_1234 = arith.muli %mul3A_1233, %scan3A_1232 : i32
      %add3A_1235 = arith.constant 2 : i32
      %add3A_1236 = arith.addi %mul3A_1234, %add3A_1235 : i32
      %add3A_1237 = arith.constant 1 : i32
      %add3A_1238 = arith.addi %add3A_1236, %add3A_1237 : i32
      %add3A_1239 = arith.addi %mul3A_2, %add3A_1238 : i32
      %mul3A_1240 = arith.constant 512 : i32
      %mul3A_1241 = arith.muli %add3A_1239, %mul3A_1240 : i32
      %dma_start3A_1242 = arith.constant 0 : i32
      %dma_start3A_1243 = arith.constant 0 : i32
      %dma_start3A_1244 = arith.constant 0 : i32
      %dma_start3A_1245 = arith.constant 0 : i32
      %dma_start3A_1246 = tpu.memref_slice %arg6[%dma_start3A_1242, %dma_start3A_1243, %dma_start3A_1244, %dma_start3A_1245] : memref<2x1x8x512xf32, #tpu.memory_space<vmem>> -> memref<1x1x8x512xf32, #tpu.memory_space<vmem>>
      %dma_start3A_1247 = tpu.memref_squeeze %dma_start3A_1246 : memref<1x1x8x512xf32, #tpu.memory_space<vmem>> -> memref<1x8x512xf32, #tpu.memory_space<vmem>>
      %dma_start3A_1248 = arith.constant 0 : i32
      %dma_start3A_1249 = arith.constant 0 : i32
      %dma_start3A_1250 = tpu.memref_slice %arg2[%dma_start3A_1248, %dma_start3A_1249, %mul3A_1241] : memref<2x8x1000000xf32, #tpu.memory_space<hbm>> -> memref<1x8x512xf32, #tpu.memory_space<hbm>>
      %dma_start3A_1251 = arith.constant 0 : i32
      %dma_start3A_1252 = arith.constant 0 : i32
      %dma_start3A_1253 = arith.constant 0 : i32
      %dma_start3A_1254 = tpu.memref_slice %arg6[%dma_start3A_1242, %dma_start3A_1251, %dma_start3A_1252, %dma_start3A_1253] : memref<2x1x8x512xf32, #tpu.memory_space<vmem>> -> memref<1x1x8x512xf32, #tpu.memory_space<vmem>>
      %dma_start3A_1255 = tpu.memref_squeeze %dma_start3A_1254 : memref<1x1x8x512xf32, #tpu.memory_space<vmem>> -> memref<1x8x512xf32, #tpu.memory_space<vmem>>
      %dma_start3A_1256 = arith.constant 0 : i32
      %dma_start3A_1257 = arith.constant 0 : i32
      %dma_start3A_1258 = tpu.memref_slice %arg2[%dma_start3A_1256, %dma_start3A_1257, %mul3A_1241] : memref<2x8x1000000xf32, #tpu.memory_space<hbm>> -> memref<1x8x512xf32, #tpu.memory_space<hbm>>
      tpu.enqueue_dma source(%dma_start3A_1258 : memref<1x8x512xf32, #tpu.memory_space<hbm>>) target(%dma_start3A_1255 : memref<1x8x512xf32, #tpu.memory_space<vmem>>) target_semaphore(%arg10 : memref<!tpu.dma_semaphore, #tpu.memory_space<semaphore_mem>>)
      %add3A_1259 = arith.addi %mul3A_2, %add3A_1238 : i32
      %mul3A_1260 = arith.constant 512 : i32
      %mul3A_1261 = arith.muli %add3A_1259, %mul3A_1260 : i32
      %dma_start3A_1262 = arith.constant 1 : i32
      %dma_start3A_1263 = arith.constant 0 : i32
      %dma_start3A_1264 = arith.constant 0 : i32
      %dma_start3A_1265 = arith.constant 0 : i32
      %dma_start3A_1266 = tpu.memref_slice %arg6[%dma_start3A_1262, %dma_start3A_1263, %dma_start3A_1264, %dma_start3A_1265] : memref<2x1x8x512xf32, #tpu.memory_space<vmem>> -> memref<1x1x8x512xf32, #tpu.memory_space<vmem>>
      %dma_start3A_1267 = tpu.memref_squeeze %dma_start3A_1266 : memref<1x1x8x512xf32, #tpu.memory_space<vmem>> -> memref<1x8x512xf32, #tpu.memory_space<vmem>>
      %dma_start3A_1268 = arith.constant 1 : i32
      %dma_start3A_1269 = arith.constant 0 : i32
      %dma_start3A_1270 = tpu.memref_slice %arg2[%dma_start3A_1268, %dma_start3A_1269, %mul3A_1261] : memref<2x8x1000000xf32, #tpu.memory_space<hbm>> -> memref<1x8x512xf32, #tpu.memory_space<hbm>>
      %dma_start3A_1271 = arith.constant 0 : i32
      %dma_start3A_1272 = arith.constant 0 : i32
      %dma_start3A_1273 = arith.constant 0 : i32
      %dma_start3A_1274 = tpu.memref_slice %arg6[%dma_start3A_1262, %dma_start3A_1271, %dma_start3A_1272, %dma_start3A_1273] : memref<2x1x8x512xf32, #tpu.memory_space<vmem>> -> memref<1x1x8x512xf32, #tpu.memory_space<vmem>>
      %dma_start3A_1275 = tpu.memref_squeeze %dma_start3A_1274 : memref<1x1x8x512xf32, #tpu.memory_space<vmem>> -> memref<1x8x512xf32, #tpu.memory_space<vmem>>
      %dma_start3A_1276 = arith.constant 1 : i32
      %dma_start3A_1277 = arith.constant 0 : i32
      %dma_start3A_1278 = tpu.memref_slice %arg2[%dma_start3A_1276, %dma_start3A_1277, %mul3A_1261] : memref<2x8x1000000xf32, #tpu.memory_space<hbm>> -> memref<1x8x512xf32, #tpu.memory_space<hbm>>
      tpu.enqueue_dma source(%dma_start3A_1278 : memref<1x8x512xf32, #tpu.memory_space<hbm>>) target(%dma_start3A_1275 : memref<1x8x512xf32, #tpu.memory_space<vmem>>) target_semaphore(%arg10 : memref<!tpu.dma_semaphore, #tpu.memory_space<semaphore_mem>>)
      %add3A_1279 = arith.addi %mul3A_2, %add3A_1236 : i32
      %mul3A_1280 = arith.constant 512 : i32
      %mul3A_1281 = arith.muli %add3A_1279, %mul3A_1280 : i32
      %dma_wait3A_1282 = arith.constant 0 : i32
      %dma_wait3A_1283 = arith.constant 0 : i32
      %dma_wait3A_1284 = arith.constant 0 : i32
      %dma_wait3A_1285 = arith.constant 0 : i32
      %dma_wait3A_1286 = tpu.memref_slice %arg5[%dma_wait3A_1282, %dma_wait3A_1283, %dma_wait3A_1284, %dma_wait3A_1285] : memref<2x1x8x512xf32, #tpu.memory_space<vmem>> -> memref<1x1x8x512xf32, #tpu.memory_space<vmem>>
      %dma_wait3A_1287 = tpu.memref_squeeze %dma_wait3A_1286 : memref<1x1x8x512xf32, #tpu.memory_space<vmem>> -> memref<1x8x512xf32, #tpu.memory_space<vmem>>
      %dma_wait3A_1288 = arith.constant 0 : i32
      %dma_wait3A_1289 = arith.constant 0 : i32
      %dma_wait3A_1290 = tpu.memref_slice %arg2[%dma_wait3A_1288, %dma_wait3A_1289, %mul3A_1281] : memref<2x8x1000000xf32, #tpu.memory_space<hbm>> -> memref<1x8x512xf32, #tpu.memory_space<hbm>>
      %dma_wait3A_1291 = arith.constant 0 : i32
      %dma_wait3A_1292 = arith.constant 0 : i32
      %dma_wait3A_1293 = arith.constant 0 : i32
      %dma_wait3A_1294 = tpu.memref_slice %arg5[%dma_wait3A_1282, %dma_wait3A_1291, %dma_wait3A_1292, %dma_wait3A_1293] : memref<2x1x8x512xf32, #tpu.memory_space<vmem>> -> memref<1x1x8x512xf32, #tpu.memory_space<vmem>>
      %dma_wait3A_1295 = tpu.memref_squeeze %dma_wait3A_1294 : memref<1x1x8x512xf32, #tpu.memory_space<vmem>> -> memref<1x8x512xf32, #tpu.memory_space<vmem>>
      %dma_wait3A_1296 = arith.constant 0 : i32
      %dma_wait3A_1297 = arith.constant 0 : i32
      %dma_wait3A_1298 = tpu.memref_slice %arg2[%dma_wait3A_1296, %dma_wait3A_1297, %mul3A_1281] : memref<2x8x1000000xf32, #tpu.memory_space<hbm>> -> memref<1x8x512xf32, #tpu.memory_space<hbm>>
      tpu.wait_dma2 semaphore(%arg10 : memref<!tpu.dma_semaphore, #tpu.memory_space<semaphore_mem>>) src(%dma_wait3A_1298 : memref<1x8x512xf32, #tpu.memory_space<hbm>>) dst(%dma_wait3A_1295 : memref<1x8x512xf32, #tpu.memory_space<vmem>>)
      %add3A_1299 = arith.addi %mul3A_2, %add3A_1236 : i32
      %mul3A_1300 = arith.constant 512 : i32
      %mul3A_1301 = arith.muli %add3A_1299, %mul3A_1300 : i32
      %dma_wait3A_1302 = arith.constant 1 : i32
      %dma_wait3A_1303 = arith.constant 0 : i32
      %dma_wait3A_1304 = arith.constant 0 : i32
      %dma_wait3A_1305 = arith.constant 0 : i32
      %dma_wait3A_1306 = tpu.memref_slice %arg5[%dma_wait3A_1302, %dma_wait3A_1303, %dma_wait3A_1304, %dma_wait3A_1305] : memref<2x1x8x512xf32, #tpu.memory_space<vmem>> -> memref<1x1x8x512xf32, #tpu.memory_space<vmem>>
      %dma_wait3A_1307 = tpu.memref_squeeze %dma_wait3A_1306 : memref<1x1x8x512xf32, #tpu.memory_space<vmem>> -> memref<1x8x512xf32, #tpu.memory_space<vmem>>
      %dma_wait3A_1308 = arith.constant 1 : i32
      %dma_wait3A_1309 = arith.constant 0 : i32
      %dma_wait3A_1310 = tpu.memref_slice %arg2[%dma_wait3A_1308, %dma_wait3A_1309, %mul3A_1301] : memref<2x8x1000000xf32, #tpu.memory_space<hbm>> -> memref<1x8x512xf32, #tpu.memory_space<hbm>>
      %dma_wait3A_1311 = arith.constant 0 : i32
      %dma_wait3A_1312 = arith.constant 0 : i32
      %dma_wait3A_1313 = arith.constant 0 : i32
      %dma_wait3A_1314 = tpu.memref_slice %arg5[%dma_wait3A_1302, %dma_wait3A_1311, %dma_wait3A_1312, %dma_wait3A_1313] : memref<2x1x8x512xf32, #tpu.memory_space<vmem>> -> memref<1x1x8x512xf32, #tpu.memory_space<vmem>>
      %dma_wait3A_1315 = tpu.memref_squeeze %dma_wait3A_1314 : memref<1x1x8x512xf32, #tpu.memory_space<vmem>> -> memref<1x8x512xf32, #tpu.memory_space<vmem>>
      %dma_wait3A_1316 = arith.constant 1 : i32
      %dma_wait3A_1317 = arith.constant 0 : i32
      %dma_wait3A_1318 = tpu.memref_slice %arg2[%dma_wait3A_1316, %dma_wait3A_1317, %mul3A_1301] : memref<2x8x1000000xf32, #tpu.memory_space<hbm>> -> memref<1x8x512xf32, #tpu.memory_space<hbm>>
      tpu.wait_dma2 semaphore(%arg10 : memref<!tpu.dma_semaphore, #tpu.memory_space<semaphore_mem>>) src(%dma_wait3A_1318 : memref<1x8x512xf32, #tpu.memory_space<hbm>>) dst(%dma_wait3A_1315 : memref<1x8x512xf32, #tpu.memory_space<vmem>>)
      %sub3A = arith.constant 2 : i32
      %sub3A_1319 = arith.subi %add3A_1236, %sub3A : i32
      %add3A_1320 = arith.addi %mul3A_2, %sub3A_1319 : i32
      %mul3A_1321 = arith.constant 512 : i32
      %mul3A_1322 = arith.muli %add3A_1320, %mul3A_1321 : i32
      %mul3A_1323 = arith.constant 16 : i32
      %mul3A_1324 = arith.muli %mul3A_1322, %mul3A_1323 : i32
      %dma_wait3A_1325 = tpu.memref_slice %arg4[%mul3A_1324] : memref<16000000xf32, #tpu.memory_space<hbm>> -> memref<8192xf32, #tpu.memory_space<hbm>>
      %dma_wait3A_1326 = tpu.memref_slice %arg4[%mul3A_1324] : memref<16000000xf32, #tpu.memory_space<hbm>> -> memref<8192xf32, #tpu.memory_space<hbm>>
      tpu.wait_dma2 semaphore(%arg11 : memref<!tpu.dma_semaphore, #tpu.memory_space<semaphore_mem>>) src(%arg7 : memref<8192xf32, #tpu.memory_space<vmem>>) dst(%dma_wait3A_1326 : memref<8192xf32, #tpu.memory_space<hbm>>)
      %scan3A_1327 = arith.constant 0 : i32
      %scan3A_1328 = arith.constant 0 : i32
      %scan3A_1329 = arith.constant 32 : i32
      %scan3A_1330 = arith.addi %scan3A_1328, %scan3A_1329 : i32
      %scan3A_1331 = arith.constant 1 : i32
      scf.for %scan3A_1448 = %scan3A_1328 to %scan3A_1330 step %scan3A_1331  : i32 {
        %mul3A_1449 = arith.constant 16 : i32
        %mul3A_1450 = arith.muli %scan3A_1448, %mul3A_1449 : i32
        %get3A = arith.constant 0 : i32
        %get3A_1451 = arith.constant 0 : i32
        %get3A_1452 = arith.constant 0 : i32
        %get3A_1453 = arith.index_cast %get3A : i32 to index
        %get3A_1454 = arith.index_cast %get3A_1451 : i32 to index
        %get3A_1455 = arith.index_cast %get3A_1452 : i32 to index
        %get3A_1456 = arith.index_cast %mul3A_1450 : i32 to index
        %get3A_1457 = tpu.vector_load %arg5[%get3A_1453, %get3A_1454, %get3A_1455, %get3A_1456] {strides = array<i32>} : memref<2x1x8x512xf32, #tpu.memory_space<vmem>>, vector<16xf32>,
        tpu.vector_store_idx %arg9[%add3A_23], %get3A_1457 : memref<256xf32, #tpu.memory_space<vmem>>[vector<16xi32>], vector<16xf32>,
        %mul3A_1458 = arith.constant 16 : i32
        %mul3A_1459 = arith.muli %scan3A_1448, %mul3A_1458 : i32
        %get3A_1460 = arith.constant 0 : i32
        %get3A_1461 = arith.constant 0 : i32
        %get3A_1462 = arith.constant 1 : i32
        %get3A_1463 = arith.index_cast %get3A_1460 : i32 to index
        %get3A_1464 = arith.index_cast %get3A_1461 : i32 to index
        %get3A_1465 = arith.index_cast %get3A_1462 : i32 to index
        %get3A_1466 = arith.index_cast %mul3A_1459 : i32 to index
        %get3A_1467 = tpu.vector_load %arg5[%get3A_1463, %get3A_1464, %get3A_1465, %get3A_1466] {strides = array<i32>} : memref<2x1x8x512xf32, #tpu.memory_space<vmem>>, vector<16xf32>,
        tpu.vector_store_idx %arg9[%add3A_51], %get3A_1467 : memref<256xf32, #tpu.memory_space<vmem>>[vector<16xi32>], vector<16xf32>,
        %mul3A_1468 = arith.constant 16 : i32
        %mul3A_1469 = arith.muli %scan3A_1448, %mul3A_1468 : i32
        %get3A_1470 = arith.constant 0 : i32
        %get3A_1471 = arith.constant 0 : i32
        %get3A_1472 = arith.constant 2 : i32
        %get3A_1473 = arith.index_cast %get3A_1470 : i32 to index
        %get3A_1474 = arith.index_cast %get3A_1471 : i32 to index
        %get3A_1475 = arith.index_cast %get3A_1472 : i32 to index
        %get3A_1476 = arith.index_cast %mul3A_1469 : i32 to index
        %get3A_1477 = tpu.vector_load %arg5[%get3A_1473, %get3A_1474, %get3A_1475, %get3A_1476] {strides = array<i32>} : memref<2x1x8x512xf32, #tpu.memory_space<vmem>>, vector<16xf32>,
        tpu.vector_store_idx %arg9[%add3A_79], %get3A_1477 : memref<256xf32, #tpu.memory_space<vmem>>[vector<16xi32>], vector<16xf32>,
        %mul3A_1478 = arith.constant 16 : i32
        %mul3A_1479 = arith.muli %scan3A_1448, %mul3A_1478 : i32
        %get3A_1480 = arith.constant 0 : i32
        %get3A_1481 = arith.constant 0 : i32
        %get3A_1482 = arith.constant 3 : i32
        %get3A_1483 = arith.index_cast %get3A_1480 : i32 to index
        %get3A_1484 = arith.index_cast %get3A_1481 : i32 to index
        %get3A_1485 = arith.index_cast %get3A_1482 : i32 to index
        %get3A_1486 = arith.index_cast %mul3A_1479 : i32 to index
        %get3A_1487 = tpu.vector_load %arg5[%get3A_1483, %get3A_1484, %get3A_1485, %get3A_1486] {strides = array<i32>} : memref<2x1x8x512xf32, #tpu.memory_space<vmem>>, vector<16xf32>,
        tpu.vector_store_idx %arg9[%add3A_107], %get3A_1487 : memref<256xf32, #tpu.memory_space<vmem>>[vector<16xi32>], vector<16xf32>,
        %mul3A_1488 = arith.constant 16 : i32
        %mul3A_1489 = arith.muli %scan3A_1448, %mul3A_1488 : i32
        %get3A_1490 = arith.constant 0 : i32
        %get3A_1491 = arith.constant 0 : i32
        %get3A_1492 = arith.constant 4 : i32
        %get3A_1493 = arith.index_cast %get3A_1490 : i32 to index
        %get3A_1494 = arith.index_cast %get3A_1491 : i32 to index
        %get3A_1495 = arith.index_cast %get3A_1492 : i32 to index
        %get3A_1496 = arith.index_cast %mul3A_1489 : i32 to index
        %get3A_1497 = tpu.vector_load %arg5[%get3A_1493, %get3A_1494, %get3A_1495, %get3A_1496] {strides = array<i32>} : memref<2x1x8x512xf32, #tpu.memory_space<vmem>>, vector<16xf32>,
        tpu.vector_store_idx %arg9[%add3A_135], %get3A_1497 : memref<256xf32, #tpu.memory_space<vmem>>[vector<16xi32>], vector<16xf32>,
        %mul3A_1498 = arith.constant 16 : i32
        %mul3A_1499 = arith.muli %scan3A_1448, %mul3A_1498 : i32
        %get3A_1500 = arith.constant 0 : i32
        %get3A_1501 = arith.constant 0 : i32
        %get3A_1502 = arith.constant 5 : i32
        %get3A_1503 = arith.index_cast %get3A_1500 : i32 to index
        %get3A_1504 = arith.index_cast %get3A_1501 : i32 to index
        %get3A_1505 = arith.index_cast %get3A_1502 : i32 to index
        %get3A_1506 = arith.index_cast %mul3A_1499 : i32 to index
        %get3A_1507 = tpu.vector_load %arg5[%get3A_1503, %get3A_1504, %get3A_1505, %get3A_1506] {strides = array<i32>} : memref<2x1x8x512xf32, #tpu.memory_space<vmem>>, vector<16xf32>,
        tpu.vector_store_idx %arg9[%add3A_163], %get3A_1507 : memref<256xf32, #tpu.memory_space<vmem>>[vector<16xi32>], vector<16xf32>,
        %mul3A_1508 = arith.constant 16 : i32
        %mul3A_1509 = arith.muli %scan3A_1448, %mul3A_1508 : i32
        %get3A_1510 = arith.constant 0 : i32
        %get3A_1511 = arith.constant 0 : i32
        %get3A_1512 = arith.constant 6 : i32
        %get3A_1513 = arith.index_cast %get3A_1510 : i32 to index
        %get3A_1514 = arith.index_cast %get3A_1511 : i32 to index
        %get3A_1515 = arith.index_cast %get3A_1512 : i32 to index
        %get3A_1516 = arith.index_cast %mul3A_1509 : i32 to index
        %get3A_1517 = tpu.vector_load %arg5[%get3A_1513, %get3A_1514, %get3A_1515, %get3A_1516] {strides = array<i32>} : memref<2x1x8x512xf32, #tpu.memory_space<vmem>>, vector<16xf32>,
        tpu.vector_store_idx %arg9[%add3A_191], %get3A_1517 : memref<256xf32, #tpu.memory_space<vmem>>[vector<16xi32>], vector<16xf32>,
        %mul3A_1518 = arith.constant 16 : i32
        %mul3A_1519 = arith.muli %scan3A_1448, %mul3A_1518 : i32
        %get3A_1520 = arith.constant 0 : i32
        %get3A_1521 = arith.constant 0 : i32
        %get3A_1522 = arith.constant 7 : i32
        %get3A_1523 = arith.index_cast %get3A_1520 : i32 to index
        %get3A_1524 = arith.index_cast %get3A_1521 : i32 to index
        %get3A_1525 = arith.index_cast %get3A_1522 : i32 to index
        %get3A_1526 = arith.index_cast %mul3A_1519 : i32 to index
        %get3A_1527 = tpu.vector_load %arg5[%get3A_1523, %get3A_1524, %get3A_1525, %get3A_1526] {strides = array<i32>} : memref<2x1x8x512xf32, #tpu.memory_space<vmem>>, vector<16xf32>,
        tpu.vector_store_idx %arg9[%add3A_219], %get3A_1527 : memref<256xf32, #tpu.memory_space<vmem>>[vector<16xi32>], vector<16xf32>,
        %mul3A_1528 = arith.constant 16 : i32
        %mul3A_1529 = arith.muli %scan3A_1448, %mul3A_1528 : i32
        %get3A_1530 = arith.constant 1 : i32
        %get3A_1531 = arith.constant 0 : i32
        %get3A_1532 = arith.constant 0 : i32
        %get3A_1533 = arith.index_cast %get3A_1530 : i32 to index
        %get3A_1534 = arith.index_cast %get3A_1531 : i32 to index
        %get3A_1535 = arith.index_cast %get3A_1532 : i32 to index
        %get3A_1536 = arith.index_cast %mul3A_1529 : i32 to index
        %get3A_1537 = tpu.vector_load %arg5[%get3A_1533, %get3A_1534, %get3A_1535, %get3A_1536] {strides = array<i32>} : memref<2x1x8x512xf32, #tpu.memory_space<vmem>>, vector<16xf32>,
        tpu.vector_store_idx %arg9[%add3A_247], %get3A_1537 : memref<256xf32, #tpu.memory_space<vmem>>[vector<16xi32>], vector<16xf32>,
        %mul3A_1538 = arith.constant 16 : i32
        %mul3A_1539 = arith.muli %scan3A_1448, %mul3A_1538 : i32
        %get3A_1540 = arith.constant 1 : i32
        %get3A_1541 = arith.constant 0 : i32
        %get3A_1542 = arith.constant 1 : i32
        %get3A_1543 = arith.index_cast %get3A_1540 : i32 to index
        %get3A_1544 = arith.index_cast %get3A_1541 : i32 to index
        %get3A_1545 = arith.index_cast %get3A_1542 : i32 to index
        %get3A_1546 = arith.index_cast %mul3A_1539 : i32 to index
        %get3A_1547 = tpu.vector_load %arg5[%get3A_1543, %get3A_1544, %get3A_1545, %get3A_1546] {strides = array<i32>} : memref<2x1x8x512xf32, #tpu.memory_space<vmem>>, vector<16xf32>,
        tpu.vector_store_idx %arg9[%add3A_275], %get3A_1547 : memref<256xf32, #tpu.memory_space<vmem>>[vector<16xi32>], vector<16xf32>,
        %mul3A_1548 = arith.constant 16 : i32
        %mul3A_1549 = arith.muli %scan3A_1448, %mul3A_1548 : i32
        %get3A_1550 = arith.constant 1 : i32
        %get3A_1551 = arith.constant 0 : i32
        %get3A_1552 = arith.constant 2 : i32
        %get3A_1553 = arith.index_cast %get3A_1550 : i32 to index
        %get3A_1554 = arith.index_cast %get3A_1551 : i32 to index
        %get3A_1555 = arith.index_cast %get3A_1552 : i32 to index
        %get3A_1556 = arith.index_cast %mul3A_1549 : i32 to index
        %get3A_1557 = tpu.vector_load %arg5[%get3A_1553, %get3A_1554, %get3A_1555, %get3A_1556] {strides = array<i32>} : memref<2x1x8x512xf32, #tpu.memory_space<vmem>>, vector<16xf32>,
        tpu.vector_store_idx %arg9[%add3A_303], %get3A_1557 : memref<256xf32, #tpu.memory_space<vmem>>[vector<16xi32>], vector<16xf32>,
        %mul3A_1558 = arith.constant 16 : i32
        %mul3A_1559 = arith.muli %scan3A_1448, %mul3A_1558 : i32
        %get3A_1560 = arith.constant 1 : i32
        %get3A_1561 = arith.constant 0 : i32
        %get3A_1562 = arith.constant 3 : i32
        %get3A_1563 = arith.index_cast %get3A_1560 : i32 to index
        %get3A_1564 = arith.index_cast %get3A_1561 : i32 to index
        %get3A_1565 = arith.index_cast %get3A_1562 : i32 to index
        %get3A_1566 = arith.index_cast %mul3A_1559 : i32 to index
        %get3A_1567 = tpu.vector_load %arg5[%get3A_1563, %get3A_1564, %get3A_1565, %get3A_1566] {strides = array<i32>} : memref<2x1x8x512xf32, #tpu.memory_space<vmem>>, vector<16xf32>,
        tpu.vector_store_idx %arg9[%add3A_331], %get3A_1567 : memref<256xf32, #tpu.memory_space<vmem>>[vector<16xi32>], vector<16xf32>,
        %mul3A_1568 = arith.constant 16 : i32
        %mul3A_1569 = arith.muli %scan3A_1448, %mul3A_1568 : i32
        %get3A_1570 = arith.constant 1 : i32
        %get3A_1571 = arith.constant 0 : i32
        %get3A_1572 = arith.constant 4 : i32
        %get3A_1573 = arith.index_cast %get3A_1570 : i32 to index
        %get3A_1574 = arith.index_cast %get3A_1571 : i32 to index
        %get3A_1575 = arith.index_cast %get3A_1572 : i32 to index
        %get3A_1576 = arith.index_cast %mul3A_1569 : i32 to index
        %get3A_1577 = tpu.vector_load %arg5[%get3A_1573, %get3A_1574, %get3A_1575, %get3A_1576] {strides = array<i32>} : memref<2x1x8x512xf32, #tpu.memory_space<vmem>>, vector<16xf32>,
        tpu.vector_store_idx %arg9[%add3A_359], %get3A_1577 : memref<256xf32, #tpu.memory_space<vmem>>[vector<16xi32>], vector<16xf32>,
        %mul3A_1578 = arith.constant 16 : i32
        %mul3A_1579 = arith.muli %scan3A_1448, %mul3A_1578 : i32
        %get3A_1580 = arith.constant 1 : i32
        %get3A_1581 = arith.constant 0 : i32
        %get3A_1582 = arith.constant 5 : i32
        %get3A_1583 = arith.index_cast %get3A_1580 : i32 to index
        %get3A_1584 = arith.index_cast %get3A_1581 : i32 to index
        %get3A_1585 = arith.index_cast %get3A_1582 : i32 to index
        %get3A_1586 = arith.index_cast %mul3A_1579 : i32 to index
        %get3A_1587 = tpu.vector_load %arg5[%get3A_1583, %get3A_1584, %get3A_1585, %get3A_1586] {strides = array<i32>} : memref<2x1x8x512xf32, #tpu.memory_space<vmem>>, vector<16xf32>,
        tpu.vector_store_idx %arg9[%add3A_387], %get3A_1587 : memref<256xf32, #tpu.memory_space<vmem>>[vector<16xi32>], vector<16xf32>,
        %mul3A_1588 = arith.constant 16 : i32
        %mul3A_1589 = arith.muli %scan3A_1448, %mul3A_1588 : i32
        %get3A_1590 = arith.constant 1 : i32
        %get3A_1591 = arith.constant 0 : i32
        %get3A_1592 = arith.constant 6 : i32
        %get3A_1593 = arith.index_cast %get3A_1590 : i32 to index
        %get3A_1594 = arith.index_cast %get3A_1591 : i32 to index
        %get3A_1595 = arith.index_cast %get3A_1592 : i32 to index
        %get3A_1596 = arith.index_cast %mul3A_1589 : i32 to index
        %get3A_1597 = tpu.vector_load %arg5[%get3A_1593, %get3A_1594, %get3A_1595, %get3A_1596] {strides = array<i32>} : memref<2x1x8x512xf32, #tpu.memory_space<vmem>>, vector<16xf32>,
        tpu.vector_store_idx %arg9[%add3A_415], %get3A_1597 : memref<256xf32, #tpu.memory_space<vmem>>[vector<16xi32>], vector<16xf32>,
        %mul3A_1598 = arith.constant 16 : i32
        %mul3A_1599 = arith.muli %scan3A_1448, %mul3A_1598 : i32
        %get3A_1600 = arith.constant 1 : i32
        %get3A_1601 = arith.constant 0 : i32
        %get3A_1602 = arith.constant 7 : i32
        %get3A_1603 = arith.index_cast %get3A_1600 : i32 to index
        %get3A_1604 = arith.index_cast %get3A_1601 : i32 to index
        %get3A_1605 = arith.index_cast %get3A_1602 : i32 to index
        %get3A_1606 = arith.index_cast %mul3A_1599 : i32 to index
        %get3A_1607 = tpu.vector_load %arg5[%get3A_1603, %get3A_1604, %get3A_1605, %get3A_1606] {strides = array<i32>} : memref<2x1x8x512xf32, #tpu.memory_space<vmem>>, vector<16xf32>,
        tpu.vector_store_idx %arg9[%add3A_443], %get3A_1607 : memref<256xf32, #tpu.memory_space<vmem>>[vector<16xi32>], vector<16xf32>,
        %gather3A = tpu.vector_load_idx %arg9[%add3A_472] : memref<256xf32, #tpu.memory_space<vmem>>[vector<16xi32>], vector<16xf32>,
        %mul3A_1608 = arith.constant 16 : i32
        %mul3A_1609 = arith.muli %scan3A_1448, %mul3A_1608 : i32
        %add3A_1610 = arith.constant 0 : i32
        %add3A_1611 = arith.addi %mul3A_1609, %add3A_1610 : i32
        %mul3A_1612 = arith.constant 16 : i32
        %mul3A_1613 = arith.muli %add3A_1611, %mul3A_1612 : i32
        %swap3A = arith.index_cast %mul3A_1613 : i32 to index
        %swap3A_1614 = tpu.vector_load %arg7[%swap3A] {strides = array<i32>} : memref<8192xf32, #tpu.memory_space<vmem>>, vector<16xf32>,
        tpu.vector_store %arg7[%swap3A], %gather3A {strides = array<i32>} : memref<8192xf32, #tpu.memory_space<vmem>>, vector<16xf32>,
        %gather3A_1615 = tpu.vector_load_idx %arg9[%add3A_501] : memref<256xf32, #tpu.memory_space<vmem>>[vector<16xi32>], vector<16xf32>,
        %mul3A_1616 = arith.constant 16 : i32
        %mul3A_1617 = arith.muli %scan3A_1448, %mul3A_1616 : i32
        %add3A_1618 = arith.constant 1 : i32
        %add3A_1619 = arith.addi %mul3A_1617, %add3A_1618 : i32
        %mul3A_1620 = arith.constant 16 : i32
        %mul3A_1621 = arith.muli %add3A_1619, %mul3A_1620 : i32
        %swap3A_1622 = arith.index_cast %mul3A_1621 : i32 to index
        %swap3A_1623 = tpu.vector_load %arg7[%swap3A_1622] {strides = array<i32>} : memref<8192xf32, #tpu.memory_space<vmem>>, vector<16xf32>,
        tpu.vector_store %arg7[%swap3A_1622], %gather3A_1615 {strides = array<i32>} : memref<8192xf32, #tpu.memory_space<vmem>>, vector<16xf32>,
        %gather3A_1624 = tpu.vector_load_idx %arg9[%add3A_530] : memref<256xf32, #tpu.memory_space<vmem>>[vector<16xi32>], vector<16xf32>,
        %mul3A_1625 = arith.constant 16 : i32
        %mul3A_1626 = arith.muli %scan3A_1448, %mul3A_1625 : i32
        %add3A_1627 = arith.constant 2 : i32
        %add3A_1628 = arith.addi %mul3A_1626, %add3A_1627 : i32
        %mul3A_1629 = arith.constant 16 : i32
        %mul3A_1630 = arith.muli %add3A_1628, %mul3A_1629 : i32
        %swap3A_1631 = arith.index_cast %mul3A_1630 : i32 to index
        %swap3A_1632 = tpu.vector_load %arg7[%swap3A_1631] {strides = array<i32>} : memref<8192xf32, #tpu.memory_space<vmem>>, vector<16xf32>,
        tpu.vector_store %arg7[%swap3A_1631], %gather3A_1624 {strides = array<i32>} : memref<8192xf32, #tpu.memory_space<vmem>>, vector<16xf32>,
        %gather3A_1633 = tpu.vector_load_idx %arg9[%add3A_559] : memref<256xf32, #tpu.memory_space<vmem>>[vector<16xi32>], vector<16xf32>,
        %mul3A_1634 = arith.constant 16 : i32
        %mul3A_1635 = arith.muli %scan3A_1448, %mul3A_1634 : i32
        %add3A_1636 = arith.constant 3 : i32
        %add3A_1637 = arith.addi %mul3A_1635, %add3A_1636 : i32
        %mul3A_1638 = arith.constant 16 : i32
        %mul3A_1639 = arith.muli %add3A_1637, %mul3A_1638 : i32
        %swap3A_1640 = arith.index_cast %mul3A_1639 : i32 to index
        %swap3A_1641 = tpu.vector_load %arg7[%swap3A_1640] {strides = array<i32>} : memref<8192xf32, #tpu.memory_space<vmem>>, vector<16xf32>,
        tpu.vector_store %arg7[%swap3A_1640], %gather3A_1633 {strides = array<i32>} : memref<8192xf32, #tpu.memory_space<vmem>>, vector<16xf32>,
        %gather3A_1642 = tpu.vector_load_idx %arg9[%add3A_588] : memref<256xf32, #tpu.memory_space<vmem>>[vector<16xi32>], vector<16xf32>,
        %mul3A_1643 = arith.constant 16 : i32
        %mul3A_1644 = arith.muli %scan3A_1448, %mul3A_1643 : i32
        %add3A_1645 = arith.constant 4 : i32
        %add3A_1646 = arith.addi %mul3A_1644, %add3A_1645 : i32
        %mul3A_1647 = arith.constant 16 : i32
        %mul3A_1648 = arith.muli %add3A_1646, %mul3A_1647 : i32
        %swap3A_1649 = arith.index_cast %mul3A_1648 : i32 to index
        %swap3A_1650 = tpu.vector_load %arg7[%swap3A_1649] {strides = array<i32>} : memref<8192xf32, #tpu.memory_space<vmem>>, vector<16xf32>,
        tpu.vector_store %arg7[%swap3A_1649], %gather3A_1642 {strides = array<i32>} : memref<8192xf32, #tpu.memory_space<vmem>>, vector<16xf32>,
        %gather3A_1651 = tpu.vector_load_idx %arg9[%add3A_617] : memref<256xf32, #tpu.memory_space<vmem>>[vector<16xi32>], vector<16xf32>,
        %mul3A_1652 = arith.constant 16 : i32
        %mul3A_1653 = arith.muli %scan3A_1448, %mul3A_1652 : i32
        %add3A_1654 = arith.constant 5 : i32
        %add3A_1655 = arith.addi %mul3A_1653, %add3A_1654 : i32
        %mul3A_1656 = arith.constant 16 : i32
        %mul3A_1657 = arith.muli %add3A_1655, %mul3A_1656 : i32
        %swap3A_1658 = arith.index_cast %mul3A_1657 : i32 to index
        %swap3A_1659 = tpu.vector_load %arg7[%swap3A_1658] {strides = array<i32>} : memref<8192xf32, #tpu.memory_space<vmem>>, vector<16xf32>,
        tpu.vector_store %arg7[%swap3A_1658], %gather3A_1651 {strides = array<i32>} : memref<8192xf32, #tpu.memory_space<vmem>>, vector<16xf32>,
        %gather3A_1660 = tpu.vector_load_idx %arg9[%add3A_646] : memref<256xf32, #tpu.memory_space<vmem>>[vector<16xi32>], vector<16xf32>,
        %mul3A_1661 = arith.constant 16 : i32
        %mul3A_1662 = arith.muli %scan3A_1448, %mul3A_1661 : i32
        %add3A_1663 = arith.constant 6 : i32
        %add3A_1664 = arith.addi %mul3A_1662, %add3A_1663 : i32
        %mul3A_1665 = arith.constant 16 : i32
        %mul3A_1666 = arith.muli %add3A_1664, %mul3A_1665 : i32
        %swap3A_1667 = arith.index_cast %mul3A_1666 : i32 to index
        %swap3A_1668 = tpu.vector_load %arg7[%swap3A_1667] {strides = array<i32>} : memref<8192xf32, #tpu.memory_space<vmem>>, vector<16xf32>,
        tpu.vector_store %arg7[%swap3A_1667], %gather3A_1660 {strides = array<i32>} : memref<8192xf32, #tpu.memory_space<vmem>>, vector<16xf32>,
        %gather3A_1669 = tpu.vector_load_idx %arg9[%add3A_675] : memref<256xf32, #tpu.memory_space<vmem>>[vector<16xi32>], vector<16xf32>,
        %mul3A_1670 = arith.constant 16 : i32
        %mul3A_1671 = arith.muli %scan3A_1448, %mul3A_1670 : i32
        %add3A_1672 = arith.constant 7 : i32
        %add3A_1673 = arith.addi %mul3A_1671, %add3A_1672 : i32
        %mul3A_1674 = arith.constant 16 : i32
        %mul3A_1675 = arith.muli %add3A_1673, %mul3A_1674 : i32
        %swap3A_1676 = arith.index_cast %mul3A_1675 : i32 to index
        %swap3A_1677 = tpu.vector_load %arg7[%swap3A_1676] {strides = array<i32>} : memref<8192xf32, #tpu.memory_space<vmem>>, vector<16xf32>,
        tpu.vector_store %arg7[%swap3A_1676], %gather3A_1669 {strides = array<i32>} : memref<8192xf32, #tpu.memory_space<vmem>>, vector<16xf32>,
        %gather3A_1678 = tpu.vector_load_idx %arg9[%add3A_704] : memref<256xf32, #tpu.memory_space<vmem>>[vector<16xi32>], vector<16xf32>,
        %mul3A_1679 = arith.constant 16 : i32
        %mul3A_1680 = arith.muli %scan3A_1448, %mul3A_1679 : i32
        %add3A_1681 = arith.constant 8 : i32
        %add3A_1682 = arith.addi %mul3A_1680, %add3A_1681 : i32
        %mul3A_1683 = arith.constant 16 : i32
        %mul3A_1684 = arith.muli %add3A_1682, %mul3A_1683 : i32
        %swap3A_1685 = arith.index_cast %mul3A_1684 : i32 to index
        %swap3A_1686 = tpu.vector_load %arg7[%swap3A_1685] {strides = array<i32>} : memref<8192xf32, #tpu.memory_space<vmem>>, vector<16xf32>,
        tpu.vector_store %arg7[%swap3A_1685], %gather3A_1678 {strides = array<i32>} : memref<8192xf32, #tpu.memory_space<vmem>>, vector<16xf32>,
        %gather3A_1687 = tpu.vector_load_idx %arg9[%add3A_733] : memref<256xf32, #tpu.memory_space<vmem>>[vector<16xi32>], vector<16xf32>,
        %mul3A_1688 = arith.constant 16 : i32
        %mul3A_1689 = arith.muli %scan3A_1448, %mul3A_1688 : i32
        %add3A_1690 = arith.constant 9 : i32
        %add3A_1691 = arith.addi %mul3A_1689, %add3A_1690 : i32
        %mul3A_1692 = arith.constant 16 : i32
        %mul3A_1693 = arith.muli %add3A_1691, %mul3A_1692 : i32
        %swap3A_1694 = arith.index_cast %mul3A_1693 : i32 to index
        %swap3A_1695 = tpu.vector_load %arg7[%swap3A_1694] {strides = array<i32>} : memref<8192xf32, #tpu.memory_space<vmem>>, vector<16xf32>,
        tpu.vector_store %arg7[%swap3A_1694], %gather3A_1687 {strides = array<i32>} : memref<8192xf32, #tpu.memory_space<vmem>>, vector<16xf32>,
        %gather3A_1696 = tpu.vector_load_idx %arg9[%add3A_762] : memref<256xf32, #tpu.memory_space<vmem>>[vector<16xi32>], vector<16xf32>,
        %mul3A_1697 = arith.constant 16 : i32
        %mul3A_1698 = arith.muli %scan3A_1448, %mul3A_1697 : i32
        %add3A_1699 = arith.constant 10 : i32
        %add3A_1700 = arith.addi %mul3A_1698, %add3A_1699 : i32
        %mul3A_1701 = arith.constant 16 : i32
        %mul3A_1702 = arith.muli %add3A_1700, %mul3A_1701 : i32
        %swap3A_1703 = arith.index_cast %mul3A_1702 : i32 to index
        %swap3A_1704 = tpu.vector_load %arg7[%swap3A_1703] {strides = array<i32>} : memref<8192xf32, #tpu.memory_space<vmem>>, vector<16xf32>,
        tpu.vector_store %arg7[%swap3A_1703], %gather3A_1696 {strides = array<i32>} : memref<8192xf32, #tpu.memory_space<vmem>>, vector<16xf32>,
        %gather3A_1705 = tpu.vector_load_idx %arg9[%add3A_791] : memref<256xf32, #tpu.memory_space<vmem>>[vector<16xi32>], vector<16xf32>,
        %mul3A_1706 = arith.constant 16 : i32
        %mul3A_1707 = arith.muli %scan3A_1448, %mul3A_1706 : i32
        %add3A_1708 = arith.constant 11 : i32
        %add3A_1709 = arith.addi %mul3A_1707, %add3A_1708 : i32
        %mul3A_1710 = arith.constant 16 : i32
        %mul3A_1711 = arith.muli %add3A_1709, %mul3A_1710 : i32
        %swap3A_1712 = arith.index_cast %mul3A_1711 : i32 to index
        %swap3A_1713 = tpu.vector_load %arg7[%swap3A_1712] {strides = array<i32>} : memref<8192xf32, #tpu.memory_space<vmem>>, vector<16xf32>,
        tpu.vector_store %arg7[%swap3A_1712], %gather3A_1705 {strides = array<i32>} : memref<8192xf32, #tpu.memory_space<vmem>>, vector<16xf32>,
        %gather3A_1714 = tpu.vector_load_idx %arg9[%add3A_820] : memref<256xf32, #tpu.memory_space<vmem>>[vector<16xi32>], vector<16xf32>,
        %mul3A_1715 = arith.constant 16 : i32
        %mul3A_1716 = arith.muli %scan3A_1448, %mul3A_1715 : i32
        %add3A_1717 = arith.constant 12 : i32
        %add3A_1718 = arith.addi %mul3A_1716, %add3A_1717 : i32
        %mul3A_1719 = arith.constant 16 : i32
        %mul3A_1720 = arith.muli %add3A_1718, %mul3A_1719 : i32
        %swap3A_1721 = arith.index_cast %mul3A_1720 : i32 to index
        %swap3A_1722 = tpu.vector_load %arg7[%swap3A_1721] {strides = array<i32>} : memref<8192xf32, #tpu.memory_space<vmem>>, vector<16xf32>,
        tpu.vector_store %arg7[%swap3A_1721], %gather3A_1714 {strides = array<i32>} : memref<8192xf32, #tpu.memory_space<vmem>>, vector<16xf32>,
        %gather3A_1723 = tpu.vector_load_idx %arg9[%add3A_849] : memref<256xf32, #tpu.memory_space<vmem>>[vector<16xi32>], vector<16xf32>,
        %mul3A_1724 = arith.constant 16 : i32
        %mul3A_1725 = arith.muli %scan3A_1448, %mul3A_1724 : i32
        %add3A_1726 = arith.constant 13 : i32
        %add3A_1727 = arith.addi %mul3A_1725, %add3A_1726 : i32
        %mul3A_1728 = arith.constant 16 : i32
        %mul3A_1729 = arith.muli %add3A_1727, %mul3A_1728 : i32
        %swap3A_1730 = arith.index_cast %mul3A_1729 : i32 to index
        %swap3A_1731 = tpu.vector_load %arg7[%swap3A_1730] {strides = array<i32>} : memref<8192xf32, #tpu.memory_space<vmem>>, vector<16xf32>,
        tpu.vector_store %arg7[%swap3A_1730], %gather3A_1723 {strides = array<i32>} : memref<8192xf32, #tpu.memory_space<vmem>>, vector<16xf32>,
        %gather3A_1732 = tpu.vector_load_idx %arg9[%add3A_878] : memref<256xf32, #tpu.memory_space<vmem>>[vector<16xi32>], vector<16xf32>,
        %mul3A_1733 = arith.constant 16 : i32
        %mul3A_1734 = arith.muli %scan3A_1448, %mul3A_1733 : i32
        %add3A_1735 = arith.constant 14 : i32
        %add3A_1736 = arith.addi %mul3A_1734, %add3A_1735 : i32
        %mul3A_1737 = arith.constant 16 : i32
        %mul3A_1738 = arith.muli %add3A_1736, %mul3A_1737 : i32
        %swap3A_1739 = arith.index_cast %mul3A_1738 : i32 to index
        %swap3A_1740 = tpu.vector_load %arg7[%swap3A_1739] {strides = array<i32>} : memref<8192xf32, #tpu.memory_space<vmem>>, vector<16xf32>,
        tpu.vector_store %arg7[%swap3A_1739], %gather3A_1732 {strides = array<i32>} : memref<8192xf32, #tpu.memory_space<vmem>>, vector<16xf32>,
        %gather3A_1741 = tpu.vector_load_idx %arg9[%add3A_907] : memref<256xf32, #tpu.memory_space<vmem>>[vector<16xi32>], vector<16xf32>,
        %mul3A_1742 = arith.constant 16 : i32
        %mul3A_1743 = arith.muli %scan3A_1448, %mul3A_1742 : i32
        %add3A_1744 = arith.constant 15 : i32
        %add3A_1745 = arith.addi %mul3A_1743, %add3A_1744 : i32
        %mul3A_1746 = arith.constant 16 : i32
        %mul3A_1747 = arith.muli %add3A_1745, %mul3A_1746 : i32
        %swap3A_1748 = arith.index_cast %mul3A_1747 : i32 to index
        %swap3A_1749 = tpu.vector_load %arg7[%swap3A_1748] {strides = array<i32>} : memref<8192xf32, #tpu.memory_space<vmem>>, vector<16xf32>,
        tpu.vector_store %arg7[%swap3A_1748], %gather3A_1741 {strides = array<i32>} : memref<8192xf32, #tpu.memory_space<vmem>>, vector<16xf32>,
      }
      %scan3A_1332 = arith.constant 32 : i32
      %add3A_1333 = arith.addi %mul3A_2, %add3A_1236 : i32
      %mul3A_1334 = arith.constant 512 : i32
      %mul3A_1335 = arith.muli %add3A_1333, %mul3A_1334 : i32
      %mul3A_1336 = arith.constant 16 : i32
      %mul3A_1337 = arith.muli %mul3A_1335, %mul3A_1336 : i32
      %dma_start3A_1338 = tpu.memref_slice %arg4[%mul3A_1337] : memref<16000000xf32, #tpu.memory_space<hbm>> -> memref<8192xf32, #tpu.memory_space<hbm>>
      %dma_start3A_1339 = tpu.memref_slice %arg4[%mul3A_1337] : memref<16000000xf32, #tpu.memory_space<hbm>> -> memref<8192xf32, #tpu.memory_space<hbm>>
      tpu.enqueue_dma source(%arg7 : memref<8192xf32, #tpu.memory_space<vmem>>) target(%dma_start3A_1339 : memref<8192xf32, #tpu.memory_space<hbm>>) target_semaphore(%arg11 : memref<!tpu.dma_semaphore, #tpu.memory_space<semaphore_mem>>)
      %mul3A_1340 = arith.constant 2 : i32
      %mul3A_1341 = arith.muli %mul3A_1340, %scan3A_1232 : i32
      %add3A_1342 = arith.constant 3 : i32
      %add3A_1343 = arith.addi %mul3A_1341, %add3A_1342 : i32
      %add3A_1344 = arith.constant 1 : i32
      %add3A_1345 = arith.addi %add3A_1343, %add3A_1344 : i32
      %add3A_1346 = arith.addi %mul3A_2, %add3A_1345 : i32
      %mul3A_1347 = arith.constant 512 : i32
      %mul3A_1348 = arith.muli %add3A_1346, %mul3A_1347 : i32
      %dma_start3A_1349 = arith.constant 0 : i32
      %dma_start3A_1350 = arith.constant 0 : i32
      %dma_start3A_1351 = arith.constant 0 : i32
      %dma_start3A_1352 = arith.constant 0 : i32
      %dma_start3A_1353 = tpu.memref_slice %arg5[%dma_start3A_1349, %dma_start3A_1350, %dma_start3A_1351, %dma_start3A_1352] : memref<2x1x8x512xf32, #tpu.memory_space<vmem>> -> memref<1x1x8x512xf32, #tpu.memory_space<vmem>>
      %dma_start3A_1354 = tpu.memref_squeeze %dma_start3A_1353 : memref<1x1x8x512xf32, #tpu.memory_space<vmem>> -> memref<1x8x512xf32, #tpu.memory_space<vmem>>
      %dma_start3A_1355 = arith.constant 0 : i32
      %dma_start3A_1356 = arith.constant 0 : i32
      %dma_start3A_1357 = tpu.memref_slice %arg2[%dma_start3A_1355, %dma_start3A_1356, %mul3A_1348] : memref<2x8x1000000xf32, #tpu.memory_space<hbm>> -> memref<1x8x512xf32, #tpu.memory_space<hbm>>
      %dma_start3A_1358 = arith.constant 0 : i32
      %dma_start3A_1359 = arith.constant 0 : i32
      %dma_start3A_1360 = arith.constant 0 : i32
      %dma_start3A_1361 = tpu.memref_slice %arg5[%dma_start3A_1349, %dma_start3A_1358, %dma_start3A_1359, %dma_start3A_1360] : memref<2x1x8x512xf32, #tpu.memory_space<vmem>> -> memref<1x1x8x512xf32, #tpu.memory_space<vmem>>
      %dma_start3A_1362 = tpu.memref_squeeze %dma_start3A_1361 : memref<1x1x8x512xf32, #tpu.memory_space<vmem>> -> memref<1x8x512xf32, #tpu.memory_space<vmem>>
      %dma_start3A_1363 = arith.constant 0 : i32
      %dma_start3A_1364 = arith.constant 0 : i32
      %dma_start3A_1365 = tpu.memref_slice %arg2[%dma_start3A_1363, %dma_start3A_1364, %mul3A_1348] : memref<2x8x1000000xf32, #tpu.memory_space<hbm>> -> memref<1x8x512xf32, #tpu.memory_space<hbm>>
      tpu.enqueue_dma source(%dma_start3A_1365 : memref<1x8x512xf32, #tpu.memory_space<hbm>>) target(%dma_start3A_1362 : memref<1x8x512xf32, #tpu.memory_space<vmem>>) target_semaphore(%arg10 : memref<!tpu.dma_semaphore, #tpu.memory_space<semaphore_mem>>)
      %add3A_1366 = arith.addi %mul3A_2, %add3A_1345 : i32
      %mul3A_1367 = arith.constant 512 : i32
      %mul3A_1368 = arith.muli %add3A_1366, %mul3A_1367 : i32
      %dma_start3A_1369 = arith.constant 1 : i32
      %dma_start3A_1370 = arith.constant 0 : i32
      %dma_start3A_1371 = arith.constant 0 : i32
      %dma_start3A_1372 = arith.constant 0 : i32
      %dma_start3A_1373 = tpu.memref_slice %arg5[%dma_start3A_1369, %dma_start3A_1370, %dma_start3A_1371, %dma_start3A_1372] : memref<2x1x8x512xf32, #tpu.memory_space<vmem>> -> memref<1x1x8x512xf32, #tpu.memory_space<vmem>>
      %dma_start3A_1374 = tpu.memref_squeeze %dma_start3A_1373 : memref<1x1x8x512xf32, #tpu.memory_space<vmem>> -> memref<1x8x512xf32, #tpu.memory_space<vmem>>
      %dma_start3A_1375 = arith.constant 1 : i32
      %dma_start3A_1376 = arith.constant 0 : i32
      %dma_start3A_1377 = tpu.memref_slice %arg2[%dma_start3A_1375, %dma_start3A_1376, %mul3A_1368] : memref<2x8x1000000xf32, #tpu.memory_space<hbm>> -> memref<1x8x512xf32, #tpu.memory_space<hbm>>
      %dma_start3A_1378 = arith.constant 0 : i32
      %dma_start3A_1379 = arith.constant 0 : i32
      %dma_start3A_1380 = arith.constant 0 : i32
      %dma_start3A_1381 = tpu.memref_slice %arg5[%dma_start3A_1369, %dma_start3A_1378, %dma_start3A_1379, %dma_start3A_1380] : memref<2x1x8x512xf32, #tpu.memory_space<vmem>> -> memref<1x1x8x512xf32, #tpu.memory_space<vmem>>
      %dma_start3A_1382 = tpu.memref_squeeze %dma_start3A_1381 : memref<1x1x8x512xf32, #tpu.memory_space<vmem>> -> memref<1x8x512xf32, #tpu.memory_space<vmem>>
      %dma_start3A_1383 = arith.constant 1 : i32
      %dma_start3A_1384 = arith.constant 0 : i32
      %dma_start3A_1385 = tpu.memref_slice %arg2[%dma_start3A_1383, %dma_start3A_1384, %mul3A_1368] : memref<2x8x1000000xf32, #tpu.memory_space<hbm>> -> memref<1x8x512xf32, #tpu.memory_space<hbm>>
      tpu.enqueue_dma source(%dma_start3A_1385 : memref<1x8x512xf32, #tpu.memory_space<hbm>>) target(%dma_start3A_1382 : memref<1x8x512xf32, #tpu.memory_space<vmem>>) target_semaphore(%arg10 : memref<!tpu.dma_semaphore, #tpu.memory_space<semaphore_mem>>)
      %add3A_1386 = arith.addi %mul3A_2, %add3A_1343 : i32
      %mul3A_1387 = arith.constant 512 : i32
      %mul3A_1388 = arith.muli %add3A_1386, %mul3A_1387 : i32
      %dma_wait3A_1389 = arith.constant 0 : i32
      %dma_wait3A_1390 = arith.constant 0 : i32
      %dma_wait3A_1391 = arith.constant 0 : i32
      %dma_wait3A_1392 = arith.constant 0 : i32
      %dma_wait3A_1393 = tpu.memref_slice %arg6[%dma_wait3A_1389, %dma_wait3A_1390, %dma_wait3A_1391, %dma_wait3A_1392] : memref<2x1x8x512xf32, #tpu.memory_space<vmem>> -> memref<1x1x8x512xf32, #tpu.memory_space<vmem>>
      %dma_wait3A_1394 = tpu.memref_squeeze %dma_wait3A_1393 : memref<1x1x8x512xf32, #tpu.memory_space<vmem>> -> memref<1x8x512xf32, #tpu.memory_space<vmem>>
      %dma_wait3A_1395 = arith.constant 0 : i32
      %dma_wait3A_1396 = arith.constant 0 : i32
      %dma_wait3A_1397 = tpu.memref_slice %arg2[%dma_wait3A_1395, %dma_wait3A_1396, %mul3A_1388] : memref<2x8x1000000xf32, #tpu.memory_space<hbm>> -> memref<1x8x512xf32, #tpu.memory_space<hbm>>
      %dma_wait3A_1398 = arith.constant 0 : i32
      %dma_wait3A_1399 = arith.constant 0 : i32
      %dma_wait3A_1400 = arith.constant 0 : i32
      %dma_wait3A_1401 = tpu.memref_slice %arg6[%dma_wait3A_1389, %dma_wait3A_1398, %dma_wait3A_1399, %dma_wait3A_1400] : memref<2x1x8x512xf32, #tpu.memory_space<vmem>> -> memref<1x1x8x512xf32, #tpu.memory_space<vmem>>
      %dma_wait3A_1402 = tpu.memref_squeeze %dma_wait3A_1401 : memref<1x1x8x512xf32, #tpu.memory_space<vmem>> -> memref<1x8x512xf32, #tpu.memory_space<vmem>>
      %dma_wait3A_1403 = arith.constant 0 : i32
      %dma_wait3A_1404 = arith.constant 0 : i32
      %dma_wait3A_1405 = tpu.memref_slice %arg2[%dma_wait3A_1403, %dma_wait3A_1404, %mul3A_1388] : memref<2x8x1000000xf32, #tpu.memory_space<hbm>> -> memref<1x8x512xf32, #tpu.memory_space<hbm>>
      tpu.wait_dma2 semaphore(%arg10 : memref<!tpu.dma_semaphore, #tpu.memory_space<semaphore_mem>>) src(%dma_wait3A_1405 : memref<1x8x512xf32, #tpu.memory_space<hbm>>) dst(%dma_wait3A_1402 : memref<1x8x512xf32, #tpu.memory_space<vmem>>)
      %add3A_1406 = arith.addi %mul3A_2, %add3A_1343 : i32
      %mul3A_1407 = arith.constant 512 : i32
      %mul3A_1408 = arith.muli %add3A_1406, %mul3A_1407 : i32
      %dma_wait3A_1409 = arith.constant 1 : i32
      %dma_wait3A_1410 = arith.constant 0 : i32
      %dma_wait3A_1411 = arith.constant 0 : i32
      %dma_wait3A_1412 = arith.constant 0 : i32
      %dma_wait3A_1413 = tpu.memref_slice %arg6[%dma_wait3A_1409, %dma_wait3A_1410, %dma_wait3A_1411, %dma_wait3A_1412] : memref<2x1x8x512xf32, #tpu.memory_space<vmem>> -> memref<1x1x8x512xf32, #tpu.memory_space<vmem>>
      %dma_wait3A_1414 = tpu.memref_squeeze %dma_wait3A_1413 : memref<1x1x8x512xf32, #tpu.memory_space<vmem>> -> memref<1x8x512xf32, #tpu.memory_space<vmem>>
      %dma_wait3A_1415 = arith.constant 1 : i32
      %dma_wait3A_1416 = arith.constant 0 : i32
      %dma_wait3A_1417 = tpu.memref_slice %arg2[%dma_wait3A_1415, %dma_wait3A_1416, %mul3A_1408] : memref<2x8x1000000xf32, #tpu.memory_space<hbm>> -> memref<1x8x512xf32, #tpu.memory_space<hbm>>
      %dma_wait3A_1418 = arith.constant 0 : i32
      %dma_wait3A_1419 = arith.constant 0 : i32
      %dma_wait3A_1420 = arith.constant 0 : i32
      %dma_wait3A_1421 = tpu.memref_slice %arg6[%dma_wait3A_1409, %dma_wait3A_1418, %dma_wait3A_1419, %dma_wait3A_1420] : memref<2x1x8x512xf32, #tpu.memory_space<vmem>> -> memref<1x1x8x512xf32, #tpu.memory_space<vmem>>
      %dma_wait3A_1422 = tpu.memref_squeeze %dma_wait3A_1421 : memref<1x1x8x512xf32, #tpu.memory_space<vmem>> -> memref<1x8x512xf32, #tpu.memory_space<vmem>>
      %dma_wait3A_1423 = arith.constant 1 : i32
      %dma_wait3A_1424 = arith.constant 0 : i32
      %dma_wait3A_1425 = tpu.memref_slice %arg2[%dma_wait3A_1423, %dma_wait3A_1424, %mul3A_1408] : memref<2x8x1000000xf32, #tpu.memory_space<hbm>> -> memref<1x8x512xf32, #tpu.memory_space<hbm>>
      tpu.wait_dma2 semaphore(%arg10 : memref<!tpu.dma_semaphore, #tpu.memory_space<semaphore_mem>>) src(%dma_wait3A_1425 : memref<1x8x512xf32, #tpu.memory_space<hbm>>) dst(%dma_wait3A_1422 : memref<1x8x512xf32, #tpu.memory_space<vmem>>)
      %sub3A_1426 = arith.constant 2 : i32
      %sub3A_1427 = arith.subi %add3A_1343, %sub3A_1426 : i32
      %add3A_1428 = arith.addi %mul3A_2, %sub3A_1427 : i32
      %mul3A_1429 = arith.constant 512 : i32
      %mul3A_1430 = arith.muli %add3A_1428, %mul3A_1429 : i32
      %mul3A_1431 = arith.constant 16 : i32
      %mul3A_1432 = arith.muli %mul3A_1430, %mul3A_1431 : i32
      %dma_wait3A_1433 = tpu.memref_slice %arg4[%mul3A_1432] : memref<16000000xf32, #tpu.memory_space<hbm>> -> memref<8192xf32, #tpu.memory_space<hbm>>
      %dma_wait3A_1434 = tpu.memref_slice %arg4[%mul3A_1432] : memref<16000000xf32, #tpu.memory_space<hbm>> -> memref<8192xf32, #tpu.memory_space<hbm>>
      tpu.wait_dma2 semaphore(%arg11 : memref<!tpu.dma_semaphore, #tpu.memory_space<semaphore_mem>>) src(%arg8 : memref<8192xf32, #tpu.memory_space<vmem>>) dst(%dma_wait3A_1434 : memref<8192xf32, #tpu.memory_space<hbm>>)
      %scan3A_1435 = arith.constant 0 : i32
      %scan3A_1436 = arith.constant 0 : i32
      %scan3A_1437 = arith.constant 32 : i32
      %scan3A_1438 = arith.addi %scan3A_1436, %scan3A_1437 : i32
      %scan3A_1439 = arith.constant 1 : i32
      scf.for %scan3A_1448 = %scan3A_1436 to %scan3A_1438 step %scan3A_1439  : i32 {
        %mul3A_1449 = arith.constant 16 : i32
        %mul3A_1450 = arith.muli %scan3A_1448, %mul3A_1449 : i32
        %get3A = arith.constant 0 : i32
        %get3A_1451 = arith.constant 0 : i32
        %get3A_1452 = arith.constant 0 : i32
        %get3A_1453 = arith.index_cast %get3A : i32 to index
        %get3A_1454 = arith.index_cast %get3A_1451 : i32 to index
        %get3A_1455 = arith.index_cast %get3A_1452 : i32 to index
        %get3A_1456 = arith.index_cast %mul3A_1450 : i32 to index
        %get3A_1457 = tpu.vector_load %arg6[%get3A_1453, %get3A_1454, %get3A_1455, %get3A_1456] {strides = array<i32>} : memref<2x1x8x512xf32, #tpu.memory_space<vmem>>, vector<16xf32>,
        tpu.vector_store_idx %arg9[%add3A_23], %get3A_1457 : memref<256xf32, #tpu.memory_space<vmem>>[vector<16xi32>], vector<16xf32>,
        %mul3A_1458 = arith.constant 16 : i32
        %mul3A_1459 = arith.muli %scan3A_1448, %mul3A_1458 : i32
        %get3A_1460 = arith.constant 0 : i32
        %get3A_1461 = arith.constant 0 : i32
        %get3A_1462 = arith.constant 1 : i32
        %get3A_1463 = arith.index_cast %get3A_1460 : i32 to index
        %get3A_1464 = arith.index_cast %get3A_1461 : i32 to index
        %get3A_1465 = arith.index_cast %get3A_1462 : i32 to index
        %get3A_1466 = arith.index_cast %mul3A_1459 : i32 to index
        %get3A_1467 = tpu.vector_load %arg6[%get3A_1463, %get3A_1464, %get3A_1465, %get3A_1466] {strides = array<i32>} : memref<2x1x8x512xf32, #tpu.memory_space<vmem>>, vector<16xf32>,
        tpu.vector_store_idx %arg9[%add3A_51], %get3A_1467 : memref<256xf32, #tpu.memory_space<vmem>>[vector<16xi32>], vector<16xf32>,
        %mul3A_1468 = arith.constant 16 : i32
        %mul3A_1469 = arith.muli %scan3A_1448, %mul3A_1468 : i32
        %get3A_1470 = arith.constant 0 : i32
        %get3A_1471 = arith.constant 0 : i32
        %get3A_1472 = arith.constant 2 : i32
        %get3A_1473 = arith.index_cast %get3A_1470 : i32 to index
        %get3A_1474 = arith.index_cast %get3A_1471 : i32 to index
        %get3A_1475 = arith.index_cast %get3A_1472 : i32 to index
        %get3A_1476 = arith.index_cast %mul3A_1469 : i32 to index
        %get3A_1477 = tpu.vector_load %arg6[%get3A_1473, %get3A_1474, %get3A_1475, %get3A_1476] {strides = array<i32>} : memref<2x1x8x512xf32, #tpu.memory_space<vmem>>, vector<16xf32>,
        tpu.vector_store_idx %arg9[%add3A_79], %get3A_1477 : memref<256xf32, #tpu.memory_space<vmem>>[vector<16xi32>], vector<16xf32>,
        %mul3A_1478 = arith.constant 16 : i32
        %mul3A_1479 = arith.muli %scan3A_1448, %mul3A_1478 : i32
        %get3A_1480 = arith.constant 0 : i32
        %get3A_1481 = arith.constant 0 : i32
        %get3A_1482 = arith.constant 3 : i32
        %get3A_1483 = arith.index_cast %get3A_1480 : i32 to index
        %get3A_1484 = arith.index_cast %get3A_1481 : i32 to index
        %get3A_1485 = arith.index_cast %get3A_1482 : i32 to index
        %get3A_1486 = arith.index_cast %mul3A_1479 : i32 to index
        %get3A_1487 = tpu.vector_load %arg6[%get3A_1483, %get3A_1484, %get3A_1485, %get3A_1486] {strides = array<i32>} : memref<2x1x8x512xf32, #tpu.memory_space<vmem>>, vector<16xf32>,
        tpu.vector_store_idx %arg9[%add3A_107], %get3A_1487 : memref<256xf32, #tpu.memory_space<vmem>>[vector<16xi32>], vector<16xf32>,
        %mul3A_1488 = arith.constant 16 : i32
        %mul3A_1489 = arith.muli %scan3A_1448, %mul3A_1488 : i32
        %get3A_1490 = arith.constant 0 : i32
        %get3A_1491 = arith.constant 0 : i32
        %get3A_1492 = arith.constant 4 : i32
        %get3A_1493 = arith.index_cast %get3A_1490 : i32 to index
        %get3A_1494 = arith.index_cast %get3A_1491 : i32 to index
        %get3A_1495 = arith.index_cast %get3A_1492 : i32 to index
        %get3A_1496 = arith.index_cast %mul3A_1489 : i32 to index
        %get3A_1497 = tpu.vector_load %arg6[%get3A_1493, %get3A_1494, %get3A_1495, %get3A_1496] {strides = array<i32>} : memref<2x1x8x512xf32, #tpu.memory_space<vmem>>, vector<16xf32>,
        tpu.vector_store_idx %arg9[%add3A_135], %get3A_1497 : memref<256xf32, #tpu.memory_space<vmem>>[vector<16xi32>], vector<16xf32>,
        %mul3A_1498 = arith.constant 16 : i32
        %mul3A_1499 = arith.muli %scan3A_1448, %mul3A_1498 : i32
        %get3A_1500 = arith.constant 0 : i32
        %get3A_1501 = arith.constant 0 : i32
        %get3A_1502 = arith.constant 5 : i32
        %get3A_1503 = arith.index_cast %get3A_1500 : i32 to index
        %get3A_1504 = arith.index_cast %get3A_1501 : i32 to index
        %get3A_1505 = arith.index_cast %get3A_1502 : i32 to index
        %get3A_1506 = arith.index_cast %mul3A_1499 : i32 to index
        %get3A_1507 = tpu.vector_load %arg6[%get3A_1503, %get3A_1504, %get3A_1505, %get3A_1506] {strides = array<i32>} : memref<2x1x8x512xf32, #tpu.memory_space<vmem>>, vector<16xf32>,
        tpu.vector_store_idx %arg9[%add3A_163], %get3A_1507 : memref<256xf32, #tpu.memory_space<vmem>>[vector<16xi32>], vector<16xf32>,
        %mul3A_1508 = arith.constant 16 : i32
        %mul3A_1509 = arith.muli %scan3A_1448, %mul3A_1508 : i32
        %get3A_1510 = arith.constant 0 : i32
        %get3A_1511 = arith.constant 0 : i32
        %get3A_1512 = arith.constant 6 : i32
        %get3A_1513 = arith.index_cast %get3A_1510 : i32 to index
        %get3A_1514 = arith.index_cast %get3A_1511 : i32 to index
        %get3A_1515 = arith.index_cast %get3A_1512 : i32 to index
        %get3A_1516 = arith.index_cast %mul3A_1509 : i32 to index
        %get3A_1517 = tpu.vector_load %arg6[%get3A_1513, %get3A_1514, %get3A_1515, %get3A_1516] {strides = array<i32>} : memref<2x1x8x512xf32, #tpu.memory_space<vmem>>, vector<16xf32>,
        tpu.vector_store_idx %arg9[%add3A_191], %get3A_1517 : memref<256xf32, #tpu.memory_space<vmem>>[vector<16xi32>], vector<16xf32>,
        %mul3A_1518 = arith.constant 16 : i32
        %mul3A_1519 = arith.muli %scan3A_1448, %mul3A_1518 : i32
        %get3A_1520 = arith.constant 0 : i32
        %get3A_1521 = arith.constant 0 : i32
        %get3A_1522 = arith.constant 7 : i32
        %get3A_1523 = arith.index_cast %get3A_1520 : i32 to index
        %get3A_1524 = arith.index_cast %get3A_1521 : i32 to index
        %get3A_1525 = arith.index_cast %get3A_1522 : i32 to index
        %get3A_1526 = arith.index_cast %mul3A_1519 : i32 to index
        %get3A_1527 = tpu.vector_load %arg6[%get3A_1523, %get3A_1524, %get3A_1525, %get3A_1526] {strides = array<i32>} : memref<2x1x8x512xf32, #tpu.memory_space<vmem>>, vector<16xf32>,
        tpu.vector_store_idx %arg9[%add3A_219], %get3A_1527 : memref<256xf32, #tpu.memory_space<vmem>>[vector<16xi32>], vector<16xf32>,
        %mul3A_1528 = arith.constant 16 : i32
        %mul3A_1529 = arith.muli %scan3A_1448, %mul3A_1528 : i32
        %get3A_1530 = arith.constant 1 : i32
        %get3A_1531 = arith.constant 0 : i32
        %get3A_1532 = arith.constant 0 : i32
        %get3A_1533 = arith.index_cast %get3A_1530 : i32 to index
        %get3A_1534 = arith.index_cast %get3A_1531 : i32 to index
        %get3A_1535 = arith.index_cast %get3A_1532 : i32 to index
        %get3A_1536 = arith.index_cast %mul3A_1529 : i32 to index
        %get3A_1537 = tpu.vector_load %arg6[%get3A_1533, %get3A_1534, %get3A_1535, %get3A_1536] {strides = array<i32>} : memref<2x1x8x512xf32, #tpu.memory_space<vmem>>, vector<16xf32>,
        tpu.vector_store_idx %arg9[%add3A_247], %get3A_1537 : memref<256xf32, #tpu.memory_space<vmem>>[vector<16xi32>], vector<16xf32>,
        %mul3A_1538 = arith.constant 16 : i32
        %mul3A_1539 = arith.muli %scan3A_1448, %mul3A_1538 : i32
        %get3A_1540 = arith.constant 1 : i32
        %get3A_1541 = arith.constant 0 : i32
        %get3A_1542 = arith.constant 1 : i32
        %get3A_1543 = arith.index_cast %get3A_1540 : i32 to index
        %get3A_1544 = arith.index_cast %get3A_1541 : i32 to index
        %get3A_1545 = arith.index_cast %get3A_1542 : i32 to index
        %get3A_1546 = arith.index_cast %mul3A_1539 : i32 to index
        %get3A_1547 = tpu.vector_load %arg6[%get3A_1543, %get3A_1544, %get3A_1545, %get3A_1546] {strides = array<i32>} : memref<2x1x8x512xf32, #tpu.memory_space<vmem>>, vector<16xf32>,
        tpu.vector_store_idx %arg9[%add3A_275], %get3A_1547 : memref<256xf32, #tpu.memory_space<vmem>>[vector<16xi32>], vector<16xf32>,
        %mul3A_1548 = arith.constant 16 : i32
        %mul3A_1549 = arith.muli %scan3A_1448, %mul3A_1548 : i32
        %get3A_1550 = arith.constant 1 : i32
        %get3A_1551 = arith.constant 0 : i32
        %get3A_1552 = arith.constant 2 : i32
        %get3A_1553 = arith.index_cast %get3A_1550 : i32 to index
        %get3A_1554 = arith.index_cast %get3A_1551 : i32 to index
        %get3A_1555 = arith.index_cast %get3A_1552 : i32 to index
        %get3A_1556 = arith.index_cast %mul3A_1549 : i32 to index
        %get3A_1557 = tpu.vector_load %arg6[%get3A_1553, %get3A_1554, %get3A_1555, %get3A_1556] {strides = array<i32>} : memref<2x1x8x512xf32, #tpu.memory_space<vmem>>, vector<16xf32>,
        tpu.vector_store_idx %arg9[%add3A_303], %get3A_1557 : memref<256xf32, #tpu.memory_space<vmem>>[vector<16xi32>], vector<16xf32>,
        %mul3A_1558 = arith.constant 16 : i32
        %mul3A_1559 = arith.muli %scan3A_1448, %mul3A_1558 : i32
        %get3A_1560 = arith.constant 1 : i32
        %get3A_1561 = arith.constant 0 : i32
        %get3A_1562 = arith.constant 3 : i32
        %get3A_1563 = arith.index_cast %get3A_1560 : i32 to index
        %get3A_1564 = arith.index_cast %get3A_1561 : i32 to index
        %get3A_1565 = arith.index_cast %get3A_1562 : i32 to index
        %get3A_1566 = arith.index_cast %mul3A_1559 : i32 to index
        %get3A_1567 = tpu.vector_load %arg6[%get3A_1563, %get3A_1564, %get3A_1565, %get3A_1566] {strides = array<i32>} : memref<2x1x8x512xf32, #tpu.memory_space<vmem>>, vector<16xf32>,
        tpu.vector_store_idx %arg9[%add3A_331], %get3A_1567 : memref<256xf32, #tpu.memory_space<vmem>>[vector<16xi32>], vector<16xf32>,
        %mul3A_1568 = arith.constant 16 : i32
        %mul3A_1569 = arith.muli %scan3A_1448, %mul3A_1568 : i32
        %get3A_1570 = arith.constant 1 : i32
        %get3A_1571 = arith.constant 0 : i32
        %get3A_1572 = arith.constant 4 : i32
        %get3A_1573 = arith.index_cast %get3A_1570 : i32 to index
        %get3A_1574 = arith.index_cast %get3A_1571 : i32 to index
        %get3A_1575 = arith.index_cast %get3A_1572 : i32 to index
        %get3A_1576 = arith.index_cast %mul3A_1569 : i32 to index
        %get3A_1577 = tpu.vector_load %arg6[%get3A_1573, %get3A_1574, %get3A_1575, %get3A_1576] {strides = array<i32>} : memref<2x1x8x512xf32, #tpu.memory_space<vmem>>, vector<16xf32>,
        tpu.vector_store_idx %arg9[%add3A_359], %get3A_1577 : memref<256xf32, #tpu.memory_space<vmem>>[vector<16xi32>], vector<16xf32>,
        %mul3A_1578 = arith.constant 16 : i32
        %mul3A_1579 = arith.muli %scan3A_1448, %mul3A_1578 : i32
        %get3A_1580 = arith.constant 1 : i32
        %get3A_1581 = arith.constant 0 : i32
        %get3A_1582 = arith.constant 5 : i32
        %get3A_1583 = arith.index_cast %get3A_1580 : i32 to index
        %get3A_1584 = arith.index_cast %get3A_1581 : i32 to index
        %get3A_1585 = arith.index_cast %get3A_1582 : i32 to index
        %get3A_1586 = arith.index_cast %mul3A_1579 : i32 to index
        %get3A_1587 = tpu.vector_load %arg6[%get3A_1583, %get3A_1584, %get3A_1585, %get3A_1586] {strides = array<i32>} : memref<2x1x8x512xf32, #tpu.memory_space<vmem>>, vector<16xf32>,
        tpu.vector_store_idx %arg9[%add3A_387], %get3A_1587 : memref<256xf32, #tpu.memory_space<vmem>>[vector<16xi32>], vector<16xf32>,
        %mul3A_1588 = arith.constant 16 : i32
        %mul3A_1589 = arith.muli %scan3A_1448, %mul3A_1588 : i32
        %get3A_1590 = arith.constant 1 : i32
        %get3A_1591 = arith.constant 0 : i32
        %get3A_1592 = arith.constant 6 : i32
        %get3A_1593 = arith.index_cast %get3A_1590 : i32 to index
        %get3A_1594 = arith.index_cast %get3A_1591 : i32 to index
        %get3A_1595 = arith.index_cast %get3A_1592 : i32 to index
        %get3A_1596 = arith.index_cast %mul3A_1589 : i32 to index
        %get3A_1597 = tpu.vector_load %arg6[%get3A_1593, %get3A_1594, %get3A_1595, %get3A_1596] {strides = array<i32>} : memref<2x1x8x512xf32, #tpu.memory_space<vmem>>, vector<16xf32>,
        tpu.vector_store_idx %arg9[%add3A_415], %get3A_1597 : memref<256xf32, #tpu.memory_space<vmem>>[vector<16xi32>], vector<16xf32>,
        %mul3A_1598 = arith.constant 16 : i32
        %mul3A_1599 = arith.muli %scan3A_1448, %mul3A_1598 : i32
        %get3A_1600 = arith.constant 1 : i32
        %get3A_1601 = arith.constant 0 : i32
        %get3A_1602 = arith.constant 7 : i32
        %get3A_1603 = arith.index_cast %get3A_1600 : i32 to index
        %get3A_1604 = arith.index_cast %get3A_1601 : i32 to index
        %get3A_1605 = arith.index_cast %get3A_1602 : i32 to index
        %get3A_1606 = arith.index_cast %mul3A_1599 : i32 to index
        %get3A_1607 = tpu.vector_load %arg6[%get3A_1603, %get3A_1604, %get3A_1605, %get3A_1606] {strides = array<i32>} : memref<2x1x8x512xf32, #tpu.memory_space<vmem>>, vector<16xf32>,
        tpu.vector_store_idx %arg9[%add3A_443], %get3A_1607 : memref<256xf32, #tpu.memory_space<vmem>>[vector<16xi32>], vector<16xf32>,
        %gather3A = tpu.vector_load_idx %arg9[%add3A_472] : memref<256xf32, #tpu.memory_space<vmem>>[vector<16xi32>], vector<16xf32>,
        %mul3A_1608 = arith.constant 16 : i32
        %mul3A_1609 = arith.muli %scan3A_1448, %mul3A_1608 : i32
        %add3A_1610 = arith.constant 0 : i32
        %add3A_1611 = arith.addi %mul3A_1609, %add3A_1610 : i32
        %mul3A_1612 = arith.constant 16 : i32
        %mul3A_1613 = arith.muli %add3A_1611, %mul3A_1612 : i32
        %swap3A = arith.index_cast %mul3A_1613 : i32 to index
        %swap3A_1614 = tpu.vector_load %arg8[%swap3A] {strides = array<i32>} : memref<8192xf32, #tpu.memory_space<vmem>>, vector<16xf32>,
        tpu.vector_store %arg8[%swap3A], %gather3A {strides = array<i32>} : memref<8192xf32, #tpu.memory_space<vmem>>, vector<16xf32>,
        %gather3A_1615 = tpu.vector_load_idx %arg9[%add3A_501] : memref<256xf32, #tpu.memory_space<vmem>>[vector<16xi32>], vector<16xf32>,
        %mul3A_1616 = arith.constant 16 : i32
        %mul3A_1617 = arith.muli %scan3A_1448, %mul3A_1616 : i32
        %add3A_1618 = arith.constant 1 : i32
        %add3A_1619 = arith.addi %mul3A_1617, %add3A_1618 : i32
        %mul3A_1620 = arith.constant 16 : i32
        %mul3A_1621 = arith.muli %add3A_1619, %mul3A_1620 : i32
        %swap3A_1622 = arith.index_cast %mul3A_1621 : i32 to index
        %swap3A_1623 = tpu.vector_load %arg8[%swap3A_1622] {strides = array<i32>} : memref<8192xf32, #tpu.memory_space<vmem>>, vector<16xf32>,
        tpu.vector_store %arg8[%swap3A_1622], %gather3A_1615 {strides = array<i32>} : memref<8192xf32, #tpu.memory_space<vmem>>, vector<16xf32>,
        %gather3A_1624 = tpu.vector_load_idx %arg9[%add3A_530] : memref<256xf32, #tpu.memory_space<vmem>>[vector<16xi32>], vector<16xf32>,
        %mul3A_1625 = arith.constant 16 : i32
        %mul3A_1626 = arith.muli %scan3A_1448, %mul3A_1625 : i32
        %add3A_1627 = arith.constant 2 : i32
        %add3A_1628 = arith.addi %mul3A_1626, %add3A_1627 : i32
        %mul3A_1629 = arith.constant 16 : i32
        %mul3A_1630 = arith.muli %add3A_1628, %mul3A_1629 : i32
        %swap3A_1631 = arith.index_cast %mul3A_1630 : i32 to index
        %swap3A_1632 = tpu.vector_load %arg8[%swap3A_1631] {strides = array<i32>} : memref<8192xf32, #tpu.memory_space<vmem>>, vector<16xf32>,
        tpu.vector_store %arg8[%swap3A_1631], %gather3A_1624 {strides = array<i32>} : memref<8192xf32, #tpu.memory_space<vmem>>, vector<16xf32>,
        %gather3A_1633 = tpu.vector_load_idx %arg9[%add3A_559] : memref<256xf32, #tpu.memory_space<vmem>>[vector<16xi32>], vector<16xf32>,
        %mul3A_1634 = arith.constant 16 : i32
        %mul3A_1635 = arith.muli %scan3A_1448, %mul3A_1634 : i32
        %add3A_1636 = arith.constant 3 : i32
        %add3A_1637 = arith.addi %mul3A_1635, %add3A_1636 : i32
        %mul3A_1638 = arith.constant 16 : i32
        %mul3A_1639 = arith.muli %add3A_1637, %mul3A_1638 : i32
        %swap3A_1640 = arith.index_cast %mul3A_1639 : i32 to index
        %swap3A_1641 = tpu.vector_load %arg8[%swap3A_1640] {strides = array<i32>} : memref<8192xf32, #tpu.memory_space<vmem>>, vector<16xf32>,
        tpu.vector_store %arg8[%swap3A_1640], %gather3A_1633 {strides = array<i32>} : memref<8192xf32, #tpu.memory_space<vmem>>, vector<16xf32>,
        %gather3A_1642 = tpu.vector_load_idx %arg9[%add3A_588] : memref<256xf32, #tpu.memory_space<vmem>>[vector<16xi32>], vector<16xf32>,
        %mul3A_1643 = arith.constant 16 : i32
        %mul3A_1644 = arith.muli %scan3A_1448, %mul3A_1643 : i32
        %add3A_1645 = arith.constant 4 : i32
        %add3A_1646 = arith.addi %mul3A_1644, %add3A_1645 : i32
        %mul3A_1647 = arith.constant 16 : i32
        %mul3A_1648 = arith.muli %add3A_1646, %mul3A_1647 : i32
        %swap3A_1649 = arith.index_cast %mul3A_1648 : i32 to index
        %swap3A_1650 = tpu.vector_load %arg8[%swap3A_1649] {strides = array<i32>} : memref<8192xf32, #tpu.memory_space<vmem>>, vector<16xf32>,
        tpu.vector_store %arg8[%swap3A_1649], %gather3A_1642 {strides = array<i32>} : memref<8192xf32, #tpu.memory_space<vmem>>, vector<16xf32>,
        %gather3A_1651 = tpu.vector_load_idx %arg9[%add3A_617] : memref<256xf32, #tpu.memory_space<vmem>>[vector<16xi32>], vector<16xf32>,
        %mul3A_1652 = arith.constant 16 : i32
        %mul3A_1653 = arith.muli %scan3A_1448, %mul3A_1652 : i32
        %add3A_1654 = arith.constant 5 : i32
        %add3A_1655 = arith.addi %mul3A_1653, %add3A_1654 : i32
        %mul3A_1656 = arith.constant 16 : i32
        %mul3A_1657 = arith.muli %add3A_1655, %mul3A_1656 : i32
        %swap3A_1658 = arith.index_cast %mul3A_1657 : i32 to index
        %swap3A_1659 = tpu.vector_load %arg8[%swap3A_1658] {strides = array<i32>} : memref<8192xf32, #tpu.memory_space<vmem>>, vector<16xf32>,
        tpu.vector_store %arg8[%swap3A_1658], %gather3A_1651 {strides = array<i32>} : memref<8192xf32, #tpu.memory_space<vmem>>, vector<16xf32>,
        %gather3A_1660 = tpu.vector_load_idx %arg9[%add3A_646] : memref<256xf32, #tpu.memory_space<vmem>>[vector<16xi32>], vector<16xf32>,
        %mul3A_1661 = arith.constant 16 : i32
        %mul3A_1662 = arith.muli %scan3A_1448, %mul3A_1661 : i32
        %add3A_1663 = arith.constant 6 : i32
        %add3A_1664 = arith.addi %mul3A_1662, %add3A_1663 : i32
        %mul3A_1665 = arith.constant 16 : i32
        %mul3A_1666 = arith.muli %add3A_1664, %mul3A_1665 : i32
        %swap3A_1667 = arith.index_cast %mul3A_1666 : i32 to index
        %swap3A_1668 = tpu.vector_load %arg8[%swap3A_1667] {strides = array<i32>} : memref<8192xf32, #tpu.memory_space<vmem>>, vector<16xf32>,
        tpu.vector_store %arg8[%swap3A_1667], %gather3A_1660 {strides = array<i32>} : memref<8192xf32, #tpu.memory_space<vmem>>, vector<16xf32>,
        %gather3A_1669 = tpu.vector_load_idx %arg9[%add3A_675] : memref<256xf32, #tpu.memory_space<vmem>>[vector<16xi32>], vector<16xf32>,
        %mul3A_1670 = arith.constant 16 : i32
        %mul3A_1671 = arith.muli %scan3A_1448, %mul3A_1670 : i32
        %add3A_1672 = arith.constant 7 : i32
        %add3A_1673 = arith.addi %mul3A_1671, %add3A_1672 : i32
        %mul3A_1674 = arith.constant 16 : i32
        %mul3A_1675 = arith.muli %add3A_1673, %mul3A_1674 : i32
        %swap3A_1676 = arith.index_cast %mul3A_1675 : i32 to index
        %swap3A_1677 = tpu.vector_load %arg8[%swap3A_1676] {strides = array<i32>} : memref<8192xf32, #tpu.memory_space<vmem>>, vector<16xf32>,
        tpu.vector_store %arg8[%swap3A_1676], %gather3A_1669 {strides = array<i32>} : memref<8192xf32, #tpu.memory_space<vmem>>, vector<16xf32>,
        %gather3A_1678 = tpu.vector_load_idx %arg9[%add3A_704] : memref<256xf32, #tpu.memory_space<vmem>>[vector<16xi32>], vector<16xf32>,
        %mul3A_1679 = arith.constant 16 : i32
        %mul3A_1680 = arith.muli %scan3A_1448, %mul3A_1679 : i32
        %add3A_1681 = arith.constant 8 : i32
        %add3A_1682 = arith.addi %mul3A_1680, %add3A_1681 : i32
        %mul3A_1683 = arith.constant 16 : i32
        %mul3A_1684 = arith.muli %add3A_1682, %mul3A_1683 : i32
        %swap3A_1685 = arith.index_cast %mul3A_1684 : i32 to index
        %swap3A_1686 = tpu.vector_load %arg8[%swap3A_1685] {strides = array<i32>} : memref<8192xf32, #tpu.memory_space<vmem>>, vector<16xf32>,
        tpu.vector_store %arg8[%swap3A_1685], %gather3A_1678 {strides = array<i32>} : memref<8192xf32, #tpu.memory_space<vmem>>, vector<16xf32>,
        %gather3A_1687 = tpu.vector_load_idx %arg9[%add3A_733] : memref<256xf32, #tpu.memory_space<vmem>>[vector<16xi32>], vector<16xf32>,
        %mul3A_1688 = arith.constant 16 : i32
        %mul3A_1689 = arith.muli %scan3A_1448, %mul3A_1688 : i32
        %add3A_1690 = arith.constant 9 : i32
        %add3A_1691 = arith.addi %mul3A_1689, %add3A_1690 : i32
        %mul3A_1692 = arith.constant 16 : i32
        %mul3A_1693 = arith.muli %add3A_1691, %mul3A_1692 : i32
        %swap3A_1694 = arith.index_cast %mul3A_1693 : i32 to index
        %swap3A_1695 = tpu.vector_load %arg8[%swap3A_1694] {strides = array<i32>} : memref<8192xf32, #tpu.memory_space<vmem>>, vector<16xf32>,
        tpu.vector_store %arg8[%swap3A_1694], %gather3A_1687 {strides = array<i32>} : memref<8192xf32, #tpu.memory_space<vmem>>, vector<16xf32>,
        %gather3A_1696 = tpu.vector_load_idx %arg9[%add3A_762] : memref<256xf32, #tpu.memory_space<vmem>>[vector<16xi32>], vector<16xf32>,
        %mul3A_1697 = arith.constant 16 : i32
        %mul3A_1698 = arith.muli %scan3A_1448, %mul3A_1697 : i32
        %add3A_1699 = arith.constant 10 : i32
        %add3A_1700 = arith.addi %mul3A_1698, %add3A_1699 : i32
        %mul3A_1701 = arith.constant 16 : i32
        %mul3A_1702 = arith.muli %add3A_1700, %mul3A_1701 : i32
        %swap3A_1703 = arith.index_cast %mul3A_1702 : i32 to index
        %swap3A_1704 = tpu.vector_load %arg8[%swap3A_1703] {strides = array<i32>} : memref<8192xf32, #tpu.memory_space<vmem>>, vector<16xf32>,
        tpu.vector_store %arg8[%swap3A_1703], %gather3A_1696 {strides = array<i32>} : memref<8192xf32, #tpu.memory_space<vmem>>, vector<16xf32>,
        %gather3A_1705 = tpu.vector_load_idx %arg9[%add3A_791] : memref<256xf32, #tpu.memory_space<vmem>>[vector<16xi32>], vector<16xf32>,
        %mul3A_1706 = arith.constant 16 : i32
        %mul3A_1707 = arith.muli %scan3A_1448, %mul3A_1706 : i32
        %add3A_1708 = arith.constant 11 : i32
        %add3A_1709 = arith.addi %mul3A_1707, %add3A_1708 : i32
        %mul3A_1710 = arith.constant 16 : i32
        %mul3A_1711 = arith.muli %add3A_1709, %mul3A_1710 : i32
        %swap3A_1712 = arith.index_cast %mul3A_1711 : i32 to index
        %swap3A_1713 = tpu.vector_load %arg8[%swap3A_1712] {strides = array<i32>} : memref<8192xf32, #tpu.memory_space<vmem>>, vector<16xf32>,
        tpu.vector_store %arg8[%swap3A_1712], %gather3A_1705 {strides = array<i32>} : memref<8192xf32, #tpu.memory_space<vmem>>, vector<16xf32>,
        %gather3A_1714 = tpu.vector_load_idx %arg9[%add3A_820] : memref<256xf32, #tpu.memory_space<vmem>>[vector<16xi32>], vector<16xf32>,
        %mul3A_1715 = arith.constant 16 : i32
        %mul3A_1716 = arith.muli %scan3A_1448, %mul3A_1715 : i32
        %add3A_1717 = arith.constant 12 : i32
        %add3A_1718 = arith.addi %mul3A_1716, %add3A_1717 : i32
        %mul3A_1719 = arith.constant 16 : i32
        %mul3A_1720 = arith.muli %add3A_1718, %mul3A_1719 : i32
        %swap3A_1721 = arith.index_cast %mul3A_1720 : i32 to index
        %swap3A_1722 = tpu.vector_load %arg8[%swap3A_1721] {strides = array<i32>} : memref<8192xf32, #tpu.memory_space<vmem>>, vector<16xf32>,
        tpu.vector_store %arg8[%swap3A_1721], %gather3A_1714 {strides = array<i32>} : memref<8192xf32, #tpu.memory_space<vmem>>, vector<16xf32>,
        %gather3A_1723 = tpu.vector_load_idx %arg9[%add3A_849] : memref<256xf32, #tpu.memory_space<vmem>>[vector<16xi32>], vector<16xf32>,
        %mul3A_1724 = arith.constant 16 : i32
        %mul3A_1725 = arith.muli %scan3A_1448, %mul3A_1724 : i32
        %add3A_1726 = arith.constant 13 : i32
        %add3A_1727 = arith.addi %mul3A_1725, %add3A_1726 : i32
        %mul3A_1728 = arith.constant 16 : i32
        %mul3A_1729 = arith.muli %add3A_1727, %mul3A_1728 : i32
        %swap3A_1730 = arith.index_cast %mul3A_1729 : i32 to index
        %swap3A_1731 = tpu.vector_load %arg8[%swap3A_1730] {strides = array<i32>} : memref<8192xf32, #tpu.memory_space<vmem>>, vector<16xf32>,
        tpu.vector_store %arg8[%swap3A_1730], %gather3A_1723 {strides = array<i32>} : memref<8192xf32, #tpu.memory_space<vmem>>, vector<16xf32>,
        %gather3A_1732 = tpu.vector_load_idx %arg9[%add3A_878] : memref<256xf32, #tpu.memory_space<vmem>>[vector<16xi32>], vector<16xf32>,
        %mul3A_1733 = arith.constant 16 : i32
        %mul3A_1734 = arith.muli %scan3A_1448, %mul3A_1733 : i32
        %add3A_1735 = arith.constant 14 : i32
        %add3A_1736 = arith.addi %mul3A_1734, %add3A_1735 : i32
        %mul3A_1737 = arith.constant 16 : i32
        %mul3A_1738 = arith.muli %add3A_1736, %mul3A_1737 : i32
        %swap3A_1739 = arith.index_cast %mul3A_1738 : i32 to index
        %swap3A_1740 = tpu.vector_load %arg8[%swap3A_1739] {strides = array<i32>} : memref<8192xf32, #tpu.memory_space<vmem>>, vector<16xf32>,
        tpu.vector_store %arg8[%swap3A_1739], %gather3A_1732 {strides = array<i32>} : memref<8192xf32, #tpu.memory_space<vmem>>, vector<16xf32>,
        %gather3A_1741 = tpu.vector_load_idx %arg9[%add3A_907] : memref<256xf32, #tpu.memory_space<vmem>>[vector<16xi32>], vector<16xf32>,
        %mul3A_1742 = arith.constant 16 : i32
        %mul3A_1743 = arith.muli %scan3A_1448, %mul3A_1742 : i32
        %add3A_1744 = arith.constant 15 : i32
        %add3A_1745 = arith.addi %mul3A_1743, %add3A_1744 : i32
        %mul3A_1746 = arith.constant 16 : i32
        %mul3A_1747 = arith.muli %add3A_1745, %mul3A_1746 : i32
        %swap3A_1748 = arith.index_cast %mul3A_1747 : i32 to index
        %swap3A_1749 = tpu.vector_load %arg8[%swap3A_1748] {strides = array<i32>} : memref<8192xf32, #tpu.memory_space<vmem>>, vector<16xf32>,
        tpu.vector_store %arg8[%swap3A_1748], %gather3A_1741 {strides = array<i32>} : memref<8192xf32, #tpu.memory_space<vmem>>, vector<16xf32>,
      }
      %scan3A_1440 = arith.constant 32 : i32
      %add3A_1441 = arith.addi %mul3A_2, %add3A_1343 : i32
      %mul3A_1442 = arith.constant 512 : i32
      %mul3A_1443 = arith.muli %add3A_1441, %mul3A_1442 : i32
      %mul3A_1444 = arith.constant 16 : i32
      %mul3A_1445 = arith.muli %mul3A_1443, %mul3A_1444 : i32
      %dma_start3A_1446 = tpu.memref_slice %arg4[%mul3A_1445] : memref<16000000xf32, #tpu.memory_space<hbm>> -> memref<8192xf32, #tpu.memory_space<hbm>>
      %dma_start3A_1447 = tpu.memref_slice %arg4[%mul3A_1445] : memref<16000000xf32, #tpu.memory_space<hbm>> -> memref<8192xf32, #tpu.memory_space<hbm>>
      tpu.enqueue_dma source(%arg8 : memref<8192xf32, #tpu.memory_space<vmem>>) target(%dma_start3A_1447 : memref<8192xf32, #tpu.memory_space<hbm>>) target_semaphore(%arg11 : memref<!tpu.dma_semaphore, #tpu.memory_space<semaphore_mem>>)
    }
    %scan3A_1148 = arith.constant 29 : i32
    %add3A_1149 = arith.constant 60 : i32
    %add3A_1150 = arith.addi %mul3A_2, %add3A_1149 : i32
    %mul3A_1151 = arith.constant 512 : i32
    %mul3A_1152 = arith.muli %add3A_1150, %mul3A_1151 : i32
    %dma_wait3A_1153 = arith.constant 0 : i32
    %dma_wait3A_1154 = arith.constant 0 : i32
    %dma_wait3A_1155 = arith.constant 0 : i32
    %dma_wait3A_1156 = arith.constant 0 : i32
    %dma_wait3A_1157 = tpu.memref_slice %arg5[%dma_wait3A_1153, %dma_wait3A_1154, %dma_wait3A_1155, %dma_wait3A_1156] : memref<2x1x8x512xf32, #tpu.memory_space<vmem>> -> memref<1x1x8x512xf32, #tpu.memory_space<vmem>>
    %dma_wait3A_1158 = tpu.memref_squeeze %dma_wait3A_1157 : memref<1x1x8x512xf32, #tpu.memory_space<vmem>> -> memref<1x8x512xf32, #tpu.memory_space<vmem>>
    %dma_wait3A_1159 = arith.constant 0 : i32
    %dma_wait3A_1160 = arith.constant 0 : i32
    %dma_wait3A_1161 = tpu.memref_slice %arg2[%dma_wait3A_1159, %dma_wait3A_1160, %mul3A_1152] : memref<2x8x1000000xf32, #tpu.memory_space<hbm>> -> memref<1x8x512xf32, #tpu.memory_space<hbm>>
    %dma_wait3A_1162 = arith.constant 0 : i32
    %dma_wait3A_1163 = arith.constant 0 : i32
    %dma_wait3A_1164 = arith.constant 0 : i32
    %dma_wait3A_1165 = tpu.memref_slice %arg5[%dma_wait3A_1153, %dma_wait3A_1162, %dma_wait3A_1163, %dma_wait3A_1164] : memref<2x1x8x512xf32, #tpu.memory_space<vmem>> -> memref<1x1x8x512xf32, #tpu.memory_space<vmem>>
    %dma_wait3A_1166 = tpu.memref_squeeze %dma_wait3A_1165 : memref<1x1x8x512xf32, #tpu.memory_space<vmem>> -> memref<1x8x512xf32, #tpu.memory_space<vmem>>
    %dma_wait3A_1167 = arith.constant 0 : i32
    %dma_wait3A_1168 = arith.constant 0 : i32
    %dma_wait3A_1169 = tpu.memref_slice %arg2[%dma_wait3A_1167, %dma_wait3A_1168, %mul3A_1152] : memref<2x8x1000000xf32, #tpu.memory_space<hbm>> -> memref<1x8x512xf32, #tpu.memory_space<hbm>>
    tpu.wait_dma2 semaphore(%arg10 : memref<!tpu.dma_semaphore, #tpu.memory_space<semaphore_mem>>) src(%dma_wait3A_1169 : memref<1x8x512xf32, #tpu.memory_space<hbm>>) dst(%dma_wait3A_1166 : memref<1x8x512xf32, #tpu.memory_space<vmem>>)
    %add3A_1170 = arith.constant 60 : i32
    %add3A_1171 = arith.addi %mul3A_2, %add3A_1170 : i32
    %mul3A_1172 = arith.constant 512 : i32
    %mul3A_1173 = arith.muli %add3A_1171, %mul3A_1172 : i32
    %dma_wait3A_1174 = arith.constant 1 : i32
    %dma_wait3A_1175 = arith.constant 0 : i32
    %dma_wait3A_1176 = arith.constant 0 : i32
    %dma_wait3A_1177 = arith.constant 0 : i32
    %dma_wait3A_1178 = tpu.memref_slice %arg5[%dma_wait3A_1174, %dma_wait3A_1175, %dma_wait3A_1176, %dma_wait3A_1177] : memref<2x1x8x512xf32, #tpu.memory_space<vmem>> -> memref<1x1x8x512xf32, #tpu.memory_space<vmem>>
    %dma_wait3A_1179 = tpu.memref_squeeze %dma_wait3A_1178 : memref<1x1x8x512xf32, #tpu.memory_space<vmem>> -> memref<1x8x512xf32, #tpu.memory_space<vmem>>
    %dma_wait3A_1180 = arith.constant 1 : i32
    %dma_wait3A_1181 = arith.constant 0 : i32
    %dma_wait3A_1182 = tpu.memref_slice %arg2[%dma_wait3A_1180, %dma_wait3A_1181, %mul3A_1173] : memref<2x8x1000000xf32, #tpu.memory_space<hbm>> -> memref<1x8x512xf32, #tpu.memory_space<hbm>>
    %dma_wait3A_1183 = arith.constant 0 : i32
    %dma_wait3A_1184 = arith.constant 0 : i32
    %dma_wait3A_1185 = arith.constant 0 : i32
    %dma_wait3A_1186 = tpu.memref_slice %arg5[%dma_wait3A_1174, %dma_wait3A_1183, %dma_wait3A_1184, %dma_wait3A_1185] : memref<2x1x8x512xf32, #tpu.memory_space<vmem>> -> memref<1x1x8x512xf32, #tpu.memory_space<vmem>>
    %dma_wait3A_1187 = tpu.memref_squeeze %dma_wait3A_1186 : memref<1x1x8x512xf32, #tpu.memory_space<vmem>> -> memref<1x8x512xf32, #tpu.memory_space<vmem>>
    %dma_wait3A_1188 = arith.constant 1 : i32
    %dma_wait3A_1189 = arith.constant 0 : i32
    %dma_wait3A_1190 = tpu.memref_slice %arg2[%dma_wait3A_1188, %dma_wait3A_1189, %mul3A_1173] : memref<2x8x1000000xf32, #tpu.memory_space<hbm>> -> memref<1x8x512xf32, #tpu.memory_space<hbm>>
    tpu.wait_dma2 semaphore(%arg10 : memref<!tpu.dma_semaphore, #tpu.memory_space<semaphore_mem>>) src(%dma_wait3A_1190 : memref<1x8x512xf32, #tpu.memory_space<hbm>>) dst(%dma_wait3A_1187 : memref<1x8x512xf32, #tpu.memory_space<vmem>>)
    %add3A_1191 = arith.constant 58 : i32
    %add3A_1192 = arith.addi %mul3A_2, %add3A_1191 : i32
    %mul3A_1193 = arith.constant 512 : i32
    %mul3A_1194 = arith.muli %add3A_1192, %mul3A_1193 : i32
    %mul3A_1195 = arith.constant 16 : i32
    %mul3A_1196 = arith.muli %mul3A_1194, %mul3A_1195 : i32
    %dma_wait3A_1197 = tpu.memref_slice %arg4[%mul3A_1196] : memref<16000000xf32, #tpu.memory_space<hbm>> -> memref<8192xf32, #tpu.memory_space<hbm>>
    %dma_wait3A_1198 = tpu.memref_slice %arg4[%mul3A_1196] : memref<16000000xf32, #tpu.memory_space<hbm>> -> memref<8192xf32, #tpu.memory_space<hbm>>
    tpu.wait_dma2 semaphore(%arg11 : memref<!tpu.dma_semaphore, #tpu.memory_space<semaphore_mem>>) src(%arg7 : memref<8192xf32, #tpu.memory_space<vmem>>) dst(%dma_wait3A_1198 : memref<8192xf32, #tpu.memory_space<hbm>>)
    %scan3A_1199 = arith.constant 0 : i32
    %scan3A_1200 = arith.constant 0 : i32
    %scan3A_1201 = arith.constant 32 : i32
    %scan3A_1202 = arith.addi %scan3A_1200, %scan3A_1201 : i32
    %scan3A_1203 = arith.constant 1 : i32
    scf.for %scan3A_1232 = %scan3A_1200 to %scan3A_1202 step %scan3A_1203  : i32 {
      %mul3A_1233 = arith.constant 16 : i32
      %mul3A_1234 = arith.muli %scan3A_1232, %mul3A_1233 : i32
      %get3A = arith.constant 0 : i32
      %get3A_1235 = arith.constant 0 : i32
      %get3A_1236 = arith.constant 0 : i32
      %get3A_1237 = arith.index_cast %get3A : i32 to index
      %get3A_1238 = arith.index_cast %get3A_1235 : i32 to index
      %get3A_1239 = arith.index_cast %get3A_1236 : i32 to index
      %get3A_1240 = arith.index_cast %mul3A_1234 : i32 to index
      %get3A_1241 = tpu.vector_load %arg5[%get3A_1237, %get3A_1238, %get3A_1239, %get3A_1240] {strides = array<i32>} : memref<2x1x8x512xf32, #tpu.memory_space<vmem>>, vector<16xf32>,
      tpu.vector_store_idx %arg9[%add3A_23], %get3A_1241 : memref<256xf32, #tpu.memory_space<vmem>>[vector<16xi32>], vector<16xf32>,
      %mul3A_1242 = arith.constant 16 : i32
      %mul3A_1243 = arith.muli %scan3A_1232, %mul3A_1242 : i32
      %get3A_1244 = arith.constant 0 : i32
      %get3A_1245 = arith.constant 0 : i32
      %get3A_1246 = arith.constant 1 : i32
      %get3A_1247 = arith.index_cast %get3A_1244 : i32 to index
      %get3A_1248 = arith.index_cast %get3A_1245 : i32 to index
      %get3A_1249 = arith.index_cast %get3A_1246 : i32 to index
      %get3A_1250 = arith.index_cast %mul3A_1243 : i32 to index
      %get3A_1251 = tpu.vector_load %arg5[%get3A_1247, %get3A_1248, %get3A_1249, %get3A_1250] {strides = array<i32>} : memref<2x1x8x512xf32, #tpu.memory_space<vmem>>, vector<16xf32>,
      tpu.vector_store_idx %arg9[%add3A_51], %get3A_1251 : memref<256xf32, #tpu.memory_space<vmem>>[vector<16xi32>], vector<16xf32>,
      %mul3A_1252 = arith.constant 16 : i32
      %mul3A_1253 = arith.muli %scan3A_1232, %mul3A_1252 : i32
      %get3A_1254 = arith.constant 0 : i32
      %get3A_1255 = arith.constant 0 : i32
      %get3A_1256 = arith.constant 2 : i32
      %get3A_1257 = arith.index_cast %get3A_1254 : i32 to index
      %get3A_1258 = arith.index_cast %get3A_1255 : i32 to index
      %get3A_1259 = arith.index_cast %get3A_1256 : i32 to index
      %get3A_1260 = arith.index_cast %mul3A_1253 : i32 to index
      %get3A_1261 = tpu.vector_load %arg5[%get3A_1257, %get3A_1258, %get3A_1259, %get3A_1260] {strides = array<i32>} : memref<2x1x8x512xf32, #tpu.memory_space<vmem>>, vector<16xf32>,
      tpu.vector_store_idx %arg9[%add3A_79], %get3A_1261 : memref<256xf32, #tpu.memory_space<vmem>>[vector<16xi32>], vector<16xf32>,
      %mul3A_1262 = arith.constant 16 : i32
      %mul3A_1263 = arith.muli %scan3A_1232, %mul3A_1262 : i32
      %get3A_1264 = arith.constant 0 : i32
      %get3A_1265 = arith.constant 0 : i32
      %get3A_1266 = arith.constant 3 : i32
      %get3A_1267 = arith.index_cast %get3A_1264 : i32 to index
      %get3A_1268 = arith.index_cast %get3A_1265 : i32 to index
      %get3A_1269 = arith.index_cast %get3A_1266 : i32 to index
      %get3A_1270 = arith.index_cast %mul3A_1263 : i32 to index
      %get3A_1271 = tpu.vector_load %arg5[%get3A_1267, %get3A_1268, %get3A_1269, %get3A_1270] {strides = array<i32>} : memref<2x1x8x512xf32, #tpu.memory_space<vmem>>, vector<16xf32>,
      tpu.vector_store_idx %arg9[%add3A_107], %get3A_1271 : memref<256xf32, #tpu.memory_space<vmem>>[vector<16xi32>], vector<16xf32>,
      %mul3A_1272 = arith.constant 16 : i32
      %mul3A_1273 = arith.muli %scan3A_1232, %mul3A_1272 : i32
      %get3A_1274 = arith.constant 0 : i32
      %get3A_1275 = arith.constant 0 : i32
      %get3A_1276 = arith.constant 4 : i32
      %get3A_1277 = arith.index_cast %get3A_1274 : i32 to index
      %get3A_1278 = arith.index_cast %get3A_1275 : i32 to index
      %get3A_1279 = arith.index_cast %get3A_1276 : i32 to index
      %get3A_1280 = arith.index_cast %mul3A_1273 : i32 to index
      %get3A_1281 = tpu.vector_load %arg5[%get3A_1277, %get3A_1278, %get3A_1279, %get3A_1280] {strides = array<i32>} : memref<2x1x8x512xf32, #tpu.memory_space<vmem>>, vector<16xf32>,
      tpu.vector_store_idx %arg9[%add3A_135], %get3A_1281 : memref<256xf32, #tpu.memory_space<vmem>>[vector<16xi32>], vector<16xf32>,
      %mul3A_1282 = arith.constant 16 : i32
      %mul3A_1283 = arith.muli %scan3A_1232, %mul3A_1282 : i32
      %get3A_1284 = arith.constant 0 : i32
      %get3A_1285 = arith.constant 0 : i32
      %get3A_1286 = arith.constant 5 : i32
      %get3A_1287 = arith.index_cast %get3A_1284 : i32 to index
      %get3A_1288 = arith.index_cast %get3A_1285 : i32 to index
      %get3A_1289 = arith.index_cast %get3A_1286 : i32 to index
      %get3A_1290 = arith.index_cast %mul3A_1283 : i32 to index
      %get3A_1291 = tpu.vector_load %arg5[%get3A_1287, %get3A_1288, %get3A_1289, %get3A_1290] {strides = array<i32>} : memref<2x1x8x512xf32, #tpu.memory_space<vmem>>, vector<16xf32>,
      tpu.vector_store_idx %arg9[%add3A_163], %get3A_1291 : memref<256xf32, #tpu.memory_space<vmem>>[vector<16xi32>], vector<16xf32>,
      %mul3A_1292 = arith.constant 16 : i32
      %mul3A_1293 = arith.muli %scan3A_1232, %mul3A_1292 : i32
      %get3A_1294 = arith.constant 0 : i32
      %get3A_1295 = arith.constant 0 : i32
      %get3A_1296 = arith.constant 6 : i32
      %get3A_1297 = arith.index_cast %get3A_1294 : i32 to index
      %get3A_1298 = arith.index_cast %get3A_1295 : i32 to index
      %get3A_1299 = arith.index_cast %get3A_1296 : i32 to index
      %get3A_1300 = arith.index_cast %mul3A_1293 : i32 to index
      %get3A_1301 = tpu.vector_load %arg5[%get3A_1297, %get3A_1298, %get3A_1299, %get3A_1300] {strides = array<i32>} : memref<2x1x8x512xf32, #tpu.memory_space<vmem>>, vector<16xf32>,
      tpu.vector_store_idx %arg9[%add3A_191], %get3A_1301 : memref<256xf32, #tpu.memory_space<vmem>>[vector<16xi32>], vector<16xf32>,
      %mul3A_1302 = arith.constant 16 : i32
      %mul3A_1303 = arith.muli %scan3A_1232, %mul3A_1302 : i32
      %get3A_1304 = arith.constant 0 : i32
      %get3A_1305 = arith.constant 0 : i32
      %get3A_1306 = arith.constant 7 : i32
      %get3A_1307 = arith.index_cast %get3A_1304 : i32 to index
      %get3A_1308 = arith.index_cast %get3A_1305 : i32 to index
      %get3A_1309 = arith.index_cast %get3A_1306 : i32 to index
      %get3A_1310 = arith.index_cast %mul3A_1303 : i32 to index
      %get3A_1311 = tpu.vector_load %arg5[%get3A_1307, %get3A_1308, %get3A_1309, %get3A_1310] {strides = array<i32>} : memref<2x1x8x512xf32, #tpu.memory_space<vmem>>, vector<16xf32>,
      tpu.vector_store_idx %arg9[%add3A_219], %get3A_1311 : memref<256xf32, #tpu.memory_space<vmem>>[vector<16xi32>], vector<16xf32>,
      %mul3A_1312 = arith.constant 16 : i32
      %mul3A_1313 = arith.muli %scan3A_1232, %mul3A_1312 : i32
      %get3A_1314 = arith.constant 1 : i32
      %get3A_1315 = arith.constant 0 : i32
      %get3A_1316 = arith.constant 0 : i32
      %get3A_1317 = arith.index_cast %get3A_1314 : i32 to index
      %get3A_1318 = arith.index_cast %get3A_1315 : i32 to index
      %get3A_1319 = arith.index_cast %get3A_1316 : i32 to index
      %get3A_1320 = arith.index_cast %mul3A_1313 : i32 to index
      %get3A_1321 = tpu.vector_load %arg5[%get3A_1317, %get3A_1318, %get3A_1319, %get3A_1320] {strides = array<i32>} : memref<2x1x8x512xf32, #tpu.memory_space<vmem>>, vector<16xf32>,
      tpu.vector_store_idx %arg9[%add3A_247], %get3A_1321 : memref<256xf32, #tpu.memory_space<vmem>>[vector<16xi32>], vector<16xf32>,
      %mul3A_1322 = arith.constant 16 : i32
      %mul3A_1323 = arith.muli %scan3A_1232, %mul3A_1322 : i32
      %get3A_1324 = arith.constant 1 : i32
      %get3A_1325 = arith.constant 0 : i32
      %get3A_1326 = arith.constant 1 : i32
      %get3A_1327 = arith.index_cast %get3A_1324 : i32 to index
      %get3A_1328 = arith.index_cast %get3A_1325 : i32 to index
      %get3A_1329 = arith.index_cast %get3A_1326 : i32 to index
      %get3A_1330 = arith.index_cast %mul3A_1323 : i32 to index
      %get3A_1331 = tpu.vector_load %arg5[%get3A_1327, %get3A_1328, %get3A_1329, %get3A_1330] {strides = array<i32>} : memref<2x1x8x512xf32, #tpu.memory_space<vmem>>, vector<16xf32>,
      tpu.vector_store_idx %arg9[%add3A_275], %get3A_1331 : memref<256xf32, #tpu.memory_space<vmem>>[vector<16xi32>], vector<16xf32>,
      %mul3A_1332 = arith.constant 16 : i32
      %mul3A_1333 = arith.muli %scan3A_1232, %mul3A_1332 : i32
      %get3A_1334 = arith.constant 1 : i32
      %get3A_1335 = arith.constant 0 : i32
      %get3A_1336 = arith.constant 2 : i32
      %get3A_1337 = arith.index_cast %get3A_1334 : i32 to index
      %get3A_1338 = arith.index_cast %get3A_1335 : i32 to index
      %get3A_1339 = arith.index_cast %get3A_1336 : i32 to index
      %get3A_1340 = arith.index_cast %mul3A_1333 : i32 to index
      %get3A_1341 = tpu.vector_load %arg5[%get3A_1337, %get3A_1338, %get3A_1339, %get3A_1340] {strides = array<i32>} : memref<2x1x8x512xf32, #tpu.memory_space<vmem>>, vector<16xf32>,
      tpu.vector_store_idx %arg9[%add3A_303], %get3A_1341 : memref<256xf32, #tpu.memory_space<vmem>>[vector<16xi32>], vector<16xf32>,
      %mul3A_1342 = arith.constant 16 : i32
      %mul3A_1343 = arith.muli %scan3A_1232, %mul3A_1342 : i32
      %get3A_1344 = arith.constant 1 : i32
      %get3A_1345 = arith.constant 0 : i32
      %get3A_1346 = arith.constant 3 : i32
      %get3A_1347 = arith.index_cast %get3A_1344 : i32 to index
      %get3A_1348 = arith.index_cast %get3A_1345 : i32 to index
      %get3A_1349 = arith.index_cast %get3A_1346 : i32 to index
      %get3A_1350 = arith.index_cast %mul3A_1343 : i32 to index
      %get3A_1351 = tpu.vector_load %arg5[%get3A_1347, %get3A_1348, %get3A_1349, %get3A_1350] {strides = array<i32>} : memref<2x1x8x512xf32, #tpu.memory_space<vmem>>, vector<16xf32>,
      tpu.vector_store_idx %arg9[%add3A_331], %get3A_1351 : memref<256xf32, #tpu.memory_space<vmem>>[vector<16xi32>], vector<16xf32>,
      %mul3A_1352 = arith.constant 16 : i32
      %mul3A_1353 = arith.muli %scan3A_1232, %mul3A_1352 : i32
      %get3A_1354 = arith.constant 1 : i32
      %get3A_1355 = arith.constant 0 : i32
      %get3A_1356 = arith.constant 4 : i32
      %get3A_1357 = arith.index_cast %get3A_1354 : i32 to index
      %get3A_1358 = arith.index_cast %get3A_1355 : i32 to index
      %get3A_1359 = arith.index_cast %get3A_1356 : i32 to index
      %get3A_1360 = arith.index_cast %mul3A_1353 : i32 to index
      %get3A_1361 = tpu.vector_load %arg5[%get3A_1357, %get3A_1358, %get3A_1359, %get3A_1360] {strides = array<i32>} : memref<2x1x8x512xf32, #tpu.memory_space<vmem>>, vector<16xf32>,
      tpu.vector_store_idx %arg9[%add3A_359], %get3A_1361 : memref<256xf32, #tpu.memory_space<vmem>>[vector<16xi32>], vector<16xf32>,
      %mul3A_1362 = arith.constant 16 : i32
      %mul3A_1363 = arith.muli %scan3A_1232, %mul3A_1362 : i32
      %get3A_1364 = arith.constant 1 : i32
      %get3A_1365 = arith.constant 0 : i32
      %get3A_1366 = arith.constant 5 : i32
      %get3A_1367 = arith.index_cast %get3A_1364 : i32 to index
      %get3A_1368 = arith.index_cast %get3A_1365 : i32 to index
      %get3A_1369 = arith.index_cast %get3A_1366 : i32 to index
      %get3A_1370 = arith.index_cast %mul3A_1363 : i32 to index
      %get3A_1371 = tpu.vector_load %arg5[%get3A_1367, %get3A_1368, %get3A_1369, %get3A_1370] {strides = array<i32>} : memref<2x1x8x512xf32, #tpu.memory_space<vmem>>, vector<16xf32>,
      tpu.vector_store_idx %arg9[%add3A_387], %get3A_1371 : memref<256xf32, #tpu.memory_space<vmem>>[vector<16xi32>], vector<16xf32>,
      %mul3A_1372 = arith.constant 16 : i32
      %mul3A_1373 = arith.muli %scan3A_1232, %mul3A_1372 : i32
      %get3A_1374 = arith.constant 1 : i32
      %get3A_1375 = arith.constant 0 : i32
      %get3A_1376 = arith.constant 6 : i32
      %get3A_1377 = arith.index_cast %get3A_1374 : i32 to index
      %get3A_1378 = arith.index_cast %get3A_1375 : i32 to index
      %get3A_1379 = arith.index_cast %get3A_1376 : i32 to index
      %get3A_1380 = arith.index_cast %mul3A_1373 : i32 to index
      %get3A_1381 = tpu.vector_load %arg5[%get3A_1377, %get3A_1378, %get3A_1379, %get3A_1380] {strides = array<i32>} : memref<2x1x8x512xf32, #tpu.memory_space<vmem>>, vector<16xf32>,
      tpu.vector_store_idx %arg9[%add3A_415], %get3A_1381 : memref<256xf32, #tpu.memory_space<vmem>>[vector<16xi32>], vector<16xf32>,
      %mul3A_1382 = arith.constant 16 : i32
      %mul3A_1383 = arith.muli %scan3A_1232, %mul3A_1382 : i32
      %get3A_1384 = arith.constant 1 : i32
      %get3A_1385 = arith.constant 0 : i32
      %get3A_1386 = arith.constant 7 : i32
      %get3A_1387 = arith.index_cast %get3A_1384 : i32 to index
      %get3A_1388 = arith.index_cast %get3A_1385 : i32 to index
      %get3A_1389 = arith.index_cast %get3A_1386 : i32 to index
      %get3A_1390 = arith.index_cast %mul3A_1383 : i32 to index
      %get3A_1391 = tpu.vector_load %arg5[%get3A_1387, %get3A_1388, %get3A_1389, %get3A_1390] {strides = array<i32>} : memref<2x1x8x512xf32, #tpu.memory_space<vmem>>, vector<16xf32>,
      tpu.vector_store_idx %arg9[%add3A_443], %get3A_1391 : memref<256xf32, #tpu.memory_space<vmem>>[vector<16xi32>], vector<16xf32>,
      %gather3A = tpu.vector_load_idx %arg9[%add3A_472] : memref<256xf32, #tpu.memory_space<vmem>>[vector<16xi32>], vector<16xf32>,
      %mul3A_1392 = arith.constant 16 : i32
      %mul3A_1393 = arith.muli %scan3A_1232, %mul3A_1392 : i32
      %add3A_1394 = arith.constant 0 : i32
      %add3A_1395 = arith.addi %mul3A_1393, %add3A_1394 : i32
      %mul3A_1396 = arith.constant 16 : i32
      %mul3A_1397 = arith.muli %add3A_1395, %mul3A_1396 : i32
      %swap3A = arith.index_cast %mul3A_1397 : i32 to index
      %swap3A_1398 = tpu.vector_load %arg7[%swap3A] {strides = array<i32>} : memref<8192xf32, #tpu.memory_space<vmem>>, vector<16xf32>,
      tpu.vector_store %arg7[%swap3A], %gather3A {strides = array<i32>} : memref<8192xf32, #tpu.memory_space<vmem>>, vector<16xf32>,
      %gather3A_1399 = tpu.vector_load_idx %arg9[%add3A_501] : memref<256xf32, #tpu.memory_space<vmem>>[vector<16xi32>], vector<16xf32>,
      %mul3A_1400 = arith.constant 16 : i32
      %mul3A_1401 = arith.muli %scan3A_1232, %mul3A_1400 : i32
      %add3A_1402 = arith.constant 1 : i32
      %add3A_1403 = arith.addi %mul3A_1401, %add3A_1402 : i32
      %mul3A_1404 = arith.constant 16 : i32
      %mul3A_1405 = arith.muli %add3A_1403, %mul3A_1404 : i32
      %swap3A_1406 = arith.index_cast %mul3A_1405 : i32 to index
      %swap3A_1407 = tpu.vector_load %arg7[%swap3A_1406] {strides = array<i32>} : memref<8192xf32, #tpu.memory_space<vmem>>, vector<16xf32>,
      tpu.vector_store %arg7[%swap3A_1406], %gather3A_1399 {strides = array<i32>} : memref<8192xf32, #tpu.memory_space<vmem>>, vector<16xf32>,
      %gather3A_1408 = tpu.vector_load_idx %arg9[%add3A_530] : memref<256xf32, #tpu.memory_space<vmem>>[vector<16xi32>], vector<16xf32>,
      %mul3A_1409 = arith.constant 16 : i32
      %mul3A_1410 = arith.muli %scan3A_1232, %mul3A_1409 : i32
      %add3A_1411 = arith.constant 2 : i32
      %add3A_1412 = arith.addi %mul3A_1410, %add3A_1411 : i32
      %mul3A_1413 = arith.constant 16 : i32
      %mul3A_1414 = arith.muli %add3A_1412, %mul3A_1413 : i32
      %swap3A_1415 = arith.index_cast %mul3A_1414 : i32 to index
      %swap3A_1416 = tpu.vector_load %arg7[%swap3A_1415] {strides = array<i32>} : memref<8192xf32, #tpu.memory_space<vmem>>, vector<16xf32>,
      tpu.vector_store %arg7[%swap3A_1415], %gather3A_1408 {strides = array<i32>} : memref<8192xf32, #tpu.memory_space<vmem>>, vector<16xf32>,
      %gather3A_1417 = tpu.vector_load_idx %arg9[%add3A_559] : memref<256xf32, #tpu.memory_space<vmem>>[vector<16xi32>], vector<16xf32>,
      %mul3A_1418 = arith.constant 16 : i32
      %mul3A_1419 = arith.muli %scan3A_1232, %mul3A_1418 : i32
      %add3A_1420 = arith.constant 3 : i32
      %add3A_1421 = arith.addi %mul3A_1419, %add3A_1420 : i32
      %mul3A_1422 = arith.constant 16 : i32
      %mul3A_1423 = arith.muli %add3A_1421, %mul3A_1422 : i32
      %swap3A_1424 = arith.index_cast %mul3A_1423 : i32 to index
      %swap3A_1425 = tpu.vector_load %arg7[%swap3A_1424] {strides = array<i32>} : memref<8192xf32, #tpu.memory_space<vmem>>, vector<16xf32>,
      tpu.vector_store %arg7[%swap3A_1424], %gather3A_1417 {strides = array<i32>} : memref<8192xf32, #tpu.memory_space<vmem>>, vector<16xf32>,
      %gather3A_1426 = tpu.vector_load_idx %arg9[%add3A_588] : memref<256xf32, #tpu.memory_space<vmem>>[vector<16xi32>], vector<16xf32>,
      %mul3A_1427 = arith.constant 16 : i32
      %mul3A_1428 = arith.muli %scan3A_1232, %mul3A_1427 : i32
      %add3A_1429 = arith.constant 4 : i32
      %add3A_1430 = arith.addi %mul3A_1428, %add3A_1429 : i32
      %mul3A_1431 = arith.constant 16 : i32
      %mul3A_1432 = arith.muli %add3A_1430, %mul3A_1431 : i32
      %swap3A_1433 = arith.index_cast %mul3A_1432 : i32 to index
      %swap3A_1434 = tpu.vector_load %arg7[%swap3A_1433] {strides = array<i32>} : memref<8192xf32, #tpu.memory_space<vmem>>, vector<16xf32>,
      tpu.vector_store %arg7[%swap3A_1433], %gather3A_1426 {strides = array<i32>} : memref<8192xf32, #tpu.memory_space<vmem>>, vector<16xf32>,
      %gather3A_1435 = tpu.vector_load_idx %arg9[%add3A_617] : memref<256xf32, #tpu.memory_space<vmem>>[vector<16xi32>], vector<16xf32>,
      %mul3A_1436 = arith.constant 16 : i32
      %mul3A_1437 = arith.muli %scan3A_1232, %mul3A_1436 : i32
      %add3A_1438 = arith.constant 5 : i32
      %add3A_1439 = arith.addi %mul3A_1437, %add3A_1438 : i32
      %mul3A_1440 = arith.constant 16 : i32
      %mul3A_1441 = arith.muli %add3A_1439, %mul3A_1440 : i32
      %swap3A_1442 = arith.index_cast %mul3A_1441 : i32 to index
      %swap3A_1443 = tpu.vector_load %arg7[%swap3A_1442] {strides = array<i32>} : memref<8192xf32, #tpu.memory_space<vmem>>, vector<16xf32>,
      tpu.vector_store %arg7[%swap3A_1442], %gather3A_1435 {strides = array<i32>} : memref<8192xf32, #tpu.memory_space<vmem>>, vector<16xf32>,
      %gather3A_1444 = tpu.vector_load_idx %arg9[%add3A_646] : memref<256xf32, #tpu.memory_space<vmem>>[vector<16xi32>], vector<16xf32>,
      %mul3A_1445 = arith.constant 16 : i32
      %mul3A_1446 = arith.muli %scan3A_1232, %mul3A_1445 : i32
      %add3A_1447 = arith.constant 6 : i32
      %add3A_1448 = arith.addi %mul3A_1446, %add3A_1447 : i32
      %mul3A_1449 = arith.constant 16 : i32
      %mul3A_1450 = arith.muli %add3A_1448, %mul3A_1449 : i32
      %swap3A_1451 = arith.index_cast %mul3A_1450 : i32 to index
      %swap3A_1452 = tpu.vector_load %arg7[%swap3A_1451] {strides = array<i32>} : memref<8192xf32, #tpu.memory_space<vmem>>, vector<16xf32>,
      tpu.vector_store %arg7[%swap3A_1451], %gather3A_1444 {strides = array<i32>} : memref<8192xf32, #tpu.memory_space<vmem>>, vector<16xf32>,
      %gather3A_1453 = tpu.vector_load_idx %arg9[%add3A_675] : memref<256xf32, #tpu.memory_space<vmem>>[vector<16xi32>], vector<16xf32>,
      %mul3A_1454 = arith.constant 16 : i32
      %mul3A_1455 = arith.muli %scan3A_1232, %mul3A_1454 : i32
      %add3A_1456 = arith.constant 7 : i32
      %add3A_1457 = arith.addi %mul3A_1455, %add3A_1456 : i32
      %mul3A_1458 = arith.constant 16 : i32
      %mul3A_1459 = arith.muli %add3A_1457, %mul3A_1458 : i32
      %swap3A_1460 = arith.index_cast %mul3A_1459 : i32 to index
      %swap3A_1461 = tpu.vector_load %arg7[%swap3A_1460] {strides = array<i32>} : memref<8192xf32, #tpu.memory_space<vmem>>, vector<16xf32>,
      tpu.vector_store %arg7[%swap3A_1460], %gather3A_1453 {strides = array<i32>} : memref<8192xf32, #tpu.memory_space<vmem>>, vector<16xf32>,
      %gather3A_1462 = tpu.vector_load_idx %arg9[%add3A_704] : memref<256xf32, #tpu.memory_space<vmem>>[vector<16xi32>], vector<16xf32>,
      %mul3A_1463 = arith.constant 16 : i32
      %mul3A_1464 = arith.muli %scan3A_1232, %mul3A_1463 : i32
      %add3A_1465 = arith.constant 8 : i32
      %add3A_1466 = arith.addi %mul3A_1464, %add3A_1465 : i32
      %mul3A_1467 = arith.constant 16 : i32
      %mul3A_1468 = arith.muli %add3A_1466, %mul3A_1467 : i32
      %swap3A_1469 = arith.index_cast %mul3A_1468 : i32 to index
      %swap3A_1470 = tpu.vector_load %arg7[%swap3A_1469] {strides = array<i32>} : memref<8192xf32, #tpu.memory_space<vmem>>, vector<16xf32>,
      tpu.vector_store %arg7[%swap3A_1469], %gather3A_1462 {strides = array<i32>} : memref<8192xf32, #tpu.memory_space<vmem>>, vector<16xf32>,
      %gather3A_1471 = tpu.vector_load_idx %arg9[%add3A_733] : memref<256xf32, #tpu.memory_space<vmem>>[vector<16xi32>], vector<16xf32>,
      %mul3A_1472 = arith.constant 16 : i32
      %mul3A_1473 = arith.muli %scan3A_1232, %mul3A_1472 : i32
      %add3A_1474 = arith.constant 9 : i32
      %add3A_1475 = arith.addi %mul3A_1473, %add3A_1474 : i32
      %mul3A_1476 = arith.constant 16 : i32
      %mul3A_1477 = arith.muli %add3A_1475, %mul3A_1476 : i32
      %swap3A_1478 = arith.index_cast %mul3A_1477 : i32 to index
      %swap3A_1479 = tpu.vector_load %arg7[%swap3A_1478] {strides = array<i32>} : memref<8192xf32, #tpu.memory_space<vmem>>, vector<16xf32>,
      tpu.vector_store %arg7[%swap3A_1478], %gather3A_1471 {strides = array<i32>} : memref<8192xf32, #tpu.memory_space<vmem>>, vector<16xf32>,
      %gather3A_1480 = tpu.vector_load_idx %arg9[%add3A_762] : memref<256xf32, #tpu.memory_space<vmem>>[vector<16xi32>], vector<16xf32>,
      %mul3A_1481 = arith.constant 16 : i32
      %mul3A_1482 = arith.muli %scan3A_1232, %mul3A_1481 : i32
      %add3A_1483 = arith.constant 10 : i32
      %add3A_1484 = arith.addi %mul3A_1482, %add3A_1483 : i32
      %mul3A_1485 = arith.constant 16 : i32
      %mul3A_1486 = arith.muli %add3A_1484, %mul3A_1485 : i32
      %swap3A_1487 = arith.index_cast %mul3A_1486 : i32 to index
      %swap3A_1488 = tpu.vector_load %arg7[%swap3A_1487] {strides = array<i32>} : memref<8192xf32, #tpu.memory_space<vmem>>, vector<16xf32>,
      tpu.vector_store %arg7[%swap3A_1487], %gather3A_1480 {strides = array<i32>} : memref<8192xf32, #tpu.memory_space<vmem>>, vector<16xf32>,
      %gather3A_1489 = tpu.vector_load_idx %arg9[%add3A_791] : memref<256xf32, #tpu.memory_space<vmem>>[vector<16xi32>], vector<16xf32>,
      %mul3A_1490 = arith.constant 16 : i32
      %mul3A_1491 = arith.muli %scan3A_1232, %mul3A_1490 : i32
      %add3A_1492 = arith.constant 11 : i32
      %add3A_1493 = arith.addi %mul3A_1491, %add3A_1492 : i32
      %mul3A_1494 = arith.constant 16 : i32
      %mul3A_1495 = arith.muli %add3A_1493, %mul3A_1494 : i32
      %swap3A_1496 = arith.index_cast %mul3A_1495 : i32 to index
      %swap3A_1497 = tpu.vector_load %arg7[%swap3A_1496] {strides = array<i32>} : memref<8192xf32, #tpu.memory_space<vmem>>, vector<16xf32>,
      tpu.vector_store %arg7[%swap3A_1496], %gather3A_1489 {strides = array<i32>} : memref<8192xf32, #tpu.memory_space<vmem>>, vector<16xf32>,
      %gather3A_1498 = tpu.vector_load_idx %arg9[%add3A_820] : memref<256xf32, #tpu.memory_space<vmem>>[vector<16xi32>], vector<16xf32>,
      %mul3A_1499 = arith.constant 16 : i32
      %mul3A_1500 = arith.muli %scan3A_1232, %mul3A_1499 : i32
      %add3A_1501 = arith.constant 12 : i32
      %add3A_1502 = arith.addi %mul3A_1500, %add3A_1501 : i32
      %mul3A_1503 = arith.constant 16 : i32
      %mul3A_1504 = arith.muli %add3A_1502, %mul3A_1503 : i32
      %swap3A_1505 = arith.index_cast %mul3A_1504 : i32 to index
      %swap3A_1506 = tpu.vector_load %arg7[%swap3A_1505] {strides = array<i32>} : memref<8192xf32, #tpu.memory_space<vmem>>, vector<16xf32>,
      tpu.vector_store %arg7[%swap3A_1505], %gather3A_1498 {strides = array<i32>} : memref<8192xf32, #tpu.memory_space<vmem>>, vector<16xf32>,
      %gather3A_1507 = tpu.vector_load_idx %arg9[%add3A_849] : memref<256xf32, #tpu.memory_space<vmem>>[vector<16xi32>], vector<16xf32>,
      %mul3A_1508 = arith.constant 16 : i32
      %mul3A_1509 = arith.muli %scan3A_1232, %mul3A_1508 : i32
      %add3A_1510 = arith.constant 13 : i32
      %add3A_1511 = arith.addi %mul3A_1509, %add3A_1510 : i32
      %mul3A_1512 = arith.constant 16 : i32
      %mul3A_1513 = arith.muli %add3A_1511, %mul3A_1512 : i32
      %swap3A_1514 = arith.index_cast %mul3A_1513 : i32 to index
      %swap3A_1515 = tpu.vector_load %arg7[%swap3A_1514] {strides = array<i32>} : memref<8192xf32, #tpu.memory_space<vmem>>, vector<16xf32>,
      tpu.vector_store %arg7[%swap3A_1514], %gather3A_1507 {strides = array<i32>} : memref<8192xf32, #tpu.memory_space<vmem>>, vector<16xf32>,
      %gather3A_1516 = tpu.vector_load_idx %arg9[%add3A_878] : memref<256xf32, #tpu.memory_space<vmem>>[vector<16xi32>], vector<16xf32>,
      %mul3A_1517 = arith.constant 16 : i32
      %mul3A_1518 = arith.muli %scan3A_1232, %mul3A_1517 : i32
      %add3A_1519 = arith.constant 14 : i32
      %add3A_1520 = arith.addi %mul3A_1518, %add3A_1519 : i32
      %mul3A_1521 = arith.constant 16 : i32
      %mul3A_1522 = arith.muli %add3A_1520, %mul3A_1521 : i32
      %swap3A_1523 = arith.index_cast %mul3A_1522 : i32 to index
      %swap3A_1524 = tpu.vector_load %arg7[%swap3A_1523] {strides = array<i32>} : memref<8192xf32, #tpu.memory_space<vmem>>, vector<16xf32>,
      tpu.vector_store %arg7[%swap3A_1523], %gather3A_1516 {strides = array<i32>} : memref<8192xf32, #tpu.memory_space<vmem>>, vector<16xf32>,
      %gather3A_1525 = tpu.vector_load_idx %arg9[%add3A_907] : memref<256xf32, #tpu.memory_space<vmem>>[vector<16xi32>], vector<16xf32>,
      %mul3A_1526 = arith.constant 16 : i32
      %mul3A_1527 = arith.muli %scan3A_1232, %mul3A_1526 : i32
      %add3A_1528 = arith.constant 15 : i32
      %add3A_1529 = arith.addi %mul3A_1527, %add3A_1528 : i32
      %mul3A_1530 = arith.constant 16 : i32
      %mul3A_1531 = arith.muli %add3A_1529, %mul3A_1530 : i32
      %swap3A_1532 = arith.index_cast %mul3A_1531 : i32 to index
      %swap3A_1533 = tpu.vector_load %arg7[%swap3A_1532] {strides = array<i32>} : memref<8192xf32, #tpu.memory_space<vmem>>, vector<16xf32>,
      tpu.vector_store %arg7[%swap3A_1532], %gather3A_1525 {strides = array<i32>} : memref<8192xf32, #tpu.memory_space<vmem>>, vector<16xf32>,
    }
    %scan3A_1204 = arith.constant 32 : i32
    %add3A_1205 = arith.constant 60 : i32
    %add3A_1206 = arith.addi %mul3A_2, %add3A_1205 : i32
    %mul3A_1207 = arith.constant 512 : i32
    %mul3A_1208 = arith.muli %add3A_1206, %mul3A_1207 : i32
    %mul3A_1209 = arith.constant 16 : i32
    %mul3A_1210 = arith.muli %mul3A_1208, %mul3A_1209 : i32
    %dma_start3A_1211 = tpu.memref_slice %arg4[%mul3A_1210] : memref<16000000xf32, #tpu.memory_space<hbm>> -> memref<8192xf32, #tpu.memory_space<hbm>>
    %dma_start3A_1212 = tpu.memref_slice %arg4[%mul3A_1210] : memref<16000000xf32, #tpu.memory_space<hbm>> -> memref<8192xf32, #tpu.memory_space<hbm>>
    tpu.enqueue_dma source(%arg7 : memref<8192xf32, #tpu.memory_space<vmem>>) target(%dma_start3A_1212 : memref<8192xf32, #tpu.memory_space<hbm>>) target_semaphore(%arg11 : memref<!tpu.dma_semaphore, #tpu.memory_space<semaphore_mem>>)
    %add3A_1213 = arith.constant 59 : i32
    %add3A_1214 = arith.addi %mul3A_2, %add3A_1213 : i32
    %mul3A_1215 = arith.constant 512 : i32
    %mul3A_1216 = arith.muli %add3A_1214, %mul3A_1215 : i32
    %mul3A_1217 = arith.constant 16 : i32
    %mul3A_1218 = arith.muli %mul3A_1216, %mul3A_1217 : i32
    %dma_wait3A_1219 = tpu.memref_slice %arg4[%mul3A_1218] : memref<16000000xf32, #tpu.memory_space<hbm>> -> memref<8192xf32, #tpu.memory_space<hbm>>
    %dma_wait3A_1220 = tpu.memref_slice %arg4[%mul3A_1218] : memref<16000000xf32, #tpu.memory_space<hbm>> -> memref<8192xf32, #tpu.memory_space<hbm>>
    tpu.wait_dma2 semaphore(%arg11 : memref<!tpu.dma_semaphore, #tpu.memory_space<semaphore_mem>>) src(%arg8 : memref<8192xf32, #tpu.memory_space<vmem>>) dst(%dma_wait3A_1220 : memref<8192xf32, #tpu.memory_space<hbm>>)
    %add3A_1221 = arith.constant 60 : i32
    %add3A_1222 = arith.addi %mul3A_2, %add3A_1221 : i32
    %mul3A_1223 = arith.constant 512 : i32
    %mul3A_1224 = arith.muli %add3A_1222, %mul3A_1223 : i32
    %mul3A_1225 = arith.constant 16 : i32
    %mul3A_1226 = arith.muli %mul3A_1224, %mul3A_1225 : i32
    %dma_wait3A_1227 = tpu.memref_slice %arg4[%mul3A_1226] : memref<16000000xf32, #tpu.memory_space<hbm>> -> memref<8192xf32, #tpu.memory_space<hbm>>
    %dma_wait3A_1228 = tpu.memref_slice %arg4[%mul3A_1226] : memref<16000000xf32, #tpu.memory_space<hbm>> -> memref<8192xf32, #tpu.memory_space<hbm>>
    tpu.wait_dma2 semaphore(%arg11 : memref<!tpu.dma_semaphore, #tpu.memory_space<semaphore_mem>>) src(%arg7 : memref<8192xf32, #tpu.memory_space<vmem>>) dst(%dma_wait3A_1228 : memref<8192xf32, #tpu.memory_space<hbm>>)
    %eq3A_1229 = arith.constant 31 : i32
    %eq3A_1230 = arith.cmpi eq, %add3A, %eq3A_1229 : i32
    %convert_element_type3A = arith.extui %eq3A_1230 : i1 to i32
    %cond3A = arith.constant 0 : i32
    %cond3A_1231 = arith.cmpi ne, %convert_element_type3A, %cond3A : i32
    scf.if %cond3A_1231 {
      %sub3A = arith.constant 1952 : i32
      %sub3A_1232 = arith.subi %sub3A, %mul3A_2 : i32
      %add3A_1233 = arith.addi %mul3A_2, %sub3A_1232 : i32
      %mul3A_1234 = arith.constant 512 : i32
      %mul3A_1235 = arith.muli %add3A_1233, %mul3A_1234 : i32
      %run_scoped3A = arith.constant 0 : i32
      "tpu.region"() ({
        %run_scoped3A_1251 = tpu.sem_alloc : memref<!tpu.dma_semaphore, #tpu.memory_space<semaphore_mem>>
        %dma_start3A_1252 = arith.constant 0 : i32
        %dma_start3A_1253 = arith.constant 0 : i32
        %dma_start3A_1254 = arith.constant 0 : i32
        %dma_start3A_1255 = tpu.memref_slice %arg5[%run_scoped3A, %dma_start3A_1252, %dma_start3A_1253, %dma_start3A_1254] : memref<2x1x8x512xf32, #tpu.memory_space<vmem>> -> memref<1x1x8x512xf32, #tpu.memory_space<vmem>>
        %dma_start3A_1256 = tpu.memref_squeeze %dma_start3A_1255 : memref<1x1x8x512xf32, #tpu.memory_space<vmem>> -> memref<1x8x512xf32, #tpu.memory_space<vmem>>
        %dma_start3A_1257 = arith.constant 0 : i32
        %dma_start3A_1258 = arith.constant 0 : i32
        %dma_start3A_1259 = tpu.memref_slice %arg2[%dma_start3A_1257, %dma_start3A_1258, %mul3A_1235] : memref<2x8x1000000xf32, #tpu.memory_space<hbm>> -> memref<1x8x512xf32, #tpu.memory_space<hbm>>
        %dma_start3A_1260 = arith.constant 0 : i32
        %dma_start3A_1261 = arith.constant 0 : i32
        %dma_start3A_1262 = arith.constant 0 : i32
        %dma_start3A_1263 = tpu.memref_slice %arg5[%run_scoped3A, %dma_start3A_1260, %dma_start3A_1261, %dma_start3A_1262] : memref<2x1x8x512xf32, #tpu.memory_space<vmem>> -> memref<1x1x8x512xf32, #tpu.memory_space<vmem>>
        %dma_start3A_1264 = tpu.memref_squeeze %dma_start3A_1263 : memref<1x1x8x512xf32, #tpu.memory_space<vmem>> -> memref<1x8x512xf32, #tpu.memory_space<vmem>>
        %dma_start3A_1265 = arith.constant 0 : i32
        %dma_start3A_1266 = arith.constant 0 : i32
        %dma_start3A_1267 = tpu.memref_slice %arg2[%dma_start3A_1265, %dma_start3A_1266, %mul3A_1235] : memref<2x8x1000000xf32, #tpu.memory_space<hbm>> -> memref<1x8x512xf32, #tpu.memory_space<hbm>>
        tpu.enqueue_dma source(%dma_start3A_1267 : memref<1x8x512xf32, #tpu.memory_space<hbm>>) target(%dma_start3A_1264 : memref<1x8x512xf32, #tpu.memory_space<vmem>>) target_semaphore(%run_scoped3A_1251 : memref<!tpu.dma_semaphore, #tpu.memory_space<semaphore_mem>>)
        %dma_wait3A_1268 = arith.constant 0 : i32
        %dma_wait3A_1269 = arith.constant 0 : i32
        %dma_wait3A_1270 = arith.constant 0 : i32
        %dma_wait3A_1271 = tpu.memref_slice %arg5[%run_scoped3A, %dma_wait3A_1268, %dma_wait3A_1269, %dma_wait3A_1270] : memref<2x1x8x512xf32, #tpu.memory_space<vmem>> -> memref<1x1x8x512xf32, #tpu.memory_space<vmem>>
        %dma_wait3A_1272 = tpu.memref_squeeze %dma_wait3A_1271 : memref<1x1x8x512xf32, #tpu.memory_space<vmem>> -> memref<1x8x512xf32, #tpu.memory_space<vmem>>
        %dma_wait3A_1273 = arith.constant 0 : i32
        %dma_wait3A_1274 = arith.constant 0 : i32
        %dma_wait3A_1275 = tpu.memref_slice %arg2[%dma_wait3A_1273, %dma_wait3A_1274, %mul3A_1235] : memref<2x8x1000000xf32, #tpu.memory_space<hbm>> -> memref<1x8x512xf32, #tpu.memory_space<hbm>>
        %dma_wait3A_1276 = arith.constant 0 : i32
        %dma_wait3A_1277 = arith.constant 0 : i32
        %dma_wait3A_1278 = arith.constant 0 : i32
        %dma_wait3A_1279 = tpu.memref_slice %arg5[%run_scoped3A, %dma_wait3A_1276, %dma_wait3A_1277, %dma_wait3A_1278] : memref<2x1x8x512xf32, #tpu.memory_space<vmem>> -> memref<1x1x8x512xf32, #tpu.memory_space<vmem>>
        %dma_wait3A_1280 = tpu.memref_squeeze %dma_wait3A_1279 : memref<1x1x8x512xf32, #tpu.memory_space<vmem>> -> memref<1x8x512xf32, #tpu.memory_space<vmem>>
        %dma_wait3A_1281 = arith.constant 0 : i32
        %dma_wait3A_1282 = arith.constant 0 : i32
        %dma_wait3A_1283 = tpu.memref_slice %arg2[%dma_wait3A_1281, %dma_wait3A_1282, %mul3A_1235] : memref<2x8x1000000xf32, #tpu.memory_space<hbm>> -> memref<1x8x512xf32, #tpu.memory_space<hbm>>
        tpu.wait_dma2 semaphore(%run_scoped3A_1251 : memref<!tpu.dma_semaphore, #tpu.memory_space<semaphore_mem>>) src(%dma_wait3A_1283 : memref<1x8x512xf32, #tpu.memory_space<hbm>>) dst(%dma_wait3A_1280 : memref<1x8x512xf32, #tpu.memory_space<vmem>>)
        tpu.yield
      }) : () -> ()
      %add3A_1236 = arith.addi %mul3A_2, %sub3A_1232 : i32
      %mul3A_1237 = arith.constant 512 : i32
      %mul3A_1238 = arith.muli %add3A_1236, %mul3A_1237 : i32
      %run_scoped3A_1239 = arith.constant 1 : i32
      "tpu.region"() ({
        %run_scoped3A_1251 = tpu.sem_alloc : memref<!tpu.dma_semaphore, #tpu.memory_space<semaphore_mem>>
        %dma_start3A_1252 = arith.constant 0 : i32
        %dma_start3A_1253 = arith.constant 0 : i32
        %dma_start3A_1254 = arith.constant 0 : i32
        %dma_start3A_1255 = tpu.memref_slice %arg5[%run_scoped3A_1239, %dma_start3A_1252, %dma_start3A_1253, %dma_start3A_1254] : memref<2x1x8x512xf32, #tpu.memory_space<vmem>> -> memref<1x1x8x512xf32, #tpu.memory_space<vmem>>
        %dma_start3A_1256 = tpu.memref_squeeze %dma_start3A_1255 : memref<1x1x8x512xf32, #tpu.memory_space<vmem>> -> memref<1x8x512xf32, #tpu.memory_space<vmem>>
        %dma_start3A_1257 = arith.constant 1 : i32
        %dma_start3A_1258 = arith.constant 0 : i32
        %dma_start3A_1259 = tpu.memref_slice %arg2[%dma_start3A_1257, %dma_start3A_1258, %mul3A_1238] : memref<2x8x1000000xf32, #tpu.memory_space<hbm>> -> memref<1x8x512xf32, #tpu.memory_space<hbm>>
        %dma_start3A_1260 = arith.constant 0 : i32
        %dma_start3A_1261 = arith.constant 0 : i32
        %dma_start3A_1262 = arith.constant 0 : i32
        %dma_start3A_1263 = tpu.memref_slice %arg5[%run_scoped3A_1239, %dma_start3A_1260, %dma_start3A_1261, %dma_start3A_1262] : memref<2x1x8x512xf32, #tpu.memory_space<vmem>> -> memref<1x1x8x512xf32, #tpu.memory_space<vmem>>
        %dma_start3A_1264 = tpu.memref_squeeze %dma_start3A_1263 : memref<1x1x8x512xf32, #tpu.memory_space<vmem>> -> memref<1x8x512xf32, #tpu.memory_space<vmem>>
        %dma_start3A_1265 = arith.constant 1 : i32
        %dma_start3A_1266 = arith.constant 0 : i32
        %dma_start3A_1267 = tpu.memref_slice %arg2[%dma_start3A_1265, %dma_start3A_1266, %mul3A_1238] : memref<2x8x1000000xf32, #tpu.memory_space<hbm>> -> memref<1x8x512xf32, #tpu.memory_space<hbm>>
        tpu.enqueue_dma source(%dma_start3A_1267 : memref<1x8x512xf32, #tpu.memory_space<hbm>>) target(%dma_start3A_1264 : memref<1x8x512xf32, #tpu.memory_space<vmem>>) target_semaphore(%run_scoped3A_1251 : memref<!tpu.dma_semaphore, #tpu.memory_space<semaphore_mem>>)
        %dma_wait3A_1268 = arith.constant 0 : i32
        %dma_wait3A_1269 = arith.constant 0 : i32
        %dma_wait3A_1270 = arith.constant 0 : i32
        %dma_wait3A_1271 = tpu.memref_slice %arg5[%run_scoped3A_1239, %dma_wait3A_1268, %dma_wait3A_1269, %dma_wait3A_1270] : memref<2x1x8x512xf32, #tpu.memory_space<vmem>> -> memref<1x1x8x512xf32, #tpu.memory_space<vmem>>
        %dma_wait3A_1272 = tpu.memref_squeeze %dma_wait3A_1271 : memref<1x1x8x512xf32, #tpu.memory_space<vmem>> -> memref<1x8x512xf32, #tpu.memory_space<vmem>>
        %dma_wait3A_1273 = arith.constant 1 : i32
        %dma_wait3A_1274 = arith.constant 0 : i32
        %dma_wait3A_1275 = tpu.memref_slice %arg2[%dma_wait3A_1273, %dma_wait3A_1274, %mul3A_1238] : memref<2x8x1000000xf32, #tpu.memory_space<hbm>> -> memref<1x8x512xf32, #tpu.memory_space<hbm>>
        %dma_wait3A_1276 = arith.constant 0 : i32
        %dma_wait3A_1277 = arith.constant 0 : i32
        %dma_wait3A_1278 = arith.constant 0 : i32
        %dma_wait3A_1279 = tpu.memref_slice %arg5[%run_scoped3A_1239, %dma_wait3A_1276, %dma_wait3A_1277, %dma_wait3A_1278] : memref<2x1x8x512xf32, #tpu.memory_space<vmem>> -> memref<1x1x8x512xf32, #tpu.memory_space<vmem>>
        %dma_wait3A_1280 = tpu.memref_squeeze %dma_wait3A_1279 : memref<1x1x8x512xf32, #tpu.memory_space<vmem>> -> memref<1x8x512xf32, #tpu.memory_space<vmem>>
        %dma_wait3A_1281 = arith.constant 1 : i32
        %dma_wait3A_1282 = arith.constant 0 : i32
        %dma_wait3A_1283 = tpu.memref_slice %arg2[%dma_wait3A_1281, %dma_wait3A_1282, %mul3A_1238] : memref<2x8x1000000xf32, #tpu.memory_space<hbm>> -> memref<1x8x512xf32, #tpu.memory_space<hbm>>
        tpu.wait_dma2 semaphore(%run_scoped3A_1251 : memref<!tpu.dma_semaphore, #tpu.memory_space<semaphore_mem>>) src(%dma_wait3A_1283 : memref<1x8x512xf32, #tpu.memory_space<hbm>>) dst(%dma_wait3A_1280 : memref<1x8x512xf32, #tpu.memory_space<vmem>>)
        tpu.yield
      }) : () -> ()
      %scan3A_1240 = arith.constant 0 : i32
      %scan3A_1241 = arith.constant 0 : i32
      %scan3A_1242 = arith.constant 32 : i32
      %scan3A_1243 = arith.addi %scan3A_1241, %scan3A_1242 : i32
      %scan3A_1244 = arith.constant 1 : i32
      scf.for %scan3A_1251 = %scan3A_1241 to %scan3A_1243 step %scan3A_1244  : i32 {
        %mul3A_1252 = arith.constant 16 : i32
        %mul3A_1253 = arith.muli %scan3A_1251, %mul3A_1252 : i32
        %get3A = arith.constant 0 : i32
        %get3A_1254 = arith.constant 0 : i32
        %get3A_1255 = arith.constant 0 : i32
        %get3A_1256 = arith.index_cast %get3A : i32 to index
        %get3A_1257 = arith.index_cast %get3A_1254 : i32 to index
        %get3A_1258 = arith.index_cast %get3A_1255 : i32 to index
        %get3A_1259 = arith.index_cast %mul3A_1253 : i32 to index
        %get3A_1260 = tpu.vector_load %arg5[%get3A_1256, %get3A_1257, %get3A_1258, %get3A_1259] {strides = array<i32>} : memref<2x1x8x512xf32, #tpu.memory_space<vmem>>, vector<16xf32>,
        tpu.vector_store_idx %arg9[%add3A_23], %get3A_1260 : memref<256xf32, #tpu.memory_space<vmem>>[vector<16xi32>], vector<16xf32>,
        %mul3A_1261 = arith.constant 16 : i32
        %mul3A_1262 = arith.muli %scan3A_1251, %mul3A_1261 : i32
        %get3A_1263 = arith.constant 0 : i32
        %get3A_1264 = arith.constant 0 : i32
        %get3A_1265 = arith.constant 1 : i32
        %get3A_1266 = arith.index_cast %get3A_1263 : i32 to index
        %get3A_1267 = arith.index_cast %get3A_1264 : i32 to index
        %get3A_1268 = arith.index_cast %get3A_1265 : i32 to index
        %get3A_1269 = arith.index_cast %mul3A_1262 : i32 to index
        %get3A_1270 = tpu.vector_load %arg5[%get3A_1266, %get3A_1267, %get3A_1268, %get3A_1269] {strides = array<i32>} : memref<2x1x8x512xf32, #tpu.memory_space<vmem>>, vector<16xf32>,
        tpu.vector_store_idx %arg9[%add3A_51], %get3A_1270 : memref<256xf32, #tpu.memory_space<vmem>>[vector<16xi32>], vector<16xf32>,
        %mul3A_1271 = arith.constant 16 : i32
        %mul3A_1272 = arith.muli %scan3A_1251, %mul3A_1271 : i32
        %get3A_1273 = arith.constant 0 : i32
        %get3A_1274 = arith.constant 0 : i32
        %get3A_1275 = arith.constant 2 : i32
        %get3A_1276 = arith.index_cast %get3A_1273 : i32 to index
        %get3A_1277 = arith.index_cast %get3A_1274 : i32 to index
        %get3A_1278 = arith.index_cast %get3A_1275 : i32 to index
        %get3A_1279 = arith.index_cast %mul3A_1272 : i32 to index
        %get3A_1280 = tpu.vector_load %arg5[%get3A_1276, %get3A_1277, %get3A_1278, %get3A_1279] {strides = array<i32>} : memref<2x1x8x512xf32, #tpu.memory_space<vmem>>, vector<16xf32>,
        tpu.vector_store_idx %arg9[%add3A_79], %get3A_1280 : memref<256xf32, #tpu.memory_space<vmem>>[vector<16xi32>], vector<16xf32>,
        %mul3A_1281 = arith.constant 16 : i32
        %mul3A_1282 = arith.muli %scan3A_1251, %mul3A_1281 : i32
        %get3A_1283 = arith.constant 0 : i32
        %get3A_1284 = arith.constant 0 : i32
        %get3A_1285 = arith.constant 3 : i32
        %get3A_1286 = arith.index_cast %get3A_1283 : i32 to index
        %get3A_1287 = arith.index_cast %get3A_1284 : i32 to index
        %get3A_1288 = arith.index_cast %get3A_1285 : i32 to index
        %get3A_1289 = arith.index_cast %mul3A_1282 : i32 to index
        %get3A_1290 = tpu.vector_load %arg5[%get3A_1286, %get3A_1287, %get3A_1288, %get3A_1289] {strides = array<i32>} : memref<2x1x8x512xf32, #tpu.memory_space<vmem>>, vector<16xf32>,
        tpu.vector_store_idx %arg9[%add3A_107], %get3A_1290 : memref<256xf32, #tpu.memory_space<vmem>>[vector<16xi32>], vector<16xf32>,
        %mul3A_1291 = arith.constant 16 : i32
        %mul3A_1292 = arith.muli %scan3A_1251, %mul3A_1291 : i32
        %get3A_1293 = arith.constant 0 : i32
        %get3A_1294 = arith.constant 0 : i32
        %get3A_1295 = arith.constant 4 : i32
        %get3A_1296 = arith.index_cast %get3A_1293 : i32 to index
        %get3A_1297 = arith.index_cast %get3A_1294 : i32 to index
        %get3A_1298 = arith.index_cast %get3A_1295 : i32 to index
        %get3A_1299 = arith.index_cast %mul3A_1292 : i32 to index
        %get3A_1300 = tpu.vector_load %arg5[%get3A_1296, %get3A_1297, %get3A_1298, %get3A_1299] {strides = array<i32>} : memref<2x1x8x512xf32, #tpu.memory_space<vmem>>, vector<16xf32>,
        tpu.vector_store_idx %arg9[%add3A_135], %get3A_1300 : memref<256xf32, #tpu.memory_space<vmem>>[vector<16xi32>], vector<16xf32>,
        %mul3A_1301 = arith.constant 16 : i32
        %mul3A_1302 = arith.muli %scan3A_1251, %mul3A_1301 : i32
        %get3A_1303 = arith.constant 0 : i32
        %get3A_1304 = arith.constant 0 : i32
        %get3A_1305 = arith.constant 5 : i32
        %get3A_1306 = arith.index_cast %get3A_1303 : i32 to index
        %get3A_1307 = arith.index_cast %get3A_1304 : i32 to index
        %get3A_1308 = arith.index_cast %get3A_1305 : i32 to index
        %get3A_1309 = arith.index_cast %mul3A_1302 : i32 to index
        %get3A_1310 = tpu.vector_load %arg5[%get3A_1306, %get3A_1307, %get3A_1308, %get3A_1309] {strides = array<i32>} : memref<2x1x8x512xf32, #tpu.memory_space<vmem>>, vector<16xf32>,
        tpu.vector_store_idx %arg9[%add3A_163], %get3A_1310 : memref<256xf32, #tpu.memory_space<vmem>>[vector<16xi32>], vector<16xf32>,
        %mul3A_1311 = arith.constant 16 : i32
        %mul3A_1312 = arith.muli %scan3A_1251, %mul3A_1311 : i32
        %get3A_1313 = arith.constant 0 : i32
        %get3A_1314 = arith.constant 0 : i32
        %get3A_1315 = arith.constant 6 : i32
        %get3A_1316 = arith.index_cast %get3A_1313 : i32 to index
        %get3A_1317 = arith.index_cast %get3A_1314 : i32 to index
        %get3A_1318 = arith.index_cast %get3A_1315 : i32 to index
        %get3A_1319 = arith.index_cast %mul3A_1312 : i32 to index
        %get3A_1320 = tpu.vector_load %arg5[%get3A_1316, %get3A_1317, %get3A_1318, %get3A_1319] {strides = array<i32>} : memref<2x1x8x512xf32, #tpu.memory_space<vmem>>, vector<16xf32>,
        tpu.vector_store_idx %arg9[%add3A_191], %get3A_1320 : memref<256xf32, #tpu.memory_space<vmem>>[vector<16xi32>], vector<16xf32>,
        %mul3A_1321 = arith.constant 16 : i32
        %mul3A_1322 = arith.muli %scan3A_1251, %mul3A_1321 : i32
        %get3A_1323 = arith.constant 0 : i32
        %get3A_1324 = arith.constant 0 : i32
        %get3A_1325 = arith.constant 7 : i32
        %get3A_1326 = arith.index_cast %get3A_1323 : i32 to index
        %get3A_1327 = arith.index_cast %get3A_1324 : i32 to index
        %get3A_1328 = arith.index_cast %get3A_1325 : i32 to index
        %get3A_1329 = arith.index_cast %mul3A_1322 : i32 to index
        %get3A_1330 = tpu.vector_load %arg5[%get3A_1326, %get3A_1327, %get3A_1328, %get3A_1329] {strides = array<i32>} : memref<2x1x8x512xf32, #tpu.memory_space<vmem>>, vector<16xf32>,
        tpu.vector_store_idx %arg9[%add3A_219], %get3A_1330 : memref<256xf32, #tpu.memory_space<vmem>>[vector<16xi32>], vector<16xf32>,
        %mul3A_1331 = arith.constant 16 : i32
        %mul3A_1332 = arith.muli %scan3A_1251, %mul3A_1331 : i32
        %get3A_1333 = arith.constant 1 : i32
        %get3A_1334 = arith.constant 0 : i32
        %get3A_1335 = arith.constant 0 : i32
        %get3A_1336 = arith.index_cast %get3A_1333 : i32 to index
        %get3A_1337 = arith.index_cast %get3A_1334 : i32 to index
        %get3A_1338 = arith.index_cast %get3A_1335 : i32 to index
        %get3A_1339 = arith.index_cast %mul3A_1332 : i32 to index
        %get3A_1340 = tpu.vector_load %arg5[%get3A_1336, %get3A_1337, %get3A_1338, %get3A_1339] {strides = array<i32>} : memref<2x1x8x512xf32, #tpu.memory_space<vmem>>, vector<16xf32>,
        tpu.vector_store_idx %arg9[%add3A_247], %get3A_1340 : memref<256xf32, #tpu.memory_space<vmem>>[vector<16xi32>], vector<16xf32>,
        %mul3A_1341 = arith.constant 16 : i32
        %mul3A_1342 = arith.muli %scan3A_1251, %mul3A_1341 : i32
        %get3A_1343 = arith.constant 1 : i32
        %get3A_1344 = arith.constant 0 : i32
        %get3A_1345 = arith.constant 1 : i32
        %get3A_1346 = arith.index_cast %get3A_1343 : i32 to index
        %get3A_1347 = arith.index_cast %get3A_1344 : i32 to index
        %get3A_1348 = arith.index_cast %get3A_1345 : i32 to index
        %get3A_1349 = arith.index_cast %mul3A_1342 : i32 to index
        %get3A_1350 = tpu.vector_load %arg5[%get3A_1346, %get3A_1347, %get3A_1348, %get3A_1349] {strides = array<i32>} : memref<2x1x8x512xf32, #tpu.memory_space<vmem>>, vector<16xf32>,
        tpu.vector_store_idx %arg9[%add3A_275], %get3A_1350 : memref<256xf32, #tpu.memory_space<vmem>>[vector<16xi32>], vector<16xf32>,
        %mul3A_1351 = arith.constant 16 : i32
        %mul3A_1352 = arith.muli %scan3A_1251, %mul3A_1351 : i32
        %get3A_1353 = arith.constant 1 : i32
        %get3A_1354 = arith.constant 0 : i32
        %get3A_1355 = arith.constant 2 : i32
        %get3A_1356 = arith.index_cast %get3A_1353 : i32 to index
        %get3A_1357 = arith.index_cast %get3A_1354 : i32 to index
        %get3A_1358 = arith.index_cast %get3A_1355 : i32 to index
        %get3A_1359 = arith.index_cast %mul3A_1352 : i32 to index
        %get3A_1360 = tpu.vector_load %arg5[%get3A_1356, %get3A_1357, %get3A_1358, %get3A_1359] {strides = array<i32>} : memref<2x1x8x512xf32, #tpu.memory_space<vmem>>, vector<16xf32>,
        tpu.vector_store_idx %arg9[%add3A_303], %get3A_1360 : memref<256xf32, #tpu.memory_space<vmem>>[vector<16xi32>], vector<16xf32>,
        %mul3A_1361 = arith.constant 16 : i32
        %mul3A_1362 = arith.muli %scan3A_1251, %mul3A_1361 : i32
        %get3A_1363 = arith.constant 1 : i32
        %get3A_1364 = arith.constant 0 : i32
        %get3A_1365 = arith.constant 3 : i32
        %get3A_1366 = arith.index_cast %get3A_1363 : i32 to index
        %get3A_1367 = arith.index_cast %get3A_1364 : i32 to index
        %get3A_1368 = arith.index_cast %get3A_1365 : i32 to index
        %get3A_1369 = arith.index_cast %mul3A_1362 : i32 to index
        %get3A_1370 = tpu.vector_load %arg5[%get3A_1366, %get3A_1367, %get3A_1368, %get3A_1369] {strides = array<i32>} : memref<2x1x8x512xf32, #tpu.memory_space<vmem>>, vector<16xf32>,
        tpu.vector_store_idx %arg9[%add3A_331], %get3A_1370 : memref<256xf32, #tpu.memory_space<vmem>>[vector<16xi32>], vector<16xf32>,
        %mul3A_1371 = arith.constant 16 : i32
        %mul3A_1372 = arith.muli %scan3A_1251, %mul3A_1371 : i32
        %get3A_1373 = arith.constant 1 : i32
        %get3A_1374 = arith.constant 0 : i32
        %get3A_1375 = arith.constant 4 : i32
        %get3A_1376 = arith.index_cast %get3A_1373 : i32 to index
        %get3A_1377 = arith.index_cast %get3A_1374 : i32 to index
        %get3A_1378 = arith.index_cast %get3A_1375 : i32 to index
        %get3A_1379 = arith.index_cast %mul3A_1372 : i32 to index
        %get3A_1380 = tpu.vector_load %arg5[%get3A_1376, %get3A_1377, %get3A_1378, %get3A_1379] {strides = array<i32>} : memref<2x1x8x512xf32, #tpu.memory_space<vmem>>, vector<16xf32>,
        tpu.vector_store_idx %arg9[%add3A_359], %get3A_1380 : memref<256xf32, #tpu.memory_space<vmem>>[vector<16xi32>], vector<16xf32>,
        %mul3A_1381 = arith.constant 16 : i32
        %mul3A_1382 = arith.muli %scan3A_1251, %mul3A_1381 : i32
        %get3A_1383 = arith.constant 1 : i32
        %get3A_1384 = arith.constant 0 : i32
        %get3A_1385 = arith.constant 5 : i32
        %get3A_1386 = arith.index_cast %get3A_1383 : i32 to index
        %get3A_1387 = arith.index_cast %get3A_1384 : i32 to index
        %get3A_1388 = arith.index_cast %get3A_1385 : i32 to index
        %get3A_1389 = arith.index_cast %mul3A_1382 : i32 to index
        %get3A_1390 = tpu.vector_load %arg5[%get3A_1386, %get3A_1387, %get3A_1388, %get3A_1389] {strides = array<i32>} : memref<2x1x8x512xf32, #tpu.memory_space<vmem>>, vector<16xf32>,
        tpu.vector_store_idx %arg9[%add3A_387], %get3A_1390 : memref<256xf32, #tpu.memory_space<vmem>>[vector<16xi32>], vector<16xf32>,
        %mul3A_1391 = arith.constant 16 : i32
        %mul3A_1392 = arith.muli %scan3A_1251, %mul3A_1391 : i32
        %get3A_1393 = arith.constant 1 : i32
        %get3A_1394 = arith.constant 0 : i32
        %get3A_1395 = arith.constant 6 : i32
        %get3A_1396 = arith.index_cast %get3A_1393 : i32 to index
        %get3A_1397 = arith.index_cast %get3A_1394 : i32 to index
        %get3A_1398 = arith.index_cast %get3A_1395 : i32 to index
        %get3A_1399 = arith.index_cast %mul3A_1392 : i32 to index
        %get3A_1400 = tpu.vector_load %arg5[%get3A_1396, %get3A_1397, %get3A_1398, %get3A_1399] {strides = array<i32>} : memref<2x1x8x512xf32, #tpu.memory_space<vmem>>, vector<16xf32>,
        tpu.vector_store_idx %arg9[%add3A_415], %get3A_1400 : memref<256xf32, #tpu.memory_space<vmem>>[vector<16xi32>], vector<16xf32>,
        %mul3A_1401 = arith.constant 16 : i32
        %mul3A_1402 = arith.muli %scan3A_1251, %mul3A_1401 : i32
        %get3A_1403 = arith.constant 1 : i32
        %get3A_1404 = arith.constant 0 : i32
        %get3A_1405 = arith.constant 7 : i32
        %get3A_1406 = arith.index_cast %get3A_1403 : i32 to index
        %get3A_1407 = arith.index_cast %get3A_1404 : i32 to index
        %get3A_1408 = arith.index_cast %get3A_1405 : i32 to index
        %get3A_1409 = arith.index_cast %mul3A_1402 : i32 to index
        %get3A_1410 = tpu.vector_load %arg5[%get3A_1406, %get3A_1407, %get3A_1408, %get3A_1409] {strides = array<i32>} : memref<2x1x8x512xf32, #tpu.memory_space<vmem>>, vector<16xf32>,
        tpu.vector_store_idx %arg9[%add3A_443], %get3A_1410 : memref<256xf32, #tpu.memory_space<vmem>>[vector<16xi32>], vector<16xf32>,
        %gather3A = tpu.vector_load_idx %arg9[%add3A_472] : memref<256xf32, #tpu.memory_space<vmem>>[vector<16xi32>], vector<16xf32>,
        %mul3A_1411 = arith.constant 16 : i32
        %mul3A_1412 = arith.muli %scan3A_1251, %mul3A_1411 : i32
        %add3A_1413 = arith.constant 0 : i32
        %add3A_1414 = arith.addi %mul3A_1412, %add3A_1413 : i32
        %mul3A_1415 = arith.constant 16 : i32
        %mul3A_1416 = arith.muli %add3A_1414, %mul3A_1415 : i32
        %swap3A = arith.index_cast %mul3A_1416 : i32 to index
        %swap3A_1417 = tpu.vector_load %arg7[%swap3A] {strides = array<i32>} : memref<8192xf32, #tpu.memory_space<vmem>>, vector<16xf32>,
        tpu.vector_store %arg7[%swap3A], %gather3A {strides = array<i32>} : memref<8192xf32, #tpu.memory_space<vmem>>, vector<16xf32>,
        %gather3A_1418 = tpu.vector_load_idx %arg9[%add3A_501] : memref<256xf32, #tpu.memory_space<vmem>>[vector<16xi32>], vector<16xf32>,
        %mul3A_1419 = arith.constant 16 : i32
        %mul3A_1420 = arith.muli %scan3A_1251, %mul3A_1419 : i32
        %add3A_1421 = arith.constant 1 : i32
        %add3A_1422 = arith.addi %mul3A_1420, %add3A_1421 : i32
        %mul3A_1423 = arith.constant 16 : i32
        %mul3A_1424 = arith.muli %add3A_1422, %mul3A_1423 : i32
        %swap3A_1425 = arith.index_cast %mul3A_1424 : i32 to index
        %swap3A_1426 = tpu.vector_load %arg7[%swap3A_1425] {strides = array<i32>} : memref<8192xf32, #tpu.memory_space<vmem>>, vector<16xf32>,
        tpu.vector_store %arg7[%swap3A_1425], %gather3A_1418 {strides = array<i32>} : memref<8192xf32, #tpu.memory_space<vmem>>, vector<16xf32>,
        %gather3A_1427 = tpu.vector_load_idx %arg9[%add3A_530] : memref<256xf32, #tpu.memory_space<vmem>>[vector<16xi32>], vector<16xf32>,
        %mul3A_1428 = arith.constant 16 : i32
        %mul3A_1429 = arith.muli %scan3A_1251, %mul3A_1428 : i32
        %add3A_1430 = arith.constant 2 : i32
        %add3A_1431 = arith.addi %mul3A_1429, %add3A_1430 : i32
        %mul3A_1432 = arith.constant 16 : i32
        %mul3A_1433 = arith.muli %add3A_1431, %mul3A_1432 : i32
        %swap3A_1434 = arith.index_cast %mul3A_1433 : i32 to index
        %swap3A_1435 = tpu.vector_load %arg7[%swap3A_1434] {strides = array<i32>} : memref<8192xf32, #tpu.memory_space<vmem>>, vector<16xf32>,
        tpu.vector_store %arg7[%swap3A_1434], %gather3A_1427 {strides = array<i32>} : memref<8192xf32, #tpu.memory_space<vmem>>, vector<16xf32>,
        %gather3A_1436 = tpu.vector_load_idx %arg9[%add3A_559] : memref<256xf32, #tpu.memory_space<vmem>>[vector<16xi32>], vector<16xf32>,
        %mul3A_1437 = arith.constant 16 : i32
        %mul3A_1438 = arith.muli %scan3A_1251, %mul3A_1437 : i32
        %add3A_1439 = arith.constant 3 : i32
        %add3A_1440 = arith.addi %mul3A_1438, %add3A_1439 : i32
        %mul3A_1441 = arith.constant 16 : i32
        %mul3A_1442 = arith.muli %add3A_1440, %mul3A_1441 : i32
        %swap3A_1443 = arith.index_cast %mul3A_1442 : i32 to index
        %swap3A_1444 = tpu.vector_load %arg7[%swap3A_1443] {strides = array<i32>} : memref<8192xf32, #tpu.memory_space<vmem>>, vector<16xf32>,
        tpu.vector_store %arg7[%swap3A_1443], %gather3A_1436 {strides = array<i32>} : memref<8192xf32, #tpu.memory_space<vmem>>, vector<16xf32>,
        %gather3A_1445 = tpu.vector_load_idx %arg9[%add3A_588] : memref<256xf32, #tpu.memory_space<vmem>>[vector<16xi32>], vector<16xf32>,
        %mul3A_1446 = arith.constant 16 : i32
        %mul3A_1447 = arith.muli %scan3A_1251, %mul3A_1446 : i32
        %add3A_1448 = arith.constant 4 : i32
        %add3A_1449 = arith.addi %mul3A_1447, %add3A_1448 : i32
        %mul3A_1450 = arith.constant 16 : i32
        %mul3A_1451 = arith.muli %add3A_1449, %mul3A_1450 : i32
        %swap3A_1452 = arith.index_cast %mul3A_1451 : i32 to index
        %swap3A_1453 = tpu.vector_load %arg7[%swap3A_1452] {strides = array<i32>} : memref<8192xf32, #tpu.memory_space<vmem>>, vector<16xf32>,
        tpu.vector_store %arg7[%swap3A_1452], %gather3A_1445 {strides = array<i32>} : memref<8192xf32, #tpu.memory_space<vmem>>, vector<16xf32>,
        %gather3A_1454 = tpu.vector_load_idx %arg9[%add3A_617] : memref<256xf32, #tpu.memory_space<vmem>>[vector<16xi32>], vector<16xf32>,
        %mul3A_1455 = arith.constant 16 : i32
        %mul3A_1456 = arith.muli %scan3A_1251, %mul3A_1455 : i32
        %add3A_1457 = arith.constant 5 : i32
        %add3A_1458 = arith.addi %mul3A_1456, %add3A_1457 : i32
        %mul3A_1459 = arith.constant 16 : i32
        %mul3A_1460 = arith.muli %add3A_1458, %mul3A_1459 : i32
        %swap3A_1461 = arith.index_cast %mul3A_1460 : i32 to index
        %swap3A_1462 = tpu.vector_load %arg7[%swap3A_1461] {strides = array<i32>} : memref<8192xf32, #tpu.memory_space<vmem>>, vector<16xf32>,
        tpu.vector_store %arg7[%swap3A_1461], %gather3A_1454 {strides = array<i32>} : memref<8192xf32, #tpu.memory_space<vmem>>, vector<16xf32>,
        %gather3A_1463 = tpu.vector_load_idx %arg9[%add3A_646] : memref<256xf32, #tpu.memory_space<vmem>>[vector<16xi32>], vector<16xf32>,
        %mul3A_1464 = arith.constant 16 : i32
        %mul3A_1465 = arith.muli %scan3A_1251, %mul3A_1464 : i32
        %add3A_1466 = arith.constant 6 : i32
        %add3A_1467 = arith.addi %mul3A_1465, %add3A_1466 : i32
        %mul3A_1468 = arith.constant 16 : i32
        %mul3A_1469 = arith.muli %add3A_1467, %mul3A_1468 : i32
        %swap3A_1470 = arith.index_cast %mul3A_1469 : i32 to index
        %swap3A_1471 = tpu.vector_load %arg7[%swap3A_1470] {strides = array<i32>} : memref<8192xf32, #tpu.memory_space<vmem>>, vector<16xf32>,
        tpu.vector_store %arg7[%swap3A_1470], %gather3A_1463 {strides = array<i32>} : memref<8192xf32, #tpu.memory_space<vmem>>, vector<16xf32>,
        %gather3A_1472 = tpu.vector_load_idx %arg9[%add3A_675] : memref<256xf32, #tpu.memory_space<vmem>>[vector<16xi32>], vector<16xf32>,
        %mul3A_1473 = arith.constant 16 : i32
        %mul3A_1474 = arith.muli %scan3A_1251, %mul3A_1473 : i32
        %add3A_1475 = arith.constant 7 : i32
        %add3A_1476 = arith.addi %mul3A_1474, %add3A_1475 : i32
        %mul3A_1477 = arith.constant 16 : i32
        %mul3A_1478 = arith.muli %add3A_1476, %mul3A_1477 : i32
        %swap3A_1479 = arith.index_cast %mul3A_1478 : i32 to index
        %swap3A_1480 = tpu.vector_load %arg7[%swap3A_1479] {strides = array<i32>} : memref<8192xf32, #tpu.memory_space<vmem>>, vector<16xf32>,
        tpu.vector_store %arg7[%swap3A_1479], %gather3A_1472 {strides = array<i32>} : memref<8192xf32, #tpu.memory_space<vmem>>, vector<16xf32>,
        %gather3A_1481 = tpu.vector_load_idx %arg9[%add3A_704] : memref<256xf32, #tpu.memory_space<vmem>>[vector<16xi32>], vector<16xf32>,
        %mul3A_1482 = arith.constant 16 : i32
        %mul3A_1483 = arith.muli %scan3A_1251, %mul3A_1482 : i32
        %add3A_1484 = arith.constant 8 : i32
        %add3A_1485 = arith.addi %mul3A_1483, %add3A_1484 : i32
        %mul3A_1486 = arith.constant 16 : i32
        %mul3A_1487 = arith.muli %add3A_1485, %mul3A_1486 : i32
        %swap3A_1488 = arith.index_cast %mul3A_1487 : i32 to index
        %swap3A_1489 = tpu.vector_load %arg7[%swap3A_1488] {strides = array<i32>} : memref<8192xf32, #tpu.memory_space<vmem>>, vector<16xf32>,
        tpu.vector_store %arg7[%swap3A_1488], %gather3A_1481 {strides = array<i32>} : memref<8192xf32, #tpu.memory_space<vmem>>, vector<16xf32>,
        %gather3A_1490 = tpu.vector_load_idx %arg9[%add3A_733] : memref<256xf32, #tpu.memory_space<vmem>>[vector<16xi32>], vector<16xf32>,
        %mul3A_1491 = arith.constant 16 : i32
        %mul3A_1492 = arith.muli %scan3A_1251, %mul3A_1491 : i32
        %add3A_1493 = arith.constant 9 : i32
        %add3A_1494 = arith.addi %mul3A_1492, %add3A_1493 : i32
        %mul3A_1495 = arith.constant 16 : i32
        %mul3A_1496 = arith.muli %add3A_1494, %mul3A_1495 : i32
        %swap3A_1497 = arith.index_cast %mul3A_1496 : i32 to index
        %swap3A_1498 = tpu.vector_load %arg7[%swap3A_1497] {strides = array<i32>} : memref<8192xf32, #tpu.memory_space<vmem>>, vector<16xf32>,
        tpu.vector_store %arg7[%swap3A_1497], %gather3A_1490 {strides = array<i32>} : memref<8192xf32, #tpu.memory_space<vmem>>, vector<16xf32>,
        %gather3A_1499 = tpu.vector_load_idx %arg9[%add3A_762] : memref<256xf32, #tpu.memory_space<vmem>>[vector<16xi32>], vector<16xf32>,
        %mul3A_1500 = arith.constant 16 : i32
        %mul3A_1501 = arith.muli %scan3A_1251, %mul3A_1500 : i32
        %add3A_1502 = arith.constant 10 : i32
        %add3A_1503 = arith.addi %mul3A_1501, %add3A_1502 : i32
        %mul3A_1504 = arith.constant 16 : i32
        %mul3A_1505 = arith.muli %add3A_1503, %mul3A_1504 : i32
        %swap3A_1506 = arith.index_cast %mul3A_1505 : i32 to index
        %swap3A_1507 = tpu.vector_load %arg7[%swap3A_1506] {strides = array<i32>} : memref<8192xf32, #tpu.memory_space<vmem>>, vector<16xf32>,
        tpu.vector_store %arg7[%swap3A_1506], %gather3A_1499 {strides = array<i32>} : memref<8192xf32, #tpu.memory_space<vmem>>, vector<16xf32>,
        %gather3A_1508 = tpu.vector_load_idx %arg9[%add3A_791] : memref<256xf32, #tpu.memory_space<vmem>>[vector<16xi32>], vector<16xf32>,
        %mul3A_1509 = arith.constant 16 : i32
        %mul3A_1510 = arith.muli %scan3A_1251, %mul3A_1509 : i32
        %add3A_1511 = arith.constant 11 : i32
        %add3A_1512 = arith.addi %mul3A_1510, %add3A_1511 : i32
        %mul3A_1513 = arith.constant 16 : i32
        %mul3A_1514 = arith.muli %add3A_1512, %mul3A_1513 : i32
        %swap3A_1515 = arith.index_cast %mul3A_1514 : i32 to index
        %swap3A_1516 = tpu.vector_load %arg7[%swap3A_1515] {strides = array<i32>} : memref<8192xf32, #tpu.memory_space<vmem>>, vector<16xf32>,
        tpu.vector_store %arg7[%swap3A_1515], %gather3A_1508 {strides = array<i32>} : memref<8192xf32, #tpu.memory_space<vmem>>, vector<16xf32>,
        %gather3A_1517 = tpu.vector_load_idx %arg9[%add3A_820] : memref<256xf32, #tpu.memory_space<vmem>>[vector<16xi32>], vector<16xf32>,
        %mul3A_1518 = arith.constant 16 : i32
        %mul3A_1519 = arith.muli %scan3A_1251, %mul3A_1518 : i32
        %add3A_1520 = arith.constant 12 : i32
        %add3A_1521 = arith.addi %mul3A_1519, %add3A_1520 : i32
        %mul3A_1522 = arith.constant 16 : i32
        %mul3A_1523 = arith.muli %add3A_1521, %mul3A_1522 : i32
        %swap3A_1524 = arith.index_cast %mul3A_1523 : i32 to index
        %swap3A_1525 = tpu.vector_load %arg7[%swap3A_1524] {strides = array<i32>} : memref<8192xf32, #tpu.memory_space<vmem>>, vector<16xf32>,
        tpu.vector_store %arg7[%swap3A_1524], %gather3A_1517 {strides = array<i32>} : memref<8192xf32, #tpu.memory_space<vmem>>, vector<16xf32>,
        %gather3A_1526 = tpu.vector_load_idx %arg9[%add3A_849] : memref<256xf32, #tpu.memory_space<vmem>>[vector<16xi32>], vector<16xf32>,
        %mul3A_1527 = arith.constant 16 : i32
        %mul3A_1528 = arith.muli %scan3A_1251, %mul3A_1527 : i32
        %add3A_1529 = arith.constant 13 : i32
        %add3A_1530 = arith.addi %mul3A_1528, %add3A_1529 : i32
        %mul3A_1531 = arith.constant 16 : i32
        %mul3A_1532 = arith.muli %add3A_1530, %mul3A_1531 : i32
        %swap3A_1533 = arith.index_cast %mul3A_1532 : i32 to index
        %swap3A_1534 = tpu.vector_load %arg7[%swap3A_1533] {strides = array<i32>} : memref<8192xf32, #tpu.memory_space<vmem>>, vector<16xf32>,
        tpu.vector_store %arg7[%swap3A_1533], %gather3A_1526 {strides = array<i32>} : memref<8192xf32, #tpu.memory_space<vmem>>, vector<16xf32>,
        %gather3A_1535 = tpu.vector_load_idx %arg9[%add3A_878] : memref<256xf32, #tpu.memory_space<vmem>>[vector<16xi32>], vector<16xf32>,
        %mul3A_1536 = arith.constant 16 : i32
        %mul3A_1537 = arith.muli %scan3A_1251, %mul3A_1536 : i32
        %add3A_1538 = arith.constant 14 : i32
        %add3A_1539 = arith.addi %mul3A_1537, %add3A_1538 : i32
        %mul3A_1540 = arith.constant 16 : i32
        %mul3A_1541 = arith.muli %add3A_1539, %mul3A_1540 : i32
        %swap3A_1542 = arith.index_cast %mul3A_1541 : i32 to index
        %swap3A_1543 = tpu.vector_load %arg7[%swap3A_1542] {strides = array<i32>} : memref<8192xf32, #tpu.memory_space<vmem>>, vector<16xf32>,
        tpu.vector_store %arg7[%swap3A_1542], %gather3A_1535 {strides = array<i32>} : memref<8192xf32, #tpu.memory_space<vmem>>, vector<16xf32>,
        %gather3A_1544 = tpu.vector_load_idx %arg9[%add3A_907] : memref<256xf32, #tpu.memory_space<vmem>>[vector<16xi32>], vector<16xf32>,
        %mul3A_1545 = arith.constant 16 : i32
        %mul3A_1546 = arith.muli %scan3A_1251, %mul3A_1545 : i32
        %add3A_1547 = arith.constant 15 : i32
        %add3A_1548 = arith.addi %mul3A_1546, %add3A_1547 : i32
        %mul3A_1549 = arith.constant 16 : i32
        %mul3A_1550 = arith.muli %add3A_1548, %mul3A_1549 : i32
        %swap3A_1551 = arith.index_cast %mul3A_1550 : i32 to index
        %swap3A_1552 = tpu.vector_load %arg7[%swap3A_1551] {strides = array<i32>} : memref<8192xf32, #tpu.memory_space<vmem>>, vector<16xf32>,
        tpu.vector_store %arg7[%swap3A_1551], %gather3A_1544 {strides = array<i32>} : memref<8192xf32, #tpu.memory_space<vmem>>, vector<16xf32>,
      }
      %scan3A_1245 = arith.constant 32 : i32
      %add3A_1246 = arith.addi %mul3A_2, %sub3A_1232 : i32
      %mul3A_1247 = arith.constant 512 : i32
      %mul3A_1248 = arith.muli %add3A_1246, %mul3A_1247 : i32
      %mul3A_1249 = arith.constant 16 : i32
      %mul3A_1250 = arith.muli %mul3A_1248, %mul3A_1249 : i32
      "tpu.region"() ({
        %run_scoped3A_1251 = tpu.sem_alloc : memref<!tpu.dma_semaphore, #tpu.memory_space<semaphore_mem>>
        %dma_start3A_1252 = tpu.memref_slice %arg4[%mul3A_1250] : memref<16000000xf32, #tpu.memory_space<hbm>> -> memref<8192xf32, #tpu.memory_space<hbm>>
        %dma_start3A_1253 = tpu.memref_slice %arg4[%mul3A_1250] : memref<16000000xf32, #tpu.memory_space<hbm>> -> memref<8192xf32, #tpu.memory_space<hbm>>
        tpu.enqueue_dma source(%arg7 : memref<8192xf32, #tpu.memory_space<vmem>>) target(%dma_start3A_1253 : memref<8192xf32, #tpu.memory_space<hbm>>) target_semaphore(%run_scoped3A_1251 : memref<!tpu.dma_semaphore, #tpu.memory_space<semaphore_mem>>)
        %dma_wait3A_1254 = tpu.memref_slice %arg4[%mul3A_1250] : memref<16000000xf32, #tpu.memory_space<hbm>> -> memref<8192xf32, #tpu.memory_space<hbm>>
        %dma_wait3A_1255 = tpu.memref_slice %arg4[%mul3A_1250] : memref<16000000xf32, #tpu.memory_space<hbm>> -> memref<8192xf32, #tpu.memory_space<hbm>>
        tpu.wait_dma2 semaphore(%run_scoped3A_1251 : memref<!tpu.dma_semaphore, #tpu.memory_space<semaphore_mem>>) src(%arg7 : memref<8192xf32, #tpu.memory_space<vmem>>) dst(%dma_wait3A_1255 : memref<8192xf32, #tpu.memory_space<hbm>>)
        tpu.yield
      }) : () -> ()
      "tpu.region"() ({
        %run_scoped3A_1251 = tpu.sem_alloc : memref<!tpu.dma_semaphore, #tpu.memory_space<semaphore_mem>>
        %dma_start3A_1252 = arith.constant 0 : i32
        %dma_start3A_1253 = tpu.memref_slice %arg7[%dma_start3A_1252] : memref<8192xf32, #tpu.memory_space<vmem>> -> memref<1024xf32, #tpu.memory_space<vmem>>
        %dma_start3A_1254 = arith.constant 0 : i32
        %dma_start3A_1255 = tpu.memref_slice %arg7[%dma_start3A_1254] : memref<8192xf32, #tpu.memory_space<vmem>> -> memref<1024xf32, #tpu.memory_space<vmem>>
        tpu.enqueue_dma source(%arg3 : memref<1024xf32, #tpu.memory_space<hbm>>) target(%dma_start3A_1255 : memref<1024xf32, #tpu.memory_space<vmem>>) target_semaphore(%run_scoped3A_1251 : memref<!tpu.dma_semaphore, #tpu.memory_space<semaphore_mem>>)
        %dma_wait3A_1256 = arith.constant 0 : i32
        %dma_wait3A_1257 = tpu.memref_slice %arg7[%dma_wait3A_1256] : memref<8192xf32, #tpu.memory_space<vmem>> -> memref<1024xf32, #tpu.memory_space<vmem>>
        %dma_wait3A_1258 = arith.constant 0 : i32
        %dma_wait3A_1259 = tpu.memref_slice %arg7[%dma_wait3A_1258] : memref<8192xf32, #tpu.memory_space<vmem>> -> memref<1024xf32, #tpu.memory_space<vmem>>
        tpu.wait_dma2 semaphore(%run_scoped3A_1251 : memref<!tpu.dma_semaphore, #tpu.memory_space<semaphore_mem>>) src(%arg3 : memref<1024xf32, #tpu.memory_space<hbm>>) dst(%dma_wait3A_1259 : memref<1024xf32, #tpu.memory_space<vmem>>)
        tpu.yield
      }) : () -> ()
      "tpu.region"() ({
        %run_scoped3A_1251 = tpu.sem_alloc : memref<!tpu.dma_semaphore, #tpu.memory_space<semaphore_mem>>
        %dma_start3A_1252 = arith.constant 0 : i32
        %dma_start3A_1253 = tpu.memref_slice %arg7[%dma_start3A_1252] : memref<8192xf32, #tpu.memory_space<vmem>> -> memref<1024xf32, #tpu.memory_space<vmem>>
        %dma_start3A_1254 = arith.constant 15998976 : i32
        %dma_start3A_1255 = tpu.memref_slice %arg4[%dma_start3A_1254] : memref<16000000xf32, #tpu.memory_space<hbm>> -> memref<1024xf32, #tpu.memory_space<hbm>>
        %dma_start3A_1256 = arith.constant 15998976 : i32
        %dma_start3A_1257 = tpu.memref_slice %arg4[%dma_start3A_1256] : memref<16000000xf32, #tpu.memory_space<hbm>> -> memref<1024xf32, #tpu.memory_space<hbm>>
        %dma_start3A_1258 = arith.constant 0 : i32
        %dma_start3A_1259 = tpu.memref_slice %arg7[%dma_start3A_1258] : memref<8192xf32, #tpu.memory_space<vmem>> -> memref<1024xf32, #tpu.memory_space<vmem>>
        tpu.enqueue_dma source(%dma_start3A_1259 : memref<1024xf32, #tpu.memory_space<vmem>>) target(%dma_start3A_1257 : memref<1024xf32, #tpu.memory_space<hbm>>) target_semaphore(%run_scoped3A_1251 : memref<!tpu.dma_semaphore, #tpu.memory_space<semaphore_mem>>)
        %dma_wait3A_1260 = arith.constant 0 : i32
        %dma_wait3A_1261 = tpu.memref_slice %arg7[%dma_wait3A_1260] : memref<8192xf32, #tpu.memory_space<vmem>> -> memref<1024xf32, #tpu.memory_space<vmem>>
        %dma_wait3A_1262 = arith.constant 15998976 : i32
        %dma_wait3A_1263 = tpu.memref_slice %arg4[%dma_wait3A_1262] : memref<16000000xf32, #tpu.memory_space<hbm>> -> memref<1024xf32, #tpu.memory_space<hbm>>
        %dma_wait3A_1264 = arith.constant 15998976 : i32
        %dma_wait3A_1265 = tpu.memref_slice %arg4[%dma_wait3A_1264] : memref<16000000xf32, #tpu.memory_space<hbm>> -> memref<1024xf32, #tpu.memory_space<hbm>>
        %dma_wait3A_1266 = arith.constant 0 : i32
        %dma_wait3A_1267 = tpu.memref_slice %arg7[%dma_wait3A_1266] : memref<8192xf32, #tpu.memory_space<vmem>> -> memref<1024xf32, #tpu.memory_space<vmem>>
        tpu.wait_dma2 semaphore(%run_scoped3A_1251 : memref<!tpu.dma_semaphore, #tpu.memory_space<semaphore_mem>>) src(%dma_wait3A_1267 : memref<1024xf32, #tpu.memory_space<vmem>>) dst(%dma_wait3A_1265 : memref<1024xf32, #tpu.memory_space<hbm>>)
        tpu.yield
      }) : () -> ()
    } else {
    }
    return
  }
}

</mosaic_0001>

<sc_bundles>
// kernel: _wconv.3.cloned.1.call-start
scs
__scs_entry_jumppad:
0x0: {  	(pc) =	sbr.rel $0x88, $3  }
0x1: {  	(tag) =	ssettag $0x0;
	lr =	simm.s32 $0x1  }
0x2: {  	[smem:$0x3F9F] =	sst lr;
	_ =	strace $0xD0000000  }
0x3: {  	_ = 	snop  }
0x4: {  	_ = 	snop  }
0x5: {  	_ = 	snop  }
0x6: {  	_ = 	snop  }
0x7: {  	_ = 	snop  }
__scs_overlays_trampoline_lowered:
0x8: {  	[smem:$0x3FAE] =	sst s0  }
0x9: {  	[smem:$0x3FAF] =	sst s1  }
0xa: {  	[smem:$0x3FB0] =	sst s2  }
0xb: {  	[smem:$0x3FB1] =	sst s3  }
0xc: {  	[smem:$0x3FB2] =	sst s4  }
0xd: {  	[smem:$0x3FB3] =	sst s5  }
0xe: {  	[smem:$0x3FB4] =	sst s6  }
0xf: {  	[smem:$0x3FB5] =	sst s7  }
0x10: {  	[smem:$0x3FB6] =	sst s8  }
0x11: {  	[smem:$0x3FB7] =	sst s9;
	s0 =	simm.s32 @!p0 $0x0  }
0x12: {  	s1 =	sld [smem:$0x3F9D];
	s0 =	simm.s32 @p0 $0x1  }
0x13: {  	[smem:$0x3FB8] =	sst s0;
	s0 =	simm.s32 @!p1 $0x0  }
0x14: {  	s2 =	sld [smem:$0x3F9C];
	s0 =	simm.s32 @p1 $0x1  }
0x15: {  	[smem:$0x3FB9] =	sst s0;
	s0 =	simm.s32 @!p2 $0x0  }
0x16: {  	s3 =	sld [smem:$0x3FDB];
	s0 =	simm.s32 @p2 $0x1  }
0x17: {  	s4 =	simm.s32 $0x1BF5;
	[smem:$0x3FBB] =	sst s0  }
0x18: {  	s0 =	sld [smem:$0x3F9E];
	_ =	swait.ge [sflag:s4], $0x0  }
0x19: {  	s7 =	sld [smem:$0x3F9F]  }
0x1a: {  	s8 =	sadd.s32 $0xFFFFE003, lr  }
0x1b: {  	s9 =	sadd.s32 $0xFFFFFEF7, lr;
	s5 =	simm.s32 $0xFFFFFFFF;
	p2 =	slt.u32 s8, $0xFFFFF086  }
0x1c: {  	p1 =	slt.u32 s9, $0xF7A;
	s5 =	simm.s32 @!p2 $0x0  }
0x1d: {  	s5 =	simm.s32 @p1 $0x1;
	p0 =	seq.s32 s7, s2  }
0x1e: {  	s7 =	smul.u32 @!p0 $0xF7A, s2;
	p2 =	seq.s32 @!p0 s5, $0x0  }
0x1f: {  	s9 =	smul.u32 $0xF7A, s1;
	s8 =	simm.s32 @!p0 $0x1BF5;
	p2 =	por !p2, p0  }
0x20: {  	[sflag:s8] =	ssyncset.s32 @!p0 $0xFFFFF086;
	s6 =	sadd.s32 @!p0 s3, s7;
	s7 =	simm.s32 @!p0 $0x108  }
0x21: {  	s3 =	sadd.s32 s3, s9;
	s6 =	sadd.s32 @!p0 $0x88, s6;
	s7 =	simm.s32 @p2 $0x1082  }
0x22: {  	[simem:s7], [sflag:s8] =	dma.local @!p0 [hbm:s6], $0xF7A  }
0x23: {  	s9 =	sor.u32 $0xD0000000, s2;
	s6 =	simm.s32 $0x108;
	_ =	swait.ge @!p0 [sflag:s8], $0x0  }
0x24: {  	s3 =	sadd.s32 $0x88, s3;
	s6 =	simm.s32 @!p1 $0x1082;
	[sflag:s4] =	ssyncset.s32 $0xFFFFF086  }
0x25: {  	[simem:s6], [sflag:s4] =	dma.local [hbm:s3], $0xF7A  }
0x26: {  	[smem:$0x3F9F] =	sst s1;
	(tag) =	ssettag s2;
	_ =	strace s9  }
0x27: {  	s1 =	sld [smem:$0x3FAF]  }
0x28: {  	s2 =	sld [smem:$0x3FB0]  }
0x29: {  	s4 =	sld [smem:$0x3FB2]  }
0x2a: {  	p0 =	seq.s32 s5, $0x0;
	s5 =	sld [smem:$0x3FB3]  }
0x2b: {  	s6 =	sld [smem:$0x3FB4]  }
0x2c: {  	s7 =	sld [smem:$0x3FB5]  }
0x2d: {  	s3 =	simm.s32 $0x108;
	s8 =	sld [smem:$0x3FB6]  }
0x2e: {  	s3 =	simm.s32 @!p0 $0x1082;
	s9 =	sld [smem:$0x3FB7]  }
0x2f: {  	lr =	sadd.s32 s0, s3;
	s0 =	sld [smem:$0x3FAE]  }
0x30: {  	s3 =	sld [smem:$0x3FB1]  }
0x31: {  	[smem:$0x3FBA] =	sst s10  }
0x32: {  	s10 =	sld [smem:$0x3FB8];
	_ =	sdelay $0x3  }
0x33: {  	p0 =	seq.s32 s10, $0x1;
	s10 =	sld [smem:$0x3FBA];
	_ =	sdelay $0x3  }
0x34: {  	[smem:$0x3FBA] =	sst s10  }
0x35: {  	s10 =	sld [smem:$0x3FB9];
	_ =	sdelay $0x3  }
0x36: {  	p1 =	seq.s32 s10, $0x1;
	s10 =	sld [smem:$0x3FBA];
	_ =	sdelay $0x3  }
0x37: {  	[smem:$0x3FBA] =	sst s10  }
0x38: {  	s10 =	sld [smem:$0x3FBB]  }
0x39: {  	_ = 	snop;
	(pc) =	sbr.ind lr, $3  }
0x3a: {  	_ = 	snop  }
0x3b: {  	_ = 	snop  }
0x3c: {  	p2 =	seq.s32 s10, $0x1;
	s10 =	sld [smem:$0x3FBA]  }
0x3d: {  	_ =	shalt  }
0x3e: {  	_ =	shalt  }
0x3f: {  	_ =	shalt  }
0x40: {  	_ =	shalt  }
0x41: {  	_ =	shalt  }
0x42: {  	_ =	shalt  }
0x43: {  	_ =	shalt  }
0x44: {  	_ =	shalt  }
0x45: {  	_ =	shalt  }
0x46: {  	_ =	shalt  }
0x47: {  	_ =	shalt  }
0x48: {  	_ =	shalt  }
0x49: {  	_ =	shalt  }
0x4a: {  	_ =	shalt  }
0x4b: {  	_ =	shalt  }
0x4c: {  	_ =	shalt  }
0x4d: {  	_ =	shalt  }
0x4e: {  	_ =	shalt  }
0x4f: {  	_ =	shalt  }
0x50: {  	_ =	shalt  }
0x51: {  	_ =	shalt  }
0x52: {  	_ =	shalt  }
0x53: {  	_ =	shalt  }
0x54: {  	_ =	shalt  }
0x55: {  	_ =	shalt  }
0x56: {  	_ =	shalt  }
0x57: {  	_ =	shalt  }
0x58: {  	_ =	shalt  }
0x59: {  	_ =	shalt  }
0x5a: {  	_ =	shalt  }
0x5b: {  	_ =	shalt  }
0x5c: {  	_ =	shalt  }
0x5d: {  	_ =	shalt  }
0x5e: {  	_ =	shalt  }
0x5f: {  	_ =	shalt  }
0x60: {  	_ =	shalt  }
0x61: {  	_ =	shalt  }
0x62: {  	_ =	shalt  }
0x63: {  	_ =	shalt  }
0x64: {  	_ =	shalt  }
0x65: {  	_ =	shalt  }
0x66: {  	_ =	shalt  }
0x67: {  	_ =	shalt  }
0x68: {  	_ =	shalt  }
0x69: {  	_ =	shalt  }
0x6a: {  	_ =	shalt  }
0x6b: {  	_ =	shalt  }
0x6c: {  	_ =	shalt  }
0x6d: {  	_ =	shalt  }
0x6e: {  	_ =	shalt  }
0x6f: {  	_ =	shalt  }
0x70: {  	_ =	shalt  }
0x71: {  	_ =	shalt  }
0x72: {  	_ =	shalt  }
0x73: {  	_ =	shalt  }
0x74: {  	_ =	shalt  }
0x75: {  	_ =	shalt  }
0x76: {  	_ =	shalt  }
0x77: {  	_ =	shalt  }
0x78: {  	_ =	shalt  }
0x79: {  	_ =	shalt  }
0x7a: {  	_ =	shalt  }
0x7b: {  	_ =	shalt  }
0x7c: {  	_ =	shalt  }
0x7d: {  	_ =	shalt  }
0x7e: {  	_ =	shalt  }
0x7f: {  	_ =	shalt  }
0x80: {  	_ =	shalt  }
0x81: {  	_ =	shalt  }
0x82: {  	_ =	shalt  }
0x83: {  	_ =	shalt  }
0x84: {  	_ =	shalt  }
0x85: {  	_ =	shalt  }
0x86: {  	_ =	shalt  }
0x87: {  	_ =	shalt  }
.Lfunc_end0:
.L_simem_size_0:
called_computation_lowered:
.L_overlay_start_0:
0x88: {  	s2 =	sld [smem:$0x3FD9]  }
0x89: {  	s3 =	sld [smem:$0x3FFE];
	_ =	sdelay $0x1  }
0x8a: {  	s1 =	srdreg.scid  }
0x8b: {  	s0 =	sand.u32 $0x1, s1  }
0x8c: {  	s18 =	sshll.u32 s0, $0xA;
	s2 =	sadd.s32 s3, s2  }
0x8d: {  	s2 =	sadd.s32 s2, s18  }
0x8e: {  	[smem:$0x3FC6] =	sst s2  }
0x8f: {  	_ = 	snop  }
0x90: {  	s2 =	sld [smem:$0x3FC9]  }
0x91: {  	s19 =	sld [smem:$0x3FC8]  }
0x92: {  	s4 =	sld [smem:$0x3FD0];
	(tm) =	ssettm $0x1  }
0x93: {  	s5 =	sld [smem:$0x3FFB];
	_ =	sdelay $0x3  }
0x94: {  	_ =	strace s5  }
0x95: {  	s5 =	sld [smem:$0x3FFC];
	_ =	sdelay $0x3  }
0x96: {  	_ =	strace s5  }
0x97: {  	s5 =	sld [smem:$0x3FFD];
	_ =	sdelay $0x3  }
0x98: {  	_ =	strace s5  }
0x99: {  	_ =	strace $0x8FFFFFFF  }
0x9a: {  	s20 =	sld [smem:$0x3FDB];
	_ =	sdelay $0x1  }
0x9b: {  	s6 =	simm.s32 $_scs_section_size  }
0x9c: {  	s7 =	simm.s32 $_size__tile_overlayer_lowered;
	s8 =	simm.s32 $_tile_overlayer_lowered  }
0x9d: {  	s23 =	simm.s32 $0x1BFF;
	s22 =	sshll.u32 s8, $0x1;
	s5 =	sadd.s32 s6, s20  }
0x9e: {  	s9 =	simm.s32 $0x0;
	s21 =	sshll.u32 s7, $0x1;
	s7 =	sadd.s32 s22, s5  }
0x9f: {  	[timem:s9], [sflag:s23] =	dma.local [hbm:s7], s21  }
0xa0: {  	_ =	swait.ge [sflag:s23], s21  }
0xa1: {  	s6 =	ssub.s32 $0x0, s21;
	[sflag:s23] =	ssyncset.done $0x0  }
0xa2: {  	[sflag:s23] =	ssyncadd.s32 s6;
	_ =	sdelay $0x1  }
0xa3: {  	s24 =	simm.s32 $0x1B8B  }
0xa4: {  	_ =	swait.ge [sflag:s24], $0x1  }
0xa5: {  	[sflag:s24] =	ssyncset.done $0x0  }
0xa6: {  	s25 =	simm.s32 $0x1B8E;
	[sflag:s24] =	ssyncadd.s32 $0xFFFFFFFF  }
0xa7: {  	s26 =	simm.s32 $execute0_lowered;
	[smem:$0x3FD2] =	sst s25  }
0xa8: {  	s6 =	sshll.u32 s26, $0x1;
	_ =	strace $0x80000046;
	[dreg:$0x1] =	wrdreg $0xFFFFFFFF  }
0xa9: {  	s28 =	simm.s32 $_size_execute0_lowered;
	s5 =	sadd.s32 s5, s6;
	[dreg:$0x0] =	wrdreg $0x0  }
0xaa: {  	s6 =	sshll.u32 s28, $0x1;
	[dreg:$0x2] =	wrdreg s5  }
0xab: {  	[dreg:$0x3] =	wrdreg s6  }
0xac: {  	[dreg:$0x4] =	wrdreg $0xC0  }
0xad: {  	_ =	task [dreg:s9], $0x5FFFF  }
0xae: {  	[dreg:$0x1] =	wrdreg $0xFFFFFFFF  }
0xaf: {  	[dreg:$0x0] =	wrdreg $0x60  }
0xb0: {  	[dreg:$0x2] =	wrdreg s2  }
0xb1: {  	[dreg:$0x3] =	wrdreg s19  }
0xb2: {  	[dreg:$0x4] =	wrdreg s4  }
0xb3: {  	[dreg:$0x5] =	wrdreg $0x9  }
0xb4: {  	_ =	task.clear_ibuf [dreg:s9], $0x6FFFF;
	_ =	strace $0x90000046  }
0xb5: {  	s29 =	simm.s32 $0x9;
	_ =	strace $0x80000048  }
0xb6: {  	_ =	swait.ge [sflag:s29], $0x1  }
0xb7: {  	[sflag:s29] =	ssyncadd.s32 $0xFFFFFFFF  }
0xb8: {  	_ =	strace $0x90000048  }
0xb9: {  	_ =	sfence  }
0xba: {  	s30 =	sld [smem:$0x0];
	_ =	sdelay $0x2  }
0xbb: {  	s31 =	sshll.u32 s1, $0xD;
	s1 =	sshrl.u32 s1, $0x2  }
0xbc: {  	s3 =	sand.u32 $0x4000, s31;
	s1 =	sadd.s32 s1, s30  }
0xbd: {  	s0 =	sor.u32 s3, s0;
	s1 =	sshll.u32 s1, $0x11  }
0xbe: {  	s0 =	sor.u32 s1, s0  }
0xbf: {  	s0 =	sadd.s32 $0x8F2B, s0  }
0xc0: {  	[sflag:s0] =	ssyncadd.remote.s32 $0x1  }
0xc1: {  	_ =	sfence.sel $0xFFFF  }
0xc2: {  	[dreg:$0x0] =	wrdreg $0xFFFFFFFF;
	(pc) =	sbr.abs _section_cstart, $3  }
0xc3: {  	[dreg:$0x1] =	wrdreg $0xFFFFFFFF  }
0xc4: {  	_ =	task.clear_ibuf [dreg:s9], $0x2FFFF;
	_ =	strace $0x9FFFFFFF  }
0xc5: {  	(tm) =	ssettm $0x7FFFFFFF  }
tec
execute0_lowered:
.L_overlay_start_1:
0x0: {  	(tag) =	ssettag $0x1  }
0x1: {  	v0 =	vimm.s32 $0x1C1B1A19;
	v1 =	vimm.s32 $0x101F1E1D  }
0x2: {  	vm0 =	vcmask $0x1F10;
	v2 =	vimm.s32 $0x18171615;
	v3 =	vimm.s32 $0x2D2C2B2A  }
0x3: {  	v4 =	vimm.s32 $0x21202F2E;
	v5 =	vimm.s32 $0x25242322;
	v6 =	vimm.s32 $0x29282726  }
0x4: {  	v7 =	vimm.s32 $0x3E3D3C3B;
	v8 =	vimm.s32 $0x3231303F;
	v9 =	vimm.s32 $0x69686766  }
0x5: {  	v10 =	vimm.s32 $0x6D6C6B6A;
	v11 =	vimm.s32 $0x7271707F;
	v12 =	vimm.s32 $0x76757473  }
0x6: {  	v13 =	vimm.s32 $0xADACABAA;
	v14 =	vimm.s32 $0xA1A0AFAE;
	v15 =	vimm.s32 $0xB6B5B4B3  }
0x7: {  	v16 =	vimm.s32 $0xBAB9B8B7;
	v17 =	vimm.s32 $0xE1E0EFEE;
	v18 =	vimm.s32 $0xE5E4E3E2  }
0x8: {  	v19 =	vimm.s32 $0xFAF9F8F7;
	v20 =	vimm.s32 $0xFEFDFCFB;
	v21 =	vimm.s32 $0x36251403  }
0x9: {  	v22 =	vimm.s32 $0x7A695847;
	v23 =	vimm.s32 $0xBFAE9D8C;
	v24 =	vimm.s32 $0xF3E2D1C0  }
0xa: {  	v25 =	vimm.s32 $0x3A291807;
	v26 =	vimm.s32 $0x7E6D5C4B;
	v27 =	vimm.s32 $0xB3A29180  }
0xb: {  	v28 =	vimm.s32 $0xF7E6D5C4;
	v29 =	vimm.s32 $0x3E2D1C0B;
	v30 =	vimm.s32 $0x7261504F  }
0xc: {  	v31 =	vimm.s32 $0xB7A69584;
	v32 =	vimm.s32 $0xFBEAD9C8;
	v0 =	vunpack.c.0.s8.s32 v0  }
0xd: {  	v1 =	vunpack.c.0.s8.s32 v1;
	v2 =	vunpack.c.0.s8.s32 v2;
	v3 =	vunpack.c.0.s8.s32 v3  }
0xe: {  	v4 =	vunpack.c.0.s8.s32 v4;
	v5 =	vunpack.c.0.s8.s32 v5;
	v6 =	vunpack.c.0.s8.s32 v6  }
0xf: {  	v9 =	vunpack.c.0.s8.s32 v9;
	v10 =	vunpack.c.0.s8.s32 v10;
	v13 =	vunpack.c.0.s8.s32 v13  }
0x10: {  	v14 =	vunpack.c.0.s8.s32 v14;
	v15 =	vunpack.c.0.s8.s32 v15;
	v16 =	vunpack.c.0.s8.s32 v16  }
0x11: {  	v17 =	vunpack.c.0.s8.s32 v17;
	v18 =	vunpack.c.0.s8.s32 v18;
	v19 =	vunpack.c.0.s8.s32 v19  }
0x12: {  	v20 =	vunpack.c.0.s8.s32 v20;
	v21 =	vunpack.c.0.s8.s32 v21;
	v22 =	vunpack.c.0.s8.s32 v22  }
0x13: {  	v23 =	vunpack.c.0.s8.s32 v23;
	v0 =	vsel vm0, v1, v0;
	v1 =	vimm.s32 $0x14131211  }
0x14: {  	v24 =	vunpack.c.0.s8.s32 v24;
	v25 =	vunpack.c.0.s8.s32 v25;
	v1 =	vunpack.c.0.s8.s32 v1  }
0x15: {  	v26 =	vunpack.c.0.s8.s32 v26;
	v27 =	vunpack.c.0.s8.s32 v27;
	v28 =	vunpack.c.0.s8.s32 v28  }
0x16: {  	v1 =	vsel vm0, v2, v1;
	v2 =	vunpack.c.0.s8.s32 v7;
	v7 =	vunpack.c.0.s8.s32 v8  }
0x17: {  	v8 =	vimm.s32 $0x4B4A4948;
	v0 =	vcombine.low v1, v0;
	v1 =	vsel vm0, v4, v3  }
0x18: {  	v3 =	vsel vm0, v6, v5;
	v4 =	vimm.s32 $0x3A393837;
	v5 =	vimm.s32 $0x4F4E4D4C  }
0x19: {  	v6 =	vimm.s32 $0x43424140;
	v1 =	vcombine.low v3, v1;
	v3 =	vimm.s32 $0x36353433  }
0x1a: {  	v2 =	vsel vm0, v7, v2;
	v4 =	vunpack.c.0.s8.s32 v4;
	v3 =	vunpack.c.0.s8.s32 v3  }
0x1b: {  	v5 =	vunpack.c.0.s8.s32 v5;
	v6 =	vunpack.c.0.s8.s32 v6;
	v7 =	vimm.s32 $0x47464544  }
0x1c: {  	v3 =	vsel vm0, v4, v3;
	v4 =	vunpack.c.0.s8.s32 v7;
	v7 =	vunpack.c.0.s8.s32 v8  }
0x1d: {  	v5 =	vsel vm0, v6, v5;
	v6 =	vimm.s32 $0x505F5E5D;
	v8 =	vimm.s32 $0x54535251  }
0x1e: {  	v6 =	vunpack.c.0.s8.s32 v6;
	v4 =	vsel vm0, v7, v4;
	v7 =	vunpack.c.0.s8.s32 v8  }
0x1f: {  	v2 =	vcombine.low v3, v2;
	v8 =	vimm.s32 $0x65646362;
	v3 =	vcombine.low v4, v5  }
0x20: {  	v5 =	vimm.s32 $0x58575655;
	v4 =	vsel vm0, v7, v6;
	v6 =	vimm.s32 $0x5C5B5A59  }
0x21: {  	v5 =	vunpack.c.0.s8.s32 v5;
	v7 =	vimm.s32 $0x61606F6E;
	v6 =	vunpack.c.0.s8.s32 v6  }
0x22: {  	v29 =	vunpack.c.0.s8.s32 v29;
	v8 =	vunpack.c.0.s8.s32 v8;
	v7 =	vunpack.c.0.s8.s32 v7  }
0x23: {  	v5 =	vsel vm0, v6, v5;
	v6 =	vunpack.c.0.s8.s32 v11;
	v11 =	vunpack.c.0.s8.s32 v12  }
0x24: {  	v12 =	vimm.s32 $0x8F8E8D8C;
	v4 =	vcombine.low v5, v4;
	v5 =	vsel vm0, v8, v7  }
0x25: {  	v7 =	vsel vm0, v10, v9;
	v8 =	vimm.s32 $0x7E7D7C7B;
	v9 =	vimm.s32 $0x83828180  }
0x26: {  	v10 =	vimm.s32 $0x87868584;
	v5 =	vcombine.low v7, v5;
	v7 =	vimm.s32 $0x7A797877  }
0x27: {  	v6 =	vsel vm0, v11, v6;
	v8 =	vunpack.c.0.s8.s32 v8;
	v7 =	vunpack.c.0.s8.s32 v7  }
0x28: {  	v9 =	vunpack.c.0.s8.s32 v9;
	v10 =	vunpack.c.0.s8.s32 v10;
	v11 =	vimm.s32 $0x8B8A8988  }
0x29: {  	v7 =	vsel vm0, v8, v7;
	v8 =	vunpack.c.0.s8.s32 v11;
	v11 =	vunpack.c.0.s8.s32 v12  }
0x2a: {  	v9 =	vsel vm0, v10, v9;
	v10 =	vimm.s32 $0x94939291;
	v12 =	vimm.s32 $0x98979695  }
0x2b: {  	v10 =	vunpack.c.0.s8.s32 v10;
	v8 =	vsel vm0, v11, v8;
	v11 =	vunpack.c.0.s8.s32 v12  }
0x2c: {  	v6 =	vcombine.low v7, v6;
	v12 =	vimm.s32 $0xA9A8A7A6;
	v8 =	vcombine.low v8, v9  }
0x2d: {  	v9 =	vimm.s32 $0x9C9B9A99;
	v7 =	vsel vm0, v11, v10;
	v10 =	vimm.s32 $0x909F9E9D  }
0x2e: {  	v9 =	vunpack.c.0.s8.s32 v9;
	v11 =	vimm.s32 $0xA5A4A3A2;
	v10 =	vunpack.c.0.s8.s32 v10  }
0x2f: {  	v30 =	vunpack.c.0.s8.s32 v30;
	v12 =	vunpack.c.0.s8.s32 v12;
	v11 =	vunpack.c.0.s8.s32 v11  }
0x30: {  	v8 =	vand.u32 $0xFF, v8;
	v9 =	vsel vm0, v10, v9;
	v10 =	vsel vm0, v14, v13  }
0x31: {  	v13 =	vimm.s32 $0xC7C6C5C4;
	v14 =	vimm.s32 $0xCBCAC9C8;
	v9 =	vcombine.low v9, v7  }
0x32: {  	v7 =	vsel vm0, v12, v11;
	v11 =	vimm.s32 $0xBEBDBCBB;
	v12 =	vimm.s32 $0xB2B1B0BF  }
0x33: {  	v13 =	vunpack.c.0.s8.s32 v13;
	v14 =	vunpack.c.0.s8.s32 v14;
	v10 =	vcombine.low v10, v7  }
0x34: {  	v7 =	vsel vm0, v16, v15;
	v11 =	vunpack.c.0.s8.s32 v11;
	v12 =	vunpack.c.0.s8.s32 v12  }
0x35: {  	v15 =	vimm.s32 $0xCFCECDCC;
	v16 =	vimm.s32 $0xC3C2C1C0;
	v13 =	vsel vm0, v14, v13  }
0x36: {  	v11 =	vsel vm0, v12, v11;
	v12 =	vunpack.c.0.s8.s32 v15;
	v15 =	vunpack.c.0.s8.s32 v16  }
0x37: {  	v14 =	vimm.s32 $0xD8D7D6D5;
	v9 =	vand.u32 $0xFF, v9;
	v16 =	vimm.s32 $0xDCDBDAD9  }
0x38: {  	v14 =	vunpack.c.0.s8.s32 v14;
	v12 =	vsel vm0, v15, v12;
	v15 =	vunpack.c.0.s8.s32 v16  }
0x39: {  	v10 =	vand.u32 $0xFF, v10;
	v11 =	vcombine.low v11, v7;
	v12 =	vcombine.low v12, v13  }
0x3a: {  	v13 =	vimm.s32 $0xD0DFDEDD;
	v7 =	vsel vm0, v15, v14;
	v14 =	vimm.s32 $0xD4D3D2D1  }
0x3b: {  	v16 =	vimm.s32 $0xEDECEBEA;
	v13 =	vunpack.c.0.s8.s32 v13;
	v14 =	vunpack.c.0.s8.s32 v14  }
0x3c: {  	v16 =	vunpack.c.0.s8.s32 v16;
	v11 =	vand.u32 $0xFF, v11;
	v15 =	vimm.s32 $0xE9E8E7E6  }
0x3d: {  	v15 =	vunpack.c.0.s8.s32 v15;
	v12 =	vand.u32 $0xFF, v12;
	v13 =	vsel vm0, v14, v13  }
0x3e: {  	v14 =	vsel vm0, v18, v17;
	v17 =	vimm.s32 $0xBCAB9A89;
	v18 =	vimm.s32 $0xF0EFDECD  }
0x3f: {  	v13 =	vcombine.low v13, v7;
	v7 =	vsel vm0, v16, v15;
	v15 =	vimm.s32 $0xF2F1F0FF  }
0x40: {  	v16 =	vimm.s32 $0xF6F5F4F3;
	v17 =	vunpack.c.0.s8.s32 v17;
	v18 =	vunpack.c.0.s8.s32 v18  }
0x41: {  	v14 =	vcombine.low v14, v7;
	v15 =	vunpack.c.0.s8.s32 v15;
	v16 =	vunpack.c.0.s8.s32 v16  }
0x42: {  	v7 =	vsel vm0, v20, v19;
	v19 =	vimm.s32 $0x34231201;
	v20 =	vimm.s32 $0x78675645  }
0x43: {  	v15 =	vsel vm0, v16, v15;
	v16 =	vunpack.c.0.s8.s32 v19;
	v19 =	vunpack.c.0.s8.s32 v20  }
0x44: {  	v17 =	vsel vm0, v18, v17;
	v18 =	vimm.s32 $0xBDAC9B8A;
	v20 =	vimm.s32 $0xF1E0DFCE  }
0x45: {  	v18 =	vunpack.c.0.s8.s32 v18;
	v16 =	vsel vm0, v19, v16;
	v19 =	vunpack.c.0.s8.s32 v20  }
0x46: {  	v15 =	vcombine.low v15, v7;
	v20 =	vimm.s32 $0xF2E1D0CF;
	v17 =	vcombine.low v16, v17  }
0x47: {  	v16 =	vimm.s32 $0x35241302;
	v7 =	vsel vm0, v19, v18;
	v18 =	vimm.s32 $0x79685746  }
0x48: {  	v16 =	vunpack.c.0.s8.s32 v16;
	v19 =	vimm.s32 $0xBEAD9C8B;
	v18 =	vunpack.c.0.s8.s32 v18  }
0x49: {  	v13 =	vand.u32 $0xFF, v13;
	v20 =	vunpack.c.0.s8.s32 v20;
	v19 =	vunpack.c.0.s8.s32 v19  }
0x4a: {  	v14 =	vand.u32 $0xFF, v14;
	v15 =	vand.u32 $0xFF, v15;
	v16 =	vsel vm0, v18, v16  }
0x4b: {  	v18 =	vcombine.low v16, v7;
	v7 =	vsel vm0, v20, v19;
	v16 =	vsel vm0, v22, v21  }
0x4c: {  	v20 =	vimm.s32 $0x7B6A5948;
	v21 =	vimm.s32 $0xB0AF9E8D;
	v22 =	vimm.s32 $0xF4E3D2C1  }
0x4d: {  	v19 =	vcombine.low v16, v7;
	v7 =	vsel vm0, v24, v23;
	v16 =	vimm.s32 $0x37261504  }
0x4e: {  	v20 =	vunpack.c.0.s8.s32 v20;
	v21 =	vunpack.c.0.s8.s32 v21;
	v16 =	vunpack.c.0.s8.s32 v16  }
0x4f: {  	v22 =	vunpack.c.0.s8.s32 v22;
	v23 =	vimm.s32 $0x38271605;
	v24 =	vimm.s32 $0x7C6B5A49  }
0x50: {  	v16 =	vsel vm0, v20, v16;
	v20 =	vunpack.c.0.s8.s32 v23;
	v23 =	vunpack.c.0.s8.s32 v24  }
0x51: {  	v21 =	vsel vm0, v22, v21;
	v22 =	vimm.s32 $0xB1A09F8E;
	v24 =	vimm.s32 $0xF5E4D3C2  }
0x52: {  	v22 =	vunpack.c.0.s8.s32 v22;
	v24 =	vunpack.c.0.s8.s32 v24;
	v23 =	vsel vm0, v23, v20  }
0x53: {  	v20 =	vcombine.low v16, v7;
	v16 =	vimm.s32 $0x39281706;
	v21 =	vcombine.low v23, v21  }
0x54: {  	v7 =	vsel vm0, v24, v22;
	v22 =	vimm.s32 $0x7D6C5B4A;
	v16 =	vunpack.c.0.s8.s32 v16  }
0x55: {  	v23 =	vimm.s32 $0xB2A1908F;
	v24 =	vimm.s32 $0xF6E5D4C3;
	v22 =	vunpack.c.0.s8.s32 v22  }
0x56: {  	v17 =	vand.u32 $0xFF, v17;
	v23 =	vunpack.c.0.s8.s32 v23;
	v24 =	vunpack.c.0.s8.s32 v24  }
0x57: {  	v18 =	vand.u32 $0xFF, v18;
	v19 =	vand.u32 $0xFF, v19;
	v16 =	vsel vm0, v22, v16  }
0x58: {  	v22 =	vcombine.low v16, v7;
	v7 =	vsel vm0, v24, v23;
	v16 =	vsel vm0, v26, v25  }
0x59: {  	v24 =	vimm.s32 $0x7F6E5D4C;
	v25 =	vimm.s32 $0xB4A39281;
	v26 =	vimm.s32 $0xF8E7D6C5  }
0x5a: {  	v23 =	vcombine.low v16, v7;
	v7 =	vsel vm0, v28, v27;
	v16 =	vimm.s32 $0x3B2A1908  }
0x5b: {  	v24 =	vunpack.c.0.s8.s32 v24;
	v25 =	vunpack.c.0.s8.s32 v25;
	v16 =	vunpack.c.0.s8.s32 v16  }
0x5c: {  	v26 =	vunpack.c.0.s8.s32 v26;
	v27 =	vimm.s32 $0x3C2B1A09;
	v28 =	vimm.s32 $0x706F5E4D  }
0x5d: {  	v16 =	vsel vm0, v24, v16;
	v24 =	vunpack.c.0.s8.s32 v27;
	v27 =	vunpack.c.0.s8.s32 v28  }
0x5e: {  	v25 =	vsel vm0, v26, v25;
	v26 =	vimm.s32 $0xB5A49382;
	v28 =	vimm.s32 $0xF9E8D7C6  }
0x5f: {  	v26 =	vunpack.c.0.s8.s32 v26;
	v24 =	vsel vm0, v27, v24;
	v27 =	vunpack.c.0.s8.s32 v28  }
0x60: {  	v28 =	vcombine.low v16, v7;
	v16 =	vimm.s32 $0x3D2C1B0A;
	v25 =	vcombine.low v24, v25  }
0x61: {  	v24 =	vimm.s32 $0x71605F4E;
	v16 =	vunpack.c.0.s8.s32 v16;
	v7 =	vsel vm0, v27, v26  }
0x62: {  	s0 =	rddreg [dreg:$0x0];
	v24 =	vunpack.c.0.s8.s32 v24;
	v26 =	vimm.s32 $0xB6A59483;
	v27 =	vimm.s32 $0xFAE9D8C7  }
0x63: {  	s1 =	srdreg.scid;
	s3 =	stileid.u32;
	v20 =	vand.u32 $0xFF, v20;
	v26 =	vunpack.c.0.s8.s32 v26;
	v27 =	vunpack.c.0.s8.s32 v27  }
0x64: {  	s4 =	rddreg [dreg:$0x2];
	s5 =	simm.s32 $0x0;
	s29 =	simm.s32 $0x8000;
	v16 =	vsel vm0, v24, v16;
	v24 =	vunpack.c.0.s8.s32 v31;
	v31 =	vunpack.c.0.s8.s32 v32  }
0x65: {  	s30 =	simm.s32 $0x4000;
	s31 =	simm.s32 $0x6000;
	s23 =	sadd.s32 $0x1E8280, s0;
	v63 =	vcombine.low v16, v7;
	v7 =	vsel vm0, v27, v26;
	v16 =	vsel vm0, v30, v29  }
0x66: {  	s28 =	simm.s32 $0x1;
	[smem:$0x7FF] =	sst s5;
	s24 =	sadd.s32 $0xF4000, s0;
	v26 =	vimm.s32 $0xB8A79685;
	v29 =	vimm.s32 $0xFCEBDAC9;
	v27 =	vcombine.low v16, v7  }
0x67: {  	s2 =	sand.u32 $0x1, s1;
	_ =	strace $0x80000047;
	[dreg:$0xa] =	wrdreg s23;
	v7 =	vsel vm0, v31, v24;
	v16 =	vimm.s32 $0x3F2E1D0C;
	v24 =	vimm.s32 $0x73625140  }
0x68: {  	s16 =	sshll.u32 s3, $0x1;
	s25 =	sadd.s32 $0x1E8000, s4;
	[dreg:$0xb] =	wrdreg s24;
	v30 =	vimm.s32 $0x302F1E0D;
	v16 =	vunpack.c.0.s8.s32 v16;
	v24 =	vunpack.c.0.s8.s32 v24  }
0x69: {  	s26 =	sadd.s32 $0x1E8400, s4;
	s1 =	sor.u32 s2, s16;
	[dreg:$0xc] =	wrdreg s25;
	v26 =	vunpack.c.0.s8.s32 v26;
	v29 =	vunpack.c.0.s8.s32 v29;
	v31 =	vimm.s32 $0x74635241  }
0x6a: {  	s2 =	ssub.s32 $0x2, s2;
	[dreg:$0xd] =	wrdreg s26;
	s17 =	smul.u32 $0x3D000, s1;
	v16 =	vsel vm0, v24, v16;
	v24 =	vunpack.c.0.s8.s32 v30;
	v30 =	vunpack.c.0.s8.s32 v31  }
0x6b: {  	s24 =	simm.s32 $0x1000;
	s25 =	simm.s32 $0x2000;
	s7 =	smul.u32 $0x3D, s1;
	v21 =	vand.u32 $0xFF, v21;
	v26 =	vsel vm0, v29, v26;
	v29 =	vimm.s32 $0xB9A89786  }
0x6c: {  	s26 =	simm.s32 $0x3000;
	s8 =	sshrl.u32 s2, $0x1;
	s10 =	smul.u32 $0xF400, s1;
	v31 =	vimm.s32 $0xFDECDBCA;
	v29 =	vunpack.c.0.s8.s32 v29;
	v24 =	vsel vm0, v30, v24  }
0x6d: {  	s19 =	smul.u32 $0x7A000, s1;
	p0 =	sne.s32 s1, $0x1F;
	s1 =	simm.s32 $0x3;
	v30 =	vunpack.c.0.s8.s32 v31;
	v31 =	vcombine.low v16, v7;
	v7 =	vimm.s32 $0x31201F0E  }
0x6e: {  	s2 =	ssub.s32 s2, s8;
	s8 =	sadd.s32 $0xF4280, s0;
	s3 =	sshrl.u32 s17, $0x3;
	v33 =	vcombine.low v24, v26;
	v16 =	vunpack.c.0.s8.s32 v7;
	v7 =	vimm.s32 $0x75645342  }
0x6f: {  	s18 =	sadd.s32 $0x1, s7;
	s10 =	sadd.s32 s4, s10;
	s22 =	sshrl.u32 s19, $0x3;
	v26 =	vsel vm0, v30, v29;
	v24 =	vunpack.c.0.s8.s32 v7;
	v29 =	vimm.s32 $0xBAA99887  }
0x70: {  	s15 =	sadd.s32 $0x3, s7;
	s16 =	sadd.s32 $0x2, s7;
	s17 =	sadd.s32 $0x4, s7;
	v22 =	vand.u32 $0xFF, v22;
	v30 =	vimm.s32 $0xFEEDDCCB;
	v29 =	vunpack.c.0.s8.s32 v29  }
0x71: {  	s23 =	smax.u32 s2, $0x1;
	s2 =	simm.s32 $0x0;
	s6 =	sadd.s32 s0, s3;
	v34 =	vsel vm0, v24, v16;
	v16 =	vimm.s32 $0x3221100F;
	v24 =	vimm.s32 $0x76655443  }
0x72: {  	s9 =	sshll.u32 s18, $0x9;
	[dreg:$0x7] =	wrdreg s10;
	s3 =	sadd.s32 $0xF4280, s6;
	v30 =	vunpack.c.0.s8.s32 v30;
	v16 =	vunpack.c.0.s8.s32 v16;
	v24 =	vunpack.c.0.s8.s32 v24  }
.Ltmp0:
0x73: {  	s11 =	sadd.s32 s0, s9;
	[dreg:$0x4] =	wrdreg s3;
	v23 =	vand.u32 $0xFF, v23;
	v25 =	vand.u32 $0xFF, v25;
	v27 =	vand.u32 $0xFF, v27;
	(pc) =	sbr.rel .LBB2_1-.Ltmp0, $4  }
0x74: {  	s9 =	sadd.s32 s9, s8;
	s20 =	sadd.s32 $0x400, s6;
	[dreg:$0x5] =	wrdreg s11;
	v7 =	vlaneseq.u32;
	v29 =	vsel vm0, v30, v29;
	v30 =	vsel vm0, v24, v16  }
0x75: {  	s21 =	sadd.s32 $0xF4680, s6;
	[dreg:$0x6] =	wrdreg s9;
	s3 =	sshll.u32 s18, $0xA;
	v34 =	vcombine.low v34, v26;
	v26 =	vand.u32 $0xFF, v63;
	v35 =	vcombine.low v30, v29  }
0x76: {  	[dreg:$0x8] =	wrdreg s20;
	s14 =	sadd.s32 s4, s3;
	s3 =	sadd.s32 s4, s22;
	v16 =	vmul.u32 $0x11, v7;
	v24 =	vand.u32 $0xFF, v28;
	v28 =	vand.u32 $0xFF, v31  }
0x77: {  	[dreg:$0x9] =	wrdreg s21;
	s18 =	sadd.s32 $0xF000, s3;
	s3 =	simm.s32 $0x2;
	v29 =	vand.u32 $0xFF, v33;
	v30 =	vand.u32 $0xFF, v34;
	v31 =	vand.u32 $0xFF, v35  }
.LBB2_17:
0x78: {  	s2 =	sadd.s32 $0x1, s2  }
0x79: {  	p1 =	sne.s32 s2, s23  }
.Ltmp1:
0x7a: {  	_ = 	snop;
	(pc) =	sbr.rel @!p1 .LBB2_18-.Ltmp1, $1  }
0x7b: {  	_ =	sdelay $0x3  }
.LBB2_1:
0x7c: {  	[tilespmem:s5], [sflag:$0x1] =	stream.linear.gather [hbm4b:s6+s5], $0x1000, $0x38;
	[tilespmem:$0x8100] =	vst v63  }
0x7d: {  	s7 =	rddreg [dreg:$0x4]  }
0x7e: {  	[tilespmem:s24], [sflag:$0x1] =	stream.linear.gather [hbm4b:s7+s5], $0x1000, $0x38;
	[tilespmem:$0x8100] =	vst v63  }
0x7f: {  	s19 =	rddreg [dreg:$0x5]  }
0x80: {  	[tilespmem:s25], [sflag:$0x1] =	stream.linear.gather [hbm4b:s19+s5], $0x1000, $0x38;
	[tilespmem:$0x8100] =	vst v63  }
0x81: {  	s20 =	rddreg [dreg:$0x6]  }
0x82: {  	[tilespmem:s26], [sflag:$0x1] =	stream.linear.gather [hbm4b:s20+s5], $0x1000, $0x38;
	[tilespmem:$0x8100] =	vst v63  }
0x83: {  	_ =	swait.ge [sflag:s28], $0x1000  }
0x84: {  	[sflag:s28] =	ssyncset.done $0x0  }
0x85: {  	[sflag:s28] =	ssyncadd.s32 $0xFFFFF000  }
0x86: {  	_ =	swait.ge [sflag:s28], $0x1000  }
0x87: {  	s21 =	sand.u32 $0x70, s5;
	s9 =	sand.u32 $0xC00, s5;
	[sflag:s28] =	ssyncset.done $0x0  }
0x88: {  	s7 =	sor.u32 s21, s9;
	[sflag:s28] =	ssyncadd.s32 $0xFFFFF000  }
0x89: {  	v32 =	vld [tilespmem:s7+$0x0];
	_ =	sdelay $0x4  }
0x8a: {  	[tilespmem:v7+s29+$0x0] =	vst.idx.msk $0xffff, v32  }
0x8b: {  	v32 =	vld [tilespmem:s7+$0x80];
	_ =	sdelay $0x4  }
0x8c: {  	[tilespmem:v0+s29+$0x0] =	vst.idx.msk $0xffff, v32  }
0x8d: {  	v32 =	vld [tilespmem:s7+$0x100];
	_ =	sdelay $0x4  }
0x8e: {  	[tilespmem:v1+s29+$0x0] =	vst.idx.msk $0xffff, v32  }
0x8f: {  	v32 =	vld [tilespmem:s7+$0x180];
	_ =	sdelay $0x4  }
0x90: {  	[tilespmem:v2+s29+$0x0] =	vst.idx.msk $0xffff, v32  }
0x91: {  	v32 =	vld [tilespmem:s7+$0x200];
	_ =	sdelay $0x4  }
0x92: {  	[tilespmem:v3+s29+$0x0] =	vst.idx.msk $0xffff, v32  }
0x93: {  	v32 =	vld [tilespmem:s7+$0x280];
	_ =	sdelay $0x4  }
0x94: {  	[tilespmem:v4+s29+$0x0] =	vst.idx.msk $0xffff, v32  }
0x95: {  	v32 =	vld [tilespmem:s7+$0x300];
	_ =	sdelay $0x3  }
0x96: {  	s22 =	sor.u32 s5, s5  }
0x97: {  	s9 =	sor.u32 $0x380, s22;
	[tilespmem:v5+s29+$0x0] =	vst.idx.msk $0xffff, v32  }
0x98: {  	v32 =	vld [tilespmem:s9+$0x0];
	_ =	sdelay $0x4  }
0x99: {  	[tilespmem:v6+s29+$0x0] =	vst.idx.msk $0xffff, v32  }
0x9a: {  	v32 =	vld [tilespmem:s7+$0x1000];
	_ =	sdelay $0x4  }
0x9b: {  	[tilespmem:v8+s29+$0x0] =	vst.idx.msk $0xffff, v32  }
0x9c: {  	v32 =	vld [tilespmem:s7+$0x1080];
	_ =	sdelay $0x4  }
0x9d: {  	[tilespmem:v9+s29+$0x0] =	vst.idx.msk $0xffff, v32  }
0x9e: {  	v32 =	vld [tilespmem:s7+$0x1100];
	_ =	sdelay $0x4  }
0x9f: {  	[tilespmem:v10+s29+$0x0] =	vst.idx.msk $0xffff, v32  }
0xa0: {  	v32 =	vld [tilespmem:s7+$0x1180];
	_ =	sdelay $0x4  }
0xa1: {  	[tilespmem:v11+s29+$0x0] =	vst.idx.msk $0xffff, v32  }
0xa2: {  	v32 =	vld [tilespmem:s7+$0x1200];
	_ =	sdelay $0x4  }
0xa3: {  	[tilespmem:v12+s29+$0x0] =	vst.idx.msk $0xffff, v32  }
0xa4: {  	v32 =	vld [tilespmem:s7+$0x1280];
	_ =	sdelay $0x4  }
0xa5: {  	[tilespmem:v13+s29+$0x0] =	vst.idx.msk $0xffff, v32  }
0xa6: {  	v32 =	vld [tilespmem:s7+$0x1300];
	_ =	sdelay $0x4  }
0xa7: {  	[tilespmem:v14+s29+$0x0] =	vst.idx.msk $0xffff, v32  }
0xa8: {  	v32 =	vld [tilespmem:s7+$0x1380];
	_ =	sdelay $0x4  }
0xa9: {  	[tilespmem:v15+s29+$0x0] =	vst.idx.msk $0xffff, v32  }
0xaa: {  	v32 =	vld.idx.msk [tilespmem:v16+s29+$0x0], $0xffff;
	_ =	sdelay $0x3  }
0xab: {  	s19 =	simm.s32 $0x4080  }
0xac: {  	[tilespmem:s19+$0xFFFFFF80] =	vst v32  }
0xad: {  	v32 =	vld.idx.msk [tilespmem:v17+s29+$0x0], $0xffff;
	_ =	sdelay $0x4  }
0xae: {  	[tilespmem:s19+$0xFFFFFF90] =	vst v32  }
0xaf: {  	v32 =	vld.idx.msk [tilespmem:v18+s29+$0x0], $0xffff;
	_ =	sdelay $0x4  }
0xb0: {  	[tilespmem:s19+$0xFFFFFFA0] =	vst v32  }
0xb1: {  	v32 =	vld.idx.msk [tilespmem:v19+s29+$0x0], $0xffff;
	_ =	sdelay $0x4  }
0xb2: {  	[tilespmem:s19+$0xFFFFFFB0] =	vst v32  }
0xb3: {  	v32 =	vld.idx.msk [tilespmem:v20+s29+$0x0], $0xffff;
	_ =	sdelay $0x4  }
0xb4: {  	[tilespmem:s19+$0xFFFFFFC0] =	vst v32  }
0xb5: {  	v32 =	vld.idx.msk [tilespmem:v21+s29+$0x0], $0xffff;
	_ =	sdelay $0x4  }
0xb6: {  	[tilespmem:s19+$0xFFFFFFD0] =	vst v32  }
0xb7: {  	v32 =	vld.idx.msk [tilespmem:v22+s29+$0x0], $0xffff;
	_ =	sdelay $0x4  }
0xb8: {  	[tilespmem:s19+$0xFFFFFFE0] =	vst v32  }
0xb9: {  	v32 =	vld.idx.msk [tilespmem:v23+s29+$0x0], $0xffff;
	_ =	sdelay $0x4  }
0xba: {  	[tilespmem:s19+$0xFFFFFFF0] =	vst v32  }
0xbb: {  	v32 =	vld.idx.msk [tilespmem:v24+s29+$0x0], $0xffff;
	_ =	sdelay $0x4  }
0xbc: {  	[tilespmem:s19+$0x0] =	vst v32  }
0xbd: {  	v32 =	vld.idx.msk [tilespmem:v25+s29+$0x0], $0xffff;
	_ =	sdelay $0x4  }
0xbe: {  	[tilespmem:s19+$0x10] =	vst v32  }
0xbf: {  	v32 =	vld.idx.msk [tilespmem:v26+s29+$0x0], $0xffff;
	_ =	sdelay $0x4  }
0xc0: {  	[tilespmem:s19+$0x20] =	vst v32  }
0xc1: {  	v32 =	vld.idx.msk [tilespmem:v27+s29+$0x0], $0xffff;
	_ =	sdelay $0x4  }
0xc2: {  	[tilespmem:s19+$0x30] =	vst v32  }
0xc3: {  	v32 =	vld.idx.msk [tilespmem:v28+s29+$0x0], $0xffff;
	_ =	sdelay $0x4  }
0xc4: {  	[tilespmem:s19+$0x40] =	vst v32  }
0xc5: {  	v32 =	vld.idx.msk [tilespmem:v29+s29+$0x0], $0xffff;
	_ =	sdelay $0x4  }
0xc6: {  	[tilespmem:s19+$0x50] =	vst v32  }
0xc7: {  	v32 =	vld.idx.msk [tilespmem:v30+s29+$0x0], $0xffff;
	_ =	sdelay $0x4  }
0xc8: {  	[tilespmem:s19+$0x60] =	vst v32  }
0xc9: {  	v32 =	vld.idx.msk [tilespmem:v31+s29+$0x0], $0xffff;
	_ =	sdelay $0x2  }
0xca: {  	s9 =	simm.s32 $0x80;
	s7 =	simm.s32 $0x10  }
0xcb: {  	s10 =	simm.s32 $0x20;
	s12 =	sand.u32 $0xC00, s9;
	s11 =	sand.u32 $0x70, s7  }
.LBB2_2:
0xcc: {  	p1 =	sne.s32 s10, $0x1F0;
	s11 =	sor.u32 s11, s12;
	[tilespmem:s19+$0x70] =	vst v32  }
0xcd: {  	v32 =	vld [tilespmem:s11+$0x0];
	_ =	sdelay $0x4  }
0xce: {  	[tilespmem:v7+s29+$0x0] =	vst.idx.msk $0xffff, v32  }
0xcf: {  	v32 =	vld [tilespmem:s11+$0x80];
	_ =	sdelay $0x4  }
0xd0: {  	[tilespmem:v0+s29+$0x0] =	vst.idx.msk $0xffff, v32  }
0xd1: {  	v32 =	vld [tilespmem:s11+$0x100];
	_ =	sdelay $0x4  }
0xd2: {  	[tilespmem:v1+s29+$0x0] =	vst.idx.msk $0xffff, v32  }
0xd3: {  	v32 =	vld [tilespmem:s11+$0x180];
	_ =	sdelay $0x4  }
0xd4: {  	[tilespmem:v2+s29+$0x0] =	vst.idx.msk $0xffff, v32  }
0xd5: {  	v32 =	vld [tilespmem:s11+$0x200];
	_ =	sdelay $0x4  }
0xd6: {  	[tilespmem:v3+s29+$0x0] =	vst.idx.msk $0xffff, v32  }
0xd7: {  	v32 =	vld [tilespmem:s11+$0x280];
	_ =	sdelay $0x4  }
0xd8: {  	[tilespmem:v4+s29+$0x0] =	vst.idx.msk $0xffff, v32  }
0xd9: {  	v32 =	vld [tilespmem:s11+$0x300];
	_ =	sdelay $0x3  }
0xda: {  	s12 =	sor.u32 s9, s7;
	s7 =	smov.u32 s10  }
0xdb: {  	s12 =	sor.u32 $0x380, s12;
	[tilespmem:v5+s29+$0x0] =	vst.idx.msk $0xffff, v32  }
0xdc: {  	v32 =	vld [tilespmem:s12+$0x0];
	_ =	sdelay $0x4  }
0xdd: {  	[tilespmem:v6+s29+$0x0] =	vst.idx.msk $0xffff, v32  }
0xde: {  	v32 =	vld [tilespmem:s11+$0x1000];
	_ =	sdelay $0x4  }
0xdf: {  	[tilespmem:v8+s29+$0x0] =	vst.idx.msk $0xffff, v32  }
0xe0: {  	v32 =	vld [tilespmem:s11+$0x1080];
	_ =	sdelay $0x4  }
0xe1: {  	[tilespmem:v9+s29+$0x0] =	vst.idx.msk $0xffff, v32  }
0xe2: {  	v32 =	vld [tilespmem:s11+$0x1100];
	_ =	sdelay $0x4  }
0xe3: {  	[tilespmem:v10+s29+$0x0] =	vst.idx.msk $0xffff, v32  }
0xe4: {  	v32 =	vld [tilespmem:s11+$0x1180];
	_ =	sdelay $0x4  }
0xe5: {  	[tilespmem:v11+s29+$0x0] =	vst.idx.msk $0xffff, v32  }
0xe6: {  	v32 =	vld [tilespmem:s11+$0x1200];
	_ =	sdelay $0x4  }
0xe7: {  	[tilespmem:v12+s29+$0x0] =	vst.idx.msk $0xffff, v32  }
0xe8: {  	v32 =	vld [tilespmem:s11+$0x1280];
	_ =	sdelay $0x4  }
0xe9: {  	[tilespmem:v13+s29+$0x0] =	vst.idx.msk $0xffff, v32  }
0xea: {  	v32 =	vld [tilespmem:s11+$0x1300];
	_ =	sdelay $0x4  }
0xeb: {  	[tilespmem:v14+s29+$0x0] =	vst.idx.msk $0xffff, v32  }
0xec: {  	v32 =	vld [tilespmem:s11+$0x1380];
	_ =	sdelay $0x4  }
0xed: {  	[tilespmem:v15+s29+$0x0] =	vst.idx.msk $0xffff, v32  }
0xee: {  	v32 =	vld.idx.msk [tilespmem:v16+s29+$0x0], $0xffff;
	_ =	sdelay $0x4  }
0xef: {  	s19 =	sadd.s32 $0x100, s19  }
0xf0: {  	[tilespmem:s19+$0xFFFFFF80] =	vst v32  }
0xf1: {  	v32 =	vld.idx.msk [tilespmem:v17+s29+$0x0], $0xffff;
	_ =	sdelay $0x5  }
0xf2: {  	[tilespmem:s19+$0xFFFFFF90] =	vst v32  }
0xf3: {  	v32 =	vld.idx.msk [tilespmem:v18+s29+$0x0], $0xffff;
	_ =	sdelay $0x5  }
0xf4: {  	[tilespmem:s19+$0xFFFFFFA0] =	vst v32  }
0xf5: {  	v32 =	vld.idx.msk [tilespmem:v19+s29+$0x0], $0xffff;
	_ =	sdelay $0x5  }
0xf6: {  	[tilespmem:s19+$0xFFFFFFB0] =	vst v32  }
0xf7: {  	v32 =	vld.idx.msk [tilespmem:v20+s29+$0x0], $0xffff;
	_ =	sdelay $0x5  }
0xf8: {  	[tilespmem:s19+$0xFFFFFFC0] =	vst v32  }
0xf9: {  	v32 =	vld.idx.msk [tilespmem:v21+s29+$0x0], $0xffff;
	_ =	sdelay $0x5  }
0xfa: {  	[tilespmem:s19+$0xFFFFFFD0] =	vst v32  }
0xfb: {  	v32 =	vld.idx.msk [tilespmem:v22+s29+$0x0], $0xffff;
	_ =	sdelay $0x5  }
0xfc: {  	[tilespmem:s19+$0xFFFFFFE0] =	vst v32  }
0xfd: {  	v32 =	vld.idx.msk [tilespmem:v23+s29+$0x0], $0xffff;
	_ =	sdelay $0x5  }
0xfe: {  	[tilespmem:s19+$0xFFFFFFF0] =	vst v32  }
0xff: {  	v32 =	vld.idx.msk [tilespmem:v24+s29+$0x0], $0xffff;
	_ =	sdelay $0x5  }
0x100: {  	[tilespmem:s19+$0x0] =	vst v32  }
0x101: {  	v32 =	vld.idx.msk [tilespmem:v25+s29+$0x0], $0xffff;
	_ =	sdelay $0x5  }
0x102: {  	[tilespmem:s19+$0x10] =	vst v32  }
0x103: {  	v32 =	vld.idx.msk [tilespmem:v26+s29+$0x0], $0xffff;
	_ =	sdelay $0x5  }
0x104: {  	[tilespmem:s19+$0x20] =	vst v32  }
0x105: {  	v32 =	vld.idx.msk [tilespmem:v27+s29+$0x0], $0xffff;
	_ =	sdelay $0x5  }
0x106: {  	[tilespmem:s19+$0x30] =	vst v32  }
0x107: {  	v32 =	vld.idx.msk [tilespmem:v28+s29+$0x0], $0xffff;
	_ =	sdelay $0x5  }
0x108: {  	[tilespmem:s19+$0x40] =	vst v32  }
0x109: {  	v32 =	vld.idx.msk [tilespmem:v29+s29+$0x0], $0xffff;
	_ =	sdelay $0x5  }
0x10a: {  	[tilespmem:s19+$0x50] =	vst v32  }
0x10b: {  	v32 =	vld.idx.msk [tilespmem:v30+s29+$0x0], $0xffff;
	_ =	sdelay $0x5  }
0x10c: {  	[tilespmem:s19+$0x60] =	vst v32  }
0x10d: {  	v32 =	vld.idx.msk [tilespmem:v31+s29+$0x0], $0xffff  }
.Ltmp2:
0x10e: {  	(pc) =	sbr.rel @p1 .LBB2_2-.Ltmp2, $3  }
0x10f: {  	_ =	sdelay $0x1  }
0x110: {  	s9 =	sadd.s32 $0x80, s9  }
0x111: {  	s10 =	sadd.s32 $0x10, s10;
	s12 =	sand.u32 $0xC00, s9;
	s11 =	sand.u32 $0x70, s7  }
0x112: {  	s10 =	sor.u32 s11, s12;
	[tilespmem:s19+$0x70] =	vst v32  }
0x113: {  	v32 =	vld [tilespmem:s10+$0x0];
	_ =	sdelay $0x4  }
0x114: {  	[tilespmem:v7+s29+$0x0] =	vst.idx.msk $0xffff, v32  }
0x115: {  	v32 =	vld [tilespmem:s10+$0x80];
	_ =	sdelay $0x4  }
0x116: {  	[tilespmem:v0+s29+$0x0] =	vst.idx.msk $0xffff, v32  }
0x117: {  	v32 =	vld [tilespmem:s10+$0x100];
	_ =	sdelay $0x4  }
0x118: {  	[tilespmem:v1+s29+$0x0] =	vst.idx.msk $0xffff, v32  }
0x119: {  	v32 =	vld [tilespmem:s10+$0x180];
	_ =	sdelay $0x4  }
0x11a: {  	[tilespmem:v2+s29+$0x0] =	vst.idx.msk $0xffff, v32  }
0x11b: {  	v32 =	vld [tilespmem:s10+$0x200];
	_ =	sdelay $0x4  }
0x11c: {  	[tilespmem:v3+s29+$0x0] =	vst.idx.msk $0xffff, v32  }
0x11d: {  	v32 =	vld [tilespmem:s10+$0x280];
	_ =	sdelay $0x4  }
0x11e: {  	[tilespmem:v4+s29+$0x0] =	vst.idx.msk $0xffff, v32  }
0x11f: {  	v32 =	vld [tilespmem:s10+$0x300];
	_ =	sdelay $0x3  }
0x120: {  	s7 =	sor.u32 s9, s7  }
0x121: {  	s7 =	sor.u32 $0x380, s7;
	[tilespmem:v5+s29+$0x0] =	vst.idx.msk $0xffff, v32  }
0x122: {  	v32 =	vld [tilespmem:s7+$0x0];
	_ =	sdelay $0x4  }
0x123: {  	[tilespmem:v6+s29+$0x0] =	vst.idx.msk $0xffff, v32  }
0x124: {  	v32 =	vld [tilespmem:s10+$0x1000];
	_ =	sdelay $0x4  }
0x125: {  	[tilespmem:v8+s29+$0x0] =	vst.idx.msk $0xffff, v32  }
0x126: {  	v32 =	vld [tilespmem:s10+$0x1080];
	_ =	sdelay $0x4  }
0x127: {  	[tilespmem:v9+s29+$0x0] =	vst.idx.msk $0xffff, v32  }
0x128: {  	v32 =	vld [tilespmem:s10+$0x1100];
	_ =	sdelay $0x4  }
0x129: {  	[tilespmem:v10+s29+$0x0] =	vst.idx.msk $0xffff, v32  }
0x12a: {  	v32 =	vld [tilespmem:s10+$0x1180];
	_ =	sdelay $0x4  }
0x12b: {  	[tilespmem:v11+s29+$0x0] =	vst.idx.msk $0xffff, v32  }
0x12c: {  	v32 =	vld [tilespmem:s10+$0x1200];
	_ =	sdelay $0x4  }
0x12d: {  	[tilespmem:v12+s29+$0x0] =	vst.idx.msk $0xffff, v32  }
0x12e: {  	v32 =	vld [tilespmem:s10+$0x1280];
	_ =	sdelay $0x4  }
0x12f: {  	[tilespmem:v13+s29+$0x0] =	vst.idx.msk $0xffff, v32  }
0x130: {  	v32 =	vld [tilespmem:s10+$0x1300];
	_ =	sdelay $0x4  }
0x131: {  	[tilespmem:v14+s29+$0x0] =	vst.idx.msk $0xffff, v32  }
0x132: {  	v32 =	vld [tilespmem:s10+$0x1380];
	_ =	sdelay $0x4  }
0x133: {  	[tilespmem:v15+s29+$0x0] =	vst.idx.msk $0xffff, v32  }
0x134: {  	v32 =	vld.idx.msk [tilespmem:v16+s29+$0x0], $0xffff;
	_ =	sdelay $0x3  }
0x135: {  	s11 =	sadd.s32 $0x100, s19  }
0x136: {  	[tilespmem:s11+$0xFFFFFF80] =	vst v32  }
0x137: {  	v32 =	vld.idx.msk [tilespmem:v17+s29+$0x0], $0xffff;
	_ =	sdelay $0x4  }
0x138: {  	[tilespmem:s11+$0xFFFFFF90] =	vst v32  }
0x139: {  	v32 =	vld.idx.msk [tilespmem:v18+s29+$0x0], $0xffff;
	_ =	sdelay $0x4  }
0x13a: {  	[tilespmem:s11+$0xFFFFFFA0] =	vst v32  }
0x13b: {  	v32 =	vld.idx.msk [tilespmem:v19+s29+$0x0], $0xffff;
	_ =	sdelay $0x4  }
0x13c: {  	[tilespmem:s11+$0xFFFFFFB0] =	vst v32  }
0x13d: {  	v32 =	vld.idx.msk [tilespmem:v20+s29+$0x0], $0xffff;
	_ =	sdelay $0x4  }
0x13e: {  	[tilespmem:s11+$0xFFFFFFC0] =	vst v32  }
0x13f: {  	v32 =	vld.idx.msk [tilespmem:v21+s29+$0x0], $0xffff;
	_ =	sdelay $0x4  }
0x140: {  	[tilespmem:s11+$0xFFFFFFD0] =	vst v32  }
0x141: {  	v32 =	vld.idx.msk [tilespmem:v22+s29+$0x0], $0xffff;
	_ =	sdelay $0x4  }
0x142: {  	[tilespmem:s11+$0xFFFFFFE0] =	vst v32  }
0x143: {  	v32 =	vld.idx.msk [tilespmem:v23+s29+$0x0], $0xffff;
	_ =	sdelay $0x4  }
0x144: {  	[tilespmem:s11+$0xFFFFFFF0] =	vst v32  }
0x145: {  	v32 =	vld.idx.msk [tilespmem:v24+s29+$0x0], $0xffff;
	_ =	sdelay $0x4  }
0x146: {  	[tilespmem:s11+$0x0] =	vst v32  }
0x147: {  	v32 =	vld.idx.msk [tilespmem:v25+s29+$0x0], $0xffff;
	_ =	sdelay $0x4  }
0x148: {  	[tilespmem:s11+$0x10] =	vst v32  }
0x149: {  	v32 =	vld.idx.msk [tilespmem:v26+s29+$0x0], $0xffff;
	_ =	sdelay $0x4  }
0x14a: {  	[tilespmem:s11+$0x20] =	vst v32  }
0x14b: {  	v32 =	vld.idx.msk [tilespmem:v27+s29+$0x0], $0xffff;
	_ =	sdelay $0x4  }
0x14c: {  	[tilespmem:s11+$0x30] =	vst v32  }
0x14d: {  	v32 =	vld.idx.msk [tilespmem:v28+s29+$0x0], $0xffff;
	_ =	sdelay $0x4  }
0x14e: {  	[tilespmem:s11+$0x40] =	vst v32  }
0x14f: {  	v32 =	vld.idx.msk [tilespmem:v29+s29+$0x0], $0xffff;
	_ =	sdelay $0x4  }
0x150: {  	[tilespmem:s11+$0x50] =	vst v32  }
0x151: {  	v32 =	vld.idx.msk [tilespmem:v30+s29+$0x0], $0xffff;
	_ =	sdelay $0x4  }
0x152: {  	[tilespmem:s11+$0x60] =	vst v32  }
0x153: {  	v32 =	vld.idx.msk [tilespmem:v31+s29+$0x0], $0xffff;
	_ =	sdelay $0x4  }
0x154: {  	s12 =	simm.s32 $0x0;
	s13 =	rddreg [dreg:$0x7];
	[tilespmem:s11+$0x70] =	vst v32  }
0x155: {  	[hbm4b:s13+s12] =	stream.linear.scatter [tilespmem:s30], [sflag:$0x2], $0x2000, $0x38;
	[tilespmem:$0x8100] =	vst v63  }
0x156: {  	s19 =	rddreg [dreg:$0x8]  }
0x157: {  	[tilespmem:s12], [sflag:$0x1] =	stream.linear.gather [hbm4b:s19+s12], $0x1000, $0x38;
	[tilespmem:$0x8100] =	vst v63  }
0x158: {  	s20 =	rddreg [dreg:$0x9]  }
0x159: {  	[tilespmem:s24], [sflag:$0x1] =	stream.linear.gather [hbm4b:s20+s12], $0x1000, $0x38;
	[tilespmem:$0x8100] =	vst v63  }
0x15a: {  	_ =	swait.ge [sflag:s28], $0x1000  }
0x15b: {  	[sflag:s28] =	ssyncset.done $0x0  }
0x15c: {  	[sflag:s28] =	ssyncadd.s32 $0xFFFFF000  }
0x15d: {  	_ =	swait.ge [sflag:s28], $0x1000  }
0x15e: {  	s21 =	sand.u32 $0x70, s12;
	s22 =	sand.u32 $0xC00, s12;
	[sflag:s28] =	ssyncset.done $0x0  }
0x15f: {  	s9 =	sor.u32 s21, s22;
	[sflag:s28] =	ssyncadd.s32 $0xFFFFF000  }
0x160: {  	v63 =	vld [tilespmem:s9+$0x2000];
	_ =	sdelay $0x4  }
0x161: {  	[tilespmem:v7+s29+$0x0] =	vst.idx.msk $0xffff, v63  }
0x162: {  	v32 =	vld [tilespmem:s9+$0x2080];
	_ =	sdelay $0x4  }
0x163: {  	[tilespmem:v0+s29+$0x0] =	vst.idx.msk $0xffff, v32  }
0x164: {  	v32 =	vld [tilespmem:s9+$0x2100];
	_ =	sdelay $0x4  }
0x165: {  	[tilespmem:v1+s29+$0x0] =	vst.idx.msk $0xffff, v32  }
0x166: {  	v32 =	vld [tilespmem:s9+$0x2180];
	_ =	sdelay $0x4  }
0x167: {  	[tilespmem:v2+s29+$0x0] =	vst.idx.msk $0xffff, v32  }
0x168: {  	v32 =	vld [tilespmem:s9+$0x2200];
	_ =	sdelay $0x4  }
0x169: {  	[tilespmem:v3+s29+$0x0] =	vst.idx.msk $0xffff, v32  }
0x16a: {  	v32 =	vld [tilespmem:s9+$0x2280];
	_ =	sdelay $0x4  }
0x16b: {  	[tilespmem:v4+s29+$0x0] =	vst.idx.msk $0xffff, v32  }
0x16c: {  	v32 =	vld [tilespmem:s9+$0x2300];
	_ =	sdelay $0x3  }
0x16d: {  	s7 =	sor.u32 s12, s12  }
0x16e: {  	s7 =	sor.u32 $0x380, s7;
	[tilespmem:v5+s29+$0x0] =	vst.idx.msk $0xffff, v32  }
0x16f: {  	v32 =	vld [tilespmem:s7+$0x2000];
	_ =	sdelay $0x4  }
0x170: {  	[tilespmem:v6+s29+$0x0] =	vst.idx.msk $0xffff, v32  }
0x171: {  	v32 =	vld [tilespmem:s9+$0x3000];
	_ =	sdelay $0x4  }
0x172: {  	[tilespmem:v8+s29+$0x0] =	vst.idx.msk $0xffff, v32  }
0x173: {  	v32 =	vld [tilespmem:s9+$0x3080];
	_ =	sdelay $0x4  }
0x174: {  	[tilespmem:v9+s29+$0x0] =	vst.idx.msk $0xffff, v32  }
0x175: {  	v32 =	vld [tilespmem:s9+$0x3100];
	_ =	sdelay $0x4  }
0x176: {  	[tilespmem:v10+s29+$0x0] =	vst.idx.msk $0xffff, v32  }
0x177: {  	v32 =	vld [tilespmem:s9+$0x3180];
	_ =	sdelay $0x4  }
0x178: {  	[tilespmem:v11+s29+$0x0] =	vst.idx.msk $0xffff, v32  }
0x179: {  	v32 =	vld [tilespmem:s9+$0x3200];
	_ =	sdelay $0x4  }
0x17a: {  	[tilespmem:v12+s29+$0x0] =	vst.idx.msk $0xffff, v32  }
0x17b: {  	v32 =	vld [tilespmem:s9+$0x3280];
	_ =	sdelay $0x4  }
0x17c: {  	[tilespmem:v13+s29+$0x0] =	vst.idx.msk $0xffff, v32  }
0x17d: {  	v32 =	vld [tilespmem:s9+$0x3300];
	_ =	sdelay $0x4  }
0x17e: {  	[tilespmem:v14+s29+$0x0] =	vst.idx.msk $0xffff, v32  }
0x17f: {  	v32 =	vld [tilespmem:s9+$0x3380];
	_ =	sdelay $0x4  }
0x180: {  	[tilespmem:v15+s29+$0x0] =	vst.idx.msk $0xffff, v32  }
0x181: {  	v32 =	vld.idx.msk [tilespmem:v16+s29+$0x0], $0xffff;
	_ =	sdelay $0x3  }
0x182: {  	s19 =	simm.s32 $0x6080  }
0x183: {  	[tilespmem:s19+$0xFFFFFF80] =	vst v32  }
0x184: {  	v32 =	vld.idx.msk [tilespmem:v17+s29+$0x0], $0xffff;
	_ =	sdelay $0x4  }
0x185: {  	[tilespmem:s19+$0xFFFFFF90] =	vst v32  }
0x186: {  	v32 =	vld.idx.msk [tilespmem:v18+s29+$0x0], $0xffff;
	_ =	sdelay $0x4  }
0x187: {  	[tilespmem:s19+$0xFFFFFFA0] =	vst v32  }
0x188: {  	v32 =	vld.idx.msk [tilespmem:v19+s29+$0x0], $0xffff;
	_ =	sdelay $0x4  }
0x189: {  	[tilespmem:s19+$0xFFFFFFB0] =	vst v32  }
0x18a: {  	v32 =	vld.idx.msk [tilespmem:v20+s29+$0x0], $0xffff;
	_ =	sdelay $0x4  }
0x18b: {  	[tilespmem:s19+$0xFFFFFFC0] =	vst v32  }
0x18c: {  	v32 =	vld.idx.msk [tilespmem:v21+s29+$0x0], $0xffff;
	_ =	sdelay $0x4  }
0x18d: {  	[tilespmem:s19+$0xFFFFFFD0] =	vst v32  }
0x18e: {  	v32 =	vld.idx.msk [tilespmem:v22+s29+$0x0], $0xffff;
	_ =	sdelay $0x4  }
0x18f: {  	[tilespmem:s19+$0xFFFFFFE0] =	vst v32  }
0x190: {  	v32 =	vld.idx.msk [tilespmem:v23+s29+$0x0], $0xffff;
	_ =	sdelay $0x4  }
0x191: {  	[tilespmem:s19+$0xFFFFFFF0] =	vst v32  }
0x192: {  	v32 =	vld.idx.msk [tilespmem:v24+s29+$0x0], $0xffff;
	_ =	sdelay $0x4  }
0x193: {  	[tilespmem:s19+$0x0] =	vst v32  }
0x194: {  	v32 =	vld.idx.msk [tilespmem:v25+s29+$0x0], $0xffff;
	_ =	sdelay $0x4  }
0x195: {  	[tilespmem:s19+$0x10] =	vst v32  }
0x196: {  	v32 =	vld.idx.msk [tilespmem:v26+s29+$0x0], $0xffff;
	_ =	sdelay $0x4  }
0x197: {  	[tilespmem:s19+$0x20] =	vst v32  }
0x198: {  	v32 =	vld.idx.msk [tilespmem:v27+s29+$0x0], $0xffff;
	_ =	sdelay $0x4  }
0x199: {  	[tilespmem:s19+$0x30] =	vst v32  }
0x19a: {  	v32 =	vld.idx.msk [tilespmem:v28+s29+$0x0], $0xffff;
	_ =	sdelay $0x4  }
0x19b: {  	[tilespmem:s19+$0x40] =	vst v32  }
0x19c: {  	v32 =	vld.idx.msk [tilespmem:v29+s29+$0x0], $0xffff;
	_ =	sdelay $0x4  }
0x19d: {  	[tilespmem:s19+$0x50] =	vst v32  }
0x19e: {  	v32 =	vld.idx.msk [tilespmem:v30+s29+$0x0], $0xffff;
	_ =	sdelay $0x4  }
0x19f: {  	[tilespmem:s19+$0x60] =	vst v32  }
0x1a0: {  	v32 =	vld.idx.msk [tilespmem:v31+s29+$0x0], $0xffff;
	_ =	sdelay $0x2  }
0x1a1: {  	s7 =	simm.s32 $0x10;
	s9 =	simm.s32 $0x80  }
0x1a2: {  	s10 =	simm.s32 $0x20;
	s11 =	sand.u32 $0x70, s7;
	s12 =	sand.u32 $0xC00, s9  }
.LBB2_4:
0x1a3: {  	p1 =	sne.s32 s10, $0x1F0;
	s11 =	sor.u32 s11, s12;
	[tilespmem:s19+$0x70] =	vst v32  }
0x1a4: {  	v32 =	vld [tilespmem:s11+$0x2000];
	_ =	sdelay $0x4  }
0x1a5: {  	[tilespmem:v7+s29+$0x0] =	vst.idx.msk $0xffff, v32  }
0x1a6: {  	v32 =	vld [tilespmem:s11+$0x2080];
	_ =	sdelay $0x4  }
0x1a7: {  	[tilespmem:v0+s29+$0x0] =	vst.idx.msk $0xffff, v32  }
0x1a8: {  	v32 =	vld [tilespmem:s11+$0x2100];
	_ =	sdelay $0x4  }
0x1a9: {  	[tilespmem:v1+s29+$0x0] =	vst.idx.msk $0xffff, v32  }
0x1aa: {  	v32 =	vld [tilespmem:s11+$0x2180];
	_ =	sdelay $0x4  }
0x1ab: {  	[tilespmem:v2+s29+$0x0] =	vst.idx.msk $0xffff, v32  }
0x1ac: {  	v32 =	vld [tilespmem:s11+$0x2200];
	_ =	sdelay $0x4  }
0x1ad: {  	[tilespmem:v3+s29+$0x0] =	vst.idx.msk $0xffff, v32  }
0x1ae: {  	v32 =	vld [tilespmem:s11+$0x2280];
	_ =	sdelay $0x4  }
0x1af: {  	[tilespmem:v4+s29+$0x0] =	vst.idx.msk $0xffff, v32  }
0x1b0: {  	v32 =	vld [tilespmem:s11+$0x2300];
	_ =	sdelay $0x3  }
0x1b1: {  	s12 =	sor.u32 s9, s7;
	s7 =	smov.u32 s10  }
0x1b2: {  	s12 =	sor.u32 $0x380, s12;
	[tilespmem:v5+s29+$0x0] =	vst.idx.msk $0xffff, v32  }
0x1b3: {  	v32 =	vld [tilespmem:s12+$0x2000];
	_ =	sdelay $0x4  }
0x1b4: {  	[tilespmem:v6+s29+$0x0] =	vst.idx.msk $0xffff, v32  }
0x1b5: {  	v32 =	vld [tilespmem:s11+$0x3000];
	_ =	sdelay $0x4  }
0x1b6: {  	[tilespmem:v8+s29+$0x0] =	vst.idx.msk $0xffff, v32  }
0x1b7: {  	v32 =	vld [tilespmem:s11+$0x3080];
	_ =	sdelay $0x4  }
0x1b8: {  	[tilespmem:v9+s29+$0x0] =	vst.idx.msk $0xffff, v32  }
0x1b9: {  	v32 =	vld [tilespmem:s11+$0x3100];
	_ =	sdelay $0x4  }
0x1ba: {  	[tilespmem:v10+s29+$0x0] =	vst.idx.msk $0xffff, v32  }
0x1bb: {  	v32 =	vld [tilespmem:s11+$0x3180];
	_ =	sdelay $0x4  }
0x1bc: {  	[tilespmem:v11+s29+$0x0] =	vst.idx.msk $0xffff, v32  }
0x1bd: {  	v32 =	vld [tilespmem:s11+$0x3200];
	_ =	sdelay $0x4  }
0x1be: {  	[tilespmem:v12+s29+$0x0] =	vst.idx.msk $0xffff, v32  }
0x1bf: {  	v32 =	vld [tilespmem:s11+$0x3280];
	_ =	sdelay $0x4  }
0x1c0: {  	[tilespmem:v13+s29+$0x0] =	vst.idx.msk $0xffff, v32  }
0x1c1: {  	v32 =	vld [tilespmem:s11+$0x3300];
	_ =	sdelay $0x4  }
0x1c2: {  	[tilespmem:v14+s29+$0x0] =	vst.idx.msk $0xffff, v32  }
0x1c3: {  	v32 =	vld [tilespmem:s11+$0x3380];
	_ =	sdelay $0x4  }
0x1c4: {  	[tilespmem:v15+s29+$0x0] =	vst.idx.msk $0xffff, v32  }
0x1c5: {  	v32 =	vld.idx.msk [tilespmem:v16+s29+$0x0], $0xffff;
	_ =	sdelay $0x4  }
0x1c6: {  	s19 =	sadd.s32 $0x100, s19  }
0x1c7: {  	[tilespmem:s19+$0xFFFFFF80] =	vst v32  }
0x1c8: {  	v32 =	vld.idx.msk [tilespmem:v17+s29+$0x0], $0xffff;
	_ =	sdelay $0x5  }
0x1c9: {  	[tilespmem:s19+$0xFFFFFF90] =	vst v32  }
0x1ca: {  	v32 =	vld.idx.msk [tilespmem:v18+s29+$0x0], $0xffff;
	_ =	sdelay $0x5  }
0x1cb: {  	[tilespmem:s19+$0xFFFFFFA0] =	vst v32  }
0x1cc: {  	v32 =	vld.idx.msk [tilespmem:v19+s29+$0x0], $0xffff;
	_ =	sdelay $0x5  }
0x1cd: {  	[tilespmem:s19+$0xFFFFFFB0] =	vst v32  }
0x1ce: {  	v32 =	vld.idx.msk [tilespmem:v20+s29+$0x0], $0xffff;
	_ =	sdelay $0x5  }
0x1cf: {  	[tilespmem:s19+$0xFFFFFFC0] =	vst v32  }
0x1d0: {  	v32 =	vld.idx.msk [tilespmem:v21+s29+$0x0], $0xffff;
	_ =	sdelay $0x5  }
0x1d1: {  	[tilespmem:s19+$0xFFFFFFD0] =	vst v32  }
0x1d2: {  	v32 =	vld.idx.msk [tilespmem:v22+s29+$0x0], $0xffff;
	_ =	sdelay $0x5  }
0x1d3: {  	[tilespmem:s19+$0xFFFFFFE0] =	vst v32  }
0x1d4: {  	v32 =	vld.idx.msk [tilespmem:v23+s29+$0x0], $0xffff;
	_ =	sdelay $0x5  }
0x1d5: {  	[tilespmem:s19+$0xFFFFFFF0] =	vst v32  }
0x1d6: {  	v32 =	vld.idx.msk [tilespmem:v24+s29+$0x0], $0xffff;
	_ =	sdelay $0x5  }
0x1d7: {  	[tilespmem:s19+$0x0] =	vst v32  }
0x1d8: {  	v32 =	vld.idx.msk [tilespmem:v25+s29+$0x0], $0xffff;
	_ =	sdelay $0x5  }
0x1d9: {  	[tilespmem:s19+$0x10] =	vst v32  }
0x1da: {  	v32 =	vld.idx.msk [tilespmem:v26+s29+$0x0], $0xffff;
	_ =	sdelay $0x5  }
0x1db: {  	[tilespmem:s19+$0x20] =	vst v32  }
0x1dc: {  	v32 =	vld.idx.msk [tilespmem:v27+s29+$0x0], $0xffff;
	_ =	sdelay $0x5  }
0x1dd: {  	[tilespmem:s19+$0x30] =	vst v32  }
0x1de: {  	v32 =	vld.idx.msk [tilespmem:v28+s29+$0x0], $0xffff;
	_ =	sdelay $0x5  }
0x1df: {  	[tilespmem:s19+$0x40] =	vst v32  }
0x1e0: {  	v32 =	vld.idx.msk [tilespmem:v29+s29+$0x0], $0xffff;
	_ =	sdelay $0x5  }
0x1e1: {  	[tilespmem:s19+$0x50] =	vst v32  }
0x1e2: {  	v32 =	vld.idx.msk [tilespmem:v30+s29+$0x0], $0xffff;
	_ =	sdelay $0x5  }
0x1e3: {  	[tilespmem:s19+$0x60] =	vst v32  }
0x1e4: {  	v32 =	vld.idx.msk [tilespmem:v31+s29+$0x0], $0xffff  }
.Ltmp3:
0x1e5: {  	(pc) =	sbr.rel @p1 .LBB2_4-.Ltmp3, $3  }
0x1e6: {  	_ =	sdelay $0x1  }
0x1e7: {  	s9 =	sadd.s32 $0x80, s9  }
0x1e8: {  	s10 =	sadd.s32 $0x10, s10;
	s12 =	sand.u32 $0xC00, s9;
	s11 =	sand.u32 $0x70, s7  }
0x1e9: {  	s10 =	sor.u32 s11, s12;
	[tilespmem:s19+$0x70] =	vst v32  }
0x1ea: {  	v32 =	vld [tilespmem:s10+$0x2000];
	_ =	sdelay $0x4  }
0x1eb: {  	[tilespmem:v7+s29+$0x0] =	vst.idx.msk $0xffff, v32  }
0x1ec: {  	v32 =	vld [tilespmem:s10+$0x2080];
	_ =	sdelay $0x4  }
0x1ed: {  	[tilespmem:v0+s29+$0x0] =	vst.idx.msk $0xffff, v32  }
0x1ee: {  	v32 =	vld [tilespmem:s10+$0x2100];
	_ =	sdelay $0x4  }
0x1ef: {  	[tilespmem:v1+s29+$0x0] =	vst.idx.msk $0xffff, v32  }
0x1f0: {  	v32 =	vld [tilespmem:s10+$0x2180];
	_ =	sdelay $0x4  }
0x1f1: {  	[tilespmem:v2+s29+$0x0] =	vst.idx.msk $0xffff, v32  }
0x1f2: {  	v32 =	vld [tilespmem:s10+$0x2200];
	_ =	sdelay $0x4  }
0x1f3: {  	[tilespmem:v3+s29+$0x0] =	vst.idx.msk $0xffff, v32  }
0x1f4: {  	v32 =	vld [tilespmem:s10+$0x2280];
	_ =	sdelay $0x4  }
0x1f5: {  	[tilespmem:v4+s29+$0x0] =	vst.idx.msk $0xffff, v32  }
0x1f6: {  	v32 =	vld [tilespmem:s10+$0x2300];
	_ =	sdelay $0x3  }
0x1f7: {  	s7 =	sor.u32 s9, s7  }
0x1f8: {  	s7 =	sor.u32 $0x380, s7;
	[tilespmem:v5+s29+$0x0] =	vst.idx.msk $0xffff, v32  }
0x1f9: {  	v32 =	vld [tilespmem:s7+$0x2000];
	_ =	sdelay $0x4  }
0x1fa: {  	[tilespmem:v6+s29+$0x0] =	vst.idx.msk $0xffff, v32  }
0x1fb: {  	v32 =	vld [tilespmem:s10+$0x3000];
	_ =	sdelay $0x4  }
0x1fc: {  	[tilespmem:v8+s29+$0x0] =	vst.idx.msk $0xffff, v32  }
0x1fd: {  	v32 =	vld [tilespmem:s10+$0x3080];
	_ =	sdelay $0x4  }
0x1fe: {  	[tilespmem:v9+s29+$0x0] =	vst.idx.msk $0xffff, v32  }
0x1ff: {  	v32 =	vld [tilespmem:s10+$0x3100];
	_ =	sdelay $0x4  }
0x200: {  	[tilespmem:v10+s29+$0x0] =	vst.idx.msk $0xffff, v32  }
0x201: {  	v32 =	vld [tilespmem:s10+$0x3180];
	_ =	sdelay $0x4  }
0x202: {  	[tilespmem:v11+s29+$0x0] =	vst.idx.msk $0xffff, v32  }
0x203: {  	v32 =	vld [tilespmem:s10+$0x3200];
	_ =	sdelay $0x4  }
0x204: {  	[tilespmem:v12+s29+$0x0] =	vst.idx.msk $0xffff, v32  }
0x205: {  	v32 =	vld [tilespmem:s10+$0x3280];
	_ =	sdelay $0x4  }
0x206: {  	[tilespmem:v13+s29+$0x0] =	vst.idx.msk $0xffff, v32  }
0x207: {  	v32 =	vld [tilespmem:s10+$0x3300];
	_ =	sdelay $0x4  }
0x208: {  	[tilespmem:v14+s29+$0x0] =	vst.idx.msk $0xffff, v32  }
0x209: {  	v32 =	vld [tilespmem:s10+$0x3380];
	_ =	sdelay $0x4  }
0x20a: {  	[tilespmem:v15+s29+$0x0] =	vst.idx.msk $0xffff, v32  }
0x20b: {  	v32 =	vld.idx.msk [tilespmem:v16+s29+$0x0], $0xffff;
	_ =	sdelay $0x3  }
0x20c: {  	s22 =	sadd.s32 $0x100, s19  }
0x20d: {  	[tilespmem:s22+$0xFFFFFF80] =	vst v32  }
0x20e: {  	v32 =	vld.idx.msk [tilespmem:v17+s29+$0x0], $0xffff;
	_ =	sdelay $0x4  }
0x20f: {  	[tilespmem:s22+$0xFFFFFF90] =	vst v32  }
0x210: {  	v32 =	vld.idx.msk [tilespmem:v18+s29+$0x0], $0xffff;
	_ =	sdelay $0x4  }
0x211: {  	[tilespmem:s22+$0xFFFFFFA0] =	vst v32  }
0x212: {  	v32 =	vld.idx.msk [tilespmem:v19+s29+$0x0], $0xffff;
	_ =	sdelay $0x4  }
0x213: {  	[tilespmem:s22+$0xFFFFFFB0] =	vst v32  }
0x214: {  	v32 =	vld.idx.msk [tilespmem:v20+s29+$0x0], $0xffff;
	_ =	sdelay $0x4  }
0x215: {  	[tilespmem:s22+$0xFFFFFFC0] =	vst v32  }
0x216: {  	v32 =	vld.idx.msk [tilespmem:v21+s29+$0x0], $0xffff;
	_ =	sdelay $0x4  }
0x217: {  	[tilespmem:s22+$0xFFFFFFD0] =	vst v32  }
0x218: {  	v32 =	vld.idx.msk [tilespmem:v22+s29+$0x0], $0xffff;
	_ =	sdelay $0x4  }
0x219: {  	[tilespmem:s22+$0xFFFFFFE0] =	vst v32  }
0x21a: {  	v32 =	vld.idx.msk [tilespmem:v23+s29+$0x0], $0xffff;
	_ =	sdelay $0x4  }
0x21b: {  	[tilespmem:s22+$0xFFFFFFF0] =	vst v32  }
0x21c: {  	v32 =	vld.idx.msk [tilespmem:v24+s29+$0x0], $0xffff;
	_ =	sdelay $0x4  }
0x21d: {  	[tilespmem:s22+$0x0] =	vst v32  }
0x21e: {  	v32 =	vld.idx.msk [tilespmem:v25+s29+$0x0], $0xffff;
	_ =	sdelay $0x4  }
0x21f: {  	[tilespmem:s22+$0x10] =	vst v32  }
0x220: {  	v32 =	vld.idx.msk [tilespmem:v26+s29+$0x0], $0xffff;
	_ =	sdelay $0x4  }
0x221: {  	[tilespmem:s22+$0x20] =	vst v32  }
0x222: {  	v32 =	vld.idx.msk [tilespmem:v27+s29+$0x0], $0xffff;
	_ =	sdelay $0x4  }
0x223: {  	[tilespmem:s22+$0x30] =	vst v32  }
0x224: {  	v32 =	vld.idx.msk [tilespmem:v28+s29+$0x0], $0xffff;
	_ =	sdelay $0x4  }
0x225: {  	[tilespmem:s22+$0x40] =	vst v32  }
0x226: {  	v32 =	vld.idx.msk [tilespmem:v29+s29+$0x0], $0xffff;
	_ =	sdelay $0x4  }
0x227: {  	[tilespmem:s22+$0x50] =	vst v32  }
0x228: {  	v32 =	vld.idx.msk [tilespmem:v30+s29+$0x0], $0xffff;
	_ =	sdelay $0x4  }
0x229: {  	[tilespmem:s22+$0x60] =	vst v32  }
0x22a: {  	v32 =	vld.idx.msk [tilespmem:v31+s29+$0x0], $0xffff;
	_ =	sdelay $0x4  }
0x22b: {  	s19 =	simm.s32 $0x0;
	s20 =	simm.s32 $0x0;
	[tilespmem:s22+$0x70] =	vst v32  }
0x22c: {  	[hbm4b:s14+s19] =	stream.linear.scatter [tilespmem:s31], [sflag:$0x2], $0x2000, $0x38;
	[tilespmem:$0x8100] =	vst v63  }
.LBB2_6:
0x22d: {  	s22 =	sshll.u32 s20, $0x1  }
0x22e: {  	s21 =	sadd.s32 s22, s15  }
0x22f: {  	s7 =	sshll.u32 s21, $0x9  }
0x230: {  	s9 =	sadd.s32 s0, s7  }
0x231: {  	[tilespmem:s25], [sflag:$0x1] =	stream.linear.gather [hbm4b:s9+s19], $0x1000, $0x38;
	[tilespmem:$0x8100] =	vst v63  }
0x232: {  	s7 =	sadd.s32 s7, s8  }
0x233: {  	[tilespmem:s26], [sflag:$0x1] =	stream.linear.gather [hbm4b:s7+s19], $0x1000, $0x38;
	[tilespmem:$0x8100] =	vst v63  }
0x234: {  	_ =	swait.ge [sflag:s28], $0x1000  }
0x235: {  	[sflag:s28] =	ssyncset.done $0x0  }
0x236: {  	[sflag:s28] =	ssyncadd.s32 $0xFFFFF000  }
0x237: {  	_ =	swait.ge [sflag:s28], $0x1000  }
0x238: {  	[sflag:s28] =	ssyncset.done $0x0  }
0x239: {  	[sflag:s28] =	ssyncadd.s32 $0xFFFFF000  }
0x23a: {  	_ =	swait.ge [sflag:s3], $0x2000  }
0x23b: {  	s11 =	sand.u32 $0x70, s19;
	s12 =	sand.u32 $0xC00, s19;
	[sflag:s3] =	ssyncset.done $0x0  }
0x23c: {  	s7 =	sor.u32 s11, s12;
	[sflag:s3] =	ssyncadd.s32 $0xFFFFE000  }
0x23d: {  	v32 =	vld [tilespmem:s7+$0x0];
	_ =	sdelay $0x4  }
0x23e: {  	[tilespmem:v7+s29+$0x0] =	vst.idx.msk $0xffff, v32  }
0x23f: {  	v32 =	vld [tilespmem:s7+$0x80];
	_ =	sdelay $0x4  }
0x240: {  	[tilespmem:v0+s29+$0x0] =	vst.idx.msk $0xffff, v32  }
0x241: {  	v32 =	vld [tilespmem:s7+$0x100];
	_ =	sdelay $0x4  }
0x242: {  	[tilespmem:v1+s29+$0x0] =	vst.idx.msk $0xffff, v32  }
0x243: {  	v32 =	vld [tilespmem:s7+$0x180];
	_ =	sdelay $0x4  }
0x244: {  	[tilespmem:v2+s29+$0x0] =	vst.idx.msk $0xffff, v32  }
0x245: {  	v32 =	vld [tilespmem:s7+$0x200];
	_ =	sdelay $0x4  }
0x246: {  	[tilespmem:v3+s29+$0x0] =	vst.idx.msk $0xffff, v32  }
0x247: {  	v32 =	vld [tilespmem:s7+$0x280];
	_ =	sdelay $0x4  }
0x248: {  	[tilespmem:v4+s29+$0x0] =	vst.idx.msk $0xffff, v32  }
0x249: {  	v32 =	vld [tilespmem:s7+$0x300];
	_ =	sdelay $0x3  }
0x24a: {  	s13 =	sor.u32 s19, s19  }
0x24b: {  	s9 =	sor.u32 $0x380, s13;
	[tilespmem:v5+s29+$0x0] =	vst.idx.msk $0xffff, v32  }
0x24c: {  	v32 =	vld [tilespmem:s9+$0x0];
	_ =	sdelay $0x4  }
0x24d: {  	[tilespmem:v6+s29+$0x0] =	vst.idx.msk $0xffff, v32  }
0x24e: {  	v32 =	vld [tilespmem:s7+$0x1000];
	_ =	sdelay $0x4  }
0x24f: {  	[tilespmem:v8+s29+$0x0] =	vst.idx.msk $0xffff, v32  }
0x250: {  	v32 =	vld [tilespmem:s7+$0x1080];
	_ =	sdelay $0x4  }
0x251: {  	[tilespmem:v9+s29+$0x0] =	vst.idx.msk $0xffff, v32  }
0x252: {  	v32 =	vld [tilespmem:s7+$0x1100];
	_ =	sdelay $0x4  }
0x253: {  	[tilespmem:v10+s29+$0x0] =	vst.idx.msk $0xffff, v32  }
0x254: {  	v32 =	vld [tilespmem:s7+$0x1180];
	_ =	sdelay $0x4  }
0x255: {  	[tilespmem:v11+s29+$0x0] =	vst.idx.msk $0xffff, v32  }
0x256: {  	v32 =	vld [tilespmem:s7+$0x1200];
	_ =	sdelay $0x4  }
0x257: {  	[tilespmem:v12+s29+$0x0] =	vst.idx.msk $0xffff, v32  }
0x258: {  	v32 =	vld [tilespmem:s7+$0x1280];
	_ =	sdelay $0x4  }
0x259: {  	[tilespmem:v13+s29+$0x0] =	vst.idx.msk $0xffff, v32  }
0x25a: {  	v32 =	vld [tilespmem:s7+$0x1300];
	_ =	sdelay $0x4  }
0x25b: {  	[tilespmem:v14+s29+$0x0] =	vst.idx.msk $0xffff, v32  }
0x25c: {  	v32 =	vld [tilespmem:s7+$0x1380];
	_ =	sdelay $0x4  }
0x25d: {  	[tilespmem:v15+s29+$0x0] =	vst.idx.msk $0xffff, v32  }
0x25e: {  	v32 =	vld.idx.msk [tilespmem:v16+s29+$0x0], $0xffff;
	_ =	sdelay $0x3  }
0x25f: {  	s7 =	simm.s32 $0x4080  }
0x260: {  	[tilespmem:s7+$0xFFFFFF80] =	vst v32  }
0x261: {  	v32 =	vld.idx.msk [tilespmem:v17+s29+$0x0], $0xffff;
	_ =	sdelay $0x4  }
0x262: {  	[tilespmem:s7+$0xFFFFFF90] =	vst v32  }
0x263: {  	v32 =	vld.idx.msk [tilespmem:v18+s29+$0x0], $0xffff;
	_ =	sdelay $0x4  }
0x264: {  	[tilespmem:s7+$0xFFFFFFA0] =	vst v32  }
0x265: {  	v32 =	vld.idx.msk [tilespmem:v19+s29+$0x0], $0xffff;
	_ =	sdelay $0x4  }
0x266: {  	[tilespmem:s7+$0xFFFFFFB0] =	vst v32  }
0x267: {  	v32 =	vld.idx.msk [tilespmem:v20+s29+$0x0], $0xffff;
	_ =	sdelay $0x4  }
0x268: {  	[tilespmem:s7+$0xFFFFFFC0] =	vst v32  }
0x269: {  	v32 =	vld.idx.msk [tilespmem:v21+s29+$0x0], $0xffff;
	_ =	sdelay $0x4  }
0x26a: {  	[tilespmem:s7+$0xFFFFFFD0] =	vst v32  }
0x26b: {  	v32 =	vld.idx.msk [tilespmem:v22+s29+$0x0], $0xffff;
	_ =	sdelay $0x4  }
0x26c: {  	[tilespmem:s7+$0xFFFFFFE0] =	vst v32  }
0x26d: {  	v32 =	vld.idx.msk [tilespmem:v23+s29+$0x0], $0xffff;
	_ =	sdelay $0x4  }
0x26e: {  	[tilespmem:s7+$0xFFFFFFF0] =	vst v32  }
0x26f: {  	v32 =	vld.idx.msk [tilespmem:v24+s29+$0x0], $0xffff;
	_ =	sdelay $0x4  }
0x270: {  	[tilespmem:s7+$0x0] =	vst v32  }
0x271: {  	v32 =	vld.idx.msk [tilespmem:v25+s29+$0x0], $0xffff;
	_ =	sdelay $0x4  }
0x272: {  	[tilespmem:s7+$0x10] =	vst v32  }
0x273: {  	v32 =	vld.idx.msk [tilespmem:v26+s29+$0x0], $0xffff;
	_ =	sdelay $0x4  }
0x274: {  	[tilespmem:s7+$0x20] =	vst v32  }
0x275: {  	v32 =	vld.idx.msk [tilespmem:v27+s29+$0x0], $0xffff;
	_ =	sdelay $0x4  }
0x276: {  	[tilespmem:s7+$0x30] =	vst v32  }
0x277: {  	v32 =	vld.idx.msk [tilespmem:v28+s29+$0x0], $0xffff;
	_ =	sdelay $0x4  }
0x278: {  	[tilespmem:s7+$0x40] =	vst v32  }
0x279: {  	v32 =	vld.idx.msk [tilespmem:v29+s29+$0x0], $0xffff;
	_ =	sdelay $0x4  }
0x27a: {  	[tilespmem:s7+$0x50] =	vst v32  }
0x27b: {  	v32 =	vld.idx.msk [tilespmem:v30+s29+$0x0], $0xffff;
	_ =	sdelay $0x4  }
0x27c: {  	[tilespmem:s7+$0x60] =	vst v32  }
0x27d: {  	v32 =	vld.idx.msk [tilespmem:v31+s29+$0x0], $0xffff;
	_ =	sdelay $0x2  }
0x27e: {  	s10 =	simm.s32 $0x80;
	s9 =	simm.s32 $0x10  }
0x27f: {  	s13 =	sand.u32 $0xC00, s10;
	s11 =	simm.s32 $0x20;
	s12 =	sand.u32 $0x70, s9  }
.LBB2_7:
0x280: {  	p1 =	sne.s32 s11, $0x1F0;
	s12 =	sor.u32 s12, s13;
	[tilespmem:s7+$0x70] =	vst v32  }
0x281: {  	v32 =	vld [tilespmem:s12+$0x0];
	_ =	sdelay $0x4  }
0x282: {  	[tilespmem:v7+s29+$0x0] =	vst.idx.msk $0xffff, v32  }
0x283: {  	v32 =	vld [tilespmem:s12+$0x80];
	_ =	sdelay $0x4  }
0x284: {  	[tilespmem:v0+s29+$0x0] =	vst.idx.msk $0xffff, v32  }
0x285: {  	v32 =	vld [tilespmem:s12+$0x100];
	_ =	sdelay $0x4  }
0x286: {  	[tilespmem:v1+s29+$0x0] =	vst.idx.msk $0xffff, v32  }
0x287: {  	v32 =	vld [tilespmem:s12+$0x180];
	_ =	sdelay $0x4  }
0x288: {  	[tilespmem:v2+s29+$0x0] =	vst.idx.msk $0xffff, v32  }
0x289: {  	v32 =	vld [tilespmem:s12+$0x200];
	_ =	sdelay $0x4  }
0x28a: {  	[tilespmem:v3+s29+$0x0] =	vst.idx.msk $0xffff, v32  }
0x28b: {  	v32 =	vld [tilespmem:s12+$0x280];
	_ =	sdelay $0x4  }
0x28c: {  	[tilespmem:v4+s29+$0x0] =	vst.idx.msk $0xffff, v32  }
0x28d: {  	v32 =	vld [tilespmem:s12+$0x300];
	_ =	sdelay $0x3  }
0x28e: {  	s13 =	sor.u32 s10, s9;
	s9 =	smov.u32 s11  }
0x28f: {  	s13 =	sor.u32 $0x380, s13;
	[tilespmem:v5+s29+$0x0] =	vst.idx.msk $0xffff, v32  }
0x290: {  	v32 =	vld [tilespmem:s13+$0x0];
	_ =	sdelay $0x4  }
0x291: {  	[tilespmem:v6+s29+$0x0] =	vst.idx.msk $0xffff, v32  }
0x292: {  	v32 =	vld [tilespmem:s12+$0x1000];
	_ =	sdelay $0x4  }
0x293: {  	[tilespmem:v8+s29+$0x0] =	vst.idx.msk $0xffff, v32  }
0x294: {  	v32 =	vld [tilespmem:s12+$0x1080];
	_ =	sdelay $0x4  }
0x295: {  	[tilespmem:v9+s29+$0x0] =	vst.idx.msk $0xffff, v32  }
0x296: {  	v32 =	vld [tilespmem:s12+$0x1100];
	_ =	sdelay $0x4  }
0x297: {  	[tilespmem:v10+s29+$0x0] =	vst.idx.msk $0xffff, v32  }
0x298: {  	v32 =	vld [tilespmem:s12+$0x1180];
	_ =	sdelay $0x4  }
0x299: {  	[tilespmem:v11+s29+$0x0] =	vst.idx.msk $0xffff, v32  }
0x29a: {  	v32 =	vld [tilespmem:s12+$0x1200];
	_ =	sdelay $0x4  }
0x29b: {  	[tilespmem:v12+s29+$0x0] =	vst.idx.msk $0xffff, v32  }
0x29c: {  	v32 =	vld [tilespmem:s12+$0x1280];
	_ =	sdelay $0x4  }
0x29d: {  	[tilespmem:v13+s29+$0x0] =	vst.idx.msk $0xffff, v32  }
0x29e: {  	v32 =	vld [tilespmem:s12+$0x1300];
	_ =	sdelay $0x4  }
0x29f: {  	[tilespmem:v14+s29+$0x0] =	vst.idx.msk $0xffff, v32  }
0x2a0: {  	v32 =	vld [tilespmem:s12+$0x1380];
	_ =	sdelay $0x4  }
0x2a1: {  	[tilespmem:v15+s29+$0x0] =	vst.idx.msk $0xffff, v32  }
0x2a2: {  	v32 =	vld.idx.msk [tilespmem:v16+s29+$0x0], $0xffff;
	_ =	sdelay $0x4  }
0x2a3: {  	s7 =	sadd.s32 $0x100, s7  }
0x2a4: {  	[tilespmem:s7+$0xFFFFFF80] =	vst v32  }
0x2a5: {  	v32 =	vld.idx.msk [tilespmem:v17+s29+$0x0], $0xffff;
	_ =	sdelay $0x5  }
0x2a6: {  	[tilespmem:s7+$0xFFFFFF90] =	vst v32  }
0x2a7: {  	v32 =	vld.idx.msk [tilespmem:v18+s29+$0x0], $0xffff;
	_ =	sdelay $0x5  }
0x2a8: {  	[tilespmem:s7+$0xFFFFFFA0] =	vst v32  }
0x2a9: {  	v32 =	vld.idx.msk [tilespmem:v19+s29+$0x0], $0xffff;
	_ =	sdelay $0x5  }
0x2aa: {  	[tilespmem:s7+$0xFFFFFFB0] =	vst v32  }
0x2ab: {  	v32 =	vld.idx.msk [tilespmem:v20+s29+$0x0], $0xffff;
	_ =	sdelay $0x5  }
0x2ac: {  	[tilespmem:s7+$0xFFFFFFC0] =	vst v32  }
0x2ad: {  	v32 =	vld.idx.msk [tilespmem:v21+s29+$0x0], $0xffff;
	_ =	sdelay $0x5  }
0x2ae: {  	[tilespmem:s7+$0xFFFFFFD0] =	vst v32  }
0x2af: {  	v32 =	vld.idx.msk [tilespmem:v22+s29+$0x0], $0xffff;
	_ =	sdelay $0x5  }
0x2b0: {  	[tilespmem:s7+$0xFFFFFFE0] =	vst v32  }
0x2b1: {  	v32 =	vld.idx.msk [tilespmem:v23+s29+$0x0], $0xffff;
	_ =	sdelay $0x5  }
0x2b2: {  	[tilespmem:s7+$0xFFFFFFF0] =	vst v32  }
0x2b3: {  	v32 =	vld.idx.msk [tilespmem:v24+s29+$0x0], $0xffff;
	_ =	sdelay $0x5  }
0x2b4: {  	[tilespmem:s7+$0x0] =	vst v32  }
0x2b5: {  	v32 =	vld.idx.msk [tilespmem:v25+s29+$0x0], $0xffff;
	_ =	sdelay $0x5  }
0x2b6: {  	[tilespmem:s7+$0x10] =	vst v32  }
0x2b7: {  	v32 =	vld.idx.msk [tilespmem:v26+s29+$0x0], $0xffff;
	_ =	sdelay $0x5  }
0x2b8: {  	[tilespmem:s7+$0x20] =	vst v32  }
0x2b9: {  	v32 =	vld.idx.msk [tilespmem:v27+s29+$0x0], $0xffff;
	_ =	sdelay $0x5  }
0x2ba: {  	[tilespmem:s7+$0x30] =	vst v32  }
0x2bb: {  	v32 =	vld.idx.msk [tilespmem:v28+s29+$0x0], $0xffff;
	_ =	sdelay $0x5  }
0x2bc: {  	[tilespmem:s7+$0x40] =	vst v32  }
0x2bd: {  	v32 =	vld.idx.msk [tilespmem:v29+s29+$0x0], $0xffff;
	_ =	sdelay $0x5  }
0x2be: {  	[tilespmem:s7+$0x50] =	vst v32  }
0x2bf: {  	v32 =	vld.idx.msk [tilespmem:v30+s29+$0x0], $0xffff;
	_ =	sdelay $0x5  }
0x2c0: {  	[tilespmem:s7+$0x60] =	vst v32  }
0x2c1: {  	v32 =	vld.idx.msk [tilespmem:v31+s29+$0x0], $0xffff  }
.Ltmp4:
0x2c2: {  	(pc) =	sbr.rel @p1 .LBB2_7-.Ltmp4, $3  }
0x2c3: {  	_ =	sdelay $0x1  }
0x2c4: {  	s10 =	sadd.s32 $0x80, s10  }
0x2c5: {  	s11 =	sadd.s32 $0x10, s11;
	s13 =	sand.u32 $0xC00, s10;
	s12 =	sand.u32 $0x70, s9  }
0x2c6: {  	s11 =	sor.u32 s12, s13;
	[tilespmem:s7+$0x70] =	vst v32  }
0x2c7: {  	v32 =	vld [tilespmem:s11+$0x0];
	_ =	sdelay $0x4  }
0x2c8: {  	[tilespmem:v7+s29+$0x0] =	vst.idx.msk $0xffff, v32  }
0x2c9: {  	v32 =	vld [tilespmem:s11+$0x80];
	_ =	sdelay $0x4  }
0x2ca: {  	[tilespmem:v0+s29+$0x0] =	vst.idx.msk $0xffff, v32  }
0x2cb: {  	v32 =	vld [tilespmem:s11+$0x100];
	_ =	sdelay $0x4  }
0x2cc: {  	[tilespmem:v1+s29+$0x0] =	vst.idx.msk $0xffff, v32  }
0x2cd: {  	v32 =	vld [tilespmem:s11+$0x180];
	_ =	sdelay $0x4  }
0x2ce: {  	[tilespmem:v2+s29+$0x0] =	vst.idx.msk $0xffff, v32  }
0x2cf: {  	v32 =	vld [tilespmem:s11+$0x200];
	_ =	sdelay $0x4  }
0x2d0: {  	[tilespmem:v3+s29+$0x0] =	vst.idx.msk $0xffff, v32  }
0x2d1: {  	v32 =	vld [tilespmem:s11+$0x280];
	_ =	sdelay $0x4  }
0x2d2: {  	[tilespmem:v4+s29+$0x0] =	vst.idx.msk $0xffff, v32  }
0x2d3: {  	v32 =	vld [tilespmem:s11+$0x300];
	_ =	sdelay $0x3  }
0x2d4: {  	s9 =	sor.u32 s10, s9  }
0x2d5: {  	s9 =	sor.u32 $0x380, s9;
	[tilespmem:v5+s29+$0x0] =	vst.idx.msk $0xffff, v32  }
0x2d6: {  	v32 =	vld [tilespmem:s9+$0x0];
	_ =	sdelay $0x4  }
0x2d7: {  	[tilespmem:v6+s29+$0x0] =	vst.idx.msk $0xffff, v32  }
0x2d8: {  	v32 =	vld [tilespmem:s11+$0x1000];
	_ =	sdelay $0x4  }
0x2d9: {  	[tilespmem:v8+s29+$0x0] =	vst.idx.msk $0xffff, v32  }
0x2da: {  	v32 =	vld [tilespmem:s11+$0x1080];
	_ =	sdelay $0x4  }
0x2db: {  	[tilespmem:v9+s29+$0x0] =	vst.idx.msk $0xffff, v32  }
0x2dc: {  	v32 =	vld [tilespmem:s11+$0x1100];
	_ =	sdelay $0x4  }
0x2dd: {  	[tilespmem:v10+s29+$0x0] =	vst.idx.msk $0xffff, v32  }
0x2de: {  	v32 =	vld [tilespmem:s11+$0x1180];
	_ =	sdelay $0x4  }
0x2df: {  	[tilespmem:v11+s29+$0x0] =	vst.idx.msk $0xffff, v32  }
0x2e0: {  	v32 =	vld [tilespmem:s11+$0x1200];
	_ =	sdelay $0x4  }
0x2e1: {  	[tilespmem:v12+s29+$0x0] =	vst.idx.msk $0xffff, v32  }
0x2e2: {  	v32 =	vld [tilespmem:s11+$0x1280];
	_ =	sdelay $0x4  }
0x2e3: {  	[tilespmem:v13+s29+$0x0] =	vst.idx.msk $0xffff, v32  }
0x2e4: {  	v32 =	vld [tilespmem:s11+$0x1300];
	_ =	sdelay $0x4  }
0x2e5: {  	[tilespmem:v14+s29+$0x0] =	vst.idx.msk $0xffff, v32  }
0x2e6: {  	v32 =	vld [tilespmem:s11+$0x1380];
	_ =	sdelay $0x4  }
0x2e7: {  	[tilespmem:v15+s29+$0x0] =	vst.idx.msk $0xffff, v32  }
0x2e8: {  	v32 =	vld.idx.msk [tilespmem:v16+s29+$0x0], $0xffff;
	_ =	sdelay $0x3  }
0x2e9: {  	s12 =	sadd.s32 $0x100, s7  }
0x2ea: {  	[tilespmem:s12+$0xFFFFFF80] =	vst v32  }
0x2eb: {  	v32 =	vld.idx.msk [tilespmem:v17+s29+$0x0], $0xffff;
	_ =	sdelay $0x4  }
0x2ec: {  	[tilespmem:s12+$0xFFFFFF90] =	vst v32  }
0x2ed: {  	v32 =	vld.idx.msk [tilespmem:v18+s29+$0x0], $0xffff;
	_ =	sdelay $0x4  }
0x2ee: {  	[tilespmem:s12+$0xFFFFFFA0] =	vst v32  }
0x2ef: {  	v32 =	vld.idx.msk [tilespmem:v19+s29+$0x0], $0xffff;
	_ =	sdelay $0x4  }
0x2f0: {  	[tilespmem:s12+$0xFFFFFFB0] =	vst v32  }
0x2f1: {  	v32 =	vld.idx.msk [tilespmem:v20+s29+$0x0], $0xffff;
	_ =	sdelay $0x4  }
0x2f2: {  	[tilespmem:s12+$0xFFFFFFC0] =	vst v32  }
0x2f3: {  	v32 =	vld.idx.msk [tilespmem:v21+s29+$0x0], $0xffff;
	_ =	sdelay $0x4  }
0x2f4: {  	[tilespmem:s12+$0xFFFFFFD0] =	vst v32  }
0x2f5: {  	v32 =	vld.idx.msk [tilespmem:v22+s29+$0x0], $0xffff;
	_ =	sdelay $0x4  }
0x2f6: {  	[tilespmem:s12+$0xFFFFFFE0] =	vst v32  }
0x2f7: {  	v32 =	vld.idx.msk [tilespmem:v23+s29+$0x0], $0xffff;
	_ =	sdelay $0x4  }
0x2f8: {  	[tilespmem:s12+$0xFFFFFFF0] =	vst v32  }
0x2f9: {  	v32 =	vld.idx.msk [tilespmem:v24+s29+$0x0], $0xffff;
	_ =	sdelay $0x4  }
0x2fa: {  	[tilespmem:s12+$0x0] =	vst v32  }
0x2fb: {  	v32 =	vld.idx.msk [tilespmem:v25+s29+$0x0], $0xffff;
	_ =	sdelay $0x4  }
0x2fc: {  	[tilespmem:s12+$0x10] =	vst v32  }
0x2fd: {  	v32 =	vld.idx.msk [tilespmem:v26+s29+$0x0], $0xffff;
	_ =	sdelay $0x4  }
0x2fe: {  	[tilespmem:s12+$0x20] =	vst v32  }
0x2ff: {  	v32 =	vld.idx.msk [tilespmem:v27+s29+$0x0], $0xffff;
	_ =	sdelay $0x4  }
0x300: {  	[tilespmem:s12+$0x30] =	vst v32  }
0x301: {  	v32 =	vld.idx.msk [tilespmem:v28+s29+$0x0], $0xffff;
	_ =	sdelay $0x4  }
0x302: {  	[tilespmem:s12+$0x40] =	vst v32  }
0x303: {  	v32 =	vld.idx.msk [tilespmem:v29+s29+$0x0], $0xffff;
	_ =	sdelay $0x4  }
0x304: {  	[tilespmem:s12+$0x50] =	vst v32  }
0x305: {  	v32 =	vld.idx.msk [tilespmem:v30+s29+$0x0], $0xffff;
	_ =	sdelay $0x4  }
0x306: {  	[tilespmem:s12+$0x60] =	vst v32  }
0x307: {  	v32 =	vld.idx.msk [tilespmem:v31+s29+$0x0], $0xffff;
	_ =	sdelay $0x1  }
0x308: {  	s13 =	sadd.s32 s22, s16  }
0x309: {  	s9 =	sshll.u32 s13, $0xA  }
0x30a: {  	s9 =	sand.u32 $0x1FFFFC00, s9;
	s11 =	sadd.s32 s22, s17  }
0x30b: {  	s10 =	sadd.s32 s4, s9;
	s9 =	simm.s32 $0x0;
	s7 =	sshll.u32 s11, $0x9;
	[tilespmem:s12+$0x70] =	vst v32  }
0x30c: {  	[hbm4b:s10+s9] =	stream.linear.scatter [tilespmem:s30], [sflag:$0x2], $0x2000, $0x38;
	[tilespmem:$0x8100] =	vst v63  }
0x30d: {  	s12 =	sadd.s32 s0, s7  }
0x30e: {  	[tilespmem:s9], [sflag:$0x1] =	stream.linear.gather [hbm4b:s12+s9], $0x1000, $0x38;
	[tilespmem:$0x8100] =	vst v63  }
0x30f: {  	s7 =	sadd.s32 s7, s8  }
0x310: {  	[tilespmem:s24], [sflag:$0x1] =	stream.linear.gather [hbm4b:s7+s9], $0x1000, $0x38;
	[tilespmem:$0x8100] =	vst v63  }
0x311: {  	_ =	swait.ge [sflag:s28], $0x1000  }
0x312: {  	[sflag:s28] =	ssyncset.done $0x0  }
0x313: {  	[sflag:s28] =	ssyncadd.s32 $0xFFFFF000  }
0x314: {  	_ =	swait.ge [sflag:s28], $0x1000  }
0x315: {  	[sflag:s28] =	ssyncset.done $0x0  }
0x316: {  	[sflag:s28] =	ssyncadd.s32 $0xFFFFF000  }
0x317: {  	_ =	swait.ge [sflag:s3], $0x2000  }
0x318: {  	s13 =	sand.u32 $0x70, s9;
	s22 =	sand.u32 $0xC00, s9;
	[sflag:s3] =	ssyncset.done $0x0  }
0x319: {  	s7 =	sor.u32 s13, s22;
	[sflag:s3] =	ssyncadd.s32 $0xFFFFE000  }
0x31a: {  	v63 =	vld [tilespmem:s7+$0x2000];
	_ =	sdelay $0x4  }
0x31b: {  	[tilespmem:v7+s29+$0x0] =	vst.idx.msk $0xffff, v63  }
0x31c: {  	v32 =	vld [tilespmem:s7+$0x2080];
	_ =	sdelay $0x4  }
0x31d: {  	[tilespmem:v0+s29+$0x0] =	vst.idx.msk $0xffff, v32  }
0x31e: {  	v32 =	vld [tilespmem:s7+$0x2100];
	_ =	sdelay $0x4  }
0x31f: {  	[tilespmem:v1+s29+$0x0] =	vst.idx.msk $0xffff, v32  }
0x320: {  	v32 =	vld [tilespmem:s7+$0x2180];
	_ =	sdelay $0x4  }
0x321: {  	[tilespmem:v2+s29+$0x0] =	vst.idx.msk $0xffff, v32  }
0x322: {  	v32 =	vld [tilespmem:s7+$0x2200];
	_ =	sdelay $0x4  }
0x323: {  	[tilespmem:v3+s29+$0x0] =	vst.idx.msk $0xffff, v32  }
0x324: {  	v32 =	vld [tilespmem:s7+$0x2280];
	_ =	sdelay $0x4  }
0x325: {  	[tilespmem:v4+s29+$0x0] =	vst.idx.msk $0xffff, v32  }
0x326: {  	v32 =	vld [tilespmem:s7+$0x2300];
	_ =	sdelay $0x3  }
0x327: {  	s9 =	sor.u32 s9, s9  }
0x328: {  	s9 =	sor.u32 $0x380, s9;
	[tilespmem:v5+s29+$0x0] =	vst.idx.msk $0xffff, v32  }
0x329: {  	v32 =	vld [tilespmem:s9+$0x2000];
	_ =	sdelay $0x4  }
0x32a: {  	[tilespmem:v6+s29+$0x0] =	vst.idx.msk $0xffff, v32  }
0x32b: {  	v32 =	vld [tilespmem:s7+$0x3000];
	_ =	sdelay $0x4  }
0x32c: {  	[tilespmem:v8+s29+$0x0] =	vst.idx.msk $0xffff, v32  }
0x32d: {  	v32 =	vld [tilespmem:s7+$0x3080];
	_ =	sdelay $0x4  }
0x32e: {  	[tilespmem:v9+s29+$0x0] =	vst.idx.msk $0xffff, v32  }
0x32f: {  	v32 =	vld [tilespmem:s7+$0x3100];
	_ =	sdelay $0x4  }
0x330: {  	[tilespmem:v10+s29+$0x0] =	vst.idx.msk $0xffff, v32  }
0x331: {  	v32 =	vld [tilespmem:s7+$0x3180];
	_ =	sdelay $0x4  }
0x332: {  	[tilespmem:v11+s29+$0x0] =	vst.idx.msk $0xffff, v32  }
0x333: {  	v32 =	vld [tilespmem:s7+$0x3200];
	_ =	sdelay $0x4  }
0x334: {  	[tilespmem:v12+s29+$0x0] =	vst.idx.msk $0xffff, v32  }
0x335: {  	v32 =	vld [tilespmem:s7+$0x3280];
	_ =	sdelay $0x4  }
0x336: {  	[tilespmem:v13+s29+$0x0] =	vst.idx.msk $0xffff, v32  }
0x337: {  	v32 =	vld [tilespmem:s7+$0x3300];
	_ =	sdelay $0x4  }
0x338: {  	[tilespmem:v14+s29+$0x0] =	vst.idx.msk $0xffff, v32  }
0x339: {  	v32 =	vld [tilespmem:s7+$0x3380];
	_ =	sdelay $0x4  }
0x33a: {  	[tilespmem:v15+s29+$0x0] =	vst.idx.msk $0xffff, v32  }
0x33b: {  	v32 =	vld.idx.msk [tilespmem:v16+s29+$0x0], $0xffff;
	_ =	sdelay $0x3  }
0x33c: {  	s7 =	simm.s32 $0x6080  }
0x33d: {  	[tilespmem:s7+$0xFFFFFF80] =	vst v32  }
0x33e: {  	v32 =	vld.idx.msk [tilespmem:v17+s29+$0x0], $0xffff;
	_ =	sdelay $0x4  }
0x33f: {  	[tilespmem:s7+$0xFFFFFF90] =	vst v32  }
0x340: {  	v32 =	vld.idx.msk [tilespmem:v18+s29+$0x0], $0xffff;
	_ =	sdelay $0x4  }
0x341: {  	[tilespmem:s7+$0xFFFFFFA0] =	vst v32  }
0x342: {  	v32 =	vld.idx.msk [tilespmem:v19+s29+$0x0], $0xffff;
	_ =	sdelay $0x4  }
0x343: {  	[tilespmem:s7+$0xFFFFFFB0] =	vst v32  }
0x344: {  	v32 =	vld.idx.msk [tilespmem:v20+s29+$0x0], $0xffff;
	_ =	sdelay $0x4  }
0x345: {  	[tilespmem:s7+$0xFFFFFFC0] =	vst v32  }
0x346: {  	v32 =	vld.idx.msk [tilespmem:v21+s29+$0x0], $0xffff;
	_ =	sdelay $0x4  }
0x347: {  	[tilespmem:s7+$0xFFFFFFD0] =	vst v32  }
0x348: {  	v32 =	vld.idx.msk [tilespmem:v22+s29+$0x0], $0xffff;
	_ =	sdelay $0x4  }
0x349: {  	[tilespmem:s7+$0xFFFFFFE0] =	vst v32  }
0x34a: {  	v32 =	vld.idx.msk [tilespmem:v23+s29+$0x0], $0xffff;
	_ =	sdelay $0x4  }
0x34b: {  	[tilespmem:s7+$0xFFFFFFF0] =	vst v32  }
0x34c: {  	v32 =	vld.idx.msk [tilespmem:v24+s29+$0x0], $0xffff;
	_ =	sdelay $0x4  }
0x34d: {  	[tilespmem:s7+$0x0] =	vst v32  }
0x34e: {  	v32 =	vld.idx.msk [tilespmem:v25+s29+$0x0], $0xffff;
	_ =	sdelay $0x4  }
0x34f: {  	[tilespmem:s7+$0x10] =	vst v32  }
0x350: {  	v32 =	vld.idx.msk [tilespmem:v26+s29+$0x0], $0xffff;
	_ =	sdelay $0x4  }
0x351: {  	[tilespmem:s7+$0x20] =	vst v32  }
0x352: {  	v32 =	vld.idx.msk [tilespmem:v27+s29+$0x0], $0xffff;
	_ =	sdelay $0x4  }
0x353: {  	[tilespmem:s7+$0x30] =	vst v32  }
0x354: {  	v32 =	vld.idx.msk [tilespmem:v28+s29+$0x0], $0xffff;
	_ =	sdelay $0x4  }
0x355: {  	[tilespmem:s7+$0x40] =	vst v32  }
0x356: {  	v32 =	vld.idx.msk [tilespmem:v29+s29+$0x0], $0xffff;
	_ =	sdelay $0x4  }
0x357: {  	[tilespmem:s7+$0x50] =	vst v32  }
0x358: {  	v32 =	vld.idx.msk [tilespmem:v30+s29+$0x0], $0xffff;
	_ =	sdelay $0x4  }
0x359: {  	[tilespmem:s7+$0x60] =	vst v32  }
0x35a: {  	v32 =	vld.idx.msk [tilespmem:v31+s29+$0x0], $0xffff;
	_ =	sdelay $0x2  }
0x35b: {  	s10 =	simm.s32 $0x80;
	s9 =	simm.s32 $0x10  }
0x35c: {  	s11 =	simm.s32 $0x20;
	s13 =	sand.u32 $0xC00, s10;
	s12 =	sand.u32 $0x70, s9  }
.LBB2_9:
0x35d: {  	p1 =	sne.s32 s11, $0x1F0;
	s12 =	sor.u32 s12, s13;
	[tilespmem:s7+$0x70] =	vst v32  }
0x35e: {  	v32 =	vld [tilespmem:s12+$0x2000];
	_ =	sdelay $0x4  }
0x35f: {  	[tilespmem:v7+s29+$0x0] =	vst.idx.msk $0xffff, v32  }
0x360: {  	v32 =	vld [tilespmem:s12+$0x2080];
	_ =	sdelay $0x4  }
0x361: {  	[tilespmem:v0+s29+$0x0] =	vst.idx.msk $0xffff, v32  }
0x362: {  	v32 =	vld [tilespmem:s12+$0x2100];
	_ =	sdelay $0x4  }
0x363: {  	[tilespmem:v1+s29+$0x0] =	vst.idx.msk $0xffff, v32  }
0x364: {  	v32 =	vld [tilespmem:s12+$0x2180];
	_ =	sdelay $0x4  }
0x365: {  	[tilespmem:v2+s29+$0x0] =	vst.idx.msk $0xffff, v32  }
0x366: {  	v32 =	vld [tilespmem:s12+$0x2200];
	_ =	sdelay $0x4  }
0x367: {  	[tilespmem:v3+s29+$0x0] =	vst.idx.msk $0xffff, v32  }
0x368: {  	v32 =	vld [tilespmem:s12+$0x2280];
	_ =	sdelay $0x4  }
0x369: {  	[tilespmem:v4+s29+$0x0] =	vst.idx.msk $0xffff, v32  }
0x36a: {  	v32 =	vld [tilespmem:s12+$0x2300];
	_ =	sdelay $0x3  }
0x36b: {  	s13 =	sor.u32 s10, s9;
	s9 =	smov.u32 s11  }
0x36c: {  	s13 =	sor.u32 $0x380, s13;
	[tilespmem:v5+s29+$0x0] =	vst.idx.msk $0xffff, v32  }
0x36d: {  	v32 =	vld [tilespmem:s13+$0x2000];
	_ =	sdelay $0x4  }
0x36e: {  	[tilespmem:v6+s29+$0x0] =	vst.idx.msk $0xffff, v32  }
0x36f: {  	v32 =	vld [tilespmem:s12+$0x3000];
	_ =	sdelay $0x4  }
0x370: {  	[tilespmem:v8+s29+$0x0] =	vst.idx.msk $0xffff, v32  }
0x371: {  	v32 =	vld [tilespmem:s12+$0x3080];
	_ =	sdelay $0x4  }
0x372: {  	[tilespmem:v9+s29+$0x0] =	vst.idx.msk $0xffff, v32  }
0x373: {  	v32 =	vld [tilespmem:s12+$0x3100];
	_ =	sdelay $0x4  }
0x374: {  	[tilespmem:v10+s29+$0x0] =	vst.idx.msk $0xffff, v32  }
0x375: {  	v32 =	vld [tilespmem:s12+$0x3180];
	_ =	sdelay $0x4  }
0x376: {  	[tilespmem:v11+s29+$0x0] =	vst.idx.msk $0xffff, v32  }
0x377: {  	v32 =	vld [tilespmem:s12+$0x3200];
	_ =	sdelay $0x4  }
0x378: {  	[tilespmem:v12+s29+$0x0] =	vst.idx.msk $0xffff, v32  }
0x379: {  	v32 =	vld [tilespmem:s12+$0x3280];
	_ =	sdelay $0x4  }
0x37a: {  	[tilespmem:v13+s29+$0x0] =	vst.idx.msk $0xffff, v32  }
0x37b: {  	v32 =	vld [tilespmem:s12+$0x3300];
	_ =	sdelay $0x4  }
0x37c: {  	[tilespmem:v14+s29+$0x0] =	vst.idx.msk $0xffff, v32  }
0x37d: {  	v32 =	vld [tilespmem:s12+$0x3380];
	_ =	sdelay $0x4  }
0x37e: {  	[tilespmem:v15+s29+$0x0] =	vst.idx.msk $0xffff, v32  }
0x37f: {  	v32 =	vld.idx.msk [tilespmem:v16+s29+$0x0], $0xffff;
	_ =	sdelay $0x4  }
0x380: {  	s7 =	sadd.s32 $0x100, s7  }
0x381: {  	[tilespmem:s7+$0xFFFFFF80] =	vst v32  }
0x382: {  	v32 =	vld.idx.msk [tilespmem:v17+s29+$0x0], $0xffff;
	_ =	sdelay $0x5  }
0x383: {  	[tilespmem:s7+$0xFFFFFF90] =	vst v32  }
0x384: {  	v32 =	vld.idx.msk [tilespmem:v18+s29+$0x0], $0xffff;
	_ =	sdelay $0x5  }
0x385: {  	[tilespmem:s7+$0xFFFFFFA0] =	vst v32  }
0x386: {  	v32 =	vld.idx.msk [tilespmem:v19+s29+$0x0], $0xffff;
	_ =	sdelay $0x5  }
0x387: {  	[tilespmem:s7+$0xFFFFFFB0] =	vst v32  }
0x388: {  	v32 =	vld.idx.msk [tilespmem:v20+s29+$0x0], $0xffff;
	_ =	sdelay $0x5  }
0x389: {  	[tilespmem:s7+$0xFFFFFFC0] =	vst v32  }
0x38a: {  	v32 =	vld.idx.msk [tilespmem:v21+s29+$0x0], $0xffff;
	_ =	sdelay $0x5  }
0x38b: {  	[tilespmem:s7+$0xFFFFFFD0] =	vst v32  }
0x38c: {  	v32 =	vld.idx.msk [tilespmem:v22+s29+$0x0], $0xffff;
	_ =	sdelay $0x5  }
0x38d: {  	[tilespmem:s7+$0xFFFFFFE0] =	vst v32  }
0x38e: {  	v32 =	vld.idx.msk [tilespmem:v23+s29+$0x0], $0xffff;
	_ =	sdelay $0x5  }
0x38f: {  	[tilespmem:s7+$0xFFFFFFF0] =	vst v32  }
0x390: {  	v32 =	vld.idx.msk [tilespmem:v24+s29+$0x0], $0xffff;
	_ =	sdelay $0x5  }
0x391: {  	[tilespmem:s7+$0x0] =	vst v32  }
0x392: {  	v32 =	vld.idx.msk [tilespmem:v25+s29+$0x0], $0xffff;
	_ =	sdelay $0x5  }
0x393: {  	[tilespmem:s7+$0x10] =	vst v32  }
0x394: {  	v32 =	vld.idx.msk [tilespmem:v26+s29+$0x0], $0xffff;
	_ =	sdelay $0x5  }
0x395: {  	[tilespmem:s7+$0x20] =	vst v32  }
0x396: {  	v32 =	vld.idx.msk [tilespmem:v27+s29+$0x0], $0xffff;
	_ =	sdelay $0x5  }
0x397: {  	[tilespmem:s7+$0x30] =	vst v32  }
0x398: {  	v32 =	vld.idx.msk [tilespmem:v28+s29+$0x0], $0xffff;
	_ =	sdelay $0x5  }
0x399: {  	[tilespmem:s7+$0x40] =	vst v32  }
0x39a: {  	v32 =	vld.idx.msk [tilespmem:v29+s29+$0x0], $0xffff;
	_ =	sdelay $0x5  }
0x39b: {  	[tilespmem:s7+$0x50] =	vst v32  }
0x39c: {  	v32 =	vld.idx.msk [tilespmem:v30+s29+$0x0], $0xffff;
	_ =	sdelay $0x5  }
0x39d: {  	[tilespmem:s7+$0x60] =	vst v32  }
0x39e: {  	v32 =	vld.idx.msk [tilespmem:v31+s29+$0x0], $0xffff  }
.Ltmp5:
0x39f: {  	(pc) =	sbr.rel @p1 .LBB2_9-.Ltmp5, $3  }
0x3a0: {  	_ =	sdelay $0x1  }
0x3a1: {  	s10 =	sadd.s32 $0x80, s10  }
0x3a2: {  	s11 =	sadd.s32 $0x10, s11;
	s13 =	sand.u32 $0xC00, s10;
	s12 =	sand.u32 $0x70, s9  }
0x3a3: {  	s11 =	sor.u32 s12, s13;
	[tilespmem:s7+$0x70] =	vst v32  }
0x3a4: {  	v32 =	vld [tilespmem:s11+$0x2000];
	_ =	sdelay $0x4  }
0x3a5: {  	[tilespmem:v7+s29+$0x0] =	vst.idx.msk $0xffff, v32  }
0x3a6: {  	v32 =	vld [tilespmem:s11+$0x2080];
	_ =	sdelay $0x4  }
0x3a7: {  	[tilespmem:v0+s29+$0x0] =	vst.idx.msk $0xffff, v32  }
0x3a8: {  	v32 =	vld [tilespmem:s11+$0x2100];
	_ =	sdelay $0x4  }
0x3a9: {  	[tilespmem:v1+s29+$0x0] =	vst.idx.msk $0xffff, v32  }
0x3aa: {  	v32 =	vld [tilespmem:s11+$0x2180];
	_ =	sdelay $0x4  }
0x3ab: {  	[tilespmem:v2+s29+$0x0] =	vst.idx.msk $0xffff, v32  }
0x3ac: {  	v32 =	vld [tilespmem:s11+$0x2200];
	_ =	sdelay $0x4  }
0x3ad: {  	[tilespmem:v3+s29+$0x0] =	vst.idx.msk $0xffff, v32  }
0x3ae: {  	v32 =	vld [tilespmem:s11+$0x2280];
	_ =	sdelay $0x4  }
0x3af: {  	[tilespmem:v4+s29+$0x0] =	vst.idx.msk $0xffff, v32  }
0x3b0: {  	v32 =	vld [tilespmem:s11+$0x2300];
	_ =	sdelay $0x3  }
0x3b1: {  	s9 =	sor.u32 s10, s9  }
0x3b2: {  	s9 =	sor.u32 $0x380, s9;
	[tilespmem:v5+s29+$0x0] =	vst.idx.msk $0xffff, v32  }
0x3b3: {  	v32 =	vld [tilespmem:s9+$0x2000];
	_ =	sdelay $0x4  }
0x3b4: {  	[tilespmem:v6+s29+$0x0] =	vst.idx.msk $0xffff, v32  }
0x3b5: {  	v32 =	vld [tilespmem:s11+$0x3000];
	_ =	sdelay $0x4  }
0x3b6: {  	[tilespmem:v8+s29+$0x0] =	vst.idx.msk $0xffff, v32  }
0x3b7: {  	v32 =	vld [tilespmem:s11+$0x3080];
	_ =	sdelay $0x4  }
0x3b8: {  	[tilespmem:v9+s29+$0x0] =	vst.idx.msk $0xffff, v32  }
0x3b9: {  	v32 =	vld [tilespmem:s11+$0x3100];
	_ =	sdelay $0x4  }
0x3ba: {  	[tilespmem:v10+s29+$0x0] =	vst.idx.msk $0xffff, v32  }
0x3bb: {  	v32 =	vld [tilespmem:s11+$0x3180];
	_ =	sdelay $0x4  }
0x3bc: {  	[tilespmem:v11+s29+$0x0] =	vst.idx.msk $0xffff, v32  }
0x3bd: {  	v32 =	vld [tilespmem:s11+$0x3200];
	_ =	sdelay $0x4  }
0x3be: {  	[tilespmem:v12+s29+$0x0] =	vst.idx.msk $0xffff, v32  }
0x3bf: {  	v32 =	vld [tilespmem:s11+$0x3280];
	_ =	sdelay $0x4  }
0x3c0: {  	[tilespmem:v13+s29+$0x0] =	vst.idx.msk $0xffff, v32  }
0x3c1: {  	v32 =	vld [tilespmem:s11+$0x3300];
	_ =	sdelay $0x4  }
0x3c2: {  	[tilespmem:v14+s29+$0x0] =	vst.idx.msk $0xffff, v32  }
0x3c3: {  	v32 =	vld [tilespmem:s11+$0x3380];
	_ =	sdelay $0x4  }
0x3c4: {  	[tilespmem:v15+s29+$0x0] =	vst.idx.msk $0xffff, v32  }
0x3c5: {  	v32 =	vld.idx.msk [tilespmem:v16+s29+$0x0], $0xffff;
	_ =	sdelay $0x3  }
0x3c6: {  	s13 =	sadd.s32 $0x100, s7  }
0x3c7: {  	[tilespmem:s13+$0xFFFFFF80] =	vst v32  }
0x3c8: {  	v32 =	vld.idx.msk [tilespmem:v17+s29+$0x0], $0xffff;
	_ =	sdelay $0x4  }
0x3c9: {  	[tilespmem:s13+$0xFFFFFF90] =	vst v32  }
0x3ca: {  	v32 =	vld.idx.msk [tilespmem:v18+s29+$0x0], $0xffff;
	_ =	sdelay $0x4  }
0x3cb: {  	[tilespmem:s13+$0xFFFFFFA0] =	vst v32  }
0x3cc: {  	v32 =	vld.idx.msk [tilespmem:v19+s29+$0x0], $0xffff;
	_ =	sdelay $0x4  }
0x3cd: {  	[tilespmem:s13+$0xFFFFFFB0] =	vst v32  }
0x3ce: {  	v32 =	vld.idx.msk [tilespmem:v20+s29+$0x0], $0xffff;
	_ =	sdelay $0x4  }
0x3cf: {  	[tilespmem:s13+$0xFFFFFFC0] =	vst v32  }
0x3d0: {  	v32 =	vld.idx.msk [tilespmem:v21+s29+$0x0], $0xffff;
	_ =	sdelay $0x4  }
0x3d1: {  	[tilespmem:s13+$0xFFFFFFD0] =	vst v32  }
0x3d2: {  	v32 =	vld.idx.msk [tilespmem:v22+s29+$0x0], $0xffff;
	_ =	sdelay $0x4  }
0x3d3: {  	[tilespmem:s13+$0xFFFFFFE0] =	vst v32  }
0x3d4: {  	v32 =	vld.idx.msk [tilespmem:v23+s29+$0x0], $0xffff;
	_ =	sdelay $0x4  }
0x3d5: {  	[tilespmem:s13+$0xFFFFFFF0] =	vst v32  }
0x3d6: {  	v32 =	vld.idx.msk [tilespmem:v24+s29+$0x0], $0xffff;
	_ =	sdelay $0x4  }
0x3d7: {  	[tilespmem:s13+$0x0] =	vst v32  }
0x3d8: {  	v32 =	vld.idx.msk [tilespmem:v25+s29+$0x0], $0xffff;
	_ =	sdelay $0x4  }
0x3d9: {  	[tilespmem:s13+$0x10] =	vst v32  }
0x3da: {  	v32 =	vld.idx.msk [tilespmem:v26+s29+$0x0], $0xffff;
	_ =	sdelay $0x4  }
0x3db: {  	[tilespmem:s13+$0x20] =	vst v32  }
0x3dc: {  	v32 =	vld.idx.msk [tilespmem:v27+s29+$0x0], $0xffff;
	_ =	sdelay $0x4  }
0x3dd: {  	[tilespmem:s13+$0x30] =	vst v32  }
0x3de: {  	v32 =	vld.idx.msk [tilespmem:v28+s29+$0x0], $0xffff;
	_ =	sdelay $0x4  }
0x3df: {  	[tilespmem:s13+$0x40] =	vst v32  }
0x3e0: {  	v32 =	vld.idx.msk [tilespmem:v29+s29+$0x0], $0xffff;
	_ =	sdelay $0x4  }
0x3e1: {  	[tilespmem:s13+$0x50] =	vst v32  }
0x3e2: {  	v32 =	vld.idx.msk [tilespmem:v30+s29+$0x0], $0xffff;
	_ =	sdelay $0x4  }
0x3e3: {  	[tilespmem:s13+$0x60] =	vst v32  }
0x3e4: {  	s20 =	sadd.s32 $0x1, s20;
	v32 =	vld.idx.msk [tilespmem:v31+s29+$0x0], $0xffff  }
0x3e5: {  	p1 =	sne.s32 s20, $0x1D  }
.Ltmp6:
0x3e6: {  	_ = 	snop;
	(pc) =	sbr.rel @p1 .LBB2_6-.Ltmp6, $4  }
0x3e7: {  	s21 =	sshll.u32 s21, $0xA  }
0x3e8: {  	s9 =	sand.u32 $0x1FFFFC00, s21  }
0x3e9: {  	s22 =	sadd.s32 s4, s9;
	[tilespmem:s13+$0x70] =	vst v32  }
0x3ea: {  	[hbm4b:s22+s5] =	stream.linear.scatter [tilespmem:s31], [sflag:$0x2], $0x2000, $0x38;
	[tilespmem:$0x8100] =	vst v63  }
0x3eb: {  	_ =	swait.ge [sflag:s28], $0x1000  }
0x3ec: {  	[sflag:s28] =	ssyncset.done $0x0  }
0x3ed: {  	[sflag:s28] =	ssyncadd.s32 $0xFFFFF000  }
0x3ee: {  	_ =	swait.ge [sflag:s28], $0x1000  }
0x3ef: {  	[sflag:s28] =	ssyncset.done $0x0  }
0x3f0: {  	[sflag:s28] =	ssyncadd.s32 $0xFFFFF000  }
0x3f1: {  	s7 =	simm.s32 $0x0;
	_ =	swait.ge [sflag:s3], $0x2000  }
0x3f2: {  	s9 =	sand.u32 $0x70, s7;
	s10 =	sand.u32 $0xC00, s7;
	[sflag:s3] =	ssyncset.done $0x0  }
0x3f3: {  	s9 =	sor.u32 s9, s10;
	[sflag:s3] =	ssyncadd.s32 $0xFFFFE000  }
0x3f4: {  	v32 =	vld [tilespmem:s9+$0x0];
	_ =	sdelay $0x4  }
0x3f5: {  	[tilespmem:v7+s29+$0x0] =	vst.idx.msk $0xffff, v32  }
0x3f6: {  	v32 =	vld [tilespmem:s9+$0x80];
	_ =	sdelay $0x4  }
0x3f7: {  	[tilespmem:v0+s29+$0x0] =	vst.idx.msk $0xffff, v32  }
0x3f8: {  	v32 =	vld [tilespmem:s9+$0x100];
	_ =	sdelay $0x4  }
0x3f9: {  	[tilespmem:v1+s29+$0x0] =	vst.idx.msk $0xffff, v32  }
0x3fa: {  	v32 =	vld [tilespmem:s9+$0x180];
	_ =	sdelay $0x4  }
0x3fb: {  	[tilespmem:v2+s29+$0x0] =	vst.idx.msk $0xffff, v32  }
0x3fc: {  	v32 =	vld [tilespmem:s9+$0x200];
	_ =	sdelay $0x4  }
0x3fd: {  	[tilespmem:v3+s29+$0x0] =	vst.idx.msk $0xffff, v32  }
0x3fe: {  	v32 =	vld [tilespmem:s9+$0x280];
	_ =	sdelay $0x4  }
0x3ff: {  	[tilespmem:v4+s29+$0x0] =	vst.idx.msk $0xffff, v32  }
0x400: {  	v32 =	vld [tilespmem:s9+$0x300];
	_ =	sdelay $0x3  }
0x401: {  	s7 =	sor.u32 s7, s7  }
0x402: {  	s7 =	sor.u32 $0x380, s7;
	[tilespmem:v5+s29+$0x0] =	vst.idx.msk $0xffff, v32  }
0x403: {  	v32 =	vld [tilespmem:s7+$0x0];
	_ =	sdelay $0x4  }
0x404: {  	[tilespmem:v6+s29+$0x0] =	vst.idx.msk $0xffff, v32  }
0x405: {  	v32 =	vld [tilespmem:s9+$0x1000];
	_ =	sdelay $0x4  }
0x406: {  	[tilespmem:v8+s29+$0x0] =	vst.idx.msk $0xffff, v32  }
0x407: {  	v32 =	vld [tilespmem:s9+$0x1080];
	_ =	sdelay $0x4  }
0x408: {  	[tilespmem:v9+s29+$0x0] =	vst.idx.msk $0xffff, v32  }
0x409: {  	v32 =	vld [tilespmem:s9+$0x1100];
	_ =	sdelay $0x4  }
0x40a: {  	[tilespmem:v10+s29+$0x0] =	vst.idx.msk $0xffff, v32  }
0x40b: {  	v32 =	vld [tilespmem:s9+$0x1180];
	_ =	sdelay $0x4  }
0x40c: {  	[tilespmem:v11+s29+$0x0] =	vst.idx.msk $0xffff, v32  }
0x40d: {  	v32 =	vld [tilespmem:s9+$0x1200];
	_ =	sdelay $0x4  }
0x40e: {  	[tilespmem:v12+s29+$0x0] =	vst.idx.msk $0xffff, v32  }
0x40f: {  	v32 =	vld [tilespmem:s9+$0x1280];
	_ =	sdelay $0x4  }
0x410: {  	[tilespmem:v13+s29+$0x0] =	vst.idx.msk $0xffff, v32  }
0x411: {  	v32 =	vld [tilespmem:s9+$0x1300];
	_ =	sdelay $0x4  }
0x412: {  	[tilespmem:v14+s29+$0x0] =	vst.idx.msk $0xffff, v32  }
0x413: {  	v32 =	vld [tilespmem:s9+$0x1380];
	_ =	sdelay $0x4  }
0x414: {  	[tilespmem:v15+s29+$0x0] =	vst.idx.msk $0xffff, v32  }
0x415: {  	v32 =	vld.idx.msk [tilespmem:v16+s29+$0x0], $0xffff;
	_ =	sdelay $0x3  }
0x416: {  	s7 =	simm.s32 $0x4080  }
0x417: {  	[tilespmem:s7+$0xFFFFFF80] =	vst v32  }
0x418: {  	v32 =	vld.idx.msk [tilespmem:v17+s29+$0x0], $0xffff;
	_ =	sdelay $0x4  }
0x419: {  	[tilespmem:s7+$0xFFFFFF90] =	vst v32  }
0x41a: {  	v32 =	vld.idx.msk [tilespmem:v18+s29+$0x0], $0xffff;
	_ =	sdelay $0x4  }
0x41b: {  	[tilespmem:s7+$0xFFFFFFA0] =	vst v32  }
0x41c: {  	v32 =	vld.idx.msk [tilespmem:v19+s29+$0x0], $0xffff;
	_ =	sdelay $0x4  }
0x41d: {  	[tilespmem:s7+$0xFFFFFFB0] =	vst v32  }
0x41e: {  	v32 =	vld.idx.msk [tilespmem:v20+s29+$0x0], $0xffff;
	_ =	sdelay $0x4  }
0x41f: {  	[tilespmem:s7+$0xFFFFFFC0] =	vst v32  }
0x420: {  	v32 =	vld.idx.msk [tilespmem:v21+s29+$0x0], $0xffff;
	_ =	sdelay $0x4  }
0x421: {  	[tilespmem:s7+$0xFFFFFFD0] =	vst v32  }
0x422: {  	v32 =	vld.idx.msk [tilespmem:v22+s29+$0x0], $0xffff;
	_ =	sdelay $0x4  }
0x423: {  	[tilespmem:s7+$0xFFFFFFE0] =	vst v32  }
0x424: {  	v32 =	vld.idx.msk [tilespmem:v23+s29+$0x0], $0xffff;
	_ =	sdelay $0x4  }
0x425: {  	[tilespmem:s7+$0xFFFFFFF0] =	vst v32  }
0x426: {  	v32 =	vld.idx.msk [tilespmem:v24+s29+$0x0], $0xffff;
	_ =	sdelay $0x4  }
0x427: {  	[tilespmem:s7+$0x0] =	vst v32  }
0x428: {  	v32 =	vld.idx.msk [tilespmem:v25+s29+$0x0], $0xffff;
	_ =	sdelay $0x4  }
0x429: {  	[tilespmem:s7+$0x10] =	vst v32  }
0x42a: {  	v32 =	vld.idx.msk [tilespmem:v26+s29+$0x0], $0xffff;
	_ =	sdelay $0x4  }
0x42b: {  	[tilespmem:s7+$0x20] =	vst v32  }
0x42c: {  	v32 =	vld.idx.msk [tilespmem:v27+s29+$0x0], $0xffff;
	_ =	sdelay $0x4  }
0x42d: {  	[tilespmem:s7+$0x30] =	vst v32  }
0x42e: {  	v32 =	vld.idx.msk [tilespmem:v28+s29+$0x0], $0xffff;
	_ =	sdelay $0x4  }
0x42f: {  	[tilespmem:s7+$0x40] =	vst v32  }
0x430: {  	v32 =	vld.idx.msk [tilespmem:v29+s29+$0x0], $0xffff;
	_ =	sdelay $0x4  }
0x431: {  	[tilespmem:s7+$0x50] =	vst v32  }
0x432: {  	v32 =	vld.idx.msk [tilespmem:v30+s29+$0x0], $0xffff;
	_ =	sdelay $0x4  }
0x433: {  	[tilespmem:s7+$0x60] =	vst v32  }
0x434: {  	v32 =	vld.idx.msk [tilespmem:v31+s29+$0x0], $0xffff;
	_ =	sdelay $0x2  }
0x435: {  	s10 =	simm.s32 $0x80;
	s9 =	simm.s32 $0x10  }
0x436: {  	s11 =	simm.s32 $0x20;
	s13 =	sand.u32 $0xC00, s10;
	s12 =	sand.u32 $0x70, s9  }
.LBB2_12:
0x437: {  	p1 =	sne.s32 s11, $0x1F0;
	s12 =	sor.u32 s12, s13;
	[tilespmem:s7+$0x70] =	vst v32  }
0x438: {  	v32 =	vld [tilespmem:s12+$0x0];
	_ =	sdelay $0x4  }
0x439: {  	[tilespmem:v7+s29+$0x0] =	vst.idx.msk $0xffff, v32  }
0x43a: {  	v32 =	vld [tilespmem:s12+$0x80];
	_ =	sdelay $0x4  }
0x43b: {  	[tilespmem:v0+s29+$0x0] =	vst.idx.msk $0xffff, v32  }
0x43c: {  	v32 =	vld [tilespmem:s12+$0x100];
	_ =	sdelay $0x4  }
0x43d: {  	[tilespmem:v1+s29+$0x0] =	vst.idx.msk $0xffff, v32  }
0x43e: {  	v32 =	vld [tilespmem:s12+$0x180];
	_ =	sdelay $0x4  }
0x43f: {  	[tilespmem:v2+s29+$0x0] =	vst.idx.msk $0xffff, v32  }
0x440: {  	v32 =	vld [tilespmem:s12+$0x200];
	_ =	sdelay $0x4  }
0x441: {  	[tilespmem:v3+s29+$0x0] =	vst.idx.msk $0xffff, v32  }
0x442: {  	v32 =	vld [tilespmem:s12+$0x280];
	_ =	sdelay $0x4  }
0x443: {  	[tilespmem:v4+s29+$0x0] =	vst.idx.msk $0xffff, v32  }
0x444: {  	v32 =	vld [tilespmem:s12+$0x300];
	_ =	sdelay $0x3  }
0x445: {  	s13 =	sor.u32 s10, s9;
	s9 =	smov.u32 s11  }
0x446: {  	s13 =	sor.u32 $0x380, s13;
	[tilespmem:v5+s29+$0x0] =	vst.idx.msk $0xffff, v32  }
0x447: {  	v32 =	vld [tilespmem:s13+$0x0];
	_ =	sdelay $0x4  }
0x448: {  	[tilespmem:v6+s29+$0x0] =	vst.idx.msk $0xffff, v32  }
0x449: {  	v32 =	vld [tilespmem:s12+$0x1000];
	_ =	sdelay $0x4  }
0x44a: {  	[tilespmem:v8+s29+$0x0] =	vst.idx.msk $0xffff, v32  }
0x44b: {  	v32 =	vld [tilespmem:s12+$0x1080];
	_ =	sdelay $0x4  }
0x44c: {  	[tilespmem:v9+s29+$0x0] =	vst.idx.msk $0xffff, v32  }
0x44d: {  	v32 =	vld [tilespmem:s12+$0x1100];
	_ =	sdelay $0x4  }
0x44e: {  	[tilespmem:v10+s29+$0x0] =	vst.idx.msk $0xffff, v32  }
0x44f: {  	v32 =	vld [tilespmem:s12+$0x1180];
	_ =	sdelay $0x4  }
0x450: {  	[tilespmem:v11+s29+$0x0] =	vst.idx.msk $0xffff, v32  }
0x451: {  	v32 =	vld [tilespmem:s12+$0x1200];
	_ =	sdelay $0x4  }
0x452: {  	[tilespmem:v12+s29+$0x0] =	vst.idx.msk $0xffff, v32  }
0x453: {  	v32 =	vld [tilespmem:s12+$0x1280];
	_ =	sdelay $0x4  }
0x454: {  	[tilespmem:v13+s29+$0x0] =	vst.idx.msk $0xffff, v32  }
0x455: {  	v32 =	vld [tilespmem:s12+$0x1300];
	_ =	sdelay $0x4  }
0x456: {  	[tilespmem:v14+s29+$0x0] =	vst.idx.msk $0xffff, v32  }
0x457: {  	v32 =	vld [tilespmem:s12+$0x1380];
	_ =	sdelay $0x4  }
0x458: {  	[tilespmem:v15+s29+$0x0] =	vst.idx.msk $0xffff, v32  }
0x459: {  	v32 =	vld.idx.msk [tilespmem:v16+s29+$0x0], $0xffff;
	_ =	sdelay $0x4  }
0x45a: {  	s7 =	sadd.s32 $0x100, s7  }
0x45b: {  	[tilespmem:s7+$0xFFFFFF80] =	vst v32  }
0x45c: {  	v32 =	vld.idx.msk [tilespmem:v17+s29+$0x0], $0xffff;
	_ =	sdelay $0x5  }
0x45d: {  	[tilespmem:s7+$0xFFFFFF90] =	vst v32  }
0x45e: {  	v32 =	vld.idx.msk [tilespmem:v18+s29+$0x0], $0xffff;
	_ =	sdelay $0x5  }
0x45f: {  	[tilespmem:s7+$0xFFFFFFA0] =	vst v32  }
0x460: {  	v32 =	vld.idx.msk [tilespmem:v19+s29+$0x0], $0xffff;
	_ =	sdelay $0x5  }
0x461: {  	[tilespmem:s7+$0xFFFFFFB0] =	vst v32  }
0x462: {  	v32 =	vld.idx.msk [tilespmem:v20+s29+$0x0], $0xffff;
	_ =	sdelay $0x5  }
0x463: {  	[tilespmem:s7+$0xFFFFFFC0] =	vst v32  }
0x464: {  	v32 =	vld.idx.msk [tilespmem:v21+s29+$0x0], $0xffff;
	_ =	sdelay $0x5  }
0x465: {  	[tilespmem:s7+$0xFFFFFFD0] =	vst v32  }
0x466: {  	v32 =	vld.idx.msk [tilespmem:v22+s29+$0x0], $0xffff;
	_ =	sdelay $0x5  }
0x467: {  	[tilespmem:s7+$0xFFFFFFE0] =	vst v32  }
0x468: {  	v32 =	vld.idx.msk [tilespmem:v23+s29+$0x0], $0xffff;
	_ =	sdelay $0x5  }
0x469: {  	[tilespmem:s7+$0xFFFFFFF0] =	vst v32  }
0x46a: {  	v32 =	vld.idx.msk [tilespmem:v24+s29+$0x0], $0xffff;
	_ =	sdelay $0x5  }
0x46b: {  	[tilespmem:s7+$0x0] =	vst v32  }
0x46c: {  	v32 =	vld.idx.msk [tilespmem:v25+s29+$0x0], $0xffff;
	_ =	sdelay $0x5  }
0x46d: {  	[tilespmem:s7+$0x10] =	vst v32  }
0x46e: {  	v32 =	vld.idx.msk [tilespmem:v26+s29+$0x0], $0xffff;
	_ =	sdelay $0x5  }
0x46f: {  	[tilespmem:s7+$0x20] =	vst v32  }
0x470: {  	v32 =	vld.idx.msk [tilespmem:v27+s29+$0x0], $0xffff;
	_ =	sdelay $0x5  }
0x471: {  	[tilespmem:s7+$0x30] =	vst v32  }
0x472: {  	v32 =	vld.idx.msk [tilespmem:v28+s29+$0x0], $0xffff;
	_ =	sdelay $0x5  }
0x473: {  	[tilespmem:s7+$0x40] =	vst v32  }
0x474: {  	v32 =	vld.idx.msk [tilespmem:v29+s29+$0x0], $0xffff;
	_ =	sdelay $0x5  }
0x475: {  	[tilespmem:s7+$0x50] =	vst v32  }
0x476: {  	v32 =	vld.idx.msk [tilespmem:v30+s29+$0x0], $0xffff;
	_ =	sdelay $0x5  }
0x477: {  	[tilespmem:s7+$0x60] =	vst v32  }
0x478: {  	v32 =	vld.idx.msk [tilespmem:v31+s29+$0x0], $0xffff  }
.Ltmp7:
0x479: {  	(pc) =	sbr.rel @p1 .LBB2_12-.Ltmp7, $3  }
0x47a: {  	_ =	sdelay $0x1  }
0x47b: {  	s10 =	sadd.s32 $0x80, s10  }
0x47c: {  	s11 =	sadd.s32 $0x10, s11;
	s13 =	sand.u32 $0xC00, s10;
	s12 =	sand.u32 $0x70, s9  }
0x47d: {  	s11 =	sor.u32 s12, s13;
	[tilespmem:s7+$0x70] =	vst v32  }
0x47e: {  	v32 =	vld [tilespmem:s11+$0x0];
	_ =	sdelay $0x4  }
0x47f: {  	[tilespmem:v7+s29+$0x0] =	vst.idx.msk $0xffff, v32  }
0x480: {  	v32 =	vld [tilespmem:s11+$0x80];
	_ =	sdelay $0x4  }
0x481: {  	[tilespmem:v0+s29+$0x0] =	vst.idx.msk $0xffff, v32  }
0x482: {  	v32 =	vld [tilespmem:s11+$0x100];
	_ =	sdelay $0x4  }
0x483: {  	[tilespmem:v1+s29+$0x0] =	vst.idx.msk $0xffff, v32  }
0x484: {  	v32 =	vld [tilespmem:s11+$0x180];
	_ =	sdelay $0x4  }
0x485: {  	[tilespmem:v2+s29+$0x0] =	vst.idx.msk $0xffff, v32  }
0x486: {  	v32 =	vld [tilespmem:s11+$0x200];
	_ =	sdelay $0x4  }
0x487: {  	[tilespmem:v3+s29+$0x0] =	vst.idx.msk $0xffff, v32  }
0x488: {  	v32 =	vld [tilespmem:s11+$0x280];
	_ =	sdelay $0x4  }
0x489: {  	[tilespmem:v4+s29+$0x0] =	vst.idx.msk $0xffff, v32  }
0x48a: {  	v32 =	vld [tilespmem:s11+$0x300];
	_ =	sdelay $0x3  }
0x48b: {  	s9 =	sor.u32 s10, s9  }
0x48c: {  	s9 =	sor.u32 $0x380, s9;
	[tilespmem:v5+s29+$0x0] =	vst.idx.msk $0xffff, v32  }
0x48d: {  	v32 =	vld [tilespmem:s9+$0x0];
	_ =	sdelay $0x4  }
0x48e: {  	[tilespmem:v6+s29+$0x0] =	vst.idx.msk $0xffff, v32  }
0x48f: {  	v32 =	vld [tilespmem:s11+$0x1000];
	_ =	sdelay $0x4  }
0x490: {  	[tilespmem:v8+s29+$0x0] =	vst.idx.msk $0xffff, v32  }
0x491: {  	v32 =	vld [tilespmem:s11+$0x1080];
	_ =	sdelay $0x4  }
0x492: {  	[tilespmem:v9+s29+$0x0] =	vst.idx.msk $0xffff, v32  }
0x493: {  	v32 =	vld [tilespmem:s11+$0x1100];
	_ =	sdelay $0x4  }
0x494: {  	[tilespmem:v10+s29+$0x0] =	vst.idx.msk $0xffff, v32  }
0x495: {  	v32 =	vld [tilespmem:s11+$0x1180];
	_ =	sdelay $0x4  }
0x496: {  	[tilespmem:v11+s29+$0x0] =	vst.idx.msk $0xffff, v32  }
0x497: {  	v32 =	vld [tilespmem:s11+$0x1200];
	_ =	sdelay $0x4  }
0x498: {  	[tilespmem:v12+s29+$0x0] =	vst.idx.msk $0xffff, v32  }
0x499: {  	v32 =	vld [tilespmem:s11+$0x1280];
	_ =	sdelay $0x4  }
0x49a: {  	[tilespmem:v13+s29+$0x0] =	vst.idx.msk $0xffff, v32  }
0x49b: {  	v32 =	vld [tilespmem:s11+$0x1300];
	_ =	sdelay $0x4  }
0x49c: {  	[tilespmem:v14+s29+$0x0] =	vst.idx.msk $0xffff, v32  }
0x49d: {  	v32 =	vld [tilespmem:s11+$0x1380];
	_ =	sdelay $0x4  }
0x49e: {  	[tilespmem:v15+s29+$0x0] =	vst.idx.msk $0xffff, v32  }
0x49f: {  	v32 =	vld.idx.msk [tilespmem:v16+s29+$0x0], $0xffff;
	_ =	sdelay $0x3  }
0x4a0: {  	s22 =	sadd.s32 $0x100, s7  }
0x4a1: {  	[tilespmem:s22+$0xFFFFFF80] =	vst v32  }
0x4a2: {  	v32 =	vld.idx.msk [tilespmem:v17+s29+$0x0], $0xffff;
	_ =	sdelay $0x4  }
0x4a3: {  	[tilespmem:s22+$0xFFFFFF90] =	vst v32  }
0x4a4: {  	v32 =	vld.idx.msk [tilespmem:v18+s29+$0x0], $0xffff;
	_ =	sdelay $0x4  }
0x4a5: {  	[tilespmem:s22+$0xFFFFFFA0] =	vst v32  }
0x4a6: {  	v32 =	vld.idx.msk [tilespmem:v19+s29+$0x0], $0xffff;
	_ =	sdelay $0x4  }
0x4a7: {  	[tilespmem:s22+$0xFFFFFFB0] =	vst v32  }
0x4a8: {  	v32 =	vld.idx.msk [tilespmem:v20+s29+$0x0], $0xffff;
	_ =	sdelay $0x4  }
0x4a9: {  	[tilespmem:s22+$0xFFFFFFC0] =	vst v32  }
0x4aa: {  	v32 =	vld.idx.msk [tilespmem:v21+s29+$0x0], $0xffff;
	_ =	sdelay $0x4  }
0x4ab: {  	[tilespmem:s22+$0xFFFFFFD0] =	vst v32  }
0x4ac: {  	v32 =	vld.idx.msk [tilespmem:v22+s29+$0x0], $0xffff;
	_ =	sdelay $0x4  }
0x4ad: {  	[tilespmem:s22+$0xFFFFFFE0] =	vst v32  }
0x4ae: {  	v32 =	vld.idx.msk [tilespmem:v23+s29+$0x0], $0xffff;
	_ =	sdelay $0x4  }
0x4af: {  	[tilespmem:s22+$0xFFFFFFF0] =	vst v32  }
0x4b0: {  	v32 =	vld.idx.msk [tilespmem:v24+s29+$0x0], $0xffff;
	_ =	sdelay $0x4  }
0x4b1: {  	[tilespmem:s22+$0x0] =	vst v32  }
0x4b2: {  	v32 =	vld.idx.msk [tilespmem:v25+s29+$0x0], $0xffff;
	_ =	sdelay $0x4  }
0x4b3: {  	[tilespmem:s22+$0x10] =	vst v32  }
0x4b4: {  	v32 =	vld.idx.msk [tilespmem:v26+s29+$0x0], $0xffff;
	_ =	sdelay $0x4  }
0x4b5: {  	[tilespmem:s22+$0x20] =	vst v32  }
0x4b6: {  	v32 =	vld.idx.msk [tilespmem:v27+s29+$0x0], $0xffff;
	_ =	sdelay $0x4  }
0x4b7: {  	[tilespmem:s22+$0x30] =	vst v32  }
0x4b8: {  	v32 =	vld.idx.msk [tilespmem:v28+s29+$0x0], $0xffff;
	_ =	sdelay $0x4  }
0x4b9: {  	[tilespmem:s22+$0x40] =	vst v32  }
0x4ba: {  	v32 =	vld.idx.msk [tilespmem:v29+s29+$0x0], $0xffff;
	_ =	sdelay $0x4  }
0x4bb: {  	[tilespmem:s22+$0x50] =	vst v32  }
0x4bc: {  	v32 =	vld.idx.msk [tilespmem:v30+s29+$0x0], $0xffff;
	_ =	sdelay $0x4  }
0x4bd: {  	[tilespmem:s22+$0x60] =	vst v32  }
0x4be: {  	v32 =	vld.idx.msk [tilespmem:v31+s29+$0x0], $0xffff;
	_ =	sdelay $0x4  }
0x4bf: {  	[tilespmem:s22+$0x70] =	vst v32  }
0x4c0: {  	[hbm4b:s18+s5] =	stream.linear.scatter [tilespmem:s30], [sflag:$0x2], $0x2000, $0x38;
	[tilespmem:$0x8100] =	vst v63  }
0x4c1: {  	_ =	swait.ge [sflag:s3], $0x2000  }
.Ltmp8:
0x4c2: {  	[sflag:s3] =	ssyncset.done $0x0;
	(pc) =	sbr.rel @p0 .LBB2_17-.Ltmp8, $4  }
0x4c3: {  	[sflag:s3] =	ssyncadd.s32 $0xFFFFE000  }
0x4c4: {  	_ =	swait.ge [sflag:s3], $0x2000  }
0x4c5: {  	[sflag:s3] =	ssyncset.done $0x0  }
0x4c6: {  	[sflag:s3] =	ssyncadd.s32 $0xFFFFE000  }
0x4c7: {  	s7 =	simm.s32 $0x0;
	s9 =	rddreg [dreg:$0xb]  }
0x4c8: {  	[tilespmem:s7], [sflag:$0x3] =	stream.linear.gather [hbm4b:s9+s7], $0x1000, $0x38;
	[tilespmem:$0x8100] =	vst v63  }
0x4c9: {  	_ =	swait.ge [sflag:s1], $0x1000  }
0x4ca: {  	[sflag:s1] =	ssyncset.done $0x0  }
0x4cb: {  	s21 =	rddreg [dreg:$0xa];
	[sflag:s1] =	ssyncadd.s32 $0xFFFFF000  }
0x4cc: {  	[tilespmem:s24], [sflag:$0x3] =	stream.linear.gather [hbm4b:s21+s7], $0x1000, $0x38;
	[tilespmem:$0x8100] =	vst v63  }
0x4cd: {  	_ =	swait.ge [sflag:s1], $0x1000  }
0x4ce: {  	s22 =	sand.u32 $0x70, s7;
	s10 =	sand.u32 $0xC00, s7;
	[sflag:s1] =	ssyncset.done $0x0  }
0x4cf: {  	s9 =	sor.u32 s22, s10;
	[sflag:s1] =	ssyncadd.s32 $0xFFFFF000  }
0x4d0: {  	v32 =	vld [tilespmem:s9+$0x0];
	_ =	sdelay $0x4  }
0x4d1: {  	[tilespmem:v7+s29+$0x0] =	vst.idx.msk $0xffff, v32  }
0x4d2: {  	v32 =	vld [tilespmem:s9+$0x80];
	_ =	sdelay $0x4  }
0x4d3: {  	[tilespmem:v0+s29+$0x0] =	vst.idx.msk $0xffff, v32  }
0x4d4: {  	v32 =	vld [tilespmem:s9+$0x100];
	_ =	sdelay $0x4  }
0x4d5: {  	[tilespmem:v1+s29+$0x0] =	vst.idx.msk $0xffff, v32  }
0x4d6: {  	v32 =	vld [tilespmem:s9+$0x180];
	_ =	sdelay $0x4  }
0x4d7: {  	[tilespmem:v2+s29+$0x0] =	vst.idx.msk $0xffff, v32  }
0x4d8: {  	v32 =	vld [tilespmem:s9+$0x200];
	_ =	sdelay $0x4  }
0x4d9: {  	[tilespmem:v3+s29+$0x0] =	vst.idx.msk $0xffff, v32  }
0x4da: {  	v32 =	vld [tilespmem:s9+$0x280];
	_ =	sdelay $0x4  }
0x4db: {  	[tilespmem:v4+s29+$0x0] =	vst.idx.msk $0xffff, v32  }
0x4dc: {  	v32 =	vld [tilespmem:s9+$0x300];
	_ =	sdelay $0x3  }
0x4dd: {  	s7 =	sor.u32 s7, s7  }
0x4de: {  	s7 =	sor.u32 $0x380, s7;
	[tilespmem:v5+s29+$0x0] =	vst.idx.msk $0xffff, v32  }
0x4df: {  	v32 =	vld [tilespmem:s7+$0x0];
	_ =	sdelay $0x4  }
0x4e0: {  	[tilespmem:v6+s29+$0x0] =	vst.idx.msk $0xffff, v32  }
0x4e1: {  	v32 =	vld [tilespmem:s9+$0x1000];
	_ =	sdelay $0x4  }
0x4e2: {  	[tilespmem:v8+s29+$0x0] =	vst.idx.msk $0xffff, v32  }
0x4e3: {  	v32 =	vld [tilespmem:s9+$0x1080];
	_ =	sdelay $0x4  }
0x4e4: {  	[tilespmem:v9+s29+$0x0] =	vst.idx.msk $0xffff, v32  }
0x4e5: {  	v32 =	vld [tilespmem:s9+$0x1100];
	_ =	sdelay $0x4  }
0x4e6: {  	[tilespmem:v10+s29+$0x0] =	vst.idx.msk $0xffff, v32  }
0x4e7: {  	v32 =	vld [tilespmem:s9+$0x1180];
	_ =	sdelay $0x4  }
0x4e8: {  	[tilespmem:v11+s29+$0x0] =	vst.idx.msk $0xffff, v32  }
0x4e9: {  	v32 =	vld [tilespmem:s9+$0x1200];
	_ =	sdelay $0x4  }
0x4ea: {  	[tilespmem:v12+s29+$0x0] =	vst.idx.msk $0xffff, v32  }
0x4eb: {  	v32 =	vld [tilespmem:s9+$0x1280];
	_ =	sdelay $0x4  }
0x4ec: {  	[tilespmem:v13+s29+$0x0] =	vst.idx.msk $0xffff, v32  }
0x4ed: {  	v32 =	vld [tilespmem:s9+$0x1300];
	_ =	sdelay $0x4  }
0x4ee: {  	[tilespmem:v14+s29+$0x0] =	vst.idx.msk $0xffff, v32  }
0x4ef: {  	v32 =	vld [tilespmem:s9+$0x1380];
	_ =	sdelay $0x4  }
0x4f0: {  	[tilespmem:v15+s29+$0x0] =	vst.idx.msk $0xffff, v32  }
0x4f1: {  	v32 =	vld.idx.msk [tilespmem:v16+s29+$0x0], $0xffff;
	_ =	sdelay $0x3  }
0x4f2: {  	s7 =	simm.s32 $0x4080  }
0x4f3: {  	[tilespmem:s7+$0xFFFFFF80] =	vst v32  }
0x4f4: {  	v32 =	vld.idx.msk [tilespmem:v17+s29+$0x0], $0xffff;
	_ =	sdelay $0x4  }
0x4f5: {  	[tilespmem:s7+$0xFFFFFF90] =	vst v32  }
0x4f6: {  	v32 =	vld.idx.msk [tilespmem:v18+s29+$0x0], $0xffff;
	_ =	sdelay $0x4  }
0x4f7: {  	[tilespmem:s7+$0xFFFFFFA0] =	vst v32  }
0x4f8: {  	v32 =	vld.idx.msk [tilespmem:v19+s29+$0x0], $0xffff;
	_ =	sdelay $0x4  }
0x4f9: {  	[tilespmem:s7+$0xFFFFFFB0] =	vst v32  }
0x4fa: {  	v32 =	vld.idx.msk [tilespmem:v20+s29+$0x0], $0xffff;
	_ =	sdelay $0x4  }
0x4fb: {  	[tilespmem:s7+$0xFFFFFFC0] =	vst v32  }
0x4fc: {  	v32 =	vld.idx.msk [tilespmem:v21+s29+$0x0], $0xffff;
	_ =	sdelay $0x4  }
0x4fd: {  	[tilespmem:s7+$0xFFFFFFD0] =	vst v32  }
0x4fe: {  	v32 =	vld.idx.msk [tilespmem:v22+s29+$0x0], $0xffff;
	_ =	sdelay $0x4  }
0x4ff: {  	[tilespmem:s7+$0xFFFFFFE0] =	vst v32  }
0x500: {  	v32 =	vld.idx.msk [tilespmem:v23+s29+$0x0], $0xffff;
	_ =	sdelay $0x4  }
0x501: {  	[tilespmem:s7+$0xFFFFFFF0] =	vst v32  }
0x502: {  	v32 =	vld.idx.msk [tilespmem:v24+s29+$0x0], $0xffff;
	_ =	sdelay $0x4  }
0x503: {  	[tilespmem:s7+$0x0] =	vst v32  }
0x504: {  	v32 =	vld.idx.msk [tilespmem:v25+s29+$0x0], $0xffff;
	_ =	sdelay $0x4  }
0x505: {  	[tilespmem:s7+$0x10] =	vst v32  }
0x506: {  	v32 =	vld.idx.msk [tilespmem:v26+s29+$0x0], $0xffff;
	_ =	sdelay $0x4  }
0x507: {  	[tilespmem:s7+$0x20] =	vst v32  }
0x508: {  	v32 =	vld.idx.msk [tilespmem:v27+s29+$0x0], $0xffff;
	_ =	sdelay $0x4  }
0x509: {  	[tilespmem:s7+$0x30] =	vst v32  }
0x50a: {  	v32 =	vld.idx.msk [tilespmem:v28+s29+$0x0], $0xffff;
	_ =	sdelay $0x4  }
0x50b: {  	[tilespmem:s7+$0x40] =	vst v32  }
0x50c: {  	v32 =	vld.idx.msk [tilespmem:v29+s29+$0x0], $0xffff;
	_ =	sdelay $0x4  }
0x50d: {  	[tilespmem:s7+$0x50] =	vst v32  }
0x50e: {  	v32 =	vld.idx.msk [tilespmem:v30+s29+$0x0], $0xffff;
	_ =	sdelay $0x4  }
0x50f: {  	[tilespmem:s7+$0x60] =	vst v32  }
0x510: {  	v32 =	vld.idx.msk [tilespmem:v31+s29+$0x0], $0xffff;
	_ =	sdelay $0x2  }
0x511: {  	s10 =	simm.s32 $0x80;
	s9 =	simm.s32 $0x10  }
0x512: {  	s11 =	simm.s32 $0x20;
	s13 =	sand.u32 $0xC00, s10;
	s12 =	sand.u32 $0x70, s9  }
.LBB2_15:
0x513: {  	p1 =	sne.s32 s11, $0x1F0;
	s12 =	sor.u32 s12, s13;
	[tilespmem:s7+$0x70] =	vst v32  }
0x514: {  	v32 =	vld [tilespmem:s12+$0x0];
	_ =	sdelay $0x4  }
0x515: {  	[tilespmem:v7+s29+$0x0] =	vst.idx.msk $0xffff, v32  }
0x516: {  	v32 =	vld [tilespmem:s12+$0x80];
	_ =	sdelay $0x4  }
0x517: {  	[tilespmem:v0+s29+$0x0] =	vst.idx.msk $0xffff, v32  }
0x518: {  	v32 =	vld [tilespmem:s12+$0x100];
	_ =	sdelay $0x4  }
0x519: {  	[tilespmem:v1+s29+$0x0] =	vst.idx.msk $0xffff, v32  }
0x51a: {  	v32 =	vld [tilespmem:s12+$0x180];
	_ =	sdelay $0x4  }
0x51b: {  	[tilespmem:v2+s29+$0x0] =	vst.idx.msk $0xffff, v32  }
0x51c: {  	v32 =	vld [tilespmem:s12+$0x200];
	_ =	sdelay $0x4  }
0x51d: {  	[tilespmem:v3+s29+$0x0] =	vst.idx.msk $0xffff, v32  }
0x51e: {  	v32 =	vld [tilespmem:s12+$0x280];
	_ =	sdelay $0x4  }
0x51f: {  	[tilespmem:v4+s29+$0x0] =	vst.idx.msk $0xffff, v32  }
0x520: {  	v32 =	vld [tilespmem:s12+$0x300];
	_ =	sdelay $0x3  }
0x521: {  	s13 =	sor.u32 s10, s9;
	s9 =	smov.u32 s11  }
0x522: {  	s13 =	sor.u32 $0x380, s13;
	[tilespmem:v5+s29+$0x0] =	vst.idx.msk $0xffff, v32  }
0x523: {  	v32 =	vld [tilespmem:s13+$0x0];
	_ =	sdelay $0x4  }
0x524: {  	[tilespmem:v6+s29+$0x0] =	vst.idx.msk $0xffff, v32  }
0x525: {  	v32 =	vld [tilespmem:s12+$0x1000];
	_ =	sdelay $0x4  }
0x526: {  	[tilespmem:v8+s29+$0x0] =	vst.idx.msk $0xffff, v32  }
0x527: {  	v32 =	vld [tilespmem:s12+$0x1080];
	_ =	sdelay $0x4  }
0x528: {  	[tilespmem:v9+s29+$0x0] =	vst.idx.msk $0xffff, v32  }
0x529: {  	v32 =	vld [tilespmem:s12+$0x1100];
	_ =	sdelay $0x4  }
0x52a: {  	[tilespmem:v10+s29+$0x0] =	vst.idx.msk $0xffff, v32  }
0x52b: {  	v32 =	vld [tilespmem:s12+$0x1180];
	_ =	sdelay $0x4  }
0x52c: {  	[tilespmem:v11+s29+$0x0] =	vst.idx.msk $0xffff, v32  }
0x52d: {  	v32 =	vld [tilespmem:s12+$0x1200];
	_ =	sdelay $0x4  }
0x52e: {  	[tilespmem:v12+s29+$0x0] =	vst.idx.msk $0xffff, v32  }
0x52f: {  	v32 =	vld [tilespmem:s12+$0x1280];
	_ =	sdelay $0x4  }
0x530: {  	[tilespmem:v13+s29+$0x0] =	vst.idx.msk $0xffff, v32  }
0x531: {  	v32 =	vld [tilespmem:s12+$0x1300];
	_ =	sdelay $0x4  }
0x532: {  	[tilespmem:v14+s29+$0x0] =	vst.idx.msk $0xffff, v32  }
0x533: {  	v32 =	vld [tilespmem:s12+$0x1380];
	_ =	sdelay $0x4  }
0x534: {  	[tilespmem:v15+s29+$0x0] =	vst.idx.msk $0xffff, v32  }
0x535: {  	v32 =	vld.idx.msk [tilespmem:v16+s29+$0x0], $0xffff;
	_ =	sdelay $0x4  }
0x536: {  	s7 =	sadd.s32 $0x100, s7  }
0x537: {  	[tilespmem:s7+$0xFFFFFF80] =	vst v32  }
0x538: {  	v32 =	vld.idx.msk [tilespmem:v17+s29+$0x0], $0xffff;
	_ =	sdelay $0x5  }
0x539: {  	[tilespmem:s7+$0xFFFFFF90] =	vst v32  }
0x53a: {  	v32 =	vld.idx.msk [tilespmem:v18+s29+$0x0], $0xffff;
	_ =	sdelay $0x5  }
0x53b: {  	[tilespmem:s7+$0xFFFFFFA0] =	vst v32  }
0x53c: {  	v32 =	vld.idx.msk [tilespmem:v19+s29+$0x0], $0xffff;
	_ =	sdelay $0x5  }
0x53d: {  	[tilespmem:s7+$0xFFFFFFB0] =	vst v32  }
0x53e: {  	v32 =	vld.idx.msk [tilespmem:v20+s29+$0x0], $0xffff;
	_ =	sdelay $0x5  }
0x53f: {  	[tilespmem:s7+$0xFFFFFFC0] =	vst v32  }
0x540: {  	v32 =	vld.idx.msk [tilespmem:v21+s29+$0x0], $0xffff;
	_ =	sdelay $0x5  }
0x541: {  	[tilespmem:s7+$0xFFFFFFD0] =	vst v32  }
0x542: {  	v32 =	vld.idx.msk [tilespmem:v22+s29+$0x0], $0xffff;
	_ =	sdelay $0x5  }
0x543: {  	[tilespmem:s7+$0xFFFFFFE0] =	vst v32  }
0x544: {  	v32 =	vld.idx.msk [tilespmem:v23+s29+$0x0], $0xffff;
	_ =	sdelay $0x5  }
0x545: {  	[tilespmem:s7+$0xFFFFFFF0] =	vst v32  }
0x546: {  	v32 =	vld.idx.msk [tilespmem:v24+s29+$0x0], $0xffff;
	_ =	sdelay $0x5  }
0x547: {  	[tilespmem:s7+$0x0] =	vst v32  }
0x548: {  	v32 =	vld.idx.msk [tilespmem:v25+s29+$0x0], $0xffff;
	_ =	sdelay $0x5  }
0x549: {  	[tilespmem:s7+$0x10] =	vst v32  }
0x54a: {  	v32 =	vld.idx.msk [tilespmem:v26+s29+$0x0], $0xffff;
	_ =	sdelay $0x5  }
0x54b: {  	[tilespmem:s7+$0x20] =	vst v32  }
0x54c: {  	v32 =	vld.idx.msk [tilespmem:v27+s29+$0x0], $0xffff;
	_ =	sdelay $0x5  }
0x54d: {  	[tilespmem:s7+$0x30] =	vst v32  }
0x54e: {  	v32 =	vld.idx.msk [tilespmem:v28+s29+$0x0], $0xffff;
	_ =	sdelay $0x5  }
0x54f: {  	[tilespmem:s7+$0x40] =	vst v32  }
0x550: {  	v32 =	vld.idx.msk [tilespmem:v29+s29+$0x0], $0xffff;
	_ =	sdelay $0x5  }
0x551: {  	[tilespmem:s7+$0x50] =	vst v32  }
0x552: {  	v32 =	vld.idx.msk [tilespmem:v30+s29+$0x0], $0xffff;
	_ =	sdelay $0x5  }
0x553: {  	[tilespmem:s7+$0x60] =	vst v32  }
0x554: {  	v32 =	vld.idx.msk [tilespmem:v31+s29+$0x0], $0xffff  }
.Ltmp9:
0x555: {  	(pc) =	sbr.rel @p1 .LBB2_15-.Ltmp9, $3  }
0x556: {  	_ =	sdelay $0x1  }
0x557: {  	s10 =	sadd.s32 $0x80, s10  }
0x558: {  	s11 =	sadd.s32 $0x10, s11;
	s13 =	sand.u32 $0xC00, s10;
	s12 =	sand.u32 $0x70, s9  }
0x559: {  	s11 =	sor.u32 s12, s13;
	[tilespmem:s7+$0x70] =	vst v32  }
0x55a: {  	v32 =	vld [tilespmem:s11+$0x0];
	_ =	sdelay $0x4  }
0x55b: {  	[tilespmem:v7+s29+$0x0] =	vst.idx.msk $0xffff, v32  }
0x55c: {  	v32 =	vld [tilespmem:s11+$0x80];
	_ =	sdelay $0x4  }
0x55d: {  	[tilespmem:v0+s29+$0x0] =	vst.idx.msk $0xffff, v32  }
0x55e: {  	v32 =	vld [tilespmem:s11+$0x100];
	_ =	sdelay $0x4  }
0x55f: {  	[tilespmem:v1+s29+$0x0] =	vst.idx.msk $0xffff, v32  }
0x560: {  	v32 =	vld [tilespmem:s11+$0x180];
	_ =	sdelay $0x4  }
0x561: {  	[tilespmem:v2+s29+$0x0] =	vst.idx.msk $0xffff, v32  }
0x562: {  	v32 =	vld [tilespmem:s11+$0x200];
	_ =	sdelay $0x4  }
0x563: {  	[tilespmem:v3+s29+$0x0] =	vst.idx.msk $0xffff, v32  }
0x564: {  	v32 =	vld [tilespmem:s11+$0x280];
	_ =	sdelay $0x4  }
0x565: {  	[tilespmem:v4+s29+$0x0] =	vst.idx.msk $0xffff, v32  }
0x566: {  	v32 =	vld [tilespmem:s11+$0x300];
	_ =	sdelay $0x3  }
0x567: {  	s9 =	sor.u32 s10, s9  }
0x568: {  	s9 =	sor.u32 $0x380, s9;
	[tilespmem:v5+s29+$0x0] =	vst.idx.msk $0xffff, v32  }
0x569: {  	v32 =	vld [tilespmem:s9+$0x0];
	_ =	sdelay $0x4  }
0x56a: {  	[tilespmem:v6+s29+$0x0] =	vst.idx.msk $0xffff, v32  }
0x56b: {  	v32 =	vld [tilespmem:s11+$0x1000];
	_ =	sdelay $0x4  }
0x56c: {  	[tilespmem:v8+s29+$0x0] =	vst.idx.msk $0xffff, v32  }
0x56d: {  	v32 =	vld [tilespmem:s11+$0x1080];
	_ =	sdelay $0x4  }
0x56e: {  	[tilespmem:v9+s29+$0x0] =	vst.idx.msk $0xffff, v32  }
0x56f: {  	v32 =	vld [tilespmem:s11+$0x1100];
	_ =	sdelay $0x4  }
0x570: {  	[tilespmem:v10+s29+$0x0] =	vst.idx.msk $0xffff, v32  }
0x571: {  	v32 =	vld [tilespmem:s11+$0x1180];
	_ =	sdelay $0x4  }
0x572: {  	[tilespmem:v11+s29+$0x0] =	vst.idx.msk $0xffff, v32  }
0x573: {  	v32 =	vld [tilespmem:s11+$0x1200];
	_ =	sdelay $0x4  }
0x574: {  	[tilespmem:v12+s29+$0x0] =	vst.idx.msk $0xffff, v32  }
0x575: {  	v32 =	vld [tilespmem:s11+$0x1280];
	_ =	sdelay $0x4  }
0x576: {  	[tilespmem:v13+s29+$0x0] =	vst.idx.msk $0xffff, v32  }
0x577: {  	v32 =	vld [tilespmem:s11+$0x1300];
	_ =	sdelay $0x4  }
0x578: {  	[tilespmem:v14+s29+$0x0] =	vst.idx.msk $0xffff, v32  }
0x579: {  	v32 =	vld [tilespmem:s11+$0x1380];
	_ =	sdelay $0x4  }
0x57a: {  	[tilespmem:v15+s29+$0x0] =	vst.idx.msk $0xffff, v32  }
0x57b: {  	v32 =	vld.idx.msk [tilespmem:v16+s29+$0x0], $0xffff;
	_ =	sdelay $0x3  }
0x57c: {  	s19 =	sadd.s32 $0x100, s7  }
0x57d: {  	[tilespmem:s19+$0xFFFFFF80] =	vst v32  }
0x57e: {  	v32 =	vld.idx.msk [tilespmem:v17+s29+$0x0], $0xffff;
	_ =	sdelay $0x4  }
0x57f: {  	[tilespmem:s19+$0xFFFFFF90] =	vst v32  }
0x580: {  	v32 =	vld.idx.msk [tilespmem:v18+s29+$0x0], $0xffff;
	_ =	sdelay $0x4  }
0x581: {  	[tilespmem:s19+$0xFFFFFFA0] =	vst v32  }
0x582: {  	v32 =	vld.idx.msk [tilespmem:v19+s29+$0x0], $0xffff;
	_ =	sdelay $0x4  }
0x583: {  	[tilespmem:s19+$0xFFFFFFB0] =	vst v32  }
0x584: {  	v32 =	vld.idx.msk [tilespmem:v20+s29+$0x0], $0xffff;
	_ =	sdelay $0x4  }
0x585: {  	[tilespmem:s19+$0xFFFFFFC0] =	vst v32  }
0x586: {  	v32 =	vld.idx.msk [tilespmem:v21+s29+$0x0], $0xffff;
	_ =	sdelay $0x4  }
0x587: {  	[tilespmem:s19+$0xFFFFFFD0] =	vst v32  }
0x588: {  	v32 =	vld.idx.msk [tilespmem:v22+s29+$0x0], $0xffff;
	_ =	sdelay $0x4  }
0x589: {  	[tilespmem:s19+$0xFFFFFFE0] =	vst v32  }
0x58a: {  	v32 =	vld.idx.msk [tilespmem:v23+s29+$0x0], $0xffff;
	_ =	sdelay $0x4  }
0x58b: {  	[tilespmem:s19+$0xFFFFFFF0] =	vst v32  }
0x58c: {  	v32 =	vld.idx.msk [tilespmem:v24+s29+$0x0], $0xffff;
	_ =	sdelay $0x4  }
0x58d: {  	[tilespmem:s19+$0x0] =	vst v32  }
0x58e: {  	v32 =	vld.idx.msk [tilespmem:v25+s29+$0x0], $0xffff;
	_ =	sdelay $0x4  }
0x58f: {  	[tilespmem:s19+$0x10] =	vst v32  }
0x590: {  	v32 =	vld.idx.msk [tilespmem:v26+s29+$0x0], $0xffff;
	_ =	sdelay $0x4  }
0x591: {  	[tilespmem:s19+$0x20] =	vst v32  }
0x592: {  	v32 =	vld.idx.msk [tilespmem:v27+s29+$0x0], $0xffff;
	_ =	sdelay $0x4  }
0x593: {  	[tilespmem:s19+$0x30] =	vst v32  }
0x594: {  	v32 =	vld.idx.msk [tilespmem:v28+s29+$0x0], $0xffff;
	_ =	sdelay $0x4  }
0x595: {  	[tilespmem:s19+$0x40] =	vst v32  }
0x596: {  	v32 =	vld.idx.msk [tilespmem:v29+s29+$0x0], $0xffff;
	_ =	sdelay $0x4  }
0x597: {  	[tilespmem:s19+$0x50] =	vst v32  }
0x598: {  	v32 =	vld.idx.msk [tilespmem:v30+s29+$0x0], $0xffff;
	_ =	sdelay $0x4  }
0x599: {  	[tilespmem:s19+$0x60] =	vst v32  }
0x59a: {  	v32 =	vld.idx.msk [tilespmem:v31+s29+$0x0], $0xffff;
	_ =	sdelay $0x4  }
0x59b: {  	s20 =	rddreg [dreg:$0xc];
	[tilespmem:s19+$0x70] =	vst v32  }
0x59c: {  	[hbm4b:s20+s5] =	stream.linear.scatter [tilespmem:s30], [sflag:$0x3], $0x2000, $0x38;
	[tilespmem:$0x8100] =	vst v63  }
0x59d: {  	_ =	swait.ge [sflag:s1], $0x2000  }
0x59e: {  	[sflag:s1] =	ssyncset.done $0x0  }
0x59f: {  	[sflag:s1] =	ssyncadd.s32 $0xFFFFE000  }
0x5a0: {  	s21 =	rddreg [dreg:$0x1]  }
0x5a1: {  	[tilespmem:s30], [sflag:$0x3] =	stream.linear.gather [hbm4b:s21+s5], $0x400, $0x38;
	[tilespmem:$0x8100] =	vst v63  }
0x5a2: {  	_ =	swait.ge [sflag:s1], $0x400  }
0x5a3: {  	[sflag:s1] =	ssyncset.done $0x0  }
.Ltmp10:
0x5a4: {  	s22 =	rddreg [dreg:$0xd];
	[sflag:s1] =	ssyncadd.s32 $0xFFFFFC00;
	(pc) =	sbr.rel .LBB2_17-.Ltmp10, $4  }
0x5a5: {  	[hbm4b:s22+s5] =	stream.linear.scatter [tilespmem:s30], [sflag:$0x3], $0x400, $0x38;
	[tilespmem:$0x8100] =	vst v63  }
0x5a6: {  	_ =	swait.ge [sflag:s1], $0x400  }
0x5a7: {  	[sflag:s1] =	ssyncset.done $0x0  }
0x5a8: {  	[sflag:s1] =	ssyncadd.s32 $0xFFFFFC00  }
.LBB2_18:
0x5a9: {  	_ =	sfence.sel $0x180000  }
0x5aa: {  	[bflag:$0x0] =	sbarrier.arrive $0xFFFF  }
0x5ab: {  	_ =	strace $0x90000047  }
0x5ac: {  	s0 =	stileid.u32;
	[bflag:$0x2] =	sbarrier.arrive $0xFFFF  }
0x5ad: {  	p0 =	sne.s32 s0, $0x0;
	s0 =	rddreg [dreg:$0x3]  }
0x5ae: {  	s0 =	sadd.s32 @!p0 $0x100000, s0  }
0x5af: {  	[sflag:s0] =	ssyncadd.tile.s32 @!p0 $0x1;
	_ =	shalt  }
.Lfunc_end2:
_tile_overlayer_lowered:
.L_overlay_start_2:
0x5b0: {  	(tag) =	ssettag $0x2  }
0x5b1: {  	s0 =	rddreg [dreg:$0x0];
	s2 =	stileid.u32  }
0x5b2: {  	s1 =	rddreg [dreg:$0x1];
	p0 =	sne.s32 s2, $0x0  }
0x5b3: {  	s3 =	rddreg [dreg:$0x2];
	[bflag:$0x3] =	sbarrier.arrive $0xFFFF;
	s2 =	simm.s32 @!p0 $0x1C03  }
0x5b4: {  	[timem:s3], [sflag:s2] =	dma.local @!p0 [hbm:s0], s1  }
0x5b5: {  	s0 =	simm.s32 @!p0 $0x3  }
0x5b6: {  	_ =	swait.ge @!p0 [sflag:s0], s1  }
0x5b7: {  	s1 =	ssub.s32 @!p0 $0x0, s1;
	[sflag:s0] =	ssyncset.done @!p0 $0x0  }
0x5b8: {  	[sflag:s0] =	ssyncadd.s32 @!p0 s1  }
0x5b9: {  	[bflag:$0x3] =	sbarrier.arrive $0xFFFF  }
0x5ba: {  	_ =	shalt  }

</sc_bundles>
